<compile_context>
chip_gen: v7x
topology: tpu7x:2x2x1
jax: 0.10.2.dev20260603
libtpu: 0.0.44.dev20260713+nightly
codegen_flags: <defaults>
</compile_context>

<pallas_src>
import jax
import jax.numpy as jnp
from jax import lax
from jax.experimental import pallas as pl
from jax.experimental.pallas import tpu as pltpu
from jax.experimental.pallas import tpu_sc as plsc

N = 10000
E = 320000
D = 128

NC = 2
NS = 16
NW = NC * NS

CH = 80
CHUNKS = 125
DPT = 632
N_ACC = DPT * NS

_mesh = plsc.VectorSubcoreMesh(core_axis_name="c", subcore_axis_name="s")


def _deg_body(dst_hbm, out_hbm, didx, ones_v, zbuf, sem, acc):
    c = lax.axis_index("c")
    s = lax.axis_index("s")
    t = c * NS + s
    pltpu.sync_copy(dst_hbm.at[t], didx)
    for k in range(CH // 16):
        ones_v[pl.ds(k * 16, 16)] = jnp.ones((16,), jnp.float32)
    for k in range(640 // 16):
        zbuf[pl.ds(k * 16, 16)] = jnp.zeros((16,), jnp.float32)
    pltpu.sync_copy(zbuf.at[pl.ds(0, DPT)], acc.at[pl.ds(s * DPT, DPT)])
    plsc.subcore_barrier()

    def body(j, carry):
        pltpu.async_copy(ones_v, acc.at[didx.at[j]], sem, add=True)
        return carry

    lax.fori_loop(0, CHUNKS, body, 0)

    def drain(j, carry):
        pltpu.make_async_copy(ones_v, acc.at[didx.at[j]], sem).wait()
        return carry

    lax.fori_loop(0, CHUNKS, drain, 0)
    plsc.subcore_barrier()
    pltpu.sync_copy(acc.at[pl.ds(s * DPT, DPT)], zbuf.at[pl.ds(0, DPT)])
    pltpu.sync_copy(
        zbuf.at[pl.ds(0, DPT)],
        out_hbm.at[pl.ds(c * N_ACC + s * DPT, DPT)],
    )


_deg_call = pl.kernel(
    _deg_body,
    out_type=jax.ShapeDtypeStruct((NC * N_ACC,), jnp.float32),
    mesh=_mesh,
    scratch_types=[
        pltpu.VMEM((CHUNKS, CH), jnp.int32),
        pltpu.VMEM((CH,), jnp.float32),
        pltpu.VMEM((640,), jnp.float32),
        pltpu.SemaphoreType.DMA,
        pltpu.VMEM_SHARED((N_ACC,), jnp.float32),
    ],
)


def _mp_body(src_hbm, dst_hbm, y_hbm, out_hbm, sidx, didx, rows0, rows1,
             sem0, sem1, acc):
    c = lax.axis_index("c")
    s = lax.axis_index("s")
    t = c * NS + s

    def zrow(i, carry):
        for k in range(D // 16):
            rows0[i, pl.ds(k * 16, 16)] = jnp.zeros((16,), jnp.float32)
        return carry

    lax.fori_loop(0, CH, zrow, 0)
    nz = DPT // CH
    tail = DPT - nz * CH
    for k in range(nz):
        pltpu.async_copy(rows0, acc.at[pl.ds(s * DPT + k * CH, CH)], sem0)
    pltpu.async_copy(
        rows0.at[pl.ds(0, tail)], acc.at[pl.ds(s * DPT + nz * CH, tail)], sem0
    )
    pltpu.sync_copy(src_hbm.at[t], sidx)
    pltpu.sync_copy(dst_hbm.at[t], didx)
    for k in range(nz):
        pltpu.make_async_copy(
            rows0, acc.at[pl.ds(s * DPT + k * CH, CH)], sem0
        ).wait()
    pltpu.make_async_copy(
        rows0.at[pl.ds(0, tail)], acc.at[pl.ds(s * DPT + nz * CH, tail)], sem0
    ).wait()
    plsc.subcore_barrier()

    def _gather(j, buf, sem):
        pltpu.async_copy(y_hbm.at[sidx.at[pl.ds(j * CH, CH)]], buf, sem)

    def _gwait(j, buf, sem):
        pltpu.make_async_copy(y_hbm.at[sidx.at[pl.ds(j * CH, CH)]], buf, sem).wait()

    _gather(0, rows0, sem0)

    def body(i, carry):
        j0 = 2 * i
        _gather(j0 + 1, rows1, sem1)
        _gwait(j0, rows0, sem0)
        pltpu.sync_copy(rows0, acc.at[didx.at[j0]], add=True)
        _gather(j0 + 2, rows0, sem0)
        _gwait(j0 + 1, rows1, sem1)
        pltpu.sync_copy(rows1, acc.at[didx.at[j0 + 1]], add=True)
        return carry

    lax.fori_loop(0, CHUNKS // 2, body, 0)
    _gwait(CHUNKS - 1, rows0, sem0)
    pltpu.sync_copy(rows0, acc.at[didx.at[CHUNKS - 1]], add=True)

    plsc.subcore_barrier()
    blocks = [(k * CH, CH) for k in range(nz)] + [(nz * CH, tail)]
    for k, (off, ln) in enumerate(blocks):
        buf, sem = (rows0, sem0) if k % 2 == 0 else (rows1, sem1)
        if k >= 2:
            poff, pln = blocks[k - 2]
            pltpu.make_async_copy(
                buf.at[pl.ds(0, pln)],
                out_hbm.at[c].at[pl.ds(s * DPT + poff, pln)],
                sem,
            ).wait()
        pltpu.sync_copy(acc.at[pl.ds(s * DPT + off, ln)], buf.at[pl.ds(0, ln)])
        pltpu.async_copy(
            buf.at[pl.ds(0, ln)],
            out_hbm.at[c].at[pl.ds(s * DPT + off, ln)],
            sem,
        )
    for k in (len(blocks) - 2, len(blocks) - 1):
        off, ln = blocks[k]
        buf, sem = (rows0, sem0) if k % 2 == 0 else (rows1, sem1)
        pltpu.make_async_copy(
            buf.at[pl.ds(0, ln)],
            out_hbm.at[c].at[pl.ds(s * DPT + off, ln)],
            sem,
        ).wait()


_mp_call = pl.kernel(
    _mp_body,
    out_type=jax.ShapeDtypeStruct((NC, N_ACC, D), jnp.float32),
    mesh=_mesh,
    scratch_types=[
        pltpu.VMEM((CHUNKS * CH,), jnp.int32),
        pltpu.VMEM((CHUNKS, CH), jnp.int32),
        pltpu.VMEM((CH, D), jnp.float32),
        pltpu.VMEM((CH, D), jnp.float32),
        pltpu.SemaphoreType.DMA,
        pltpu.SemaphoreType.DMA,
        pltpu.VMEM_SHARED((N_ACC, D), jnp.float32),
    ],
)



RB = 2000


def _dis(dp_ref):
    return lax.rsqrt(dp_ref[:, 0:1] + dp_ref[:, 1:2] + 1.0)


def _s1_body(x_ref, w_ref, dp_ref, y_ref):
    y_ref[...] = (
        jnp.dot(x_ref[...], w_ref[...], preferred_element_type=jnp.float32)
        * _dis(dp_ref)
    )


def _s2_body(a_ref, y_ref, dp_ref, b_ref, w_ref, o_ref):
    dis = _dis(dp_ref)
    pre = (a_ref[0] + a_ref[1] + y_ref[...]) * dis + b_ref[...]
    h = jnp.maximum(pre, 0.0)
    o_ref[...] = (
        jnp.dot(h, w_ref[...], preferred_element_type=jnp.float32) * dis
    )


def _s3_body(a_ref, y_ref, dp_ref, b_ref, o_ref):
    dis = _dis(dp_ref)
    z = (a_ref[0] + a_ref[1] + y_ref[...]) * dis + b_ref[...]
    m = jnp.max(z, axis=1, keepdims=True)
    zs = z - m
    lse = jnp.log(jnp.sum(jnp.exp(zs), axis=1, keepdims=True))
    o_ref[...] = zs - lse


def _row_spec(cols):
    return pl.BlockSpec((RB, cols), lambda i: (i, 0))


_full_w = pl.BlockSpec((D, D), lambda i: (0, 0))
_full_b = pl.BlockSpec((1, D), lambda i: (0, 0))
_acc_spec = pl.BlockSpec((NC, RB, D), lambda i: (0, i, 0))

_s1 = pl.pallas_call(
    _s1_body,
    grid=(N // RB,),
    in_specs=[_row_spec(D), _full_w, _row_spec(2)],
    out_specs=_row_spec(D),
    out_shape=jax.ShapeDtypeStruct((N, D), jnp.float32),
)

_s2 = pl.pallas_call(
    _s2_body,
    grid=(N // RB,),
    in_specs=[_acc_spec, _row_spec(D), _row_spec(2), _full_b, _full_w],
    out_specs=_row_spec(D),
    out_shape=jax.ShapeDtypeStruct((N, D), jnp.float32),
)

_s3 = pl.pallas_call(
    _s3_body,
    grid=(N // RB,),
    in_specs=[_acc_spec, _row_spec(D), _row_spec(2), _full_b],
    out_specs=_row_spec(D),
    out_shape=jax.ShapeDtypeStruct((N, D), jnp.float32),
)


def kernel(x, edge_index, W1, b1, W2, b2):
    src = edge_index[0].reshape(NW, CHUNKS * CH)
    dst = edge_index[1].reshape(NW, CHUNKS, CH)

    degp = _deg_call(dst).reshape(NC, N_ACC)
    degp_t = degp[:, :N].T

    y1 = _s1(x, W1, degp_t)
    acc1 = _mp_call(src, dst, y1)
    y2 = _s2(acc1, y1, degp_t, b1.reshape(1, D), W2)
    acc2 = _mp_call(src, dst, y2)
    return _s3(acc2, y2, degp_t, b2.reshape(1, D))

# --- scband reference (transcript-rebuilt; emitter-appended) ---
"""Pipeline reference for scband-gcn-64484638982596 (READ-ONLY COPY).

The authoritative reference and input builder live on the scoring server;
editing this copy changes nothing except your own understanding.
"""

import jax, jax.numpy as jnp
import numpy as np

N = 10000
E = 320000
D_IN = 128
D_HID = 128
D_OUT = 128


def glorot(key, fan_in, fan_out):
    limit = np.sqrt(6.0 / (fan_in + fan_out))
    return jax.random.uniform(key, (fan_in, fan_out), dtype=jnp.float32, minval=-limit, maxval=limit)


def setup_inputs(seed: int = 0) -> dict:
    key = jax.random.key(seed)
    k1, k2, k3, k4 = jax.random.split(key, 4)
    x = jax.random.normal(k1, (N, D_IN), dtype=jnp.float32)
    edge_index = jax.random.randint(k2, (2, E), 0, N, dtype=jnp.int32)
    W1 = glorot(k3, D_IN, D_HID)
    b1 = jnp.zeros((D_HID,), dtype=jnp.float32)
    W2 = glorot(k4, D_HID, D_OUT)
    b2 = jnp.zeros((D_OUT,), dtype=jnp.float32)
    return {"x": x, "edge_index": edge_index, "W1": W1, "b1": b1, "W2": W2, "b2": b2}


def gcn_conv(x, edge_index, W, b):
    # PyG GCNConv: linear -> add self loops -> sym-normalized scatter-add -> bias
    n = x.shape[0]
    loop = jnp.arange(n, dtype=edge_index.dtype)
    src = jnp.concatenate([edge_index[0], loop])
    dst = jnp.concatenate([edge_index[1], loop])
    deg = jnp.zeros((n,), dtype=x.dtype).at[dst].add(1.0)
    deg_inv_sqrt = jnp.where(deg > 0, deg ** -0.5, 0.0)
    norm = deg_inv_sqrt[src] * deg_inv_sqrt[dst]
    xw = x @ W
    msg = xw[src] * norm[:, None]
    out = jnp.zeros_like(xw).at[dst].add(msg)
    return out + b


def reference(x, edge_index, W1, b1, W2, b2):
    h = jax.nn.relu(gcn_conv(x, edge_index, W1, b1))
    # F.dropout with training=False (eval/inference) is the identity
    out = gcn_conv(h, edge_index, W2, b2)
    return jax.nn.log_softmax(out, axis=1)

if __name__ == "__main__":
    import jax
    _d = setup_inputs()
    print(jax.jit(kernel)(*tuple(_d.values())))

</pallas_src>

<mosaic_0001>
#map = affine_map<(d0, d1) -> (0, 0)>
#map1 = affine_map<(d0, d1) -> (0, 0, 0)>
module attributes {stable_mosaic.version = 14 : i64} {
  func.func @_mp_body(%arg0: i32, %arg1: i32, %arg2: memref<32x10000xi32, #tpu.memory_space<hbm>>, %arg3: memref<32x125x80xi32, #tpu.memory_space<hbm>>, %arg4: memref<10000x128xf32, #tpu.memory_space<hbm>>, %arg5: memref<2x10112x128xf32, #tpu.memory_space<hbm>>, %arg6: memref<10000xi32, #tpu.memory_space<vmem>>, %arg7: memref<125x80xi32, #tpu.memory_space<vmem>>, %arg8: memref<80x128xf32, #tpu.memory_space<vmem>>, %arg9: memref<80x128xf32, #tpu.memory_space<vmem>>, %arg10: memref<!tpu.dma_semaphore, #tpu.memory_space<semaphore_mem>>, %arg11: memref<!tpu.dma_semaphore, #tpu.memory_space<semaphore_mem>>, %arg12: memref<10112x128xf32, #tpu.memory_space<vmem_shared>>) attributes {dimension_semantics = [#tpu.dimension_semantics<core_parallel>, #tpu.dimension_semantics<subcore_parallel>], iteration_bounds = array<i64: 2, 16>, scalar_prefetch = 0 : i64, scratch_operands = 7 : i64, tpu.core_type = #tpu.core_type<sc_vector_subcore>, window_params = [{transform_indices = #map}, {transform_indices = #map1}, {transform_indices = #map}, {transform_indices = #map1}]} {
    %mul3A = arith.constant 16 : i32
    %mul3A_0 = arith.muli %arg0, %mul3A : i32
    %add3A = arith.addi %mul3A_0, %arg1 : i32
    %scan3A = arith.constant 0 : i32
    %scan3A_1 = arith.constant 0 : i32
    %scan3A_2 = arith.constant 80 : i32
    %scan3A_3 = arith.addi %scan3A_1, %scan3A_2 : i32
    %scan3A_4 = arith.constant 1 : i32
    scf.for %scan3A_545 = %scan3A_1 to %scan3A_3 step %scan3A_4  : i32 {
      %broadcast_in_dim3A = arith.constant 0.000000e+00 : f32
      %broadcast_in_dim3A_546 = vector.broadcast %broadcast_in_dim3A : f32 to vector<16xf32>
      %swap3A = arith.index_cast %scan3A_545 : i32 to index
      %swap3A_547 = arith.constant 0 : index
      %swap3A_548 = tpu.vector_load %arg8[%swap3A, %swap3A_547] {strides = array<i32>} : memref<80x128xf32, #tpu.memory_space<vmem>>, vector<1x16xf32>,
      %swap3A_549 = vector.shape_cast %swap3A_548 : vector<1x16xf32> to vector<16xf32>
      %swap3A_550 = vector.shape_cast %broadcast_in_dim3A_546 : vector<16xf32> to vector<1x16xf32>
      tpu.vector_store %arg8[%swap3A, %swap3A_547], %swap3A_550 {strides = array<i32>} : memref<80x128xf32, #tpu.memory_space<vmem>>, vector<1x16xf32>,
      %broadcast_in_dim3A_551 = arith.constant 0.000000e+00 : f32
      %broadcast_in_dim3A_552 = vector.broadcast %broadcast_in_dim3A_551 : f32 to vector<16xf32>
      %swap3A_553 = arith.index_cast %scan3A_545 : i32 to index
      %swap3A_554 = arith.constant 16 : index
      %swap3A_555 = tpu.vector_load %arg8[%swap3A_553, %swap3A_554] {strides = array<i32>} : memref<80x128xf32, #tpu.memory_space<vmem>>, vector<1x16xf32>,
      %swap3A_556 = vector.shape_cast %swap3A_555 : vector<1x16xf32> to vector<16xf32>
      %swap3A_557 = vector.shape_cast %broadcast_in_dim3A_552 : vector<16xf32> to vector<1x16xf32>
      tpu.vector_store %arg8[%swap3A_553, %swap3A_554], %swap3A_557 {strides = array<i32>} : memref<80x128xf32, #tpu.memory_space<vmem>>, vector<1x16xf32>,
      %broadcast_in_dim3A_558 = arith.constant 0.000000e+00 : f32
      %broadcast_in_dim3A_559 = vector.broadcast %broadcast_in_dim3A_558 : f32 to vector<16xf32>
      %swap3A_560 = arith.index_cast %scan3A_545 : i32 to index
      %swap3A_561 = arith.constant 32 : index
      %swap3A_562 = tpu.vector_load %arg8[%swap3A_560, %swap3A_561] {strides = array<i32>} : memref<80x128xf32, #tpu.memory_space<vmem>>, vector<1x16xf32>,
      %swap3A_563 = vector.shape_cast %swap3A_562 : vector<1x16xf32> to vector<16xf32>
      %swap3A_564 = vector.shape_cast %broadcast_in_dim3A_559 : vector<16xf32> to vector<1x16xf32>
      tpu.vector_store %arg8[%swap3A_560, %swap3A_561], %swap3A_564 {strides = array<i32>} : memref<80x128xf32, #tpu.memory_space<vmem>>, vector<1x16xf32>,
      %broadcast_in_dim3A_565 = arith.constant 0.000000e+00 : f32
      %broadcast_in_dim3A_566 = vector.broadcast %broadcast_in_dim3A_565 : f32 to vector<16xf32>
      %swap3A_567 = arith.index_cast %scan3A_545 : i32 to index
      %swap3A_568 = arith.constant 48 : index
      %swap3A_569 = tpu.vector_load %arg8[%swap3A_567, %swap3A_568] {strides = array<i32>} : memref<80x128xf32, #tpu.memory_space<vmem>>, vector<1x16xf32>,
      %swap3A_570 = vector.shape_cast %swap3A_569 : vector<1x16xf32> to vector<16xf32>
      %swap3A_571 = vector.shape_cast %broadcast_in_dim3A_566 : vector<16xf32> to vector<1x16xf32>
      tpu.vector_store %arg8[%swap3A_567, %swap3A_568], %swap3A_571 {strides = array<i32>} : memref<80x128xf32, #tpu.memory_space<vmem>>, vector<1x16xf32>,
      %broadcast_in_dim3A_572 = arith.constant 0.000000e+00 : f32
      %broadcast_in_dim3A_573 = vector.broadcast %broadcast_in_dim3A_572 : f32 to vector<16xf32>
      %swap3A_574 = arith.index_cast %scan3A_545 : i32 to index
      %swap3A_575 = arith.constant 64 : index
      %swap3A_576 = tpu.vector_load %arg8[%swap3A_574, %swap3A_575] {strides = array<i32>} : memref<80x128xf32, #tpu.memory_space<vmem>>, vector<1x16xf32>,
      %swap3A_577 = vector.shape_cast %swap3A_576 : vector<1x16xf32> to vector<16xf32>
      %swap3A_578 = vector.shape_cast %broadcast_in_dim3A_573 : vector<16xf32> to vector<1x16xf32>
      tpu.vector_store %arg8[%swap3A_574, %swap3A_575], %swap3A_578 {strides = array<i32>} : memref<80x128xf32, #tpu.memory_space<vmem>>, vector<1x16xf32>,
      %broadcast_in_dim3A_579 = arith.constant 0.000000e+00 : f32
      %broadcast_in_dim3A_580 = vector.broadcast %broadcast_in_dim3A_579 : f32 to vector<16xf32>
      %swap3A_581 = arith.index_cast %scan3A_545 : i32 to index
      %swap3A_582 = arith.constant 80 : index
      %swap3A_583 = tpu.vector_load %arg8[%swap3A_581, %swap3A_582] {strides = array<i32>} : memref<80x128xf32, #tpu.memory_space<vmem>>, vector<1x16xf32>,
      %swap3A_584 = vector.shape_cast %swap3A_583 : vector<1x16xf32> to vector<16xf32>
      %swap3A_585 = vector.shape_cast %broadcast_in_dim3A_580 : vector<16xf32> to vector<1x16xf32>
      tpu.vector_store %arg8[%swap3A_581, %swap3A_582], %swap3A_585 {strides = array<i32>} : memref<80x128xf32, #tpu.memory_space<vmem>>, vector<1x16xf32>,
      %broadcast_in_dim3A_586 = arith.constant 0.000000e+00 : f32
      %broadcast_in_dim3A_587 = vector.broadcast %broadcast_in_dim3A_586 : f32 to vector<16xf32>
      %swap3A_588 = arith.index_cast %scan3A_545 : i32 to index
      %swap3A_589 = arith.constant 96 : index
      %swap3A_590 = tpu.vector_load %arg8[%swap3A_588, %swap3A_589] {strides = array<i32>} : memref<80x128xf32, #tpu.memory_space<vmem>>, vector<1x16xf32>,
      %swap3A_591 = vector.shape_cast %swap3A_590 : vector<1x16xf32> to vector<16xf32>
      %swap3A_592 = vector.shape_cast %broadcast_in_dim3A_587 : vector<16xf32> to vector<1x16xf32>
      tpu.vector_store %arg8[%swap3A_588, %swap3A_589], %swap3A_592 {strides = array<i32>} : memref<80x128xf32, #tpu.memory_space<vmem>>, vector<1x16xf32>,
      %broadcast_in_dim3A_593 = arith.constant 0.000000e+00 : f32
      %broadcast_in_dim3A_594 = vector.broadcast %broadcast_in_dim3A_593 : f32 to vector<16xf32>
      %swap3A_595 = arith.index_cast %scan3A_545 : i32 to index
      %swap3A_596 = arith.constant 112 : index
      %swap3A_597 = tpu.vector_load %arg8[%swap3A_595, %swap3A_596] {strides = array<i32>} : memref<80x128xf32, #tpu.memory_space<vmem>>, vector<1x16xf32>,
      %swap3A_598 = vector.shape_cast %swap3A_597 : vector<1x16xf32> to vector<16xf32>
      %swap3A_599 = vector.shape_cast %broadcast_in_dim3A_594 : vector<16xf32> to vector<1x16xf32>
      tpu.vector_store %arg8[%swap3A_595, %swap3A_596], %swap3A_599 {strides = array<i32>} : memref<80x128xf32, #tpu.memory_space<vmem>>, vector<1x16xf32>,
    }
    %scan3A_5 = arith.constant 80 : i32
    %mul3A_6 = arith.constant 632 : i32
    %mul3A_7 = arith.muli %arg1, %mul3A_6 : i32
    %add3A_8 = arith.constant 0 : i32
    %add3A_9 = arith.addi %mul3A_7, %add3A_8 : i32
    %dma_start3A = arith.constant 0 : i32
    %dma_start3A_10 = tpu.memref_slice %arg12[%add3A_9, %dma_start3A] : memref<10112x128xf32, #tpu.memory_space<vmem_shared>> -> memref<80x128xf32, #tpu.memory_space<vmem_shared>>
    %dma_start3A_11 = arith.constant 0 : i32
    %dma_start3A_12 = tpu.memref_slice %arg12[%add3A_9, %dma_start3A_11] : memref<10112x128xf32, #tpu.memory_space<vmem_shared>> -> memref<80x128xf32, #tpu.memory_space<vmem_shared>>
    tpu.enqueue_dma source(%arg8 : memref<80x128xf32, #tpu.memory_space<vmem>>) target(%dma_start3A_12 : memref<80x128xf32, #tpu.memory_space<vmem_shared>>) target_semaphore(%arg10 : memref<!tpu.dma_semaphore, #tpu.memory_space<semaphore_mem>>)
    %mul3A_13 = arith.constant 632 : i32
    %mul3A_14 = arith.muli %arg1, %mul3A_13 : i32
    %add3A_15 = arith.constant 80 : i32
    %add3A_16 = arith.addi %mul3A_14, %add3A_15 : i32
    %dma_start3A_17 = arith.constant 0 : i32
    %dma_start3A_18 = tpu.memref_slice %arg12[%add3A_16, %dma_start3A_17] : memref<10112x128xf32, #tpu.memory_space<vmem_shared>> -> memref<80x128xf32, #tpu.memory_space<vmem_shared>>
    %dma_start3A_19 = arith.constant 0 : i32
    %dma_start3A_20 = tpu.memref_slice %arg12[%add3A_16, %dma_start3A_19] : memref<10112x128xf32, #tpu.memory_space<vmem_shared>> -> memref<80x128xf32, #tpu.memory_space<vmem_shared>>
    tpu.enqueue_dma source(%arg8 : memref<80x128xf32, #tpu.memory_space<vmem>>) target(%dma_start3A_20 : memref<80x128xf32, #tpu.memory_space<vmem_shared>>) target_semaphore(%arg10 : memref<!tpu.dma_semaphore, #tpu.memory_space<semaphore_mem>>)
    %mul3A_21 = arith.constant 632 : i32
    %mul3A_22 = arith.muli %arg1, %mul3A_21 : i32
    %add3A_23 = arith.constant 160 : i32
    %add3A_24 = arith.addi %mul3A_22, %add3A_23 : i32
    %dma_start3A_25 = arith.constant 0 : i32
    %dma_start3A_26 = tpu.memref_slice %arg12[%add3A_24, %dma_start3A_25] : memref<10112x128xf32, #tpu.memory_space<vmem_shared>> -> memref<80x128xf32, #tpu.memory_space<vmem_shared>>
    %dma_start3A_27 = arith.constant 0 : i32
    %dma_start3A_28 = tpu.memref_slice %arg12[%add3A_24, %dma_start3A_27] : memref<10112x128xf32, #tpu.memory_space<vmem_shared>> -> memref<80x128xf32, #tpu.memory_space<vmem_shared>>
    tpu.enqueue_dma source(%arg8 : memref<80x128xf32, #tpu.memory_space<vmem>>) target(%dma_start3A_28 : memref<80x128xf32, #tpu.memory_space<vmem_shared>>) target_semaphore(%arg10 : memref<!tpu.dma_semaphore, #tpu.memory_space<semaphore_mem>>)
    %mul3A_29 = arith.constant 632 : i32
    %mul3A_30 = arith.muli %arg1, %mul3A_29 : i32
    %add3A_31 = arith.constant 240 : i32
    %add3A_32 = arith.addi %mul3A_30, %add3A_31 : i32
    %dma_start3A_33 = arith.constant 0 : i32
    %dma_start3A_34 = tpu.memref_slice %arg12[%add3A_32, %dma_start3A_33] : memref<10112x128xf32, #tpu.memory_space<vmem_shared>> -> memref<80x128xf32, #tpu.memory_space<vmem_shared>>
    %dma_start3A_35 = arith.constant 0 : i32
    %dma_start3A_36 = tpu.memref_slice %arg12[%add3A_32, %dma_start3A_35] : memref<10112x128xf32, #tpu.memory_space<vmem_shared>> -> memref<80x128xf32, #tpu.memory_space<vmem_shared>>
    tpu.enqueue_dma source(%arg8 : memref<80x128xf32, #tpu.memory_space<vmem>>) target(%dma_start3A_36 : memref<80x128xf32, #tpu.memory_space<vmem_shared>>) target_semaphore(%arg10 : memref<!tpu.dma_semaphore, #tpu.memory_space<semaphore_mem>>)
    %mul3A_37 = arith.constant 632 : i32
    %mul3A_38 = arith.muli %arg1, %mul3A_37 : i32
    %add3A_39 = arith.constant 320 : i32
    %add3A_40 = arith.addi %mul3A_38, %add3A_39 : i32
    %dma_start3A_41 = arith.constant 0 : i32
    %dma_start3A_42 = tpu.memref_slice %arg12[%add3A_40, %dma_start3A_41] : memref<10112x128xf32, #tpu.memory_space<vmem_shared>> -> memref<80x128xf32, #tpu.memory_space<vmem_shared>>
    %dma_start3A_43 = arith.constant 0 : i32
    %dma_start3A_44 = tpu.memref_slice %arg12[%add3A_40, %dma_start3A_43] : memref<10112x128xf32, #tpu.memory_space<vmem_shared>> -> memref<80x128xf32, #tpu.memory_space<vmem_shared>>
    tpu.enqueue_dma source(%arg8 : memref<80x128xf32, #tpu.memory_space<vmem>>) target(%dma_start3A_44 : memref<80x128xf32, #tpu.memory_space<vmem_shared>>) target_semaphore(%arg10 : memref<!tpu.dma_semaphore, #tpu.memory_space<semaphore_mem>>)
    %mul3A_45 = arith.constant 632 : i32
    %mul3A_46 = arith.muli %arg1, %mul3A_45 : i32
    %add3A_47 = arith.constant 400 : i32
    %add3A_48 = arith.addi %mul3A_46, %add3A_47 : i32
    %dma_start3A_49 = arith.constant 0 : i32
    %dma_start3A_50 = tpu.memref_slice %arg12[%add3A_48, %dma_start3A_49] : memref<10112x128xf32, #tpu.memory_space<vmem_shared>> -> memref<80x128xf32, #tpu.memory_space<vmem_shared>>
    %dma_start3A_51 = arith.constant 0 : i32
    %dma_start3A_52 = tpu.memref_slice %arg12[%add3A_48, %dma_start3A_51] : memref<10112x128xf32, #tpu.memory_space<vmem_shared>> -> memref<80x128xf32, #tpu.memory_space<vmem_shared>>
    tpu.enqueue_dma source(%arg8 : memref<80x128xf32, #tpu.memory_space<vmem>>) target(%dma_start3A_52 : memref<80x128xf32, #tpu.memory_space<vmem_shared>>) target_semaphore(%arg10 : memref<!tpu.dma_semaphore, #tpu.memory_space<semaphore_mem>>)
    %mul3A_53 = arith.constant 632 : i32
    %mul3A_54 = arith.muli %arg1, %mul3A_53 : i32
    %add3A_55 = arith.constant 480 : i32
    %add3A_56 = arith.addi %mul3A_54, %add3A_55 : i32
    %dma_start3A_57 = arith.constant 0 : i32
    %dma_start3A_58 = tpu.memref_slice %arg12[%add3A_56, %dma_start3A_57] : memref<10112x128xf32, #tpu.memory_space<vmem_shared>> -> memref<80x128xf32, #tpu.memory_space<vmem_shared>>
    %dma_start3A_59 = arith.constant 0 : i32
    %dma_start3A_60 = tpu.memref_slice %arg12[%add3A_56, %dma_start3A_59] : memref<10112x128xf32, #tpu.memory_space<vmem_shared>> -> memref<80x128xf32, #tpu.memory_space<vmem_shared>>
    tpu.enqueue_dma source(%arg8 : memref<80x128xf32, #tpu.memory_space<vmem>>) target(%dma_start3A_60 : memref<80x128xf32, #tpu.memory_space<vmem_shared>>) target_semaphore(%arg10 : memref<!tpu.dma_semaphore, #tpu.memory_space<semaphore_mem>>)
    %mul3A_61 = arith.constant 632 : i32
    %mul3A_62 = arith.muli %arg1, %mul3A_61 : i32
    %add3A_63 = arith.constant 560 : i32
    %add3A_64 = arith.addi %mul3A_62, %add3A_63 : i32
    %dma_start3A_65 = arith.constant 0 : i32
    %dma_start3A_66 = arith.constant 0 : i32
    %dma_start3A_67 = tpu.memref_slice %arg8[%dma_start3A_65, %dma_start3A_66] : memref<80x128xf32, #tpu.memory_space<vmem>> -> memref<72x128xf32, #tpu.memory_space<vmem>>
    %dma_start3A_68 = arith.constant 0 : i32
    %dma_start3A_69 = tpu.memref_slice %arg12[%add3A_64, %dma_start3A_68] : memref<10112x128xf32, #tpu.memory_space<vmem_shared>> -> memref<72x128xf32, #tpu.memory_space<vmem_shared>>
    %dma_start3A_70 = arith.constant 0 : i32
    %dma_start3A_71 = tpu.memref_slice %arg12[%add3A_64, %dma_start3A_70] : memref<10112x128xf32, #tpu.memory_space<vmem_shared>> -> memref<72x128xf32, #tpu.memory_space<vmem_shared>>
    %dma_start3A_72 = arith.constant 0 : i32
    %dma_start3A_73 = arith.constant 0 : i32
    %dma_start3A_74 = tpu.memref_slice %arg8[%dma_start3A_72, %dma_start3A_73] : memref<80x128xf32, #tpu.memory_space<vmem>> -> memref<72x128xf32, #tpu.memory_space<vmem>>
    tpu.enqueue_dma source(%dma_start3A_74 : memref<72x128xf32, #tpu.memory_space<vmem>>) target(%dma_start3A_71 : memref<72x128xf32, #tpu.memory_space<vmem_shared>>) target_semaphore(%arg10 : memref<!tpu.dma_semaphore, #tpu.memory_space<semaphore_mem>>)
    "tpu.region"() ({
      %run_scoped3A_545 = tpu.sem_alloc : memref<!tpu.dma_semaphore, #tpu.memory_space<semaphore_mem>>
      %dma_start3A_546 = arith.constant 0 : i32
      %dma_start3A_547 = tpu.memref_slice %arg2[%add3A, %dma_start3A_546] : memref<32x10000xi32, #tpu.memory_space<hbm>> -> memref<1x10000xi32, #tpu.memory_space<hbm>>
      %dma_start3A_548 = tpu.memref_squeeze %dma_start3A_547 : memref<1x10000xi32, #tpu.memory_space<hbm>> -> memref<10000xi32, #tpu.memory_space<hbm>>
      %dma_start3A_549 = arith.constant 0 : i32
      %dma_start3A_550 = tpu.memref_slice %arg2[%add3A, %dma_start3A_549] : memref<32x10000xi32, #tpu.memory_space<hbm>> -> memref<1x10000xi32, #tpu.memory_space<hbm>>
      %dma_start3A_551 = tpu.memref_squeeze %dma_start3A_550 : memref<1x10000xi32, #tpu.memory_space<hbm>> -> memref<10000xi32, #tpu.memory_space<hbm>>
      tpu.enqueue_dma source(%dma_start3A_551 : memref<10000xi32, #tpu.memory_space<hbm>>) target(%arg6 : memref<10000xi32, #tpu.memory_space<vmem>>) target_semaphore(%run_scoped3A_545 : memref<!tpu.dma_semaphore, #tpu.memory_space<semaphore_mem>>)
      %dma_wait3A_552 = arith.constant 0 : i32
      %dma_wait3A_553 = tpu.memref_slice %arg2[%add3A, %dma_wait3A_552] : memref<32x10000xi32, #tpu.memory_space<hbm>> -> memref<1x10000xi32, #tpu.memory_space<hbm>>
      %dma_wait3A_554 = tpu.memref_squeeze %dma_wait3A_553 : memref<1x10000xi32, #tpu.memory_space<hbm>> -> memref<10000xi32, #tpu.memory_space<hbm>>
      %dma_wait3A_555 = arith.constant 0 : i32
      %dma_wait3A_556 = tpu.memref_slice %arg2[%add3A, %dma_wait3A_555] : memref<32x10000xi32, #tpu.memory_space<hbm>> -> memref<1x10000xi32, #tpu.memory_space<hbm>>
      %dma_wait3A_557 = tpu.memref_squeeze %dma_wait3A_556 : memref<1x10000xi32, #tpu.memory_space<hbm>> -> memref<10000xi32, #tpu.memory_space<hbm>>
      tpu.wait_dma2 semaphore(%run_scoped3A_545 : memref<!tpu.dma_semaphore, #tpu.memory_space<semaphore_mem>>) src(%dma_wait3A_557 : memref<10000xi32, #tpu.memory_space<hbm>>) dst(%arg6 : memref<10000xi32, #tpu.memory_space<vmem>>)
      tpu.yield
    }) : () -> ()
    "tpu.region"() ({
      %run_scoped3A_545 = tpu.sem_alloc : memref<!tpu.dma_semaphore, #tpu.memory_space<semaphore_mem>>
      %dma_start3A_546 = arith.constant 0 : i32
      %dma_start3A_547 = arith.constant 0 : i32
      %dma_start3A_548 = tpu.memref_slice %arg3[%add3A, %dma_start3A_546, %dma_start3A_547] : memref<32x125x80xi32, #tpu.memory_space<hbm>> -> memref<1x125x80xi32, #tpu.memory_space<hbm>>
      %dma_start3A_549 = tpu.memref_squeeze %dma_start3A_548 : memref<1x125x80xi32, #tpu.memory_space<hbm>> -> memref<125x80xi32, #tpu.memory_space<hbm>>
      %dma_start3A_550 = arith.constant 0 : i32
      %dma_start3A_551 = arith.constant 0 : i32
      %dma_start3A_552 = tpu.memref_slice %arg3[%add3A, %dma_start3A_550, %dma_start3A_551] : memref<32x125x80xi32, #tpu.memory_space<hbm>> -> memref<1x125x80xi32, #tpu.memory_space<hbm>>
      %dma_start3A_553 = tpu.memref_squeeze %dma_start3A_552 : memref<1x125x80xi32, #tpu.memory_space<hbm>> -> memref<125x80xi32, #tpu.memory_space<hbm>>
      tpu.enqueue_dma source(%dma_start3A_553 : memref<125x80xi32, #tpu.memory_space<hbm>>) target(%arg7 : memref<125x80xi32, #tpu.memory_space<vmem>>) target_semaphore(%run_scoped3A_545 : memref<!tpu.dma_semaphore, #tpu.memory_space<semaphore_mem>>)
      %dma_wait3A_554 = arith.constant 0 : i32
      %dma_wait3A_555 = arith.constant 0 : i32
      %dma_wait3A_556 = tpu.memref_slice %arg3[%add3A, %dma_wait3A_554, %dma_wait3A_555] : memref<32x125x80xi32, #tpu.memory_space<hbm>> -> memref<1x125x80xi32, #tpu.memory_space<hbm>>
      %dma_wait3A_557 = tpu.memref_squeeze %dma_wait3A_556 : memref<1x125x80xi32, #tpu.memory_space<hbm>> -> memref<125x80xi32, #tpu.memory_space<hbm>>
      %dma_wait3A_558 = arith.constant 0 : i32
      %dma_wait3A_559 = arith.constant 0 : i32
      %dma_wait3A_560 = tpu.memref_slice %arg3[%add3A, %dma_wait3A_558, %dma_wait3A_559] : memref<32x125x80xi32, #tpu.memory_space<hbm>> -> memref<1x125x80xi32, #tpu.memory_space<hbm>>
      %dma_wait3A_561 = tpu.memref_squeeze %dma_wait3A_560 : memref<1x125x80xi32, #tpu.memory_space<hbm>> -> memref<125x80xi32, #tpu.memory_space<hbm>>
      tpu.wait_dma2 semaphore(%run_scoped3A_545 : memref<!tpu.dma_semaphore, #tpu.memory_space<semaphore_mem>>) src(%dma_wait3A_561 : memref<125x80xi32, #tpu.memory_space<hbm>>) dst(%arg7 : memref<125x80xi32, #tpu.memory_space<vmem>>)
      tpu.yield
    }) : () -> ()
    %mul3A_75 = arith.constant 632 : i32
    %mul3A_76 = arith.muli %arg1, %mul3A_75 : i32
    %add3A_77 = arith.constant 0 : i32
    %add3A_78 = arith.addi %mul3A_76, %add3A_77 : i32
    %dma_wait3A = arith.constant 0 : i32
    %dma_wait3A_79 = tpu.memref_slice %arg12[%add3A_78, %dma_wait3A] : memref<10112x128xf32, #tpu.memory_space<vmem_shared>> -> memref<80x128xf32, #tpu.memory_space<vmem_shared>>
    %dma_wait3A_80 = arith.constant 0 : i32
    %dma_wait3A_81 = tpu.memref_slice %arg12[%add3A_78, %dma_wait3A_80] : memref<10112x128xf32, #tpu.memory_space<vmem_shared>> -> memref<80x128xf32, #tpu.memory_space<vmem_shared>>
    tpu.wait_dma2 semaphore(%arg10 : memref<!tpu.dma_semaphore, #tpu.memory_space<semaphore_mem>>) src(%arg8 : memref<80x128xf32, #tpu.memory_space<vmem>>) dst(%dma_wait3A_81 : memref<80x128xf32, #tpu.memory_space<vmem_shared>>)
    %mul3A_82 = arith.constant 632 : i32
    %mul3A_83 = arith.muli %arg1, %mul3A_82 : i32
    %add3A_84 = arith.constant 80 : i32
    %add3A_85 = arith.addi %mul3A_83, %add3A_84 : i32
    %dma_wait3A_86 = arith.constant 0 : i32
    %dma_wait3A_87 = tpu.memref_slice %arg12[%add3A_85, %dma_wait3A_86] : memref<10112x128xf32, #tpu.memory_space<vmem_shared>> -> memref<80x128xf32, #tpu.memory_space<vmem_shared>>
    %dma_wait3A_88 = arith.constant 0 : i32
    %dma_wait3A_89 = tpu.memref_slice %arg12[%add3A_85, %dma_wait3A_88] : memref<10112x128xf32, #tpu.memory_space<vmem_shared>> -> memref<80x128xf32, #tpu.memory_space<vmem_shared>>
    tpu.wait_dma2 semaphore(%arg10 : memref<!tpu.dma_semaphore, #tpu.memory_space<semaphore_mem>>) src(%arg8 : memref<80x128xf32, #tpu.memory_space<vmem>>) dst(%dma_wait3A_89 : memref<80x128xf32, #tpu.memory_space<vmem_shared>>)
    %mul3A_90 = arith.constant 632 : i32
    %mul3A_91 = arith.muli %arg1, %mul3A_90 : i32
    %add3A_92 = arith.constant 160 : i32
    %add3A_93 = arith.addi %mul3A_91, %add3A_92 : i32
    %dma_wait3A_94 = arith.constant 0 : i32
    %dma_wait3A_95 = tpu.memref_slice %arg12[%add3A_93, %dma_wait3A_94] : memref<10112x128xf32, #tpu.memory_space<vmem_shared>> -> memref<80x128xf32, #tpu.memory_space<vmem_shared>>
    %dma_wait3A_96 = arith.constant 0 : i32
    %dma_wait3A_97 = tpu.memref_slice %arg12[%add3A_93, %dma_wait3A_96] : memref<10112x128xf32, #tpu.memory_space<vmem_shared>> -> memref<80x128xf32, #tpu.memory_space<vmem_shared>>
    tpu.wait_dma2 semaphore(%arg10 : memref<!tpu.dma_semaphore, #tpu.memory_space<semaphore_mem>>) src(%arg8 : memref<80x128xf32, #tpu.memory_space<vmem>>) dst(%dma_wait3A_97 : memref<80x128xf32, #tpu.memory_space<vmem_shared>>)
    %mul3A_98 = arith.constant 632 : i32
    %mul3A_99 = arith.muli %arg1, %mul3A_98 : i32
    %add3A_100 = arith.constant 240 : i32
    %add3A_101 = arith.addi %mul3A_99, %add3A_100 : i32
    %dma_wait3A_102 = arith.constant 0 : i32
    %dma_wait3A_103 = tpu.memref_slice %arg12[%add3A_101, %dma_wait3A_102] : memref<10112x128xf32, #tpu.memory_space<vmem_shared>> -> memref<80x128xf32, #tpu.memory_space<vmem_shared>>
    %dma_wait3A_104 = arith.constant 0 : i32
    %dma_wait3A_105 = tpu.memref_slice %arg12[%add3A_101, %dma_wait3A_104] : memref<10112x128xf32, #tpu.memory_space<vmem_shared>> -> memref<80x128xf32, #tpu.memory_space<vmem_shared>>
    tpu.wait_dma2 semaphore(%arg10 : memref<!tpu.dma_semaphore, #tpu.memory_space<semaphore_mem>>) src(%arg8 : memref<80x128xf32, #tpu.memory_space<vmem>>) dst(%dma_wait3A_105 : memref<80x128xf32, #tpu.memory_space<vmem_shared>>)
    %mul3A_106 = arith.constant 632 : i32
    %mul3A_107 = arith.muli %arg1, %mul3A_106 : i32
    %add3A_108 = arith.constant 320 : i32
    %add3A_109 = arith.addi %mul3A_107, %add3A_108 : i32
    %dma_wait3A_110 = arith.constant 0 : i32
    %dma_wait3A_111 = tpu.memref_slice %arg12[%add3A_109, %dma_wait3A_110] : memref<10112x128xf32, #tpu.memory_space<vmem_shared>> -> memref<80x128xf32, #tpu.memory_space<vmem_shared>>
    %dma_wait3A_112 = arith.constant 0 : i32
    %dma_wait3A_113 = tpu.memref_slice %arg12[%add3A_109, %dma_wait3A_112] : memref<10112x128xf32, #tpu.memory_space<vmem_shared>> -> memref<80x128xf32, #tpu.memory_space<vmem_shared>>
    tpu.wait_dma2 semaphore(%arg10 : memref<!tpu.dma_semaphore, #tpu.memory_space<semaphore_mem>>) src(%arg8 : memref<80x128xf32, #tpu.memory_space<vmem>>) dst(%dma_wait3A_113 : memref<80x128xf32, #tpu.memory_space<vmem_shared>>)
    %mul3A_114 = arith.constant 632 : i32
    %mul3A_115 = arith.muli %arg1, %mul3A_114 : i32
    %add3A_116 = arith.constant 400 : i32
    %add3A_117 = arith.addi %mul3A_115, %add3A_116 : i32
    %dma_wait3A_118 = arith.constant 0 : i32
    %dma_wait3A_119 = tpu.memref_slice %arg12[%add3A_117, %dma_wait3A_118] : memref<10112x128xf32, #tpu.memory_space<vmem_shared>> -> memref<80x128xf32, #tpu.memory_space<vmem_shared>>
    %dma_wait3A_120 = arith.constant 0 : i32
    %dma_wait3A_121 = tpu.memref_slice %arg12[%add3A_117, %dma_wait3A_120] : memref<10112x128xf32, #tpu.memory_space<vmem_shared>> -> memref<80x128xf32, #tpu.memory_space<vmem_shared>>
    tpu.wait_dma2 semaphore(%arg10 : memref<!tpu.dma_semaphore, #tpu.memory_space<semaphore_mem>>) src(%arg8 : memref<80x128xf32, #tpu.memory_space<vmem>>) dst(%dma_wait3A_121 : memref<80x128xf32, #tpu.memory_space<vmem_shared>>)
    %mul3A_122 = arith.constant 632 : i32
    %mul3A_123 = arith.muli %arg1, %mul3A_122 : i32
    %add3A_124 = arith.constant 480 : i32
    %add3A_125 = arith.addi %mul3A_123, %add3A_124 : i32
    %dma_wait3A_126 = arith.constant 0 : i32
    %dma_wait3A_127 = tpu.memref_slice %arg12[%add3A_125, %dma_wait3A_126] : memref<10112x128xf32, #tpu.memory_space<vmem_shared>> -> memref<80x128xf32, #tpu.memory_space<vmem_shared>>
    %dma_wait3A_128 = arith.constant 0 : i32
    %dma_wait3A_129 = tpu.memref_slice %arg12[%add3A_125, %dma_wait3A_128] : memref<10112x128xf32, #tpu.memory_space<vmem_shared>> -> memref<80x128xf32, #tpu.memory_space<vmem_shared>>
    tpu.wait_dma2 semaphore(%arg10 : memref<!tpu.dma_semaphore, #tpu.memory_space<semaphore_mem>>) src(%arg8 : memref<80x128xf32, #tpu.memory_space<vmem>>) dst(%dma_wait3A_129 : memref<80x128xf32, #tpu.memory_space<vmem_shared>>)
    %mul3A_130 = arith.constant 632 : i32
    %mul3A_131 = arith.muli %arg1, %mul3A_130 : i32
    %add3A_132 = arith.constant 560 : i32
    %add3A_133 = arith.addi %mul3A_131, %add3A_132 : i32
    %dma_wait3A_134 = arith.constant 0 : i32
    %dma_wait3A_135 = arith.constant 0 : i32
    %dma_wait3A_136 = tpu.memref_slice %arg8[%dma_wait3A_134, %dma_wait3A_135] : memref<80x128xf32, #tpu.memory_space<vmem>> -> memref<72x128xf32, #tpu.memory_space<vmem>>
    %dma_wait3A_137 = arith.constant 0 : i32
    %dma_wait3A_138 = tpu.memref_slice %arg12[%add3A_133, %dma_wait3A_137] : memref<10112x128xf32, #tpu.memory_space<vmem_shared>> -> memref<72x128xf32, #tpu.memory_space<vmem_shared>>
    %dma_wait3A_139 = arith.constant 0 : i32
    %dma_wait3A_140 = tpu.memref_slice %arg12[%add3A_133, %dma_wait3A_139] : memref<10112x128xf32, #tpu.memory_space<vmem_shared>> -> memref<72x128xf32, #tpu.memory_space<vmem_shared>>
    %dma_wait3A_141 = arith.constant 0 : i32
    %dma_wait3A_142 = arith.constant 0 : i32
    %dma_wait3A_143 = tpu.memref_slice %arg8[%dma_wait3A_141, %dma_wait3A_142] : memref<80x128xf32, #tpu.memory_space<vmem>> -> memref<72x128xf32, #tpu.memory_space<vmem>>
    tpu.wait_dma2 semaphore(%arg10 : memref<!tpu.dma_semaphore, #tpu.memory_space<semaphore_mem>>) src(%dma_wait3A_143 : memref<72x128xf32, #tpu.memory_space<vmem>>) dst(%dma_wait3A_140 : memref<72x128xf32, #tpu.memory_space<vmem_shared>>)
    %barrier3A = arith.constant 0 : index
    tpu.barrier barrier_id(%barrier3A)
    %dma_start3A_144 = arith.constant 0 : i32
    %dma_start3A_145 = tpu.memref_slice %arg6[%dma_start3A_144] : memref<10000xi32, #tpu.memory_space<vmem>> -> memref<80xi32, #tpu.memory_space<vmem>>
    %dma_start3A_146 = arith.constant 0 : i32
    %dma_start3A_147 = arith.constant 0 : i32
    %dma_start3A_148 = tpu.memref_slice %arg4[%dma_start3A_146, %dma_start3A_147] : memref<10000x128xf32, #tpu.memory_space<hbm>> -> memref<10000x128xf32, #tpu.memory_space<hbm>>
    tpu.enqueue_indirect_dma source(%dma_start3A_148 : memref<10000x128xf32, #tpu.memory_space<hbm>>) target(%arg8 : memref<80x128xf32, #tpu.memory_space<vmem>>) offsets(%dma_start3A_145 : memref<80xi32, #tpu.memory_space<vmem>>) semaphore(%arg10 : memref<!tpu.dma_semaphore, #tpu.memory_space<semaphore_mem>>)
    %scan3A_149 = arith.constant 0 : i32
    %scan3A_150 = arith.constant 0 : i32
    %scan3A_151 = arith.constant 62 : i32
    %scan3A_152 = arith.addi %scan3A_150, %scan3A_151 : i32
    %scan3A_153 = arith.constant 1 : i32
    scf.for %scan3A_545 = %scan3A_150 to %scan3A_152 step %scan3A_153  : i32 {
      %mul3A_546 = arith.constant 2 : i32
      %mul3A_547 = arith.muli %mul3A_546, %scan3A_545 : i32
      %add3A_548 = arith.constant 1 : i32
      %add3A_549 = arith.addi %mul3A_547, %add3A_548 : i32
      %mul3A_550 = arith.constant 80 : i32
      %mul3A_551 = arith.muli %add3A_549, %mul3A_550 : i32
      %dma_start3A_552 = tpu.memref_slice %arg6[%mul3A_551] : memref<10000xi32, #tpu.memory_space<vmem>> -> memref<80xi32, #tpu.memory_space<vmem>>
      %dma_start3A_553 = arith.constant 0 : i32
      %dma_start3A_554 = arith.constant 0 : i32
      %dma_start3A_555 = tpu.memref_slice %arg4[%dma_start3A_553, %dma_start3A_554] : memref<10000x128xf32, #tpu.memory_space<hbm>> -> memref<10000x128xf32, #tpu.memory_space<hbm>>
      tpu.enqueue_indirect_dma source(%dma_start3A_555 : memref<10000x128xf32, #tpu.memory_space<hbm>>) target(%arg9 : memref<80x128xf32, #tpu.memory_space<vmem>>) offsets(%dma_start3A_552 : memref<80xi32, #tpu.memory_space<vmem>>) semaphore(%arg11 : memref<!tpu.dma_semaphore, #tpu.memory_space<semaphore_mem>>)
      %mul3A_556 = arith.constant 80 : i32
      %mul3A_557 = arith.muli %mul3A_547, %mul3A_556 : i32
      %dma_wait3A_558 = tpu.memref_slice %arg6[%mul3A_557] : memref<10000xi32, #tpu.memory_space<vmem>> -> memref<80xi32, #tpu.memory_space<vmem>>
      %dma_wait3A_559 = arith.constant 0 : i32
      %dma_wait3A_560 = arith.constant 0 : i32
      %dma_wait3A_561 = tpu.memref_slice %arg4[%dma_wait3A_559, %dma_wait3A_560] : memref<10000x128xf32, #tpu.memory_space<hbm>> -> memref<10000x128xf32, #tpu.memory_space<hbm>>
      tpu.wait_indirect_dma semaphore(%arg10 : memref<!tpu.dma_semaphore, #tpu.memory_space<semaphore_mem>>) src(%dma_wait3A_561 : memref<10000x128xf32, #tpu.memory_space<hbm>>) dst(%arg8 : memref<80x128xf32, #tpu.memory_space<vmem>>)
      "tpu.region"() ({
        %run_scoped3A_580 = tpu.sem_alloc : memref<!tpu.dma_semaphore, #tpu.memory_space<semaphore_mem>>
        %dma_start3A_581 = arith.constant 0 : i32
        %dma_start3A_582 = tpu.memref_slice %arg7[%mul3A_547, %dma_start3A_581] : memref<125x80xi32, #tpu.memory_space<vmem>> -> memref<1x80xi32, #tpu.memory_space<vmem>>
        %dma_start3A_583 = tpu.memref_squeeze %dma_start3A_582 : memref<1x80xi32, #tpu.memory_space<vmem>> -> memref<80xi32, #tpu.memory_space<vmem>>
        %dma_start3A_584 = arith.constant 0 : i32
        %dma_start3A_585 = arith.constant 0 : i32
        %dma_start3A_586 = tpu.memref_slice %arg12[%dma_start3A_584, %dma_start3A_585] : memref<10112x128xf32, #tpu.memory_space<vmem_shared>> -> memref<10112x128xf32, #tpu.memory_space<vmem_shared>>
        tpu.enqueue_indirect_dma source(%arg8 : memref<80x128xf32, #tpu.memory_space<vmem>>) target(%dma_start3A_586 : memref<10112x128xf32, #tpu.memory_space<vmem_shared>>) offsets(%dma_start3A_583 : memref<80xi32, #tpu.memory_space<vmem>>) semaphore(%run_scoped3A_580 : memref<!tpu.dma_semaphore, #tpu.memory_space<semaphore_mem>>) {add = true}
        %dma_wait3A_587 = arith.constant 0 : i32
        %dma_wait3A_588 = tpu.memref_slice %arg7[%mul3A_547, %dma_wait3A_587] : memref<125x80xi32, #tpu.memory_space<vmem>> -> memref<1x80xi32, #tpu.memory_space<vmem>>
        %dma_wait3A_589 = tpu.memref_squeeze %dma_wait3A_588 : memref<1x80xi32, #tpu.memory_space<vmem>> -> memref<80xi32, #tpu.memory_space<vmem>>
        %dma_wait3A_590 = arith.constant 0 : i32
        %dma_wait3A_591 = arith.constant 0 : i32
        %dma_wait3A_592 = tpu.memref_slice %arg12[%dma_wait3A_590, %dma_wait3A_591] : memref<10112x128xf32, #tpu.memory_space<vmem_shared>> -> memref<10112x128xf32, #tpu.memory_space<vmem_shared>>
        tpu.wait_indirect_dma semaphore(%run_scoped3A_580 : memref<!tpu.dma_semaphore, #tpu.memory_space<semaphore_mem>>) src(%arg8 : memref<80x128xf32, #tpu.memory_space<vmem>>) dst(%dma_wait3A_592 : memref<10112x128xf32, #tpu.memory_space<vmem_shared>>)
        tpu.yield
      }) : () -> ()
      %add3A_562 = arith.constant 2 : i32
      %add3A_563 = arith.addi %mul3A_547, %add3A_562 : i32
      %mul3A_564 = arith.constant 80 : i32
      %mul3A_565 = arith.muli %add3A_563, %mul3A_564 : i32
      %dma_start3A_566 = tpu.memref_slice %arg6[%mul3A_565] : memref<10000xi32, #tpu.memory_space<vmem>> -> memref<80xi32, #tpu.memory_space<vmem>>
      %dma_start3A_567 = arith.constant 0 : i32
      %dma_start3A_568 = arith.constant 0 : i32
      %dma_start3A_569 = tpu.memref_slice %arg4[%dma_start3A_567, %dma_start3A_568] : memref<10000x128xf32, #tpu.memory_space<hbm>> -> memref<10000x128xf32, #tpu.memory_space<hbm>>
      tpu.enqueue_indirect_dma source(%dma_start3A_569 : memref<10000x128xf32, #tpu.memory_space<hbm>>) target(%arg8 : memref<80x128xf32, #tpu.memory_space<vmem>>) offsets(%dma_start3A_566 : memref<80xi32, #tpu.memory_space<vmem>>) semaphore(%arg10 : memref<!tpu.dma_semaphore, #tpu.memory_space<semaphore_mem>>)
      %add3A_570 = arith.constant 1 : i32
      %add3A_571 = arith.addi %mul3A_547, %add3A_570 : i32
      %mul3A_572 = arith.constant 80 : i32
      %mul3A_573 = arith.muli %add3A_571, %mul3A_572 : i32
      %dma_wait3A_574 = tpu.memref_slice %arg6[%mul3A_573] : memref<10000xi32, #tpu.memory_space<vmem>> -> memref<80xi32, #tpu.memory_space<vmem>>
      %dma_wait3A_575 = arith.constant 0 : i32
      %dma_wait3A_576 = arith.constant 0 : i32
      %dma_wait3A_577 = tpu.memref_slice %arg4[%dma_wait3A_575, %dma_wait3A_576] : memref<10000x128xf32, #tpu.memory_space<hbm>> -> memref<10000x128xf32, #tpu.memory_space<hbm>>
      tpu.wait_indirect_dma semaphore(%arg11 : memref<!tpu.dma_semaphore, #tpu.memory_space<semaphore_mem>>) src(%dma_wait3A_577 : memref<10000x128xf32, #tpu.memory_space<hbm>>) dst(%arg9 : memref<80x128xf32, #tpu.memory_space<vmem>>)
      %add3A_578 = arith.constant 1 : i32
      %add3A_579 = arith.addi %mul3A_547, %add3A_578 : i32
      "tpu.region"() ({
        %run_scoped3A_580 = tpu.sem_alloc : memref<!tpu.dma_semaphore, #tpu.memory_space<semaphore_mem>>
        %dma_start3A_581 = arith.constant 0 : i32
        %dma_start3A_582 = tpu.memref_slice %arg7[%add3A_579, %dma_start3A_581] : memref<125x80xi32, #tpu.memory_space<vmem>> -> memref<1x80xi32, #tpu.memory_space<vmem>>
        %dma_start3A_583 = tpu.memref_squeeze %dma_start3A_582 : memref<1x80xi32, #tpu.memory_space<vmem>> -> memref<80xi32, #tpu.memory_space<vmem>>
        %dma_start3A_584 = arith.constant 0 : i32
        %dma_start3A_585 = arith.constant 0 : i32
        %dma_start3A_586 = tpu.memref_slice %arg12[%dma_start3A_584, %dma_start3A_585] : memref<10112x128xf32, #tpu.memory_space<vmem_shared>> -> memref<10112x128xf32, #tpu.memory_space<vmem_shared>>
        tpu.enqueue_indirect_dma source(%arg9 : memref<80x128xf32, #tpu.memory_space<vmem>>) target(%dma_start3A_586 : memref<10112x128xf32, #tpu.memory_space<vmem_shared>>) offsets(%dma_start3A_583 : memref<80xi32, #tpu.memory_space<vmem>>) semaphore(%run_scoped3A_580 : memref<!tpu.dma_semaphore, #tpu.memory_space<semaphore_mem>>) {add = true}
        %dma_wait3A_587 = arith.constant 0 : i32
        %dma_wait3A_588 = tpu.memref_slice %arg7[%add3A_579, %dma_wait3A_587] : memref<125x80xi32, #tpu.memory_space<vmem>> -> memref<1x80xi32, #tpu.memory_space<vmem>>
        %dma_wait3A_589 = tpu.memref_squeeze %dma_wait3A_588 : memref<1x80xi32, #tpu.memory_space<vmem>> -> memref<80xi32, #tpu.memory_space<vmem>>
        %dma_wait3A_590 = arith.constant 0 : i32
        %dma_wait3A_591 = arith.constant 0 : i32
        %dma_wait3A_592 = tpu.memref_slice %arg12[%dma_wait3A_590, %dma_wait3A_591] : memref<10112x128xf32, #tpu.memory_space<vmem_shared>> -> memref<10112x128xf32, #tpu.memory_space<vmem_shared>>
        tpu.wait_indirect_dma semaphore(%run_scoped3A_580 : memref<!tpu.dma_semaphore, #tpu.memory_space<semaphore_mem>>) src(%arg9 : memref<80x128xf32, #tpu.memory_space<vmem>>) dst(%dma_wait3A_592 : memref<10112x128xf32, #tpu.memory_space<vmem_shared>>)
        tpu.yield
      }) : () -> ()
    }
    %scan3A_154 = arith.constant 62 : i32
    %dma_wait3A_155 = arith.constant 9920 : i32
    %dma_wait3A_156 = tpu.memref_slice %arg6[%dma_wait3A_155] : memref<10000xi32, #tpu.memory_space<vmem>> -> memref<80xi32, #tpu.memory_space<vmem>>
    %dma_wait3A_157 = arith.constant 0 : i32
    %dma_wait3A_158 = arith.constant 0 : i32
    %dma_wait3A_159 = tpu.memref_slice %arg4[%dma_wait3A_157, %dma_wait3A_158] : memref<10000x128xf32, #tpu.memory_space<hbm>> -> memref<10000x128xf32, #tpu.memory_space<hbm>>
    tpu.wait_indirect_dma semaphore(%arg10 : memref<!tpu.dma_semaphore, #tpu.memory_space<semaphore_mem>>) src(%dma_wait3A_159 : memref<10000x128xf32, #tpu.memory_space<hbm>>) dst(%arg8 : memref<80x128xf32, #tpu.memory_space<vmem>>)
    %run_scoped3A = arith.constant 124 : i32
    "tpu.region"() ({
      %run_scoped3A_545 = tpu.sem_alloc : memref<!tpu.dma_semaphore, #tpu.memory_space<semaphore_mem>>
      %dma_start3A_546 = arith.constant 0 : i32
      %dma_start3A_547 = tpu.memref_slice %arg7[%run_scoped3A, %dma_start3A_546] : memref<125x80xi32, #tpu.memory_space<vmem>> -> memref<1x80xi32, #tpu.memory_space<vmem>>
      %dma_start3A_548 = tpu.memref_squeeze %dma_start3A_547 : memref<1x80xi32, #tpu.memory_space<vmem>> -> memref<80xi32, #tpu.memory_space<vmem>>
      %dma_start3A_549 = arith.constant 0 : i32
      %dma_start3A_550 = arith.constant 0 : i32
      %dma_start3A_551 = tpu.memref_slice %arg12[%dma_start3A_549, %dma_start3A_550] : memref<10112x128xf32, #tpu.memory_space<vmem_shared>> -> memref<10112x128xf32, #tpu.memory_space<vmem_shared>>
      tpu.enqueue_indirect_dma source(%arg8 : memref<80x128xf32, #tpu.memory_space<vmem>>) target(%dma_start3A_551 : memref<10112x128xf32, #tpu.memory_space<vmem_shared>>) offsets(%dma_start3A_548 : memref<80xi32, #tpu.memory_space<vmem>>) semaphore(%run_scoped3A_545 : memref<!tpu.dma_semaphore, #tpu.memory_space<semaphore_mem>>) {add = true}
      %dma_wait3A_552 = arith.constant 0 : i32
      %dma_wait3A_553 = tpu.memref_slice %arg7[%run_scoped3A, %dma_wait3A_552] : memref<125x80xi32, #tpu.memory_space<vmem>> -> memref<1x80xi32, #tpu.memory_space<vmem>>
      %dma_wait3A_554 = tpu.memref_squeeze %dma_wait3A_553 : memref<1x80xi32, #tpu.memory_space<vmem>> -> memref<80xi32, #tpu.memory_space<vmem>>
      %dma_wait3A_555 = arith.constant 0 : i32
      %dma_wait3A_556 = arith.constant 0 : i32
      %dma_wait3A_557 = tpu.memref_slice %arg12[%dma_wait3A_555, %dma_wait3A_556] : memref<10112x128xf32, #tpu.memory_space<vmem_shared>> -> memref<10112x128xf32, #tpu.memory_space<vmem_shared>>
      tpu.wait_indirect_dma semaphore(%run_scoped3A_545 : memref<!tpu.dma_semaphore, #tpu.memory_space<semaphore_mem>>) src(%arg8 : memref<80x128xf32, #tpu.memory_space<vmem>>) dst(%dma_wait3A_557 : memref<10112x128xf32, #tpu.memory_space<vmem_shared>>)
      tpu.yield
    }) : () -> ()
    %barrier3A_160 = arith.constant 0 : index
    tpu.barrier barrier_id(%barrier3A_160)
    %mul3A_161 = arith.constant 632 : i32
    %mul3A_162 = arith.muli %arg1, %mul3A_161 : i32
    %add3A_163 = arith.constant 0 : i32
    %add3A_164 = arith.addi %mul3A_162, %add3A_163 : i32
    "tpu.region"() ({
      %run_scoped3A_545 = tpu.sem_alloc : memref<!tpu.dma_semaphore, #tpu.memory_space<semaphore_mem>>
      %dma_start3A_546 = arith.constant 0 : i32
      %dma_start3A_547 = arith.constant 0 : i32
      %dma_start3A_548 = tpu.memref_slice %arg8[%dma_start3A_546, %dma_start3A_547] : memref<80x128xf32, #tpu.memory_space<vmem>> -> memref<80x128xf32, #tpu.memory_space<vmem>>
      %dma_start3A_549 = arith.constant 0 : i32
      %dma_start3A_550 = tpu.memref_slice %arg12[%add3A_164, %dma_start3A_549] : memref<10112x128xf32, #tpu.memory_space<vmem_shared>> -> memref<80x128xf32, #tpu.memory_space<vmem_shared>>
      %dma_start3A_551 = arith.constant 0 : i32
      %dma_start3A_552 = arith.constant 0 : i32
      %dma_start3A_553 = tpu.memref_slice %arg8[%dma_start3A_551, %dma_start3A_552] : memref<80x128xf32, #tpu.memory_space<vmem>> -> memref<80x128xf32, #tpu.memory_space<vmem>>
      %dma_start3A_554 = arith.constant 0 : i32
      %dma_start3A_555 = tpu.memref_slice %arg12[%add3A_164, %dma_start3A_554] : memref<10112x128xf32, #tpu.memory_space<vmem_shared>> -> memref<80x128xf32, #tpu.memory_space<vmem_shared>>
      tpu.enqueue_dma source(%dma_start3A_555 : memref<80x128xf32, #tpu.memory_space<vmem_shared>>) target(%dma_start3A_553 : memref<80x128xf32, #tpu.memory_space<vmem>>) target_semaphore(%run_scoped3A_545 : memref<!tpu.dma_semaphore, #tpu.memory_space<semaphore_mem>>)
      %dma_wait3A_556 = arith.constant 0 : i32
      %dma_wait3A_557 = arith.constant 0 : i32
      %dma_wait3A_558 = tpu.memref_slice %arg8[%dma_wait3A_556, %dma_wait3A_557] : memref<80x128xf32, #tpu.memory_space<vmem>> -> memref<80x128xf32, #tpu.memory_space<vmem>>
      %dma_wait3A_559 = arith.constant 0 : i32
      %dma_wait3A_560 = tpu.memref_slice %arg12[%add3A_164, %dma_wait3A_559] : memref<10112x128xf32, #tpu.memory_space<vmem_shared>> -> memref<80x128xf32, #tpu.memory_space<vmem_shared>>
      %dma_wait3A_561 = arith.constant 0 : i32
      %dma_wait3A_562 = arith.constant 0 : i32
      %dma_wait3A_563 = tpu.memref_slice %arg8[%dma_wait3A_561, %dma_wait3A_562] : memref<80x128xf32, #tpu.memory_space<vmem>> -> memref<80x128xf32, #tpu.memory_space<vmem>>
      %dma_wait3A_564 = arith.constant 0 : i32
      %dma_wait3A_565 = tpu.memref_slice %arg12[%add3A_164, %dma_wait3A_564] : memref<10112x128xf32, #tpu.memory_space<vmem_shared>> -> memref<80x128xf32, #tpu.memory_space<vmem_shared>>
      tpu.wait_dma2 semaphore(%run_scoped3A_545 : memref<!tpu.dma_semaphore, #tpu.memory_space<semaphore_mem>>) src(%dma_wait3A_565 : memref<80x128xf32, #tpu.memory_space<vmem_shared>>) dst(%dma_wait3A_563 : memref<80x128xf32, #tpu.memory_space<vmem>>)
      tpu.yield
    }) : () -> ()
    %mul3A_165 = arith.constant 632 : i32
    %mul3A_166 = arith.muli %arg1, %mul3A_165 : i32
    %add3A_167 = arith.constant 0 : i32
    %add3A_168 = arith.addi %mul3A_166, %add3A_167 : i32
    %dma_start3A_169 = arith.constant 0 : i32
    %dma_start3A_170 = arith.constant 0 : i32
    %dma_start3A_171 = tpu.memref_slice %arg8[%dma_start3A_169, %dma_start3A_170] : memref<80x128xf32, #tpu.memory_space<vmem>> -> memref<80x128xf32, #tpu.memory_space<vmem>>
    %dma_start3A_172 = arith.constant 0 : i32
    %dma_start3A_173 = arith.constant 0 : i32
    %dma_start3A_174 = tpu.memref_slice %arg5[%arg0, %dma_start3A_172, %dma_start3A_173] : memref<2x10112x128xf32, #tpu.memory_space<hbm>> -> memref<1x10112x128xf32, #tpu.memory_space<hbm>>
    %dma_start3A_175 = tpu.memref_squeeze %dma_start3A_174 : memref<1x10112x128xf32, #tpu.memory_space<hbm>> -> memref<10112x128xf32, #tpu.memory_space<hbm>>
    %dma_start3A_176 = arith.constant 0 : i32
    %dma_start3A_177 = tpu.memref_slice %dma_start3A_175[%add3A_168, %dma_start3A_176] : memref<10112x128xf32, #tpu.memory_space<hbm>> -> memref<80x128xf32, #tpu.memory_space<hbm>>
    %dma_start3A_178 = arith.constant 0 : i32
    %dma_start3A_179 = arith.constant 0 : i32
    %dma_start3A_180 = tpu.memref_slice %arg5[%arg0, %dma_start3A_178, %dma_start3A_179] : memref<2x10112x128xf32, #tpu.memory_space<hbm>> -> memref<1x10112x128xf32, #tpu.memory_space<hbm>>
    %dma_start3A_181 = tpu.memref_squeeze %dma_start3A_180 : memref<1x10112x128xf32, #tpu.memory_space<hbm>> -> memref<10112x128xf32, #tpu.memory_space<hbm>>
    %dma_start3A_182 = arith.constant 0 : i32
    %dma_start3A_183 = tpu.memref_slice %dma_start3A_181[%add3A_168, %dma_start3A_182] : memref<10112x128xf32, #tpu.memory_space<hbm>> -> memref<80x128xf32, #tpu.memory_space<hbm>>
    %dma_start3A_184 = arith.constant 0 : i32
    %dma_start3A_185 = arith.constant 0 : i32
    %dma_start3A_186 = tpu.memref_slice %arg8[%dma_start3A_184, %dma_start3A_185] : memref<80x128xf32, #tpu.memory_space<vmem>> -> memref<80x128xf32, #tpu.memory_space<vmem>>
    tpu.enqueue_dma source(%dma_start3A_186 : memref<80x128xf32, #tpu.memory_space<vmem>>) target(%dma_start3A_183 : memref<80x128xf32, #tpu.memory_space<hbm>>) target_semaphore(%arg10 : memref<!tpu.dma_semaphore, #tpu.memory_space<semaphore_mem>>)
    %mul3A_187 = arith.constant 632 : i32
    %mul3A_188 = arith.muli %arg1, %mul3A_187 : i32
    %add3A_189 = arith.constant 80 : i32
    %add3A_190 = arith.addi %mul3A_188, %add3A_189 : i32
    "tpu.region"() ({
      %run_scoped3A_545 = tpu.sem_alloc : memref<!tpu.dma_semaphore, #tpu.memory_space<semaphore_mem>>
      %dma_start3A_546 = arith.constant 0 : i32
      %dma_start3A_547 = arith.constant 0 : i32
      %dma_start3A_548 = tpu.memref_slice %arg9[%dma_start3A_546, %dma_start3A_547] : memref<80x128xf32, #tpu.memory_space<vmem>> -> memref<80x128xf32, #tpu.memory_space<vmem>>
      %dma_start3A_549 = arith.constant 0 : i32
      %dma_start3A_550 = tpu.memref_slice %arg12[%add3A_190, %dma_start3A_549] : memref<10112x128xf32, #tpu.memory_space<vmem_shared>> -> memref<80x128xf32, #tpu.memory_space<vmem_shared>>
      %dma_start3A_551 = arith.constant 0 : i32
      %dma_start3A_552 = arith.constant 0 : i32
      %dma_start3A_553 = tpu.memref_slice %arg9[%dma_start3A_551, %dma_start3A_552] : memref<80x128xf32, #tpu.memory_space<vmem>> -> memref<80x128xf32, #tpu.memory_space<vmem>>
      %dma_start3A_554 = arith.constant 0 : i32
      %dma_start3A_555 = tpu.memref_slice %arg12[%add3A_190, %dma_start3A_554] : memref<10112x128xf32, #tpu.memory_space<vmem_shared>> -> memref<80x128xf32, #tpu.memory_space<vmem_shared>>
      tpu.enqueue_dma source(%dma_start3A_555 : memref<80x128xf32, #tpu.memory_space<vmem_shared>>) target(%dma_start3A_553 : memref<80x128xf32, #tpu.memory_space<vmem>>) target_semaphore(%run_scoped3A_545 : memref<!tpu.dma_semaphore, #tpu.memory_space<semaphore_mem>>)
      %dma_wait3A_556 = arith.constant 0 : i32
      %dma_wait3A_557 = arith.constant 0 : i32
      %dma_wait3A_558 = tpu.memref_slice %arg9[%dma_wait3A_556, %dma_wait3A_557] : memref<80x128xf32, #tpu.memory_space<vmem>> -> memref<80x128xf32, #tpu.memory_space<vmem>>
      %dma_wait3A_559 = arith.constant 0 : i32
      %dma_wait3A_560 = tpu.memref_slice %arg12[%add3A_190, %dma_wait3A_559] : memref<10112x128xf32, #tpu.memory_space<vmem_shared>> -> memref<80x128xf32, #tpu.memory_space<vmem_shared>>
      %dma_wait3A_561 = arith.constant 0 : i32
      %dma_wait3A_562 = arith.constant 0 : i32
      %dma_wait3A_563 = tpu.memref_slice %arg9[%dma_wait3A_561, %dma_wait3A_562] : memref<80x128xf32, #tpu.memory_space<vmem>> -> memref<80x128xf32, #tpu.memory_space<vmem>>
      %dma_wait3A_564 = arith.constant 0 : i32
      %dma_wait3A_565 = tpu.memref_slice %arg12[%add3A_190, %dma_wait3A_564] : memref<10112x128xf32, #tpu.memory_space<vmem_shared>> -> memref<80x128xf32, #tpu.memory_space<vmem_shared>>
      tpu.wait_dma2 semaphore(%run_scoped3A_545 : memref<!tpu.dma_semaphore, #tpu.memory_space<semaphore_mem>>) src(%dma_wait3A_565 : memref<80x128xf32, #tpu.memory_space<vmem_shared>>) dst(%dma_wait3A_563 : memref<80x128xf32, #tpu.memory_space<vmem>>)
      tpu.yield
    }) : () -> ()
    %mul3A_191 = arith.constant 632 : i32
    %mul3A_192 = arith.muli %arg1, %mul3A_191 : i32
    %add3A_193 = arith.constant 80 : i32
    %add3A_194 = arith.addi %mul3A_192, %add3A_193 : i32
    %dma_start3A_195 = arith.constant 0 : i32
    %dma_start3A_196 = arith.constant 0 : i32
    %dma_start3A_197 = tpu.memref_slice %arg9[%dma_start3A_195, %dma_start3A_196] : memref<80x128xf32, #tpu.memory_space<vmem>> -> memref<80x128xf32, #tpu.memory_space<vmem>>
    %dma_start3A_198 = arith.constant 0 : i32
    %dma_start3A_199 = arith.constant 0 : i32
    %dma_start3A_200 = tpu.memref_slice %arg5[%arg0, %dma_start3A_198, %dma_start3A_199] : memref<2x10112x128xf32, #tpu.memory_space<hbm>> -> memref<1x10112x128xf32, #tpu.memory_space<hbm>>
    %dma_start3A_201 = tpu.memref_squeeze %dma_start3A_200 : memref<1x10112x128xf32, #tpu.memory_space<hbm>> -> memref<10112x128xf32, #tpu.memory_space<hbm>>
    %dma_start3A_202 = arith.constant 0 : i32
    %dma_start3A_203 = tpu.memref_slice %dma_start3A_201[%add3A_194, %dma_start3A_202] : memref<10112x128xf32, #tpu.memory_space<hbm>> -> memref<80x128xf32, #tpu.memory_space<hbm>>
    %dma_start3A_204 = arith.constant 0 : i32
    %dma_start3A_205 = arith.constant 0 : i32
    %dma_start3A_206 = tpu.memref_slice %arg5[%arg0, %dma_start3A_204, %dma_start3A_205] : memref<2x10112x128xf32, #tpu.memory_space<hbm>> -> memref<1x10112x128xf32, #tpu.memory_space<hbm>>
    %dma_start3A_207 = tpu.memref_squeeze %dma_start3A_206 : memref<1x10112x128xf32, #tpu.memory_space<hbm>> -> memref<10112x128xf32, #tpu.memory_space<hbm>>
    %dma_start3A_208 = arith.constant 0 : i32
    %dma_start3A_209 = tpu.memref_slice %dma_start3A_207[%add3A_194, %dma_start3A_208] : memref<10112x128xf32, #tpu.memory_space<hbm>> -> memref<80x128xf32, #tpu.memory_space<hbm>>
    %dma_start3A_210 = arith.constant 0 : i32
    %dma_start3A_211 = arith.constant 0 : i32
    %dma_start3A_212 = tpu.memref_slice %arg9[%dma_start3A_210, %dma_start3A_211] : memref<80x128xf32, #tpu.memory_space<vmem>> -> memref<80x128xf32, #tpu.memory_space<vmem>>
    tpu.enqueue_dma source(%dma_start3A_212 : memref<80x128xf32, #tpu.memory_space<vmem>>) target(%dma_start3A_209 : memref<80x128xf32, #tpu.memory_space<hbm>>) target_semaphore(%arg11 : memref<!tpu.dma_semaphore, #tpu.memory_space<semaphore_mem>>)
    %mul3A_213 = arith.constant 632 : i32
    %mul3A_214 = arith.muli %arg1, %mul3A_213 : i32
    %add3A_215 = arith.constant 0 : i32
    %add3A_216 = arith.addi %mul3A_214, %add3A_215 : i32
    %dma_wait3A_217 = arith.constant 0 : i32
    %dma_wait3A_218 = arith.constant 0 : i32
    %dma_wait3A_219 = tpu.memref_slice %arg8[%dma_wait3A_217, %dma_wait3A_218] : memref<80x128xf32, #tpu.memory_space<vmem>> -> memref<80x128xf32, #tpu.memory_space<vmem>>
    %dma_wait3A_220 = arith.constant 0 : i32
    %dma_wait3A_221 = arith.constant 0 : i32
    %dma_wait3A_222 = tpu.memref_slice %arg5[%arg0, %dma_wait3A_220, %dma_wait3A_221] : memref<2x10112x128xf32, #tpu.memory_space<hbm>> -> memref<1x10112x128xf32, #tpu.memory_space<hbm>>
    %dma_wait3A_223 = tpu.memref_squeeze %dma_wait3A_222 : memref<1x10112x128xf32, #tpu.memory_space<hbm>> -> memref<10112x128xf32, #tpu.memory_space<hbm>>
    %dma_wait3A_224 = arith.constant 0 : i32
    %dma_wait3A_225 = tpu.memref_slice %dma_wait3A_223[%add3A_216, %dma_wait3A_224] : memref<10112x128xf32, #tpu.memory_space<hbm>> -> memref<80x128xf32, #tpu.memory_space<hbm>>
    %dma_wait3A_226 = arith.constant 0 : i32
    %dma_wait3A_227 = arith.constant 0 : i32
    %dma_wait3A_228 = tpu.memref_slice %arg5[%arg0, %dma_wait3A_226, %dma_wait3A_227] : memref<2x10112x128xf32, #tpu.memory_space<hbm>> -> memref<1x10112x128xf32, #tpu.memory_space<hbm>>
    %dma_wait3A_229 = tpu.memref_squeeze %dma_wait3A_228 : memref<1x10112x128xf32, #tpu.memory_space<hbm>> -> memref<10112x128xf32, #tpu.memory_space<hbm>>
    %dma_wait3A_230 = arith.constant 0 : i32
    %dma_wait3A_231 = tpu.memref_slice %dma_wait3A_229[%add3A_216, %dma_wait3A_230] : memref<10112x128xf32, #tpu.memory_space<hbm>> -> memref<80x128xf32, #tpu.memory_space<hbm>>
    %dma_wait3A_232 = arith.constant 0 : i32
    %dma_wait3A_233 = arith.constant 0 : i32
    %dma_wait3A_234 = tpu.memref_slice %arg8[%dma_wait3A_232, %dma_wait3A_233] : memref<80x128xf32, #tpu.memory_space<vmem>> -> memref<80x128xf32, #tpu.memory_space<vmem>>
    tpu.wait_dma2 semaphore(%arg10 : memref<!tpu.dma_semaphore, #tpu.memory_space<semaphore_mem>>) src(%dma_wait3A_234 : memref<80x128xf32, #tpu.memory_space<vmem>>) dst(%dma_wait3A_231 : memref<80x128xf32, #tpu.memory_space<hbm>>)
    %mul3A_235 = arith.constant 632 : i32
    %mul3A_236 = arith.muli %arg1, %mul3A_235 : i32
    %add3A_237 = arith.constant 160 : i32
    %add3A_238 = arith.addi %mul3A_236, %add3A_237 : i32
    "tpu.region"() ({
      %run_scoped3A_545 = tpu.sem_alloc : memref<!tpu.dma_semaphore, #tpu.memory_space<semaphore_mem>>
      %dma_start3A_546 = arith.constant 0 : i32
      %dma_start3A_547 = arith.constant 0 : i32
      %dma_start3A_548 = tpu.memref_slice %arg8[%dma_start3A_546, %dma_start3A_547] : memref<80x128xf32, #tpu.memory_space<vmem>> -> memref<80x128xf32, #tpu.memory_space<vmem>>
      %dma_start3A_549 = arith.constant 0 : i32
      %dma_start3A_550 = tpu.memref_slice %arg12[%add3A_238, %dma_start3A_549] : memref<10112x128xf32, #tpu.memory_space<vmem_shared>> -> memref<80x128xf32, #tpu.memory_space<vmem_shared>>
      %dma_start3A_551 = arith.constant 0 : i32
      %dma_start3A_552 = arith.constant 0 : i32
      %dma_start3A_553 = tpu.memref_slice %arg8[%dma_start3A_551, %dma_start3A_552] : memref<80x128xf32, #tpu.memory_space<vmem>> -> memref<80x128xf32, #tpu.memory_space<vmem>>
      %dma_start3A_554 = arith.constant 0 : i32
      %dma_start3A_555 = tpu.memref_slice %arg12[%add3A_238, %dma_start3A_554] : memref<10112x128xf32, #tpu.memory_space<vmem_shared>> -> memref<80x128xf32, #tpu.memory_space<vmem_shared>>
      tpu.enqueue_dma source(%dma_start3A_555 : memref<80x128xf32, #tpu.memory_space<vmem_shared>>) target(%dma_start3A_553 : memref<80x128xf32, #tpu.memory_space<vmem>>) target_semaphore(%run_scoped3A_545 : memref<!tpu.dma_semaphore, #tpu.memory_space<semaphore_mem>>)
      %dma_wait3A_556 = arith.constant 0 : i32
      %dma_wait3A_557 = arith.constant 0 : i32
      %dma_wait3A_558 = tpu.memref_slice %arg8[%dma_wait3A_556, %dma_wait3A_557] : memref<80x128xf32, #tpu.memory_space<vmem>> -> memref<80x128xf32, #tpu.memory_space<vmem>>
      %dma_wait3A_559 = arith.constant 0 : i32
      %dma_wait3A_560 = tpu.memref_slice %arg12[%add3A_238, %dma_wait3A_559] : memref<10112x128xf32, #tpu.memory_space<vmem_shared>> -> memref<80x128xf32, #tpu.memory_space<vmem_shared>>
      %dma_wait3A_561 = arith.constant 0 : i32
      %dma_wait3A_562 = arith.constant 0 : i32
      %dma_wait3A_563 = tpu.memref_slice %arg8[%dma_wait3A_561, %dma_wait3A_562] : memref<80x128xf32, #tpu.memory_space<vmem>> -> memref<80x128xf32, #tpu.memory_space<vmem>>
      %dma_wait3A_564 = arith.constant 0 : i32
      %dma_wait3A_565 = tpu.memref_slice %arg12[%add3A_238, %dma_wait3A_564] : memref<10112x128xf32, #tpu.memory_space<vmem_shared>> -> memref<80x128xf32, #tpu.memory_space<vmem_shared>>
      tpu.wait_dma2 semaphore(%run_scoped3A_545 : memref<!tpu.dma_semaphore, #tpu.memory_space<semaphore_mem>>) src(%dma_wait3A_565 : memref<80x128xf32, #tpu.memory_space<vmem_shared>>) dst(%dma_wait3A_563 : memref<80x128xf32, #tpu.memory_space<vmem>>)
      tpu.yield
    }) : () -> ()
    %mul3A_239 = arith.constant 632 : i32
    %mul3A_240 = arith.muli %arg1, %mul3A_239 : i32
    %add3A_241 = arith.constant 160 : i32
    %add3A_242 = arith.addi %mul3A_240, %add3A_241 : i32
    %dma_start3A_243 = arith.constant 0 : i32
    %dma_start3A_244 = arith.constant 0 : i32
    %dma_start3A_245 = tpu.memref_slice %arg8[%dma_start3A_243, %dma_start3A_244] : memref<80x128xf32, #tpu.memory_space<vmem>> -> memref<80x128xf32, #tpu.memory_space<vmem>>
    %dma_start3A_246 = arith.constant 0 : i32
    %dma_start3A_247 = arith.constant 0 : i32
    %dma_start3A_248 = tpu.memref_slice %arg5[%arg0, %dma_start3A_246, %dma_start3A_247] : memref<2x10112x128xf32, #tpu.memory_space<hbm>> -> memref<1x10112x128xf32, #tpu.memory_space<hbm>>
    %dma_start3A_249 = tpu.memref_squeeze %dma_start3A_248 : memref<1x10112x128xf32, #tpu.memory_space<hbm>> -> memref<10112x128xf32, #tpu.memory_space<hbm>>
    %dma_start3A_250 = arith.constant 0 : i32
    %dma_start3A_251 = tpu.memref_slice %dma_start3A_249[%add3A_242, %dma_start3A_250] : memref<10112x128xf32, #tpu.memory_space<hbm>> -> memref<80x128xf32, #tpu.memory_space<hbm>>
    %dma_start3A_252 = arith.constant 0 : i32
    %dma_start3A_253 = arith.constant 0 : i32
    %dma_start3A_254 = tpu.memref_slice %arg5[%arg0, %dma_start3A_252, %dma_start3A_253] : memref<2x10112x128xf32, #tpu.memory_space<hbm>> -> memref<1x10112x128xf32, #tpu.memory_space<hbm>>
    %dma_start3A_255 = tpu.memref_squeeze %dma_start3A_254 : memref<1x10112x128xf32, #tpu.memory_space<hbm>> -> memref<10112x128xf32, #tpu.memory_space<hbm>>
    %dma_start3A_256 = arith.constant 0 : i32
    %dma_start3A_257 = tpu.memref_slice %dma_start3A_255[%add3A_242, %dma_start3A_256] : memref<10112x128xf32, #tpu.memory_space<hbm>> -> memref<80x128xf32, #tpu.memory_space<hbm>>
    %dma_start3A_258 = arith.constant 0 : i32
    %dma_start3A_259 = arith.constant 0 : i32
    %dma_start3A_260 = tpu.memref_slice %arg8[%dma_start3A_258, %dma_start3A_259] : memref<80x128xf32, #tpu.memory_space<vmem>> -> memref<80x128xf32, #tpu.memory_space<vmem>>
    tpu.enqueue_dma source(%dma_start3A_260 : memref<80x128xf32, #tpu.memory_space<vmem>>) target(%dma_start3A_257 : memref<80x128xf32, #tpu.memory_space<hbm>>) target_semaphore(%arg10 : memref<!tpu.dma_semaphore, #tpu.memory_space<semaphore_mem>>)
    %mul3A_261 = arith.constant 632 : i32
    %mul3A_262 = arith.muli %arg1, %mul3A_261 : i32
    %add3A_263 = arith.constant 80 : i32
    %add3A_264 = arith.addi %mul3A_262, %add3A_263 : i32
    %dma_wait3A_265 = arith.constant 0 : i32
    %dma_wait3A_266 = arith.constant 0 : i32
    %dma_wait3A_267 = tpu.memref_slice %arg9[%dma_wait3A_265, %dma_wait3A_266] : memref<80x128xf32, #tpu.memory_space<vmem>> -> memref<80x128xf32, #tpu.memory_space<vmem>>
    %dma_wait3A_268 = arith.constant 0 : i32
    %dma_wait3A_269 = arith.constant 0 : i32
    %dma_wait3A_270 = tpu.memref_slice %arg5[%arg0, %dma_wait3A_268, %dma_wait3A_269] : memref<2x10112x128xf32, #tpu.memory_space<hbm>> -> memref<1x10112x128xf32, #tpu.memory_space<hbm>>
    %dma_wait3A_271 = tpu.memref_squeeze %dma_wait3A_270 : memref<1x10112x128xf32, #tpu.memory_space<hbm>> -> memref<10112x128xf32, #tpu.memory_space<hbm>>
    %dma_wait3A_272 = arith.constant 0 : i32
    %dma_wait3A_273 = tpu.memref_slice %dma_wait3A_271[%add3A_264, %dma_wait3A_272] : memref<10112x128xf32, #tpu.memory_space<hbm>> -> memref<80x128xf32, #tpu.memory_space<hbm>>
    %dma_wait3A_274 = arith.constant 0 : i32
    %dma_wait3A_275 = arith.constant 0 : i32
    %dma_wait3A_276 = tpu.memref_slice %arg5[%arg0, %dma_wait3A_274, %dma_wait3A_275] : memref<2x10112x128xf32, #tpu.memory_space<hbm>> -> memref<1x10112x128xf32, #tpu.memory_space<hbm>>
    %dma_wait3A_277 = tpu.memref_squeeze %dma_wait3A_276 : memref<1x10112x128xf32, #tpu.memory_space<hbm>> -> memref<10112x128xf32, #tpu.memory_space<hbm>>
    %dma_wait3A_278 = arith.constant 0 : i32
    %dma_wait3A_279 = tpu.memref_slice %dma_wait3A_277[%add3A_264, %dma_wait3A_278] : memref<10112x128xf32, #tpu.memory_space<hbm>> -> memref<80x128xf32, #tpu.memory_space<hbm>>
    %dma_wait3A_280 = arith.constant 0 : i32
    %dma_wait3A_281 = arith.constant 0 : i32
    %dma_wait3A_282 = tpu.memref_slice %arg9[%dma_wait3A_280, %dma_wait3A_281] : memref<80x128xf32, #tpu.memory_space<vmem>> -> memref<80x128xf32, #tpu.memory_space<vmem>>
    tpu.wait_dma2 semaphore(%arg11 : memref<!tpu.dma_semaphore, #tpu.memory_space<semaphore_mem>>) src(%dma_wait3A_282 : memref<80x128xf32, #tpu.memory_space<vmem>>) dst(%dma_wait3A_279 : memref<80x128xf32, #tpu.memory_space<hbm>>)
    %mul3A_283 = arith.constant 632 : i32
    %mul3A_284 = arith.muli %arg1, %mul3A_283 : i32
    %add3A_285 = arith.constant 240 : i32
    %add3A_286 = arith.addi %mul3A_284, %add3A_285 : i32
    "tpu.region"() ({
      %run_scoped3A_545 = tpu.sem_alloc : memref<!tpu.dma_semaphore, #tpu.memory_space<semaphore_mem>>
      %dma_start3A_546 = arith.constant 0 : i32
      %dma_start3A_547 = arith.constant 0 : i32
      %dma_start3A_548 = tpu.memref_slice %arg9[%dma_start3A_546, %dma_start3A_547] : memref<80x128xf32, #tpu.memory_space<vmem>> -> memref<80x128xf32, #tpu.memory_space<vmem>>
      %dma_start3A_549 = arith.constant 0 : i32
      %dma_start3A_550 = tpu.memref_slice %arg12[%add3A_286, %dma_start3A_549] : memref<10112x128xf32, #tpu.memory_space<vmem_shared>> -> memref<80x128xf32, #tpu.memory_space<vmem_shared>>
      %dma_start3A_551 = arith.constant 0 : i32
      %dma_start3A_552 = arith.constant 0 : i32
      %dma_start3A_553 = tpu.memref_slice %arg9[%dma_start3A_551, %dma_start3A_552] : memref<80x128xf32, #tpu.memory_space<vmem>> -> memref<80x128xf32, #tpu.memory_space<vmem>>
      %dma_start3A_554 = arith.constant 0 : i32
      %dma_start3A_555 = tpu.memref_slice %arg12[%add3A_286, %dma_start3A_554] : memref<10112x128xf32, #tpu.memory_space<vmem_shared>> -> memref<80x128xf32, #tpu.memory_space<vmem_shared>>
      tpu.enqueue_dma source(%dma_start3A_555 : memref<80x128xf32, #tpu.memory_space<vmem_shared>>) target(%dma_start3A_553 : memref<80x128xf32, #tpu.memory_space<vmem>>) target_semaphore(%run_scoped3A_545 : memref<!tpu.dma_semaphore, #tpu.memory_space<semaphore_mem>>)
      %dma_wait3A_556 = arith.constant 0 : i32
      %dma_wait3A_557 = arith.constant 0 : i32
      %dma_wait3A_558 = tpu.memref_slice %arg9[%dma_wait3A_556, %dma_wait3A_557] : memref<80x128xf32, #tpu.memory_space<vmem>> -> memref<80x128xf32, #tpu.memory_space<vmem>>
      %dma_wait3A_559 = arith.constant 0 : i32
      %dma_wait3A_560 = tpu.memref_slice %arg12[%add3A_286, %dma_wait3A_559] : memref<10112x128xf32, #tpu.memory_space<vmem_shared>> -> memref<80x128xf32, #tpu.memory_space<vmem_shared>>
      %dma_wait3A_561 = arith.constant 0 : i32
      %dma_wait3A_562 = arith.constant 0 : i32
      %dma_wait3A_563 = tpu.memref_slice %arg9[%dma_wait3A_561, %dma_wait3A_562] : memref<80x128xf32, #tpu.memory_space<vmem>> -> memref<80x128xf32, #tpu.memory_space<vmem>>
      %dma_wait3A_564 = arith.constant 0 : i32
      %dma_wait3A_565 = tpu.memref_slice %arg12[%add3A_286, %dma_wait3A_564] : memref<10112x128xf32, #tpu.memory_space<vmem_shared>> -> memref<80x128xf32, #tpu.memory_space<vmem_shared>>
      tpu.wait_dma2 semaphore(%run_scoped3A_545 : memref<!tpu.dma_semaphore, #tpu.memory_space<semaphore_mem>>) src(%dma_wait3A_565 : memref<80x128xf32, #tpu.memory_space<vmem_shared>>) dst(%dma_wait3A_563 : memref<80x128xf32, #tpu.memory_space<vmem>>)
      tpu.yield
    }) : () -> ()
    %mul3A_287 = arith.constant 632 : i32
    %mul3A_288 = arith.muli %arg1, %mul3A_287 : i32
    %add3A_289 = arith.constant 240 : i32
    %add3A_290 = arith.addi %mul3A_288, %add3A_289 : i32
    %dma_start3A_291 = arith.constant 0 : i32
    %dma_start3A_292 = arith.constant 0 : i32
    %dma_start3A_293 = tpu.memref_slice %arg9[%dma_start3A_291, %dma_start3A_292] : memref<80x128xf32, #tpu.memory_space<vmem>> -> memref<80x128xf32, #tpu.memory_space<vmem>>
    %dma_start3A_294 = arith.constant 0 : i32
    %dma_start3A_295 = arith.constant 0 : i32
    %dma_start3A_296 = tpu.memref_slice %arg5[%arg0, %dma_start3A_294, %dma_start3A_295] : memref<2x10112x128xf32, #tpu.memory_space<hbm>> -> memref<1x10112x128xf32, #tpu.memory_space<hbm>>
    %dma_start3A_297 = tpu.memref_squeeze %dma_start3A_296 : memref<1x10112x128xf32, #tpu.memory_space<hbm>> -> memref<10112x128xf32, #tpu.memory_space<hbm>>
    %dma_start3A_298 = arith.constant 0 : i32
    %dma_start3A_299 = tpu.memref_slice %dma_start3A_297[%add3A_290, %dma_start3A_298] : memref<10112x128xf32, #tpu.memory_space<hbm>> -> memref<80x128xf32, #tpu.memory_space<hbm>>
    %dma_start3A_300 = arith.constant 0 : i32
    %dma_start3A_301 = arith.constant 0 : i32
    %dma_start3A_302 = tpu.memref_slice %arg5[%arg0, %dma_start3A_300, %dma_start3A_301] : memref<2x10112x128xf32, #tpu.memory_space<hbm>> -> memref<1x10112x128xf32, #tpu.memory_space<hbm>>
    %dma_start3A_303 = tpu.memref_squeeze %dma_start3A_302 : memref<1x10112x128xf32, #tpu.memory_space<hbm>> -> memref<10112x128xf32, #tpu.memory_space<hbm>>
    %dma_start3A_304 = arith.constant 0 : i32
    %dma_start3A_305 = tpu.memref_slice %dma_start3A_303[%add3A_290, %dma_start3A_304] : memref<10112x128xf32, #tpu.memory_space<hbm>> -> memref<80x128xf32, #tpu.memory_space<hbm>>
    %dma_start3A_306 = arith.constant 0 : i32
    %dma_start3A_307 = arith.constant 0 : i32
    %dma_start3A_308 = tpu.memref_slice %arg9[%dma_start3A_306, %dma_start3A_307] : memref<80x128xf32, #tpu.memory_space<vmem>> -> memref<80x128xf32, #tpu.memory_space<vmem>>
    tpu.enqueue_dma source(%dma_start3A_308 : memref<80x128xf32, #tpu.memory_space<vmem>>) target(%dma_start3A_305 : memref<80x128xf32, #tpu.memory_space<hbm>>) target_semaphore(%arg11 : memref<!tpu.dma_semaphore, #tpu.memory_space<semaphore_mem>>)
    %mul3A_309 = arith.constant 632 : i32
    %mul3A_310 = arith.muli %arg1, %mul3A_309 : i32
    %add3A_311 = arith.constant 160 : i32
    %add3A_312 = arith.addi %mul3A_310, %add3A_311 : i32
    %dma_wait3A_313 = arith.constant 0 : i32
    %dma_wait3A_314 = arith.constant 0 : i32
    %dma_wait3A_315 = tpu.memref_slice %arg8[%dma_wait3A_313, %dma_wait3A_314] : memref<80x128xf32, #tpu.memory_space<vmem>> -> memref<80x128xf32, #tpu.memory_space<vmem>>
    %dma_wait3A_316 = arith.constant 0 : i32
    %dma_wait3A_317 = arith.constant 0 : i32
    %dma_wait3A_318 = tpu.memref_slice %arg5[%arg0, %dma_wait3A_316, %dma_wait3A_317] : memref<2x10112x128xf32, #tpu.memory_space<hbm>> -> memref<1x10112x128xf32, #tpu.memory_space<hbm>>
    %dma_wait3A_319 = tpu.memref_squeeze %dma_wait3A_318 : memref<1x10112x128xf32, #tpu.memory_space<hbm>> -> memref<10112x128xf32, #tpu.memory_space<hbm>>
    %dma_wait3A_320 = arith.constant 0 : i32
    %dma_wait3A_321 = tpu.memref_slice %dma_wait3A_319[%add3A_312, %dma_wait3A_320] : memref<10112x128xf32, #tpu.memory_space<hbm>> -> memref<80x128xf32, #tpu.memory_space<hbm>>
    %dma_wait3A_322 = arith.constant 0 : i32
    %dma_wait3A_323 = arith.constant 0 : i32
    %dma_wait3A_324 = tpu.memref_slice %arg5[%arg0, %dma_wait3A_322, %dma_wait3A_323] : memref<2x10112x128xf32, #tpu.memory_space<hbm>> -> memref<1x10112x128xf32, #tpu.memory_space<hbm>>
    %dma_wait3A_325 = tpu.memref_squeeze %dma_wait3A_324 : memref<1x10112x128xf32, #tpu.memory_space<hbm>> -> memref<10112x128xf32, #tpu.memory_space<hbm>>
    %dma_wait3A_326 = arith.constant 0 : i32
    %dma_wait3A_327 = tpu.memref_slice %dma_wait3A_325[%add3A_312, %dma_wait3A_326] : memref<10112x128xf32, #tpu.memory_space<hbm>> -> memref<80x128xf32, #tpu.memory_space<hbm>>
    %dma_wait3A_328 = arith.constant 0 : i32
    %dma_wait3A_329 = arith.constant 0 : i32
    %dma_wait3A_330 = tpu.memref_slice %arg8[%dma_wait3A_328, %dma_wait3A_329] : memref<80x128xf32, #tpu.memory_space<vmem>> -> memref<80x128xf32, #tpu.memory_space<vmem>>
    tpu.wait_dma2 semaphore(%arg10 : memref<!tpu.dma_semaphore, #tpu.memory_space<semaphore_mem>>) src(%dma_wait3A_330 : memref<80x128xf32, #tpu.memory_space<vmem>>) dst(%dma_wait3A_327 : memref<80x128xf32, #tpu.memory_space<hbm>>)
    %mul3A_331 = arith.constant 632 : i32
    %mul3A_332 = arith.muli %arg1, %mul3A_331 : i32
    %add3A_333 = arith.constant 320 : i32
    %add3A_334 = arith.addi %mul3A_332, %add3A_333 : i32
    "tpu.region"() ({
      %run_scoped3A_545 = tpu.sem_alloc : memref<!tpu.dma_semaphore, #tpu.memory_space<semaphore_mem>>
      %dma_start3A_546 = arith.constant 0 : i32
      %dma_start3A_547 = arith.constant 0 : i32
      %dma_start3A_548 = tpu.memref_slice %arg8[%dma_start3A_546, %dma_start3A_547] : memref<80x128xf32, #tpu.memory_space<vmem>> -> memref<80x128xf32, #tpu.memory_space<vmem>>
      %dma_start3A_549 = arith.constant 0 : i32
      %dma_start3A_550 = tpu.memref_slice %arg12[%add3A_334, %dma_start3A_549] : memref<10112x128xf32, #tpu.memory_space<vmem_shared>> -> memref<80x128xf32, #tpu.memory_space<vmem_shared>>
      %dma_start3A_551 = arith.constant 0 : i32
      %dma_start3A_552 = arith.constant 0 : i32
      %dma_start3A_553 = tpu.memref_slice %arg8[%dma_start3A_551, %dma_start3A_552] : memref<80x128xf32, #tpu.memory_space<vmem>> -> memref<80x128xf32, #tpu.memory_space<vmem>>
      %dma_start3A_554 = arith.constant 0 : i32
      %dma_start3A_555 = tpu.memref_slice %arg12[%add3A_334, %dma_start3A_554] : memref<10112x128xf32, #tpu.memory_space<vmem_shared>> -> memref<80x128xf32, #tpu.memory_space<vmem_shared>>
      tpu.enqueue_dma source(%dma_start3A_555 : memref<80x128xf32, #tpu.memory_space<vmem_shared>>) target(%dma_start3A_553 : memref<80x128xf32, #tpu.memory_space<vmem>>) target_semaphore(%run_scoped3A_545 : memref<!tpu.dma_semaphore, #tpu.memory_space<semaphore_mem>>)
      %dma_wait3A_556 = arith.constant 0 : i32
      %dma_wait3A_557 = arith.constant 0 : i32
      %dma_wait3A_558 = tpu.memref_slice %arg8[%dma_wait3A_556, %dma_wait3A_557] : memref<80x128xf32, #tpu.memory_space<vmem>> -> memref<80x128xf32, #tpu.memory_space<vmem>>
      %dma_wait3A_559 = arith.constant 0 : i32
      %dma_wait3A_560 = tpu.memref_slice %arg12[%add3A_334, %dma_wait3A_559] : memref<10112x128xf32, #tpu.memory_space<vmem_shared>> -> memref<80x128xf32, #tpu.memory_space<vmem_shared>>
      %dma_wait3A_561 = arith.constant 0 : i32
      %dma_wait3A_562 = arith.constant 0 : i32
      %dma_wait3A_563 = tpu.memref_slice %arg8[%dma_wait3A_561, %dma_wait3A_562] : memref<80x128xf32, #tpu.memory_space<vmem>> -> memref<80x128xf32, #tpu.memory_space<vmem>>
      %dma_wait3A_564 = arith.constant 0 : i32
      %dma_wait3A_565 = tpu.memref_slice %arg12[%add3A_334, %dma_wait3A_564] : memref<10112x128xf32, #tpu.memory_space<vmem_shared>> -> memref<80x128xf32, #tpu.memory_space<vmem_shared>>
      tpu.wait_dma2 semaphore(%run_scoped3A_545 : memref<!tpu.dma_semaphore, #tpu.memory_space<semaphore_mem>>) src(%dma_wait3A_565 : memref<80x128xf32, #tpu.memory_space<vmem_shared>>) dst(%dma_wait3A_563 : memref<80x128xf32, #tpu.memory_space<vmem>>)
      tpu.yield
    }) : () -> ()
    %mul3A_335 = arith.constant 632 : i32
    %mul3A_336 = arith.muli %arg1, %mul3A_335 : i32
    %add3A_337 = arith.constant 320 : i32
    %add3A_338 = arith.addi %mul3A_336, %add3A_337 : i32
    %dma_start3A_339 = arith.constant 0 : i32
    %dma_start3A_340 = arith.constant 0 : i32
    %dma_start3A_341 = tpu.memref_slice %arg8[%dma_start3A_339, %dma_start3A_340] : memref<80x128xf32, #tpu.memory_space<vmem>> -> memref<80x128xf32, #tpu.memory_space<vmem>>
    %dma_start3A_342 = arith.constant 0 : i32
    %dma_start3A_343 = arith.constant 0 : i32
    %dma_start3A_344 = tpu.memref_slice %arg5[%arg0, %dma_start3A_342, %dma_start3A_343] : memref<2x10112x128xf32, #tpu.memory_space<hbm>> -> memref<1x10112x128xf32, #tpu.memory_space<hbm>>
    %dma_start3A_345 = tpu.memref_squeeze %dma_start3A_344 : memref<1x10112x128xf32, #tpu.memory_space<hbm>> -> memref<10112x128xf32, #tpu.memory_space<hbm>>
    %dma_start3A_346 = arith.constant 0 : i32
    %dma_start3A_347 = tpu.memref_slice %dma_start3A_345[%add3A_338, %dma_start3A_346] : memref<10112x128xf32, #tpu.memory_space<hbm>> -> memref<80x128xf32, #tpu.memory_space<hbm>>
    %dma_start3A_348 = arith.constant 0 : i32
    %dma_start3A_349 = arith.constant 0 : i32
    %dma_start3A_350 = tpu.memref_slice %arg5[%arg0, %dma_start3A_348, %dma_start3A_349] : memref<2x10112x128xf32, #tpu.memory_space<hbm>> -> memref<1x10112x128xf32, #tpu.memory_space<hbm>>
    %dma_start3A_351 = tpu.memref_squeeze %dma_start3A_350 : memref<1x10112x128xf32, #tpu.memory_space<hbm>> -> memref<10112x128xf32, #tpu.memory_space<hbm>>
    %dma_start3A_352 = arith.constant 0 : i32
    %dma_start3A_353 = tpu.memref_slice %dma_start3A_351[%add3A_338, %dma_start3A_352] : memref<10112x128xf32, #tpu.memory_space<hbm>> -> memref<80x128xf32, #tpu.memory_space<hbm>>
    %dma_start3A_354 = arith.constant 0 : i32
    %dma_start3A_355 = arith.constant 0 : i32
    %dma_start3A_356 = tpu.memref_slice %arg8[%dma_start3A_354, %dma_start3A_355] : memref<80x128xf32, #tpu.memory_space<vmem>> -> memref<80x128xf32, #tpu.memory_space<vmem>>
    tpu.enqueue_dma source(%dma_start3A_356 : memref<80x128xf32, #tpu.memory_space<vmem>>) target(%dma_start3A_353 : memref<80x128xf32, #tpu.memory_space<hbm>>) target_semaphore(%arg10 : memref<!tpu.dma_semaphore, #tpu.memory_space<semaphore_mem>>)
    %mul3A_357 = arith.constant 632 : i32
    %mul3A_358 = arith.muli %arg1, %mul3A_357 : i32
    %add3A_359 = arith.constant 240 : i32
    %add3A_360 = arith.addi %mul3A_358, %add3A_359 : i32
    %dma_wait3A_361 = arith.constant 0 : i32
    %dma_wait3A_362 = arith.constant 0 : i32
    %dma_wait3A_363 = tpu.memref_slice %arg9[%dma_wait3A_361, %dma_wait3A_362] : memref<80x128xf32, #tpu.memory_space<vmem>> -> memref<80x128xf32, #tpu.memory_space<vmem>>
    %dma_wait3A_364 = arith.constant 0 : i32
    %dma_wait3A_365 = arith.constant 0 : i32
    %dma_wait3A_366 = tpu.memref_slice %arg5[%arg0, %dma_wait3A_364, %dma_wait3A_365] : memref<2x10112x128xf32, #tpu.memory_space<hbm>> -> memref<1x10112x128xf32, #tpu.memory_space<hbm>>
    %dma_wait3A_367 = tpu.memref_squeeze %dma_wait3A_366 : memref<1x10112x128xf32, #tpu.memory_space<hbm>> -> memref<10112x128xf32, #tpu.memory_space<hbm>>
    %dma_wait3A_368 = arith.constant 0 : i32
    %dma_wait3A_369 = tpu.memref_slice %dma_wait3A_367[%add3A_360, %dma_wait3A_368] : memref<10112x128xf32, #tpu.memory_space<hbm>> -> memref<80x128xf32, #tpu.memory_space<hbm>>
    %dma_wait3A_370 = arith.constant 0 : i32
    %dma_wait3A_371 = arith.constant 0 : i32
    %dma_wait3A_372 = tpu.memref_slice %arg5[%arg0, %dma_wait3A_370, %dma_wait3A_371] : memref<2x10112x128xf32, #tpu.memory_space<hbm>> -> memref<1x10112x128xf32, #tpu.memory_space<hbm>>
    %dma_wait3A_373 = tpu.memref_squeeze %dma_wait3A_372 : memref<1x10112x128xf32, #tpu.memory_space<hbm>> -> memref<10112x128xf32, #tpu.memory_space<hbm>>
    %dma_wait3A_374 = arith.constant 0 : i32
    %dma_wait3A_375 = tpu.memref_slice %dma_wait3A_373[%add3A_360, %dma_wait3A_374] : memref<10112x128xf32, #tpu.memory_space<hbm>> -> memref<80x128xf32, #tpu.memory_space<hbm>>
    %dma_wait3A_376 = arith.constant 0 : i32
    %dma_wait3A_377 = arith.constant 0 : i32
    %dma_wait3A_378 = tpu.memref_slice %arg9[%dma_wait3A_376, %dma_wait3A_377] : memref<80x128xf32, #tpu.memory_space<vmem>> -> memref<80x128xf32, #tpu.memory_space<vmem>>
    tpu.wait_dma2 semaphore(%arg11 : memref<!tpu.dma_semaphore, #tpu.memory_space<semaphore_mem>>) src(%dma_wait3A_378 : memref<80x128xf32, #tpu.memory_space<vmem>>) dst(%dma_wait3A_375 : memref<80x128xf32, #tpu.memory_space<hbm>>)
    %mul3A_379 = arith.constant 632 : i32
    %mul3A_380 = arith.muli %arg1, %mul3A_379 : i32
    %add3A_381 = arith.constant 400 : i32
    %add3A_382 = arith.addi %mul3A_380, %add3A_381 : i32
    "tpu.region"() ({
      %run_scoped3A_545 = tpu.sem_alloc : memref<!tpu.dma_semaphore, #tpu.memory_space<semaphore_mem>>
      %dma_start3A_546 = arith.constant 0 : i32
      %dma_start3A_547 = arith.constant 0 : i32
      %dma_start3A_548 = tpu.memref_slice %arg9[%dma_start3A_546, %dma_start3A_547] : memref<80x128xf32, #tpu.memory_space<vmem>> -> memref<80x128xf32, #tpu.memory_space<vmem>>
      %dma_start3A_549 = arith.constant 0 : i32
      %dma_start3A_550 = tpu.memref_slice %arg12[%add3A_382, %dma_start3A_549] : memref<10112x128xf32, #tpu.memory_space<vmem_shared>> -> memref<80x128xf32, #tpu.memory_space<vmem_shared>>
      %dma_start3A_551 = arith.constant 0 : i32
      %dma_start3A_552 = arith.constant 0 : i32
      %dma_start3A_553 = tpu.memref_slice %arg9[%dma_start3A_551, %dma_start3A_552] : memref<80x128xf32, #tpu.memory_space<vmem>> -> memref<80x128xf32, #tpu.memory_space<vmem>>
      %dma_start3A_554 = arith.constant 0 : i32
      %dma_start3A_555 = tpu.memref_slice %arg12[%add3A_382, %dma_start3A_554] : memref<10112x128xf32, #tpu.memory_space<vmem_shared>> -> memref<80x128xf32, #tpu.memory_space<vmem_shared>>
      tpu.enqueue_dma source(%dma_start3A_555 : memref<80x128xf32, #tpu.memory_space<vmem_shared>>) target(%dma_start3A_553 : memref<80x128xf32, #tpu.memory_space<vmem>>) target_semaphore(%run_scoped3A_545 : memref<!tpu.dma_semaphore, #tpu.memory_space<semaphore_mem>>)
      %dma_wait3A_556 = arith.constant 0 : i32
      %dma_wait3A_557 = arith.constant 0 : i32
      %dma_wait3A_558 = tpu.memref_slice %arg9[%dma_wait3A_556, %dma_wait3A_557] : memref<80x128xf32, #tpu.memory_space<vmem>> -> memref<80x128xf32, #tpu.memory_space<vmem>>
      %dma_wait3A_559 = arith.constant 0 : i32
      %dma_wait3A_560 = tpu.memref_slice %arg12[%add3A_382, %dma_wait3A_559] : memref<10112x128xf32, #tpu.memory_space<vmem_shared>> -> memref<80x128xf32, #tpu.memory_space<vmem_shared>>
      %dma_wait3A_561 = arith.constant 0 : i32
      %dma_wait3A_562 = arith.constant 0 : i32
      %dma_wait3A_563 = tpu.memref_slice %arg9[%dma_wait3A_561, %dma_wait3A_562] : memref<80x128xf32, #tpu.memory_space<vmem>> -> memref<80x128xf32, #tpu.memory_space<vmem>>
      %dma_wait3A_564 = arith.constant 0 : i32
      %dma_wait3A_565 = tpu.memref_slice %arg12[%add3A_382, %dma_wait3A_564] : memref<10112x128xf32, #tpu.memory_space<vmem_shared>> -> memref<80x128xf32, #tpu.memory_space<vmem_shared>>
      tpu.wait_dma2 semaphore(%run_scoped3A_545 : memref<!tpu.dma_semaphore, #tpu.memory_space<semaphore_mem>>) src(%dma_wait3A_565 : memref<80x128xf32, #tpu.memory_space<vmem_shared>>) dst(%dma_wait3A_563 : memref<80x128xf32, #tpu.memory_space<vmem>>)
      tpu.yield
    }) : () -> ()
    %mul3A_383 = arith.constant 632 : i32
    %mul3A_384 = arith.muli %arg1, %mul3A_383 : i32
    %add3A_385 = arith.constant 400 : i32
    %add3A_386 = arith.addi %mul3A_384, %add3A_385 : i32
    %dma_start3A_387 = arith.constant 0 : i32
    %dma_start3A_388 = arith.constant 0 : i32
    %dma_start3A_389 = tpu.memref_slice %arg9[%dma_start3A_387, %dma_start3A_388] : memref<80x128xf32, #tpu.memory_space<vmem>> -> memref<80x128xf32, #tpu.memory_space<vmem>>
    %dma_start3A_390 = arith.constant 0 : i32
    %dma_start3A_391 = arith.constant 0 : i32
    %dma_start3A_392 = tpu.memref_slice %arg5[%arg0, %dma_start3A_390, %dma_start3A_391] : memref<2x10112x128xf32, #tpu.memory_space<hbm>> -> memref<1x10112x128xf32, #tpu.memory_space<hbm>>
    %dma_start3A_393 = tpu.memref_squeeze %dma_start3A_392 : memref<1x10112x128xf32, #tpu.memory_space<hbm>> -> memref<10112x128xf32, #tpu.memory_space<hbm>>
    %dma_start3A_394 = arith.constant 0 : i32
    %dma_start3A_395 = tpu.memref_slice %dma_start3A_393[%add3A_386, %dma_start3A_394] : memref<10112x128xf32, #tpu.memory_space<hbm>> -> memref<80x128xf32, #tpu.memory_space<hbm>>
    %dma_start3A_396 = arith.constant 0 : i32
    %dma_start3A_397 = arith.constant 0 : i32
    %dma_start3A_398 = tpu.memref_slice %arg5[%arg0, %dma_start3A_396, %dma_start3A_397] : memref<2x10112x128xf32, #tpu.memory_space<hbm>> -> memref<1x10112x128xf32, #tpu.memory_space<hbm>>
    %dma_start3A_399 = tpu.memref_squeeze %dma_start3A_398 : memref<1x10112x128xf32, #tpu.memory_space<hbm>> -> memref<10112x128xf32, #tpu.memory_space<hbm>>
    %dma_start3A_400 = arith.constant 0 : i32
    %dma_start3A_401 = tpu.memref_slice %dma_start3A_399[%add3A_386, %dma_start3A_400] : memref<10112x128xf32, #tpu.memory_space<hbm>> -> memref<80x128xf32, #tpu.memory_space<hbm>>
    %dma_start3A_402 = arith.constant 0 : i32
    %dma_start3A_403 = arith.constant 0 : i32
    %dma_start3A_404 = tpu.memref_slice %arg9[%dma_start3A_402, %dma_start3A_403] : memref<80x128xf32, #tpu.memory_space<vmem>> -> memref<80x128xf32, #tpu.memory_space<vmem>>
    tpu.enqueue_dma source(%dma_start3A_404 : memref<80x128xf32, #tpu.memory_space<vmem>>) target(%dma_start3A_401 : memref<80x128xf32, #tpu.memory_space<hbm>>) target_semaphore(%arg11 : memref<!tpu.dma_semaphore, #tpu.memory_space<semaphore_mem>>)
    %mul3A_405 = arith.constant 632 : i32
    %mul3A_406 = arith.muli %arg1, %mul3A_405 : i32
    %add3A_407 = arith.constant 320 : i32
    %add3A_408 = arith.addi %mul3A_406, %add3A_407 : i32
    %dma_wait3A_409 = arith.constant 0 : i32
    %dma_wait3A_410 = arith.constant 0 : i32
    %dma_wait3A_411 = tpu.memref_slice %arg8[%dma_wait3A_409, %dma_wait3A_410] : memref<80x128xf32, #tpu.memory_space<vmem>> -> memref<80x128xf32, #tpu.memory_space<vmem>>
    %dma_wait3A_412 = arith.constant 0 : i32
    %dma_wait3A_413 = arith.constant 0 : i32
    %dma_wait3A_414 = tpu.memref_slice %arg5[%arg0, %dma_wait3A_412, %dma_wait3A_413] : memref<2x10112x128xf32, #tpu.memory_space<hbm>> -> memref<1x10112x128xf32, #tpu.memory_space<hbm>>
    %dma_wait3A_415 = tpu.memref_squeeze %dma_wait3A_414 : memref<1x10112x128xf32, #tpu.memory_space<hbm>> -> memref<10112x128xf32, #tpu.memory_space<hbm>>
    %dma_wait3A_416 = arith.constant 0 : i32
    %dma_wait3A_417 = tpu.memref_slice %dma_wait3A_415[%add3A_408, %dma_wait3A_416] : memref<10112x128xf32, #tpu.memory_space<hbm>> -> memref<80x128xf32, #tpu.memory_space<hbm>>
    %dma_wait3A_418 = arith.constant 0 : i32
    %dma_wait3A_419 = arith.constant 0 : i32
    %dma_wait3A_420 = tpu.memref_slice %arg5[%arg0, %dma_wait3A_418, %dma_wait3A_419] : memref<2x10112x128xf32, #tpu.memory_space<hbm>> -> memref<1x10112x128xf32, #tpu.memory_space<hbm>>
    %dma_wait3A_421 = tpu.memref_squeeze %dma_wait3A_420 : memref<1x10112x128xf32, #tpu.memory_space<hbm>> -> memref<10112x128xf32, #tpu.memory_space<hbm>>
    %dma_wait3A_422 = arith.constant 0 : i32
    %dma_wait3A_423 = tpu.memref_slice %dma_wait3A_421[%add3A_408, %dma_wait3A_422] : memref<10112x128xf32, #tpu.memory_space<hbm>> -> memref<80x128xf32, #tpu.memory_space<hbm>>
    %dma_wait3A_424 = arith.constant 0 : i32
    %dma_wait3A_425 = arith.constant 0 : i32
    %dma_wait3A_426 = tpu.memref_slice %arg8[%dma_wait3A_424, %dma_wait3A_425] : memref<80x128xf32, #tpu.memory_space<vmem>> -> memref<80x128xf32, #tpu.memory_space<vmem>>
    tpu.wait_dma2 semaphore(%arg10 : memref<!tpu.dma_semaphore, #tpu.memory_space<semaphore_mem>>) src(%dma_wait3A_426 : memref<80x128xf32, #tpu.memory_space<vmem>>) dst(%dma_wait3A_423 : memref<80x128xf32, #tpu.memory_space<hbm>>)
    %mul3A_427 = arith.constant 632 : i32
    %mul3A_428 = arith.muli %arg1, %mul3A_427 : i32
    %add3A_429 = arith.constant 480 : i32
    %add3A_430 = arith.addi %mul3A_428, %add3A_429 : i32
    "tpu.region"() ({
      %run_scoped3A_545 = tpu.sem_alloc : memref<!tpu.dma_semaphore, #tpu.memory_space<semaphore_mem>>
      %dma_start3A_546 = arith.constant 0 : i32
      %dma_start3A_547 = arith.constant 0 : i32
      %dma_start3A_548 = tpu.memref_slice %arg8[%dma_start3A_546, %dma_start3A_547] : memref<80x128xf32, #tpu.memory_space<vmem>> -> memref<80x128xf32, #tpu.memory_space<vmem>>
      %dma_start3A_549 = arith.constant 0 : i32
      %dma_start3A_550 = tpu.memref_slice %arg12[%add3A_430, %dma_start3A_549] : memref<10112x128xf32, #tpu.memory_space<vmem_shared>> -> memref<80x128xf32, #tpu.memory_space<vmem_shared>>
      %dma_start3A_551 = arith.constant 0 : i32
      %dma_start3A_552 = arith.constant 0 : i32
      %dma_start3A_553 = tpu.memref_slice %arg8[%dma_start3A_551, %dma_start3A_552] : memref<80x128xf32, #tpu.memory_space<vmem>> -> memref<80x128xf32, #tpu.memory_space<vmem>>
      %dma_start3A_554 = arith.constant 0 : i32
      %dma_start3A_555 = tpu.memref_slice %arg12[%add3A_430, %dma_start3A_554] : memref<10112x128xf32, #tpu.memory_space<vmem_shared>> -> memref<80x128xf32, #tpu.memory_space<vmem_shared>>
      tpu.enqueue_dma source(%dma_start3A_555 : memref<80x128xf32, #tpu.memory_space<vmem_shared>>) target(%dma_start3A_553 : memref<80x128xf32, #tpu.memory_space<vmem>>) target_semaphore(%run_scoped3A_545 : memref<!tpu.dma_semaphore, #tpu.memory_space<semaphore_mem>>)
      %dma_wait3A_556 = arith.constant 0 : i32
      %dma_wait3A_557 = arith.constant 0 : i32
      %dma_wait3A_558 = tpu.memref_slice %arg8[%dma_wait3A_556, %dma_wait3A_557] : memref<80x128xf32, #tpu.memory_space<vmem>> -> memref<80x128xf32, #tpu.memory_space<vmem>>
      %dma_wait3A_559 = arith.constant 0 : i32
      %dma_wait3A_560 = tpu.memref_slice %arg12[%add3A_430, %dma_wait3A_559] : memref<10112x128xf32, #tpu.memory_space<vmem_shared>> -> memref<80x128xf32, #tpu.memory_space<vmem_shared>>
      %dma_wait3A_561 = arith.constant 0 : i32
      %dma_wait3A_562 = arith.constant 0 : i32
      %dma_wait3A_563 = tpu.memref_slice %arg8[%dma_wait3A_561, %dma_wait3A_562] : memref<80x128xf32, #tpu.memory_space<vmem>> -> memref<80x128xf32, #tpu.memory_space<vmem>>
      %dma_wait3A_564 = arith.constant 0 : i32
      %dma_wait3A_565 = tpu.memref_slice %arg12[%add3A_430, %dma_wait3A_564] : memref<10112x128xf32, #tpu.memory_space<vmem_shared>> -> memref<80x128xf32, #tpu.memory_space<vmem_shared>>
      tpu.wait_dma2 semaphore(%run_scoped3A_545 : memref<!tpu.dma_semaphore, #tpu.memory_space<semaphore_mem>>) src(%dma_wait3A_565 : memref<80x128xf32, #tpu.memory_space<vmem_shared>>) dst(%dma_wait3A_563 : memref<80x128xf32, #tpu.memory_space<vmem>>)
      tpu.yield
    }) : () -> ()
    %mul3A_431 = arith.constant 632 : i32
    %mul3A_432 = arith.muli %arg1, %mul3A_431 : i32
    %add3A_433 = arith.constant 480 : i32
    %add3A_434 = arith.addi %mul3A_432, %add3A_433 : i32
    %dma_start3A_435 = arith.constant 0 : i32
    %dma_start3A_436 = arith.constant 0 : i32
    %dma_start3A_437 = tpu.memref_slice %arg8[%dma_start3A_435, %dma_start3A_436] : memref<80x128xf32, #tpu.memory_space<vmem>> -> memref<80x128xf32, #tpu.memory_space<vmem>>
    %dma_start3A_438 = arith.constant 0 : i32
    %dma_start3A_439 = arith.constant 0 : i32
    %dma_start3A_440 = tpu.memref_slice %arg5[%arg0, %dma_start3A_438, %dma_start3A_439] : memref<2x10112x128xf32, #tpu.memory_space<hbm>> -> memref<1x10112x128xf32, #tpu.memory_space<hbm>>
    %dma_start3A_441 = tpu.memref_squeeze %dma_start3A_440 : memref<1x10112x128xf32, #tpu.memory_space<hbm>> -> memref<10112x128xf32, #tpu.memory_space<hbm>>
    %dma_start3A_442 = arith.constant 0 : i32
    %dma_start3A_443 = tpu.memref_slice %dma_start3A_441[%add3A_434, %dma_start3A_442] : memref<10112x128xf32, #tpu.memory_space<hbm>> -> memref<80x128xf32, #tpu.memory_space<hbm>>
    %dma_start3A_444 = arith.constant 0 : i32
    %dma_start3A_445 = arith.constant 0 : i32
    %dma_start3A_446 = tpu.memref_slice %arg5[%arg0, %dma_start3A_444, %dma_start3A_445] : memref<2x10112x128xf32, #tpu.memory_space<hbm>> -> memref<1x10112x128xf32, #tpu.memory_space<hbm>>
    %dma_start3A_447 = tpu.memref_squeeze %dma_start3A_446 : memref<1x10112x128xf32, #tpu.memory_space<hbm>> -> memref<10112x128xf32, #tpu.memory_space<hbm>>
    %dma_start3A_448 = arith.constant 0 : i32
    %dma_start3A_449 = tpu.memref_slice %dma_start3A_447[%add3A_434, %dma_start3A_448] : memref<10112x128xf32, #tpu.memory_space<hbm>> -> memref<80x128xf32, #tpu.memory_space<hbm>>
    %dma_start3A_450 = arith.constant 0 : i32
    %dma_start3A_451 = arith.constant 0 : i32
    %dma_start3A_452 = tpu.memref_slice %arg8[%dma_start3A_450, %dma_start3A_451] : memref<80x128xf32, #tpu.memory_space<vmem>> -> memref<80x128xf32, #tpu.memory_space<vmem>>
    tpu.enqueue_dma source(%dma_start3A_452 : memref<80x128xf32, #tpu.memory_space<vmem>>) target(%dma_start3A_449 : memref<80x128xf32, #tpu.memory_space<hbm>>) target_semaphore(%arg10 : memref<!tpu.dma_semaphore, #tpu.memory_space<semaphore_mem>>)
    %mul3A_453 = arith.constant 632 : i32
    %mul3A_454 = arith.muli %arg1, %mul3A_453 : i32
    %add3A_455 = arith.constant 400 : i32
    %add3A_456 = arith.addi %mul3A_454, %add3A_455 : i32
    %dma_wait3A_457 = arith.constant 0 : i32
    %dma_wait3A_458 = arith.constant 0 : i32
    %dma_wait3A_459 = tpu.memref_slice %arg9[%dma_wait3A_457, %dma_wait3A_458] : memref<80x128xf32, #tpu.memory_space<vmem>> -> memref<80x128xf32, #tpu.memory_space<vmem>>
    %dma_wait3A_460 = arith.constant 0 : i32
    %dma_wait3A_461 = arith.constant 0 : i32
    %dma_wait3A_462 = tpu.memref_slice %arg5[%arg0, %dma_wait3A_460, %dma_wait3A_461] : memref<2x10112x128xf32, #tpu.memory_space<hbm>> -> memref<1x10112x128xf32, #tpu.memory_space<hbm>>
    %dma_wait3A_463 = tpu.memref_squeeze %dma_wait3A_462 : memref<1x10112x128xf32, #tpu.memory_space<hbm>> -> memref<10112x128xf32, #tpu.memory_space<hbm>>
    %dma_wait3A_464 = arith.constant 0 : i32
    %dma_wait3A_465 = tpu.memref_slice %dma_wait3A_463[%add3A_456, %dma_wait3A_464] : memref<10112x128xf32, #tpu.memory_space<hbm>> -> memref<80x128xf32, #tpu.memory_space<hbm>>
    %dma_wait3A_466 = arith.constant 0 : i32
    %dma_wait3A_467 = arith.constant 0 : i32
    %dma_wait3A_468 = tpu.memref_slice %arg5[%arg0, %dma_wait3A_466, %dma_wait3A_467] : memref<2x10112x128xf32, #tpu.memory_space<hbm>> -> memref<1x10112x128xf32, #tpu.memory_space<hbm>>
    %dma_wait3A_469 = tpu.memref_squeeze %dma_wait3A_468 : memref<1x10112x128xf32, #tpu.memory_space<hbm>> -> memref<10112x128xf32, #tpu.memory_space<hbm>>
    %dma_wait3A_470 = arith.constant 0 : i32
    %dma_wait3A_471 = tpu.memref_slice %dma_wait3A_469[%add3A_456, %dma_wait3A_470] : memref<10112x128xf32, #tpu.memory_space<hbm>> -> memref<80x128xf32, #tpu.memory_space<hbm>>
    %dma_wait3A_472 = arith.constant 0 : i32
    %dma_wait3A_473 = arith.constant 0 : i32
    %dma_wait3A_474 = tpu.memref_slice %arg9[%dma_wait3A_472, %dma_wait3A_473] : memref<80x128xf32, #tpu.memory_space<vmem>> -> memref<80x128xf32, #tpu.memory_space<vmem>>
    tpu.wait_dma2 semaphore(%arg11 : memref<!tpu.dma_semaphore, #tpu.memory_space<semaphore_mem>>) src(%dma_wait3A_474 : memref<80x128xf32, #tpu.memory_space<vmem>>) dst(%dma_wait3A_471 : memref<80x128xf32, #tpu.memory_space<hbm>>)
    %mul3A_475 = arith.constant 632 : i32
    %mul3A_476 = arith.muli %arg1, %mul3A_475 : i32
    %add3A_477 = arith.constant 560 : i32
    %add3A_478 = arith.addi %mul3A_476, %add3A_477 : i32
    "tpu.region"() ({
      %run_scoped3A_545 = tpu.sem_alloc : memref<!tpu.dma_semaphore, #tpu.memory_space<semaphore_mem>>
      %dma_start3A_546 = arith.constant 0 : i32
      %dma_start3A_547 = arith.constant 0 : i32
      %dma_start3A_548 = tpu.memref_slice %arg9[%dma_start3A_546, %dma_start3A_547] : memref<80x128xf32, #tpu.memory_space<vmem>> -> memref<72x128xf32, #tpu.memory_space<vmem>>
      %dma_start3A_549 = arith.constant 0 : i32
      %dma_start3A_550 = tpu.memref_slice %arg12[%add3A_478, %dma_start3A_549] : memref<10112x128xf32, #tpu.memory_space<vmem_shared>> -> memref<72x128xf32, #tpu.memory_space<vmem_shared>>
      %dma_start3A_551 = arith.constant 0 : i32
      %dma_start3A_552 = arith.constant 0 : i32
      %dma_start3A_553 = tpu.memref_slice %arg9[%dma_start3A_551, %dma_start3A_552] : memref<80x128xf32, #tpu.memory_space<vmem>> -> memref<72x128xf32, #tpu.memory_space<vmem>>
      %dma_start3A_554 = arith.constant 0 : i32
      %dma_start3A_555 = tpu.memref_slice %arg12[%add3A_478, %dma_start3A_554] : memref<10112x128xf32, #tpu.memory_space<vmem_shared>> -> memref<72x128xf32, #tpu.memory_space<vmem_shared>>
      tpu.enqueue_dma source(%dma_start3A_555 : memref<72x128xf32, #tpu.memory_space<vmem_shared>>) target(%dma_start3A_553 : memref<72x128xf32, #tpu.memory_space<vmem>>) target_semaphore(%run_scoped3A_545 : memref<!tpu.dma_semaphore, #tpu.memory_space<semaphore_mem>>)
      %dma_wait3A_556 = arith.constant 0 : i32
      %dma_wait3A_557 = arith.constant 0 : i32
      %dma_wait3A_558 = tpu.memref_slice %arg9[%dma_wait3A_556, %dma_wait3A_557] : memref<80x128xf32, #tpu.memory_space<vmem>> -> memref<72x128xf32, #tpu.memory_space<vmem>>
      %dma_wait3A_559 = arith.constant 0 : i32
      %dma_wait3A_560 = tpu.memref_slice %arg12[%add3A_478, %dma_wait3A_559] : memref<10112x128xf32, #tpu.memory_space<vmem_shared>> -> memref<72x128xf32, #tpu.memory_space<vmem_shared>>
      %dma_wait3A_561 = arith.constant 0 : i32
      %dma_wait3A_562 = arith.constant 0 : i32
      %dma_wait3A_563 = tpu.memref_slice %arg9[%dma_wait3A_561, %dma_wait3A_562] : memref<80x128xf32, #tpu.memory_space<vmem>> -> memref<72x128xf32, #tpu.memory_space<vmem>>
      %dma_wait3A_564 = arith.constant 0 : i32
      %dma_wait3A_565 = tpu.memref_slice %arg12[%add3A_478, %dma_wait3A_564] : memref<10112x128xf32, #tpu.memory_space<vmem_shared>> -> memref<72x128xf32, #tpu.memory_space<vmem_shared>>
      tpu.wait_dma2 semaphore(%run_scoped3A_545 : memref<!tpu.dma_semaphore, #tpu.memory_space<semaphore_mem>>) src(%dma_wait3A_565 : memref<72x128xf32, #tpu.memory_space<vmem_shared>>) dst(%dma_wait3A_563 : memref<72x128xf32, #tpu.memory_space<vmem>>)
      tpu.yield
    }) : () -> ()
    %mul3A_479 = arith.constant 632 : i32
    %mul3A_480 = arith.muli %arg1, %mul3A_479 : i32
    %add3A_481 = arith.constant 560 : i32
    %add3A_482 = arith.addi %mul3A_480, %add3A_481 : i32
    %dma_start3A_483 = arith.constant 0 : i32
    %dma_start3A_484 = arith.constant 0 : i32
    %dma_start3A_485 = tpu.memref_slice %arg9[%dma_start3A_483, %dma_start3A_484] : memref<80x128xf32, #tpu.memory_space<vmem>> -> memref<72x128xf32, #tpu.memory_space<vmem>>
    %dma_start3A_486 = arith.constant 0 : i32
    %dma_start3A_487 = arith.constant 0 : i32
    %dma_start3A_488 = tpu.memref_slice %arg5[%arg0, %dma_start3A_486, %dma_start3A_487] : memref<2x10112x128xf32, #tpu.memory_space<hbm>> -> memref<1x10112x128xf32, #tpu.memory_space<hbm>>
    %dma_start3A_489 = tpu.memref_squeeze %dma_start3A_488 : memref<1x10112x128xf32, #tpu.memory_space<hbm>> -> memref<10112x128xf32, #tpu.memory_space<hbm>>
    %dma_start3A_490 = arith.constant 0 : i32
    %dma_start3A_491 = tpu.memref_slice %dma_start3A_489[%add3A_482, %dma_start3A_490] : memref<10112x128xf32, #tpu.memory_space<hbm>> -> memref<72x128xf32, #tpu.memory_space<hbm>>
    %dma_start3A_492 = arith.constant 0 : i32
    %dma_start3A_493 = arith.constant 0 : i32
    %dma_start3A_494 = tpu.memref_slice %arg5[%arg0, %dma_start3A_492, %dma_start3A_493] : memref<2x10112x128xf32, #tpu.memory_space<hbm>> -> memref<1x10112x128xf32, #tpu.memory_space<hbm>>
    %dma_start3A_495 = tpu.memref_squeeze %dma_start3A_494 : memref<1x10112x128xf32, #tpu.memory_space<hbm>> -> memref<10112x128xf32, #tpu.memory_space<hbm>>
    %dma_start3A_496 = arith.constant 0 : i32
    %dma_start3A_497 = tpu.memref_slice %dma_start3A_495[%add3A_482, %dma_start3A_496] : memref<10112x128xf32, #tpu.memory_space<hbm>> -> memref<72x128xf32, #tpu.memory_space<hbm>>
    %dma_start3A_498 = arith.constant 0 : i32
    %dma_start3A_499 = arith.constant 0 : i32
    %dma_start3A_500 = tpu.memref_slice %arg9[%dma_start3A_498, %dma_start3A_499] : memref<80x128xf32, #tpu.memory_space<vmem>> -> memref<72x128xf32, #tpu.memory_space<vmem>>
    tpu.enqueue_dma source(%dma_start3A_500 : memref<72x128xf32, #tpu.memory_space<vmem>>) target(%dma_start3A_497 : memref<72x128xf32, #tpu.memory_space<hbm>>) target_semaphore(%arg11 : memref<!tpu.dma_semaphore, #tpu.memory_space<semaphore_mem>>)
    %mul3A_501 = arith.constant 632 : i32
    %mul3A_502 = arith.muli %arg1, %mul3A_501 : i32
    %add3A_503 = arith.constant 480 : i32
    %add3A_504 = arith.addi %mul3A_502, %add3A_503 : i32
    %dma_wait3A_505 = arith.constant 0 : i32
    %dma_wait3A_506 = arith.constant 0 : i32
    %dma_wait3A_507 = tpu.memref_slice %arg8[%dma_wait3A_505, %dma_wait3A_506] : memref<80x128xf32, #tpu.memory_space<vmem>> -> memref<80x128xf32, #tpu.memory_space<vmem>>
    %dma_wait3A_508 = arith.constant 0 : i32
    %dma_wait3A_509 = arith.constant 0 : i32
    %dma_wait3A_510 = tpu.memref_slice %arg5[%arg0, %dma_wait3A_508, %dma_wait3A_509] : memref<2x10112x128xf32, #tpu.memory_space<hbm>> -> memref<1x10112x128xf32, #tpu.memory_space<hbm>>
    %dma_wait3A_511 = tpu.memref_squeeze %dma_wait3A_510 : memref<1x10112x128xf32, #tpu.memory_space<hbm>> -> memref<10112x128xf32, #tpu.memory_space<hbm>>
    %dma_wait3A_512 = arith.constant 0 : i32
    %dma_wait3A_513 = tpu.memref_slice %dma_wait3A_511[%add3A_504, %dma_wait3A_512] : memref<10112x128xf32, #tpu.memory_space<hbm>> -> memref<80x128xf32, #tpu.memory_space<hbm>>
    %dma_wait3A_514 = arith.constant 0 : i32
    %dma_wait3A_515 = arith.constant 0 : i32
    %dma_wait3A_516 = tpu.memref_slice %arg5[%arg0, %dma_wait3A_514, %dma_wait3A_515] : memref<2x10112x128xf32, #tpu.memory_space<hbm>> -> memref<1x10112x128xf32, #tpu.memory_space<hbm>>
    %dma_wait3A_517 = tpu.memref_squeeze %dma_wait3A_516 : memref<1x10112x128xf32, #tpu.memory_space<hbm>> -> memref<10112x128xf32, #tpu.memory_space<hbm>>
    %dma_wait3A_518 = arith.constant 0 : i32
    %dma_wait3A_519 = tpu.memref_slice %dma_wait3A_517[%add3A_504, %dma_wait3A_518] : memref<10112x128xf32, #tpu.memory_space<hbm>> -> memref<80x128xf32, #tpu.memory_space<hbm>>
    %dma_wait3A_520 = arith.constant 0 : i32
    %dma_wait3A_521 = arith.constant 0 : i32
    %dma_wait3A_522 = tpu.memref_slice %arg8[%dma_wait3A_520, %dma_wait3A_521] : memref<80x128xf32, #tpu.memory_space<vmem>> -> memref<80x128xf32, #tpu.memory_space<vmem>>
    tpu.wait_dma2 semaphore(%arg10 : memref<!tpu.dma_semaphore, #tpu.memory_space<semaphore_mem>>) src(%dma_wait3A_522 : memref<80x128xf32, #tpu.memory_space<vmem>>) dst(%dma_wait3A_519 : memref<80x128xf32, #tpu.memory_space<hbm>>)
    %mul3A_523 = arith.constant 632 : i32
    %mul3A_524 = arith.muli %arg1, %mul3A_523 : i32
    %add3A_525 = arith.constant 560 : i32
    %add3A_526 = arith.addi %mul3A_524, %add3A_525 : i32
    %dma_wait3A_527 = arith.constant 0 : i32
    %dma_wait3A_528 = arith.constant 0 : i32
    %dma_wait3A_529 = tpu.memref_slice %arg9[%dma_wait3A_527, %dma_wait3A_528] : memref<80x128xf32, #tpu.memory_space<vmem>> -> memref<72x128xf32, #tpu.memory_space<vmem>>
    %dma_wait3A_530 = arith.constant 0 : i32
    %dma_wait3A_531 = arith.constant 0 : i32
    %dma_wait3A_532 = tpu.memref_slice %arg5[%arg0, %dma_wait3A_530, %dma_wait3A_531] : memref<2x10112x128xf32, #tpu.memory_space<hbm>> -> memref<1x10112x128xf32, #tpu.memory_space<hbm>>
    %dma_wait3A_533 = tpu.memref_squeeze %dma_wait3A_532 : memref<1x10112x128xf32, #tpu.memory_space<hbm>> -> memref<10112x128xf32, #tpu.memory_space<hbm>>
    %dma_wait3A_534 = arith.constant 0 : i32
    %dma_wait3A_535 = tpu.memref_slice %dma_wait3A_533[%add3A_526, %dma_wait3A_534] : memref<10112x128xf32, #tpu.memory_space<hbm>> -> memref<72x128xf32, #tpu.memory_space<hbm>>
    %dma_wait3A_536 = arith.constant 0 : i32
    %dma_wait3A_537 = arith.constant 0 : i32
    %dma_wait3A_538 = tpu.memref_slice %arg5[%arg0, %dma_wait3A_536, %dma_wait3A_537] : memref<2x10112x128xf32, #tpu.memory_space<hbm>> -> memref<1x10112x128xf32, #tpu.memory_space<hbm>>
    %dma_wait3A_539 = tpu.memref_squeeze %dma_wait3A_538 : memref<1x10112x128xf32, #tpu.memory_space<hbm>> -> memref<10112x128xf32, #tpu.memory_space<hbm>>
    %dma_wait3A_540 = arith.constant 0 : i32
    %dma_wait3A_541 = tpu.memref_slice %dma_wait3A_539[%add3A_526, %dma_wait3A_540] : memref<10112x128xf32, #tpu.memory_space<hbm>> -> memref<72x128xf32, #tpu.memory_space<hbm>>
    %dma_wait3A_542 = arith.constant 0 : i32
    %dma_wait3A_543 = arith.constant 0 : i32
    %dma_wait3A_544 = tpu.memref_slice %arg9[%dma_wait3A_542, %dma_wait3A_543] : memref<80x128xf32, #tpu.memory_space<vmem>> -> memref<72x128xf32, #tpu.memory_space<vmem>>
    tpu.wait_dma2 semaphore(%arg11 : memref<!tpu.dma_semaphore, #tpu.memory_space<semaphore_mem>>) src(%dma_wait3A_544 : memref<72x128xf32, #tpu.memory_space<vmem>>) dst(%dma_wait3A_541 : memref<72x128xf32, #tpu.memory_space<hbm>>)
    return
  }
}

#map = affine_map<(d0, d1) -> (0, 0)>
#map1 = affine_map<(d0, d1) -> (0, 0, 0)>
module attributes {stable_mosaic.version = 14 : i64} {
  func.func @_mp_body(%arg0: i32, %arg1: i32, %arg2: memref<32x10000xi32, #tpu.memory_space<hbm>>, %arg3: memref<32x125x80xi32, #tpu.memory_space<hbm>>, %arg4: memref<10000x128xf32, #tpu.memory_space<hbm>>, %arg5: memref<2x10112x128xf32, #tpu.memory_space<hbm>>, %arg6: memref<10000xi32, #tpu.memory_space<vmem>>, %arg7: memref<125x80xi32, #tpu.memory_space<vmem>>, %arg8: memref<80x128xf32, #tpu.memory_space<vmem>>, %arg9: memref<80x128xf32, #tpu.memory_space<vmem>>, %arg10: memref<!tpu.dma_semaphore, #tpu.memory_space<semaphore_mem>>, %arg11: memref<!tpu.dma_semaphore, #tpu.memory_space<semaphore_mem>>, %arg12: memref<10112x128xf32, #tpu.memory_space<vmem_shared>>) attributes {dimension_semantics = [#tpu.dimension_semantics<core_parallel>, #tpu.dimension_semantics<subcore_parallel>], iteration_bounds = array<i64: 2, 16>, scalar_prefetch = 0 : i64, scratch_operands = 7 : i64, tpu.core_type = #tpu.core_type<sc_vector_subcore>, window_params = [{transform_indices = #map}, {transform_indices = #map1}, {transform_indices = #map}, {transform_indices = #map1}]} {
    %mul3A = arith.constant 16 : i32
    %mul3A_0 = arith.muli %arg0, %mul3A : i32
    %add3A = arith.addi %mul3A_0, %arg1 : i32
    %scan3A = arith.constant 0 : i32
    %scan3A_1 = arith.constant 0 : i32
    %scan3A_2 = arith.constant 80 : i32
    %scan3A_3 = arith.addi %scan3A_1, %scan3A_2 : i32
    %scan3A_4 = arith.constant 1 : i32
    scf.for %scan3A_545 = %scan3A_1 to %scan3A_3 step %scan3A_4  : i32 {
      %broadcast_in_dim3A = arith.constant 0.000000e+00 : f32
      %broadcast_in_dim3A_546 = vector.broadcast %broadcast_in_dim3A : f32 to vector<16xf32>
      %swap3A = arith.index_cast %scan3A_545 : i32 to index
      %swap3A_547 = arith.constant 0 : index
      %swap3A_548 = tpu.vector_load %arg8[%swap3A, %swap3A_547] {strides = array<i32>} : memref<80x128xf32, #tpu.memory_space<vmem>>, vector<1x16xf32>,
      %swap3A_549 = vector.shape_cast %swap3A_548 : vector<1x16xf32> to vector<16xf32>
      %swap3A_550 = vector.shape_cast %broadcast_in_dim3A_546 : vector<16xf32> to vector<1x16xf32>
      tpu.vector_store %arg8[%swap3A, %swap3A_547], %swap3A_550 {strides = array<i32>} : memref<80x128xf32, #tpu.memory_space<vmem>>, vector<1x16xf32>,
      %broadcast_in_dim3A_551 = arith.constant 0.000000e+00 : f32
      %broadcast_in_dim3A_552 = vector.broadcast %broadcast_in_dim3A_551 : f32 to vector<16xf32>
      %swap3A_553 = arith.index_cast %scan3A_545 : i32 to index
      %swap3A_554 = arith.constant 16 : index
      %swap3A_555 = tpu.vector_load %arg8[%swap3A_553, %swap3A_554] {strides = array<i32>} : memref<80x128xf32, #tpu.memory_space<vmem>>, vector<1x16xf32>,
      %swap3A_556 = vector.shape_cast %swap3A_555 : vector<1x16xf32> to vector<16xf32>
      %swap3A_557 = vector.shape_cast %broadcast_in_dim3A_552 : vector<16xf32> to vector<1x16xf32>
      tpu.vector_store %arg8[%swap3A_553, %swap3A_554], %swap3A_557 {strides = array<i32>} : memref<80x128xf32, #tpu.memory_space<vmem>>, vector<1x16xf32>,
      %broadcast_in_dim3A_558 = arith.constant 0.000000e+00 : f32
      %broadcast_in_dim3A_559 = vector.broadcast %broadcast_in_dim3A_558 : f32 to vector<16xf32>
      %swap3A_560 = arith.index_cast %scan3A_545 : i32 to index
      %swap3A_561 = arith.constant 32 : index
      %swap3A_562 = tpu.vector_load %arg8[%swap3A_560, %swap3A_561] {strides = array<i32>} : memref<80x128xf32, #tpu.memory_space<vmem>>, vector<1x16xf32>,
      %swap3A_563 = vector.shape_cast %swap3A_562 : vector<1x16xf32> to vector<16xf32>
      %swap3A_564 = vector.shape_cast %broadcast_in_dim3A_559 : vector<16xf32> to vector<1x16xf32>
      tpu.vector_store %arg8[%swap3A_560, %swap3A_561], %swap3A_564 {strides = array<i32>} : memref<80x128xf32, #tpu.memory_space<vmem>>, vector<1x16xf32>,
      %broadcast_in_dim3A_565 = arith.constant 0.000000e+00 : f32
      %broadcast_in_dim3A_566 = vector.broadcast %broadcast_in_dim3A_565 : f32 to vector<16xf32>
      %swap3A_567 = arith.index_cast %scan3A_545 : i32 to index
      %swap3A_568 = arith.constant 48 : index
      %swap3A_569 = tpu.vector_load %arg8[%swap3A_567, %swap3A_568] {strides = array<i32>} : memref<80x128xf32, #tpu.memory_space<vmem>>, vector<1x16xf32>,
      %swap3A_570 = vector.shape_cast %swap3A_569 : vector<1x16xf32> to vector<16xf32>
      %swap3A_571 = vector.shape_cast %broadcast_in_dim3A_566 : vector<16xf32> to vector<1x16xf32>
      tpu.vector_store %arg8[%swap3A_567, %swap3A_568], %swap3A_571 {strides = array<i32>} : memref<80x128xf32, #tpu.memory_space<vmem>>, vector<1x16xf32>,
      %broadcast_in_dim3A_572 = arith.constant 0.000000e+00 : f32
      %broadcast_in_dim3A_573 = vector.broadcast %broadcast_in_dim3A_572 : f32 to vector<16xf32>
      %swap3A_574 = arith.index_cast %scan3A_545 : i32 to index
      %swap3A_575 = arith.constant 64 : index
      %swap3A_576 = tpu.vector_load %arg8[%swap3A_574, %swap3A_575] {strides = array<i32>} : memref<80x128xf32, #tpu.memory_space<vmem>>, vector<1x16xf32>,
      %swap3A_577 = vector.shape_cast %swap3A_576 : vector<1x16xf32> to vector<16xf32>
      %swap3A_578 = vector.shape_cast %broadcast_in_dim3A_573 : vector<16xf32> to vector<1x16xf32>
      tpu.vector_store %arg8[%swap3A_574, %swap3A_575], %swap3A_578 {strides = array<i32>} : memref<80x128xf32, #tpu.memory_space<vmem>>, vector<1x16xf32>,
      %broadcast_in_dim3A_579 = arith.constant 0.000000e+00 : f32
      %broadcast_in_dim3A_580 = vector.broadcast %broadcast_in_dim3A_579 : f32 to vector<16xf32>
      %swap3A_581 = arith.index_cast %scan3A_545 : i32 to index
      %swap3A_582 = arith.constant 80 : index
      %swap3A_583 = tpu.vector_load %arg8[%swap3A_581, %swap3A_582] {strides = array<i32>} : memref<80x128xf32, #tpu.memory_space<vmem>>, vector<1x16xf32>,
      %swap3A_584 = vector.shape_cast %swap3A_583 : vector<1x16xf32> to vector<16xf32>
      %swap3A_585 = vector.shape_cast %broadcast_in_dim3A_580 : vector<16xf32> to vector<1x16xf32>
      tpu.vector_store %arg8[%swap3A_581, %swap3A_582], %swap3A_585 {strides = array<i32>} : memref<80x128xf32, #tpu.memory_space<vmem>>, vector<1x16xf32>,
      %broadcast_in_dim3A_586 = arith.constant 0.000000e+00 : f32
      %broadcast_in_dim3A_587 = vector.broadcast %broadcast_in_dim3A_586 : f32 to vector<16xf32>
      %swap3A_588 = arith.index_cast %scan3A_545 : i32 to index
      %swap3A_589 = arith.constant 96 : index
      %swap3A_590 = tpu.vector_load %arg8[%swap3A_588, %swap3A_589] {strides = array<i32>} : memref<80x128xf32, #tpu.memory_space<vmem>>, vector<1x16xf32>,
      %swap3A_591 = vector.shape_cast %swap3A_590 : vector<1x16xf32> to vector<16xf32>
      %swap3A_592 = vector.shape_cast %broadcast_in_dim3A_587 : vector<16xf32> to vector<1x16xf32>
      tpu.vector_store %arg8[%swap3A_588, %swap3A_589], %swap3A_592 {strides = array<i32>} : memref<80x128xf32, #tpu.memory_space<vmem>>, vector<1x16xf32>,
      %broadcast_in_dim3A_593 = arith.constant 0.000000e+00 : f32
      %broadcast_in_dim3A_594 = vector.broadcast %broadcast_in_dim3A_593 : f32 to vector<16xf32>
      %swap3A_595 = arith.index_cast %scan3A_545 : i32 to index
      %swap3A_596 = arith.constant 112 : index
      %swap3A_597 = tpu.vector_load %arg8[%swap3A_595, %swap3A_596] {strides = array<i32>} : memref<80x128xf32, #tpu.memory_space<vmem>>, vector<1x16xf32>,
      %swap3A_598 = vector.shape_cast %swap3A_597 : vector<1x16xf32> to vector<16xf32>
      %swap3A_599 = vector.shape_cast %broadcast_in_dim3A_594 : vector<16xf32> to vector<1x16xf32>
      tpu.vector_store %arg8[%swap3A_595, %swap3A_596], %swap3A_599 {strides = array<i32>} : memref<80x128xf32, #tpu.memory_space<vmem>>, vector<1x16xf32>,
    }
    %scan3A_5 = arith.constant 80 : i32
    %mul3A_6 = arith.constant 632 : i32
    %mul3A_7 = arith.muli %arg1, %mul3A_6 : i32
    %add3A_8 = arith.constant 0 : i32
    %add3A_9 = arith.addi %mul3A_7, %add3A_8 : i32
    %dma_start3A = arith.constant 0 : i32
    %dma_start3A_10 = tpu.memref_slice %arg12[%add3A_9, %dma_start3A] : memref<10112x128xf32, #tpu.memory_space<vmem_shared>> -> memref<80x128xf32, #tpu.memory_space<vmem_shared>>
    %dma_start3A_11 = arith.constant 0 : i32
    %dma_start3A_12 = tpu.memref_slice %arg12[%add3A_9, %dma_start3A_11] : memref<10112x128xf32, #tpu.memory_space<vmem_shared>> -> memref<80x128xf32, #tpu.memory_space<vmem_shared>>
    tpu.enqueue_dma source(%arg8 : memref<80x128xf32, #tpu.memory_space<vmem>>) target(%dma_start3A_12 : memref<80x128xf32, #tpu.memory_space<vmem_shared>>) target_semaphore(%arg10 : memref<!tpu.dma_semaphore, #tpu.memory_space<semaphore_mem>>)
    %mul3A_13 = arith.constant 632 : i32
    %mul3A_14 = arith.muli %arg1, %mul3A_13 : i32
    %add3A_15 = arith.constant 80 : i32
    %add3A_16 = arith.addi %mul3A_14, %add3A_15 : i32
    %dma_start3A_17 = arith.constant 0 : i32
    %dma_start3A_18 = tpu.memref_slice %arg12[%add3A_16, %dma_start3A_17] : memref<10112x128xf32, #tpu.memory_space<vmem_shared>> -> memref<80x128xf32, #tpu.memory_space<vmem_shared>>
    %dma_start3A_19 = arith.constant 0 : i32
    %dma_start3A_20 = tpu.memref_slice %arg12[%add3A_16, %dma_start3A_19] : memref<10112x128xf32, #tpu.memory_space<vmem_shared>> -> memref<80x128xf32, #tpu.memory_space<vmem_shared>>
    tpu.enqueue_dma source(%arg8 : memref<80x128xf32, #tpu.memory_space<vmem>>) target(%dma_start3A_20 : memref<80x128xf32, #tpu.memory_space<vmem_shared>>) target_semaphore(%arg10 : memref<!tpu.dma_semaphore, #tpu.memory_space<semaphore_mem>>)
    %mul3A_21 = arith.constant 632 : i32
    %mul3A_22 = arith.muli %arg1, %mul3A_21 : i32
    %add3A_23 = arith.constant 160 : i32
    %add3A_24 = arith.addi %mul3A_22, %add3A_23 : i32
    %dma_start3A_25 = arith.constant 0 : i32
    %dma_start3A_26 = tpu.memref_slice %arg12[%add3A_24, %dma_start3A_25] : memref<10112x128xf32, #tpu.memory_space<vmem_shared>> -> memref<80x128xf32, #tpu.memory_space<vmem_shared>>
    %dma_start3A_27 = arith.constant 0 : i32
    %dma_start3A_28 = tpu.memref_slice %arg12[%add3A_24, %dma_start3A_27] : memref<10112x128xf32, #tpu.memory_space<vmem_shared>> -> memref<80x128xf32, #tpu.memory_space<vmem_shared>>
    tpu.enqueue_dma source(%arg8 : memref<80x128xf32, #tpu.memory_space<vmem>>) target(%dma_start3A_28 : memref<80x128xf32, #tpu.memory_space<vmem_shared>>) target_semaphore(%arg10 : memref<!tpu.dma_semaphore, #tpu.memory_space<semaphore_mem>>)
    %mul3A_29 = arith.constant 632 : i32
    %mul3A_30 = arith.muli %arg1, %mul3A_29 : i32
    %add3A_31 = arith.constant 240 : i32
    %add3A_32 = arith.addi %mul3A_30, %add3A_31 : i32
    %dma_start3A_33 = arith.constant 0 : i32
    %dma_start3A_34 = tpu.memref_slice %arg12[%add3A_32, %dma_start3A_33] : memref<10112x128xf32, #tpu.memory_space<vmem_shared>> -> memref<80x128xf32, #tpu.memory_space<vmem_shared>>
    %dma_start3A_35 = arith.constant 0 : i32
    %dma_start3A_36 = tpu.memref_slice %arg12[%add3A_32, %dma_start3A_35] : memref<10112x128xf32, #tpu.memory_space<vmem_shared>> -> memref<80x128xf32, #tpu.memory_space<vmem_shared>>
    tpu.enqueue_dma source(%arg8 : memref<80x128xf32, #tpu.memory_space<vmem>>) target(%dma_start3A_36 : memref<80x128xf32, #tpu.memory_space<vmem_shared>>) target_semaphore(%arg10 : memref<!tpu.dma_semaphore, #tpu.memory_space<semaphore_mem>>)
    %mul3A_37 = arith.constant 632 : i32
    %mul3A_38 = arith.muli %arg1, %mul3A_37 : i32
    %add3A_39 = arith.constant 320 : i32
    %add3A_40 = arith.addi %mul3A_38, %add3A_39 : i32
    %dma_start3A_41 = arith.constant 0 : i32
    %dma_start3A_42 = tpu.memref_slice %arg12[%add3A_40, %dma_start3A_41] : memref<10112x128xf32, #tpu.memory_space<vmem_shared>> -> memref<80x128xf32, #tpu.memory_space<vmem_shared>>
    %dma_start3A_43 = arith.constant 0 : i32
    %dma_start3A_44 = tpu.memref_slice %arg12[%add3A_40, %dma_start3A_43] : memref<10112x128xf32, #tpu.memory_space<vmem_shared>> -> memref<80x128xf32, #tpu.memory_space<vmem_shared>>
    tpu.enqueue_dma source(%arg8 : memref<80x128xf32, #tpu.memory_space<vmem>>) target(%dma_start3A_44 : memref<80x128xf32, #tpu.memory_space<vmem_shared>>) target_semaphore(%arg10 : memref<!tpu.dma_semaphore, #tpu.memory_space<semaphore_mem>>)
    %mul3A_45 = arith.constant 632 : i32
    %mul3A_46 = arith.muli %arg1, %mul3A_45 : i32
    %add3A_47 = arith.constant 400 : i32
    %add3A_48 = arith.addi %mul3A_46, %add3A_47 : i32
    %dma_start3A_49 = arith.constant 0 : i32
    %dma_start3A_50 = tpu.memref_slice %arg12[%add3A_48, %dma_start3A_49] : memref<10112x128xf32, #tpu.memory_space<vmem_shared>> -> memref<80x128xf32, #tpu.memory_space<vmem_shared>>
    %dma_start3A_51 = arith.constant 0 : i32
    %dma_start3A_52 = tpu.memref_slice %arg12[%add3A_48, %dma_start3A_51] : memref<10112x128xf32, #tpu.memory_space<vmem_shared>> -> memref<80x128xf32, #tpu.memory_space<vmem_shared>>
    tpu.enqueue_dma source(%arg8 : memref<80x128xf32, #tpu.memory_space<vmem>>) target(%dma_start3A_52 : memref<80x128xf32, #tpu.memory_space<vmem_shared>>) target_semaphore(%arg10 : memref<!tpu.dma_semaphore, #tpu.memory_space<semaphore_mem>>)
    %mul3A_53 = arith.constant 632 : i32
    %mul3A_54 = arith.muli %arg1, %mul3A_53 : i32
    %add3A_55 = arith.constant 480 : i32
    %add3A_56 = arith.addi %mul3A_54, %add3A_55 : i32
    %dma_start3A_57 = arith.constant 0 : i32
    %dma_start3A_58 = tpu.memref_slice %arg12[%add3A_56, %dma_start3A_57] : memref<10112x128xf32, #tpu.memory_space<vmem_shared>> -> memref<80x128xf32, #tpu.memory_space<vmem_shared>>
    %dma_start3A_59 = arith.constant 0 : i32
    %dma_start3A_60 = tpu.memref_slice %arg12[%add3A_56, %dma_start3A_59] : memref<10112x128xf32, #tpu.memory_space<vmem_shared>> -> memref<80x128xf32, #tpu.memory_space<vmem_shared>>
    tpu.enqueue_dma source(%arg8 : memref<80x128xf32, #tpu.memory_space<vmem>>) target(%dma_start3A_60 : memref<80x128xf32, #tpu.memory_space<vmem_shared>>) target_semaphore(%arg10 : memref<!tpu.dma_semaphore, #tpu.memory_space<semaphore_mem>>)
    %mul3A_61 = arith.constant 632 : i32
    %mul3A_62 = arith.muli %arg1, %mul3A_61 : i32
    %add3A_63 = arith.constant 560 : i32
    %add3A_64 = arith.addi %mul3A_62, %add3A_63 : i32
    %dma_start3A_65 = arith.constant 0 : i32
    %dma_start3A_66 = arith.constant 0 : i32
    %dma_start3A_67 = tpu.memref_slice %arg8[%dma_start3A_65, %dma_start3A_66] : memref<80x128xf32, #tpu.memory_space<vmem>> -> memref<72x128xf32, #tpu.memory_space<vmem>>
    %dma_start3A_68 = arith.constant 0 : i32
    %dma_start3A_69 = tpu.memref_slice %arg12[%add3A_64, %dma_start3A_68] : memref<10112x128xf32, #tpu.memory_space<vmem_shared>> -> memref<72x128xf32, #tpu.memory_space<vmem_shared>>
    %dma_start3A_70 = arith.constant 0 : i32
    %dma_start3A_71 = tpu.memref_slice %arg12[%add3A_64, %dma_start3A_70] : memref<10112x128xf32, #tpu.memory_space<vmem_shared>> -> memref<72x128xf32, #tpu.memory_space<vmem_shared>>
    %dma_start3A_72 = arith.constant 0 : i32
    %dma_start3A_73 = arith.constant 0 : i32
    %dma_start3A_74 = tpu.memref_slice %arg8[%dma_start3A_72, %dma_start3A_73] : memref<80x128xf32, #tpu.memory_space<vmem>> -> memref<72x128xf32, #tpu.memory_space<vmem>>
    tpu.enqueue_dma source(%dma_start3A_74 : memref<72x128xf32, #tpu.memory_space<vmem>>) target(%dma_start3A_71 : memref<72x128xf32, #tpu.memory_space<vmem_shared>>) target_semaphore(%arg10 : memref<!tpu.dma_semaphore, #tpu.memory_space<semaphore_mem>>)
    "tpu.region"() ({
      %run_scoped3A_545 = tpu.sem_alloc : memref<!tpu.dma_semaphore, #tpu.memory_space<semaphore_mem>>
      %dma_start3A_546 = arith.constant 0 : i32
      %dma_start3A_547 = tpu.memref_slice %arg2[%add3A, %dma_start3A_546] : memref<32x10000xi32, #tpu.memory_space<hbm>> -> memref<1x10000xi32, #tpu.memory_space<hbm>>
      %dma_start3A_548 = tpu.memref_squeeze %dma_start3A_547 : memref<1x10000xi32, #tpu.memory_space<hbm>> -> memref<10000xi32, #tpu.memory_space<hbm>>
      %dma_start3A_549 = arith.constant 0 : i32
      %dma_start3A_550 = tpu.memref_slice %arg2[%add3A, %dma_start3A_549] : memref<32x10000xi32, #tpu.memory_space<hbm>> -> memref<1x10000xi32, #tpu.memory_space<hbm>>
      %dma_start3A_551 = tpu.memref_squeeze %dma_start3A_550 : memref<1x10000xi32, #tpu.memory_space<hbm>> -> memref<10000xi32, #tpu.memory_space<hbm>>
      tpu.enqueue_dma source(%dma_start3A_551 : memref<10000xi32, #tpu.memory_space<hbm>>) target(%arg6 : memref<10000xi32, #tpu.memory_space<vmem>>) target_semaphore(%run_scoped3A_545 : memref<!tpu.dma_semaphore, #tpu.memory_space<semaphore_mem>>)
      %dma_wait3A_552 = arith.constant 0 : i32
      %dma_wait3A_553 = tpu.memref_slice %arg2[%add3A, %dma_wait3A_552] : memref<32x10000xi32, #tpu.memory_space<hbm>> -> memref<1x10000xi32, #tpu.memory_space<hbm>>
      %dma_wait3A_554 = tpu.memref_squeeze %dma_wait3A_553 : memref<1x10000xi32, #tpu.memory_space<hbm>> -> memref<10000xi32, #tpu.memory_space<hbm>>
      %dma_wait3A_555 = arith.constant 0 : i32
      %dma_wait3A_556 = tpu.memref_slice %arg2[%add3A, %dma_wait3A_555] : memref<32x10000xi32, #tpu.memory_space<hbm>> -> memref<1x10000xi32, #tpu.memory_space<hbm>>
      %dma_wait3A_557 = tpu.memref_squeeze %dma_wait3A_556 : memref<1x10000xi32, #tpu.memory_space<hbm>> -> memref<10000xi32, #tpu.memory_space<hbm>>
      tpu.wait_dma2 semaphore(%run_scoped3A_545 : memref<!tpu.dma_semaphore, #tpu.memory_space<semaphore_mem>>) src(%dma_wait3A_557 : memref<10000xi32, #tpu.memory_space<hbm>>) dst(%arg6 : memref<10000xi32, #tpu.memory_space<vmem>>)
      tpu.yield
    }) : () -> ()
    "tpu.region"() ({
      %run_scoped3A_545 = tpu.sem_alloc : memref<!tpu.dma_semaphore, #tpu.memory_space<semaphore_mem>>
      %dma_start3A_546 = arith.constant 0 : i32
      %dma_start3A_547 = arith.constant 0 : i32
      %dma_start3A_548 = tpu.memref_slice %arg3[%add3A, %dma_start3A_546, %dma_start3A_547] : memref<32x125x80xi32, #tpu.memory_space<hbm>> -> memref<1x125x80xi32, #tpu.memory_space<hbm>>
      %dma_start3A_549 = tpu.memref_squeeze %dma_start3A_548 : memref<1x125x80xi32, #tpu.memory_space<hbm>> -> memref<125x80xi32, #tpu.memory_space<hbm>>
      %dma_start3A_550 = arith.constant 0 : i32
      %dma_start3A_551 = arith.constant 0 : i32
      %dma_start3A_552 = tpu.memref_slice %arg3[%add3A, %dma_start3A_550, %dma_start3A_551] : memref<32x125x80xi32, #tpu.memory_space<hbm>> -> memref<1x125x80xi32, #tpu.memory_space<hbm>>
      %dma_start3A_553 = tpu.memref_squeeze %dma_start3A_552 : memref<1x125x80xi32, #tpu.memory_space<hbm>> -> memref<125x80xi32, #tpu.memory_space<hbm>>
      tpu.enqueue_dma source(%dma_start3A_553 : memref<125x80xi32, #tpu.memory_space<hbm>>) target(%arg7 : memref<125x80xi32, #tpu.memory_space<vmem>>) target_semaphore(%run_scoped3A_545 : memref<!tpu.dma_semaphore, #tpu.memory_space<semaphore_mem>>)
      %dma_wait3A_554 = arith.constant 0 : i32
      %dma_wait3A_555 = arith.constant 0 : i32
      %dma_wait3A_556 = tpu.memref_slice %arg3[%add3A, %dma_wait3A_554, %dma_wait3A_555] : memref<32x125x80xi32, #tpu.memory_space<hbm>> -> memref<1x125x80xi32, #tpu.memory_space<hbm>>
      %dma_wait3A_557 = tpu.memref_squeeze %dma_wait3A_556 : memref<1x125x80xi32, #tpu.memory_space<hbm>> -> memref<125x80xi32, #tpu.memory_space<hbm>>
      %dma_wait3A_558 = arith.constant 0 : i32
      %dma_wait3A_559 = arith.constant 0 : i32
      %dma_wait3A_560 = tpu.memref_slice %arg3[%add3A, %dma_wait3A_558, %dma_wait3A_559] : memref<32x125x80xi32, #tpu.memory_space<hbm>> -> memref<1x125x80xi32, #tpu.memory_space<hbm>>
      %dma_wait3A_561 = tpu.memref_squeeze %dma_wait3A_560 : memref<1x125x80xi32, #tpu.memory_space<hbm>> -> memref<125x80xi32, #tpu.memory_space<hbm>>
      tpu.wait_dma2 semaphore(%run_scoped3A_545 : memref<!tpu.dma_semaphore, #tpu.memory_space<semaphore_mem>>) src(%dma_wait3A_561 : memref<125x80xi32, #tpu.memory_space<hbm>>) dst(%arg7 : memref<125x80xi32, #tpu.memory_space<vmem>>)
      tpu.yield
    }) : () -> ()
    %mul3A_75 = arith.constant 632 : i32
    %mul3A_76 = arith.muli %arg1, %mul3A_75 : i32
    %add3A_77 = arith.constant 0 : i32
    %add3A_78 = arith.addi %mul3A_76, %add3A_77 : i32
    %dma_wait3A = arith.constant 0 : i32
    %dma_wait3A_79 = tpu.memref_slice %arg12[%add3A_78, %dma_wait3A] : memref<10112x128xf32, #tpu.memory_space<vmem_shared>> -> memref<80x128xf32, #tpu.memory_space<vmem_shared>>
    %dma_wait3A_80 = arith.constant 0 : i32
    %dma_wait3A_81 = tpu.memref_slice %arg12[%add3A_78, %dma_wait3A_80] : memref<10112x128xf32, #tpu.memory_space<vmem_shared>> -> memref<80x128xf32, #tpu.memory_space<vmem_shared>>
    tpu.wait_dma2 semaphore(%arg10 : memref<!tpu.dma_semaphore, #tpu.memory_space<semaphore_mem>>) src(%arg8 : memref<80x128xf32, #tpu.memory_space<vmem>>) dst(%dma_wait3A_81 : memref<80x128xf32, #tpu.memory_space<vmem_shared>>)
    %mul3A_82 = arith.constant 632 : i32
    %mul3A_83 = arith.muli %arg1, %mul3A_82 : i32
    %add3A_84 = arith.constant 80 : i32
    %add3A_85 = arith.addi %mul3A_83, %add3A_84 : i32
    %dma_wait3A_86 = arith.constant 0 : i32
    %dma_wait3A_87 = tpu.memref_slice %arg12[%add3A_85, %dma_wait3A_86] : memref<10112x128xf32, #tpu.memory_space<vmem_shared>> -> memref<80x128xf32, #tpu.memory_space<vmem_shared>>
    %dma_wait3A_88 = arith.constant 0 : i32
    %dma_wait3A_89 = tpu.memref_slice %arg12[%add3A_85, %dma_wait3A_88] : memref<10112x128xf32, #tpu.memory_space<vmem_shared>> -> memref<80x128xf32, #tpu.memory_space<vmem_shared>>
    tpu.wait_dma2 semaphore(%arg10 : memref<!tpu.dma_semaphore, #tpu.memory_space<semaphore_mem>>) src(%arg8 : memref<80x128xf32, #tpu.memory_space<vmem>>) dst(%dma_wait3A_89 : memref<80x128xf32, #tpu.memory_space<vmem_shared>>)
    %mul3A_90 = arith.constant 632 : i32
    %mul3A_91 = arith.muli %arg1, %mul3A_90 : i32
    %add3A_92 = arith.constant 160 : i32
    %add3A_93 = arith.addi %mul3A_91, %add3A_92 : i32
    %dma_wait3A_94 = arith.constant 0 : i32
    %dma_wait3A_95 = tpu.memref_slice %arg12[%add3A_93, %dma_wait3A_94] : memref<10112x128xf32, #tpu.memory_space<vmem_shared>> -> memref<80x128xf32, #tpu.memory_space<vmem_shared>>
    %dma_wait3A_96 = arith.constant 0 : i32
    %dma_wait3A_97 = tpu.memref_slice %arg12[%add3A_93, %dma_wait3A_96] : memref<10112x128xf32, #tpu.memory_space<vmem_shared>> -> memref<80x128xf32, #tpu.memory_space<vmem_shared>>
    tpu.wait_dma2 semaphore(%arg10 : memref<!tpu.dma_semaphore, #tpu.memory_space<semaphore_mem>>) src(%arg8 : memref<80x128xf32, #tpu.memory_space<vmem>>) dst(%dma_wait3A_97 : memref<80x128xf32, #tpu.memory_space<vmem_shared>>)
    %mul3A_98 = arith.constant 632 : i32
    %mul3A_99 = arith.muli %arg1, %mul3A_98 : i32
    %add3A_100 = arith.constant 240 : i32
    %add3A_101 = arith.addi %mul3A_99, %add3A_100 : i32
    %dma_wait3A_102 = arith.constant 0 : i32
    %dma_wait3A_103 = tpu.memref_slice %arg12[%add3A_101, %dma_wait3A_102] : memref<10112x128xf32, #tpu.memory_space<vmem_shared>> -> memref<80x128xf32, #tpu.memory_space<vmem_shared>>
    %dma_wait3A_104 = arith.constant 0 : i32
    %dma_wait3A_105 = tpu.memref_slice %arg12[%add3A_101, %dma_wait3A_104] : memref<10112x128xf32, #tpu.memory_space<vmem_shared>> -> memref<80x128xf32, #tpu.memory_space<vmem_shared>>
    tpu.wait_dma2 semaphore(%arg10 : memref<!tpu.dma_semaphore, #tpu.memory_space<semaphore_mem>>) src(%arg8 : memref<80x128xf32, #tpu.memory_space<vmem>>) dst(%dma_wait3A_105 : memref<80x128xf32, #tpu.memory_space<vmem_shared>>)
    %mul3A_106 = arith.constant 632 : i32
    %mul3A_107 = arith.muli %arg1, %mul3A_106 : i32
    %add3A_108 = arith.constant 320 : i32
    %add3A_109 = arith.addi %mul3A_107, %add3A_108 : i32
    %dma_wait3A_110 = arith.constant 0 : i32
    %dma_wait3A_111 = tpu.memref_slice %arg12[%add3A_109, %dma_wait3A_110] : memref<10112x128xf32, #tpu.memory_space<vmem_shared>> -> memref<80x128xf32, #tpu.memory_space<vmem_shared>>
    %dma_wait3A_112 = arith.constant 0 : i32
    %dma_wait3A_113 = tpu.memref_slice %arg12[%add3A_109, %dma_wait3A_112] : memref<10112x128xf32, #tpu.memory_space<vmem_shared>> -> memref<80x128xf32, #tpu.memory_space<vmem_shared>>
    tpu.wait_dma2 semaphore(%arg10 : memref<!tpu.dma_semaphore, #tpu.memory_space<semaphore_mem>>) src(%arg8 : memref<80x128xf32, #tpu.memory_space<vmem>>) dst(%dma_wait3A_113 : memref<80x128xf32, #tpu.memory_space<vmem_shared>>)
    %mul3A_114 = arith.constant 632 : i32
    %mul3A_115 = arith.muli %arg1, %mul3A_114 : i32
    %add3A_116 = arith.constant 400 : i32
    %add3A_117 = arith.addi %mul3A_115, %add3A_116 : i32
    %dma_wait3A_118 = arith.constant 0 : i32
    %dma_wait3A_119 = tpu.memref_slice %arg12[%add3A_117, %dma_wait3A_118] : memref<10112x128xf32, #tpu.memory_space<vmem_shared>> -> memref<80x128xf32, #tpu.memory_space<vmem_shared>>
    %dma_wait3A_120 = arith.constant 0 : i32
    %dma_wait3A_121 = tpu.memref_slice %arg12[%add3A_117, %dma_wait3A_120] : memref<10112x128xf32, #tpu.memory_space<vmem_shared>> -> memref<80x128xf32, #tpu.memory_space<vmem_shared>>
    tpu.wait_dma2 semaphore(%arg10 : memref<!tpu.dma_semaphore, #tpu.memory_space<semaphore_mem>>) src(%arg8 : memref<80x128xf32, #tpu.memory_space<vmem>>) dst(%dma_wait3A_121 : memref<80x128xf32, #tpu.memory_space<vmem_shared>>)
    %mul3A_122 = arith.constant 632 : i32
    %mul3A_123 = arith.muli %arg1, %mul3A_122 : i32
    %add3A_124 = arith.constant 480 : i32
    %add3A_125 = arith.addi %mul3A_123, %add3A_124 : i32
    %dma_wait3A_126 = arith.constant 0 : i32
    %dma_wait3A_127 = tpu.memref_slice %arg12[%add3A_125, %dma_wait3A_126] : memref<10112x128xf32, #tpu.memory_space<vmem_shared>> -> memref<80x128xf32, #tpu.memory_space<vmem_shared>>
    %dma_wait3A_128 = arith.constant 0 : i32
    %dma_wait3A_129 = tpu.memref_slice %arg12[%add3A_125, %dma_wait3A_128] : memref<10112x128xf32, #tpu.memory_space<vmem_shared>> -> memref<80x128xf32, #tpu.memory_space<vmem_shared>>
    tpu.wait_dma2 semaphore(%arg10 : memref<!tpu.dma_semaphore, #tpu.memory_space<semaphore_mem>>) src(%arg8 : memref<80x128xf32, #tpu.memory_space<vmem>>) dst(%dma_wait3A_129 : memref<80x128xf32, #tpu.memory_space<vmem_shared>>)
    %mul3A_130 = arith.constant 632 : i32
    %mul3A_131 = arith.muli %arg1, %mul3A_130 : i32
    %add3A_132 = arith.constant 560 : i32
    %add3A_133 = arith.addi %mul3A_131, %add3A_132 : i32
    %dma_wait3A_134 = arith.constant 0 : i32
    %dma_wait3A_135 = arith.constant 0 : i32
    %dma_wait3A_136 = tpu.memref_slice %arg8[%dma_wait3A_134, %dma_wait3A_135] : memref<80x128xf32, #tpu.memory_space<vmem>> -> memref<72x128xf32, #tpu.memory_space<vmem>>
    %dma_wait3A_137 = arith.constant 0 : i32
    %dma_wait3A_138 = tpu.memref_slice %arg12[%add3A_133, %dma_wait3A_137] : memref<10112x128xf32, #tpu.memory_space<vmem_shared>> -> memref<72x128xf32, #tpu.memory_space<vmem_shared>>
    %dma_wait3A_139 = arith.constant 0 : i32
    %dma_wait3A_140 = tpu.memref_slice %arg12[%add3A_133, %dma_wait3A_139] : memref<10112x128xf32, #tpu.memory_space<vmem_shared>> -> memref<72x128xf32, #tpu.memory_space<vmem_shared>>
    %dma_wait3A_141 = arith.constant 0 : i32
    %dma_wait3A_142 = arith.constant 0 : i32
    %dma_wait3A_143 = tpu.memref_slice %arg8[%dma_wait3A_141, %dma_wait3A_142] : memref<80x128xf32, #tpu.memory_space<vmem>> -> memref<72x128xf32, #tpu.memory_space<vmem>>
    tpu.wait_dma2 semaphore(%arg10 : memref<!tpu.dma_semaphore, #tpu.memory_space<semaphore_mem>>) src(%dma_wait3A_143 : memref<72x128xf32, #tpu.memory_space<vmem>>) dst(%dma_wait3A_140 : memref<72x128xf32, #tpu.memory_space<vmem_shared>>)
    %barrier3A = arith.constant 0 : index
    tpu.barrier barrier_id(%barrier3A)
    %dma_start3A_144 = arith.constant 0 : i32
    %dma_start3A_145 = tpu.memref_slice %arg6[%dma_start3A_144] : memref<10000xi32, #tpu.memory_space<vmem>> -> memref<80xi32, #tpu.memory_space<vmem>>
    %dma_start3A_146 = arith.constant 0 : i32
    %dma_start3A_147 = arith.constant 0 : i32
    %dma_start3A_148 = tpu.memref_slice %arg4[%dma_start3A_146, %dma_start3A_147] : memref<10000x128xf32, #tpu.memory_space<hbm>> -> memref<10000x128xf32, #tpu.memory_space<hbm>>
    tpu.enqueue_indirect_dma source(%dma_start3A_148 : memref<10000x128xf32, #tpu.memory_space<hbm>>) target(%arg8 : memref<80x128xf32, #tpu.memory_space<vmem>>) offsets(%dma_start3A_145 : memref<80xi32, #tpu.memory_space<vmem>>) semaphore(%arg10 : memref<!tpu.dma_semaphore, #tpu.memory_space<semaphore_mem>>)
    %scan3A_149 = arith.constant 0 : i32
    %scan3A_150 = arith.constant 0 : i32
    %scan3A_151 = arith.constant 62 : i32
    %scan3A_152 = arith.addi %scan3A_150, %scan3A_151 : i32
    %scan3A_153 = arith.constant 1 : i32
    scf.for %scan3A_545 = %scan3A_150 to %scan3A_152 step %scan3A_153  : i32 {
      %mul3A_546 = arith.constant 2 : i32
      %mul3A_547 = arith.muli %mul3A_546, %scan3A_545 : i32
      %add3A_548 = arith.constant 1 : i32
      %add3A_549 = arith.addi %mul3A_547, %add3A_548 : i32
      %mul3A_550 = arith.constant 80 : i32
      %mul3A_551 = arith.muli %add3A_549, %mul3A_550 : i32
      %dma_start3A_552 = tpu.memref_slice %arg6[%mul3A_551] : memref<10000xi32, #tpu.memory_space<vmem>> -> memref<80xi32, #tpu.memory_space<vmem>>
      %dma_start3A_553 = arith.constant 0 : i32
      %dma_start3A_554 = arith.constant 0 : i32
      %dma_start3A_555 = tpu.memref_slice %arg4[%dma_start3A_553, %dma_start3A_554] : memref<10000x128xf32, #tpu.memory_space<hbm>> -> memref<10000x128xf32, #tpu.memory_space<hbm>>
      tpu.enqueue_indirect_dma source(%dma_start3A_555 : memref<10000x128xf32, #tpu.memory_space<hbm>>) target(%arg9 : memref<80x128xf32, #tpu.memory_space<vmem>>) offsets(%dma_start3A_552 : memref<80xi32, #tpu.memory_space<vmem>>) semaphore(%arg11 : memref<!tpu.dma_semaphore, #tpu.memory_space<semaphore_mem>>)
      %mul3A_556 = arith.constant 80 : i32
      %mul3A_557 = arith.muli %mul3A_547, %mul3A_556 : i32
      %dma_wait3A_558 = tpu.memref_slice %arg6[%mul3A_557] : memref<10000xi32, #tpu.memory_space<vmem>> -> memref<80xi32, #tpu.memory_space<vmem>>
      %dma_wait3A_559 = arith.constant 0 : i32
      %dma_wait3A_560 = arith.constant 0 : i32
      %dma_wait3A_561 = tpu.memref_slice %arg4[%dma_wait3A_559, %dma_wait3A_560] : memref<10000x128xf32, #tpu.memory_space<hbm>> -> memref<10000x128xf32, #tpu.memory_space<hbm>>
      tpu.wait_indirect_dma semaphore(%arg10 : memref<!tpu.dma_semaphore, #tpu.memory_space<semaphore_mem>>) src(%dma_wait3A_561 : memref<10000x128xf32, #tpu.memory_space<hbm>>) dst(%arg8 : memref<80x128xf32, #tpu.memory_space<vmem>>)
      "tpu.region"() ({
        %run_scoped3A_580 = tpu.sem_alloc : memref<!tpu.dma_semaphore, #tpu.memory_space<semaphore_mem>>
        %dma_start3A_581 = arith.constant 0 : i32
        %dma_start3A_582 = tpu.memref_slice %arg7[%mul3A_547, %dma_start3A_581] : memref<125x80xi32, #tpu.memory_space<vmem>> -> memref<1x80xi32, #tpu.memory_space<vmem>>
        %dma_start3A_583 = tpu.memref_squeeze %dma_start3A_582 : memref<1x80xi32, #tpu.memory_space<vmem>> -> memref<80xi32, #tpu.memory_space<vmem>>
        %dma_start3A_584 = arith.constant 0 : i32
        %dma_start3A_585 = arith.constant 0 : i32
        %dma_start3A_586 = tpu.memref_slice %arg12[%dma_start3A_584, %dma_start3A_585] : memref<10112x128xf32, #tpu.memory_space<vmem_shared>> -> memref<10112x128xf32, #tpu.memory_space<vmem_shared>>
        tpu.enqueue_indirect_dma source(%arg8 : memref<80x128xf32, #tpu.memory_space<vmem>>) target(%dma_start3A_586 : memref<10112x128xf32, #tpu.memory_space<vmem_shared>>) offsets(%dma_start3A_583 : memref<80xi32, #tpu.memory_space<vmem>>) semaphore(%run_scoped3A_580 : memref<!tpu.dma_semaphore, #tpu.memory_space<semaphore_mem>>) {add = true}
        %dma_wait3A_587 = arith.constant 0 : i32
        %dma_wait3A_588 = tpu.memref_slice %arg7[%mul3A_547, %dma_wait3A_587] : memref<125x80xi32, #tpu.memory_space<vmem>> -> memref<1x80xi32, #tpu.memory_space<vmem>>
        %dma_wait3A_589 = tpu.memref_squeeze %dma_wait3A_588 : memref<1x80xi32, #tpu.memory_space<vmem>> -> memref<80xi32, #tpu.memory_space<vmem>>
        %dma_wait3A_590 = arith.constant 0 : i32
        %dma_wait3A_591 = arith.constant 0 : i32
        %dma_wait3A_592 = tpu.memref_slice %arg12[%dma_wait3A_590, %dma_wait3A_591] : memref<10112x128xf32, #tpu.memory_space<vmem_shared>> -> memref<10112x128xf32, #tpu.memory_space<vmem_shared>>
        tpu.wait_indirect_dma semaphore(%run_scoped3A_580 : memref<!tpu.dma_semaphore, #tpu.memory_space<semaphore_mem>>) src(%arg8 : memref<80x128xf32, #tpu.memory_space<vmem>>) dst(%dma_wait3A_592 : memref<10112x128xf32, #tpu.memory_space<vmem_shared>>)
        tpu.yield
      }) : () -> ()
      %add3A_562 = arith.constant 2 : i32
      %add3A_563 = arith.addi %mul3A_547, %add3A_562 : i32
      %mul3A_564 = arith.constant 80 : i32
      %mul3A_565 = arith.muli %add3A_563, %mul3A_564 : i32
      %dma_start3A_566 = tpu.memref_slice %arg6[%mul3A_565] : memref<10000xi32, #tpu.memory_space<vmem>> -> memref<80xi32, #tpu.memory_space<vmem>>
      %dma_start3A_567 = arith.constant 0 : i32
      %dma_start3A_568 = arith.constant 0 : i32
      %dma_start3A_569 = tpu.memref_slice %arg4[%dma_start3A_567, %dma_start3A_568] : memref<10000x128xf32, #tpu.memory_space<hbm>> -> memref<10000x128xf32, #tpu.memory_space<hbm>>
      tpu.enqueue_indirect_dma source(%dma_start3A_569 : memref<10000x128xf32, #tpu.memory_space<hbm>>) target(%arg8 : memref<80x128xf32, #tpu.memory_space<vmem>>) offsets(%dma_start3A_566 : memref<80xi32, #tpu.memory_space<vmem>>) semaphore(%arg10 : memref<!tpu.dma_semaphore, #tpu.memory_space<semaphore_mem>>)
      %add3A_570 = arith.constant 1 : i32
      %add3A_571 = arith.addi %mul3A_547, %add3A_570 : i32
      %mul3A_572 = arith.constant 80 : i32
      %mul3A_573 = arith.muli %add3A_571, %mul3A_572 : i32
      %dma_wait3A_574 = tpu.memref_slice %arg6[%mul3A_573] : memref<10000xi32, #tpu.memory_space<vmem>> -> memref<80xi32, #tpu.memory_space<vmem>>
      %dma_wait3A_575 = arith.constant 0 : i32
      %dma_wait3A_576 = arith.constant 0 : i32
      %dma_wait3A_577 = tpu.memref_slice %arg4[%dma_wait3A_575, %dma_wait3A_576] : memref<10000x128xf32, #tpu.memory_space<hbm>> -> memref<10000x128xf32, #tpu.memory_space<hbm>>
      tpu.wait_indirect_dma semaphore(%arg11 : memref<!tpu.dma_semaphore, #tpu.memory_space<semaphore_mem>>) src(%dma_wait3A_577 : memref<10000x128xf32, #tpu.memory_space<hbm>>) dst(%arg9 : memref<80x128xf32, #tpu.memory_space<vmem>>)
      %add3A_578 = arith.constant 1 : i32
      %add3A_579 = arith.addi %mul3A_547, %add3A_578 : i32
      "tpu.region"() ({
        %run_scoped3A_580 = tpu.sem_alloc : memref<!tpu.dma_semaphore, #tpu.memory_space<semaphore_mem>>
        %dma_start3A_581 = arith.constant 0 : i32
        %dma_start3A_582 = tpu.memref_slice %arg7[%add3A_579, %dma_start3A_581] : memref<125x80xi32, #tpu.memory_space<vmem>> -> memref<1x80xi32, #tpu.memory_space<vmem>>
        %dma_start3A_583 = tpu.memref_squeeze %dma_start3A_582 : memref<1x80xi32, #tpu.memory_space<vmem>> -> memref<80xi32, #tpu.memory_space<vmem>>
        %dma_start3A_584 = arith.constant 0 : i32
        %dma_start3A_585 = arith.constant 0 : i32
        %dma_start3A_586 = tpu.memref_slice %arg12[%dma_start3A_584, %dma_start3A_585] : memref<10112x128xf32, #tpu.memory_space<vmem_shared>> -> memref<10112x128xf32, #tpu.memory_space<vmem_shared>>
        tpu.enqueue_indirect_dma source(%arg9 : memref<80x128xf32, #tpu.memory_space<vmem>>) target(%dma_start3A_586 : memref<10112x128xf32, #tpu.memory_space<vmem_shared>>) offsets(%dma_start3A_583 : memref<80xi32, #tpu.memory_space<vmem>>) semaphore(%run_scoped3A_580 : memref<!tpu.dma_semaphore, #tpu.memory_space<semaphore_mem>>) {add = true}
        %dma_wait3A_587 = arith.constant 0 : i32
        %dma_wait3A_588 = tpu.memref_slice %arg7[%add3A_579, %dma_wait3A_587] : memref<125x80xi32, #tpu.memory_space<vmem>> -> memref<1x80xi32, #tpu.memory_space<vmem>>
        %dma_wait3A_589 = tpu.memref_squeeze %dma_wait3A_588 : memref<1x80xi32, #tpu.memory_space<vmem>> -> memref<80xi32, #tpu.memory_space<vmem>>
        %dma_wait3A_590 = arith.constant 0 : i32
        %dma_wait3A_591 = arith.constant 0 : i32
        %dma_wait3A_592 = tpu.memref_slice %arg12[%dma_wait3A_590, %dma_wait3A_591] : memref<10112x128xf32, #tpu.memory_space<vmem_shared>> -> memref<10112x128xf32, #tpu.memory_space<vmem_shared>>
        tpu.wait_indirect_dma semaphore(%run_scoped3A_580 : memref<!tpu.dma_semaphore, #tpu.memory_space<semaphore_mem>>) src(%arg9 : memref<80x128xf32, #tpu.memory_space<vmem>>) dst(%dma_wait3A_592 : memref<10112x128xf32, #tpu.memory_space<vmem_shared>>)
        tpu.yield
      }) : () -> ()
    }
    %scan3A_154 = arith.constant 62 : i32
    %dma_wait3A_155 = arith.constant 9920 : i32
    %dma_wait3A_156 = tpu.memref_slice %arg6[%dma_wait3A_155] : memref<10000xi32, #tpu.memory_space<vmem>> -> memref<80xi32, #tpu.memory_space<vmem>>
    %dma_wait3A_157 = arith.constant 0 : i32
    %dma_wait3A_158 = arith.constant 0 : i32
    %dma_wait3A_159 = tpu.memref_slice %arg4[%dma_wait3A_157, %dma_wait3A_158] : memref<10000x128xf32, #tpu.memory_space<hbm>> -> memref<10000x128xf32, #tpu.memory_space<hbm>>
    tpu.wait_indirect_dma semaphore(%arg10 : memref<!tpu.dma_semaphore, #tpu.memory_space<semaphore_mem>>) src(%dma_wait3A_159 : memref<10000x128xf32, #tpu.memory_space<hbm>>) dst(%arg8 : memref<80x128xf32, #tpu.memory_space<vmem>>)
    %run_scoped3A = arith.constant 124 : i32
    "tpu.region"() ({
      %run_scoped3A_545 = tpu.sem_alloc : memref<!tpu.dma_semaphore, #tpu.memory_space<semaphore_mem>>
      %dma_start3A_546 = arith.constant 0 : i32
      %dma_start3A_547 = tpu.memref_slice %arg7[%run_scoped3A, %dma_start3A_546] : memref<125x80xi32, #tpu.memory_space<vmem>> -> memref<1x80xi32, #tpu.memory_space<vmem>>
      %dma_start3A_548 = tpu.memref_squeeze %dma_start3A_547 : memref<1x80xi32, #tpu.memory_space<vmem>> -> memref<80xi32, #tpu.memory_space<vmem>>
      %dma_start3A_549 = arith.constant 0 : i32
      %dma_start3A_550 = arith.constant 0 : i32
      %dma_start3A_551 = tpu.memref_slice %arg12[%dma_start3A_549, %dma_start3A_550] : memref<10112x128xf32, #tpu.memory_space<vmem_shared>> -> memref<10112x128xf32, #tpu.memory_space<vmem_shared>>
      tpu.enqueue_indirect_dma source(%arg8 : memref<80x128xf32, #tpu.memory_space<vmem>>) target(%dma_start3A_551 : memref<10112x128xf32, #tpu.memory_space<vmem_shared>>) offsets(%dma_start3A_548 : memref<80xi32, #tpu.memory_space<vmem>>) semaphore(%run_scoped3A_545 : memref<!tpu.dma_semaphore, #tpu.memory_space<semaphore_mem>>) {add = true}
      %dma_wait3A_552 = arith.constant 0 : i32
      %dma_wait3A_553 = tpu.memref_slice %arg7[%run_scoped3A, %dma_wait3A_552] : memref<125x80xi32, #tpu.memory_space<vmem>> -> memref<1x80xi32, #tpu.memory_space<vmem>>
      %dma_wait3A_554 = tpu.memref_squeeze %dma_wait3A_553 : memref<1x80xi32, #tpu.memory_space<vmem>> -> memref<80xi32, #tpu.memory_space<vmem>>
      %dma_wait3A_555 = arith.constant 0 : i32
      %dma_wait3A_556 = arith.constant 0 : i32
      %dma_wait3A_557 = tpu.memref_slice %arg12[%dma_wait3A_555, %dma_wait3A_556] : memref<10112x128xf32, #tpu.memory_space<vmem_shared>> -> memref<10112x128xf32, #tpu.memory_space<vmem_shared>>
      tpu.wait_indirect_dma semaphore(%run_scoped3A_545 : memref<!tpu.dma_semaphore, #tpu.memory_space<semaphore_mem>>) src(%arg8 : memref<80x128xf32, #tpu.memory_space<vmem>>) dst(%dma_wait3A_557 : memref<10112x128xf32, #tpu.memory_space<vmem_shared>>)
      tpu.yield
    }) : () -> ()
    %barrier3A_160 = arith.constant 0 : index
    tpu.barrier barrier_id(%barrier3A_160)
    %mul3A_161 = arith.constant 632 : i32
    %mul3A_162 = arith.muli %arg1, %mul3A_161 : i32
    %add3A_163 = arith.constant 0 : i32
    %add3A_164 = arith.addi %mul3A_162, %add3A_163 : i32
    "tpu.region"() ({
      %run_scoped3A_545 = tpu.sem_alloc : memref<!tpu.dma_semaphore, #tpu.memory_space<semaphore_mem>>
      %dma_start3A_546 = arith.constant 0 : i32
      %dma_start3A_547 = arith.constant 0 : i32
      %dma_start3A_548 = tpu.memref_slice %arg8[%dma_start3A_546, %dma_start3A_547] : memref<80x128xf32, #tpu.memory_space<vmem>> -> memref<80x128xf32, #tpu.memory_space<vmem>>
      %dma_start3A_549 = arith.constant 0 : i32
      %dma_start3A_550 = tpu.memref_slice %arg12[%add3A_164, %dma_start3A_549] : memref<10112x128xf32, #tpu.memory_space<vmem_shared>> -> memref<80x128xf32, #tpu.memory_space<vmem_shared>>
      %dma_start3A_551 = arith.constant 0 : i32
      %dma_start3A_552 = arith.constant 0 : i32
      %dma_start3A_553 = tpu.memref_slice %arg8[%dma_start3A_551, %dma_start3A_552] : memref<80x128xf32, #tpu.memory_space<vmem>> -> memref<80x128xf32, #tpu.memory_space<vmem>>
      %dma_start3A_554 = arith.constant 0 : i32
      %dma_start3A_555 = tpu.memref_slice %arg12[%add3A_164, %dma_start3A_554] : memref<10112x128xf32, #tpu.memory_space<vmem_shared>> -> memref<80x128xf32, #tpu.memory_space<vmem_shared>>
      tpu.enqueue_dma source(%dma_start3A_555 : memref<80x128xf32, #tpu.memory_space<vmem_shared>>) target(%dma_start3A_553 : memref<80x128xf32, #tpu.memory_space<vmem>>) target_semaphore(%run_scoped3A_545 : memref<!tpu.dma_semaphore, #tpu.memory_space<semaphore_mem>>)
      %dma_wait3A_556 = arith.constant 0 : i32
      %dma_wait3A_557 = arith.constant 0 : i32
      %dma_wait3A_558 = tpu.memref_slice %arg8[%dma_wait3A_556, %dma_wait3A_557] : memref<80x128xf32, #tpu.memory_space<vmem>> -> memref<80x128xf32, #tpu.memory_space<vmem>>
      %dma_wait3A_559 = arith.constant 0 : i32
      %dma_wait3A_560 = tpu.memref_slice %arg12[%add3A_164, %dma_wait3A_559] : memref<10112x128xf32, #tpu.memory_space<vmem_shared>> -> memref<80x128xf32, #tpu.memory_space<vmem_shared>>
      %dma_wait3A_561 = arith.constant 0 : i32
      %dma_wait3A_562 = arith.constant 0 : i32
      %dma_wait3A_563 = tpu.memref_slice %arg8[%dma_wait3A_561, %dma_wait3A_562] : memref<80x128xf32, #tpu.memory_space<vmem>> -> memref<80x128xf32, #tpu.memory_space<vmem>>
      %dma_wait3A_564 = arith.constant 0 : i32
      %dma_wait3A_565 = tpu.memref_slice %arg12[%add3A_164, %dma_wait3A_564] : memref<10112x128xf32, #tpu.memory_space<vmem_shared>> -> memref<80x128xf32, #tpu.memory_space<vmem_shared>>
      tpu.wait_dma2 semaphore(%run_scoped3A_545 : memref<!tpu.dma_semaphore, #tpu.memory_space<semaphore_mem>>) src(%dma_wait3A_565 : memref<80x128xf32, #tpu.memory_space<vmem_shared>>) dst(%dma_wait3A_563 : memref<80x128xf32, #tpu.memory_space<vmem>>)
      tpu.yield
    }) : () -> ()
    %mul3A_165 = arith.constant 632 : i32
    %mul3A_166 = arith.muli %arg1, %mul3A_165 : i32
    %add3A_167 = arith.constant 0 : i32
    %add3A_168 = arith.addi %mul3A_166, %add3A_167 : i32
    %dma_start3A_169 = arith.constant 0 : i32
    %dma_start3A_170 = arith.constant 0 : i32
    %dma_start3A_171 = tpu.memref_slice %arg8[%dma_start3A_169, %dma_start3A_170] : memref<80x128xf32, #tpu.memory_space<vmem>> -> memref<80x128xf32, #tpu.memory_space<vmem>>
    %dma_start3A_172 = arith.constant 0 : i32
    %dma_start3A_173 = arith.constant 0 : i32
    %dma_start3A_174 = tpu.memref_slice %arg5[%arg0, %dma_start3A_172, %dma_start3A_173] : memref<2x10112x128xf32, #tpu.memory_space<hbm>> -> memref<1x10112x128xf32, #tpu.memory_space<hbm>>
    %dma_start3A_175 = tpu.memref_squeeze %dma_start3A_174 : memref<1x10112x128xf32, #tpu.memory_space<hbm>> -> memref<10112x128xf32, #tpu.memory_space<hbm>>
    %dma_start3A_176 = arith.constant 0 : i32
    %dma_start3A_177 = tpu.memref_slice %dma_start3A_175[%add3A_168, %dma_start3A_176] : memref<10112x128xf32, #tpu.memory_space<hbm>> -> memref<80x128xf32, #tpu.memory_space<hbm>>
    %dma_start3A_178 = arith.constant 0 : i32
    %dma_start3A_179 = arith.constant 0 : i32
    %dma_start3A_180 = tpu.memref_slice %arg5[%arg0, %dma_start3A_178, %dma_start3A_179] : memref<2x10112x128xf32, #tpu.memory_space<hbm>> -> memref<1x10112x128xf32, #tpu.memory_space<hbm>>
    %dma_start3A_181 = tpu.memref_squeeze %dma_start3A_180 : memref<1x10112x128xf32, #tpu.memory_space<hbm>> -> memref<10112x128xf32, #tpu.memory_space<hbm>>
    %dma_start3A_182 = arith.constant 0 : i32
    %dma_start3A_183 = tpu.memref_slice %dma_start3A_181[%add3A_168, %dma_start3A_182] : memref<10112x128xf32, #tpu.memory_space<hbm>> -> memref<80x128xf32, #tpu.memory_space<hbm>>
    %dma_start3A_184 = arith.constant 0 : i32
    %dma_start3A_185 = arith.constant 0 : i32
    %dma_start3A_186 = tpu.memref_slice %arg8[%dma_start3A_184, %dma_start3A_185] : memref<80x128xf32, #tpu.memory_space<vmem>> -> memref<80x128xf32, #tpu.memory_space<vmem>>
    tpu.enqueue_dma source(%dma_start3A_186 : memref<80x128xf32, #tpu.memory_space<vmem>>) target(%dma_start3A_183 : memref<80x128xf32, #tpu.memory_space<hbm>>) target_semaphore(%arg10 : memref<!tpu.dma_semaphore, #tpu.memory_space<semaphore_mem>>)
    %mul3A_187 = arith.constant 632 : i32
    %mul3A_188 = arith.muli %arg1, %mul3A_187 : i32
    %add3A_189 = arith.constant 80 : i32
    %add3A_190 = arith.addi %mul3A_188, %add3A_189 : i32
    "tpu.region"() ({
      %run_scoped3A_545 = tpu.sem_alloc : memref<!tpu.dma_semaphore, #tpu.memory_space<semaphore_mem>>
      %dma_start3A_546 = arith.constant 0 : i32
      %dma_start3A_547 = arith.constant 0 : i32
      %dma_start3A_548 = tpu.memref_slice %arg9[%dma_start3A_546, %dma_start3A_547] : memref<80x128xf32, #tpu.memory_space<vmem>> -> memref<80x128xf32, #tpu.memory_space<vmem>>
      %dma_start3A_549 = arith.constant 0 : i32
      %dma_start3A_550 = tpu.memref_slice %arg12[%add3A_190, %dma_start3A_549] : memref<10112x128xf32, #tpu.memory_space<vmem_shared>> -> memref<80x128xf32, #tpu.memory_space<vmem_shared>>
      %dma_start3A_551 = arith.constant 0 : i32
      %dma_start3A_552 = arith.constant 0 : i32
      %dma_start3A_553 = tpu.memref_slice %arg9[%dma_start3A_551, %dma_start3A_552] : memref<80x128xf32, #tpu.memory_space<vmem>> -> memref<80x128xf32, #tpu.memory_space<vmem>>
      %dma_start3A_554 = arith.constant 0 : i32
      %dma_start3A_555 = tpu.memref_slice %arg12[%add3A_190, %dma_start3A_554] : memref<10112x128xf32, #tpu.memory_space<vmem_shared>> -> memref<80x128xf32, #tpu.memory_space<vmem_shared>>
      tpu.enqueue_dma source(%dma_start3A_555 : memref<80x128xf32, #tpu.memory_space<vmem_shared>>) target(%dma_start3A_553 : memref<80x128xf32, #tpu.memory_space<vmem>>) target_semaphore(%run_scoped3A_545 : memref<!tpu.dma_semaphore, #tpu.memory_space<semaphore_mem>>)
      %dma_wait3A_556 = arith.constant 0 : i32
      %dma_wait3A_557 = arith.constant 0 : i32
      %dma_wait3A_558 = tpu.memref_slice %arg9[%dma_wait3A_556, %dma_wait3A_557] : memref<80x128xf32, #tpu.memory_space<vmem>> -> memref<80x128xf32, #tpu.memory_space<vmem>>
      %dma_wait3A_559 = arith.constant 0 : i32
      %dma_wait3A_560 = tpu.memref_slice %arg12[%add3A_190, %dma_wait3A_559] : memref<10112x128xf32, #tpu.memory_space<vmem_shared>> -> memref<80x128xf32, #tpu.memory_space<vmem_shared>>
      %dma_wait3A_561 = arith.constant 0 : i32
      %dma_wait3A_562 = arith.constant 0 : i32
      %dma_wait3A_563 = tpu.memref_slice %arg9[%dma_wait3A_561, %dma_wait3A_562] : memref<80x128xf32, #tpu.memory_space<vmem>> -> memref<80x128xf32, #tpu.memory_space<vmem>>
      %dma_wait3A_564 = arith.constant 0 : i32
      %dma_wait3A_565 = tpu.memref_slice %arg12[%add3A_190, %dma_wait3A_564] : memref<10112x128xf32, #tpu.memory_space<vmem_shared>> -> memref<80x128xf32, #tpu.memory_space<vmem_shared>>
      tpu.wait_dma2 semaphore(%run_scoped3A_545 : memref<!tpu.dma_semaphore, #tpu.memory_space<semaphore_mem>>) src(%dma_wait3A_565 : memref<80x128xf32, #tpu.memory_space<vmem_shared>>) dst(%dma_wait3A_563 : memref<80x128xf32, #tpu.memory_space<vmem>>)
      tpu.yield
    }) : () -> ()
    %mul3A_191 = arith.constant 632 : i32
    %mul3A_192 = arith.muli %arg1, %mul3A_191 : i32
    %add3A_193 = arith.constant 80 : i32
    %add3A_194 = arith.addi %mul3A_192, %add3A_193 : i32
    %dma_start3A_195 = arith.constant 0 : i32
    %dma_start3A_196 = arith.constant 0 : i32
    %dma_start3A_197 = tpu.memref_slice %arg9[%dma_start3A_195, %dma_start3A_196] : memref<80x128xf32, #tpu.memory_space<vmem>> -> memref<80x128xf32, #tpu.memory_space<vmem>>
    %dma_start3A_198 = arith.constant 0 : i32
    %dma_start3A_199 = arith.constant 0 : i32
    %dma_start3A_200 = tpu.memref_slice %arg5[%arg0, %dma_start3A_198, %dma_start3A_199] : memref<2x10112x128xf32, #tpu.memory_space<hbm>> -> memref<1x10112x128xf32, #tpu.memory_space<hbm>>
    %dma_start3A_201 = tpu.memref_squeeze %dma_start3A_200 : memref<1x10112x128xf32, #tpu.memory_space<hbm>> -> memref<10112x128xf32, #tpu.memory_space<hbm>>
    %dma_start3A_202 = arith.constant 0 : i32
    %dma_start3A_203 = tpu.memref_slice %dma_start3A_201[%add3A_194, %dma_start3A_202] : memref<10112x128xf32, #tpu.memory_space<hbm>> -> memref<80x128xf32, #tpu.memory_space<hbm>>
    %dma_start3A_204 = arith.constant 0 : i32
    %dma_start3A_205 = arith.constant 0 : i32
    %dma_start3A_206 = tpu.memref_slice %arg5[%arg0, %dma_start3A_204, %dma_start3A_205] : memref<2x10112x128xf32, #tpu.memory_space<hbm>> -> memref<1x10112x128xf32, #tpu.memory_space<hbm>>
    %dma_start3A_207 = tpu.memref_squeeze %dma_start3A_206 : memref<1x10112x128xf32, #tpu.memory_space<hbm>> -> memref<10112x128xf32, #tpu.memory_space<hbm>>
    %dma_start3A_208 = arith.constant 0 : i32
    %dma_start3A_209 = tpu.memref_slice %dma_start3A_207[%add3A_194, %dma_start3A_208] : memref<10112x128xf32, #tpu.memory_space<hbm>> -> memref<80x128xf32, #tpu.memory_space<hbm>>
    %dma_start3A_210 = arith.constant 0 : i32
    %dma_start3A_211 = arith.constant 0 : i32
    %dma_start3A_212 = tpu.memref_slice %arg9[%dma_start3A_210, %dma_start3A_211] : memref<80x128xf32, #tpu.memory_space<vmem>> -> memref<80x128xf32, #tpu.memory_space<vmem>>
    tpu.enqueue_dma source(%dma_start3A_212 : memref<80x128xf32, #tpu.memory_space<vmem>>) target(%dma_start3A_209 : memref<80x128xf32, #tpu.memory_space<hbm>>) target_semaphore(%arg11 : memref<!tpu.dma_semaphore, #tpu.memory_space<semaphore_mem>>)
    %mul3A_213 = arith.constant 632 : i32
    %mul3A_214 = arith.muli %arg1, %mul3A_213 : i32
    %add3A_215 = arith.constant 0 : i32
    %add3A_216 = arith.addi %mul3A_214, %add3A_215 : i32
    %dma_wait3A_217 = arith.constant 0 : i32
    %dma_wait3A_218 = arith.constant 0 : i32
    %dma_wait3A_219 = tpu.memref_slice %arg8[%dma_wait3A_217, %dma_wait3A_218] : memref<80x128xf32, #tpu.memory_space<vmem>> -> memref<80x128xf32, #tpu.memory_space<vmem>>
    %dma_wait3A_220 = arith.constant 0 : i32
    %dma_wait3A_221 = arith.constant 0 : i32
    %dma_wait3A_222 = tpu.memref_slice %arg5[%arg0, %dma_wait3A_220, %dma_wait3A_221] : memref<2x10112x128xf32, #tpu.memory_space<hbm>> -> memref<1x10112x128xf32, #tpu.memory_space<hbm>>
    %dma_wait3A_223 = tpu.memref_squeeze %dma_wait3A_222 : memref<1x10112x128xf32, #tpu.memory_space<hbm>> -> memref<10112x128xf32, #tpu.memory_space<hbm>>
    %dma_wait3A_224 = arith.constant 0 : i32
    %dma_wait3A_225 = tpu.memref_slice %dma_wait3A_223[%add3A_216, %dma_wait3A_224] : memref<10112x128xf32, #tpu.memory_space<hbm>> -> memref<80x128xf32, #tpu.memory_space<hbm>>
    %dma_wait3A_226 = arith.constant 0 : i32
    %dma_wait3A_227 = arith.constant 0 : i32
    %dma_wait3A_228 = tpu.memref_slice %arg5[%arg0, %dma_wait3A_226, %dma_wait3A_227] : memref<2x10112x128xf32, #tpu.memory_space<hbm>> -> memref<1x10112x128xf32, #tpu.memory_space<hbm>>
    %dma_wait3A_229 = tpu.memref_squeeze %dma_wait3A_228 : memref<1x10112x128xf32, #tpu.memory_space<hbm>> -> memref<10112x128xf32, #tpu.memory_space<hbm>>
    %dma_wait3A_230 = arith.constant 0 : i32
    %dma_wait3A_231 = tpu.memref_slice %dma_wait3A_229[%add3A_216, %dma_wait3A_230] : memref<10112x128xf32, #tpu.memory_space<hbm>> -> memref<80x128xf32, #tpu.memory_space<hbm>>
    %dma_wait3A_232 = arith.constant 0 : i32
    %dma_wait3A_233 = arith.constant 0 : i32
    %dma_wait3A_234 = tpu.memref_slice %arg8[%dma_wait3A_232, %dma_wait3A_233] : memref<80x128xf32, #tpu.memory_space<vmem>> -> memref<80x128xf32, #tpu.memory_space<vmem>>
    tpu.wait_dma2 semaphore(%arg10 : memref<!tpu.dma_semaphore, #tpu.memory_space<semaphore_mem>>) src(%dma_wait3A_234 : memref<80x128xf32, #tpu.memory_space<vmem>>) dst(%dma_wait3A_231 : memref<80x128xf32, #tpu.memory_space<hbm>>)
    %mul3A_235 = arith.constant 632 : i32
    %mul3A_236 = arith.muli %arg1, %mul3A_235 : i32
    %add3A_237 = arith.constant 160 : i32
    %add3A_238 = arith.addi %mul3A_236, %add3A_237 : i32
    "tpu.region"() ({
      %run_scoped3A_545 = tpu.sem_alloc : memref<!tpu.dma_semaphore, #tpu.memory_space<semaphore_mem>>
      %dma_start3A_546 = arith.constant 0 : i32
      %dma_start3A_547 = arith.constant 0 : i32
      %dma_start3A_548 = tpu.memref_slice %arg8[%dma_start3A_546, %dma_start3A_547] : memref<80x128xf32, #tpu.memory_space<vmem>> -> memref<80x128xf32, #tpu.memory_space<vmem>>
      %dma_start3A_549 = arith.constant 0 : i32
      %dma_start3A_550 = tpu.memref_slice %arg12[%add3A_238, %dma_start3A_549] : memref<10112x128xf32, #tpu.memory_space<vmem_shared>> -> memref<80x128xf32, #tpu.memory_space<vmem_shared>>
      %dma_start3A_551 = arith.constant 0 : i32
      %dma_start3A_552 = arith.constant 0 : i32
      %dma_start3A_553 = tpu.memref_slice %arg8[%dma_start3A_551, %dma_start3A_552] : memref<80x128xf32, #tpu.memory_space<vmem>> -> memref<80x128xf32, #tpu.memory_space<vmem>>
      %dma_start3A_554 = arith.constant 0 : i32
      %dma_start3A_555 = tpu.memref_slice %arg12[%add3A_238, %dma_start3A_554] : memref<10112x128xf32, #tpu.memory_space<vmem_shared>> -> memref<80x128xf32, #tpu.memory_space<vmem_shared>>
      tpu.enqueue_dma source(%dma_start3A_555 : memref<80x128xf32, #tpu.memory_space<vmem_shared>>) target(%dma_start3A_553 : memref<80x128xf32, #tpu.memory_space<vmem>>) target_semaphore(%run_scoped3A_545 : memref<!tpu.dma_semaphore, #tpu.memory_space<semaphore_mem>>)
      %dma_wait3A_556 = arith.constant 0 : i32
      %dma_wait3A_557 = arith.constant 0 : i32
      %dma_wait3A_558 = tpu.memref_slice %arg8[%dma_wait3A_556, %dma_wait3A_557] : memref<80x128xf32, #tpu.memory_space<vmem>> -> memref<80x128xf32, #tpu.memory_space<vmem>>
      %dma_wait3A_559 = arith.constant 0 : i32
      %dma_wait3A_560 = tpu.memref_slice %arg12[%add3A_238, %dma_wait3A_559] : memref<10112x128xf32, #tpu.memory_space<vmem_shared>> -> memref<80x128xf32, #tpu.memory_space<vmem_shared>>
      %dma_wait3A_561 = arith.constant 0 : i32
      %dma_wait3A_562 = arith.constant 0 : i32
      %dma_wait3A_563 = tpu.memref_slice %arg8[%dma_wait3A_561, %dma_wait3A_562] : memref<80x128xf32, #tpu.memory_space<vmem>> -> memref<80x128xf32, #tpu.memory_space<vmem>>
      %dma_wait3A_564 = arith.constant 0 : i32
      %dma_wait3A_565 = tpu.memref_slice %arg12[%add3A_238, %dma_wait3A_564] : memref<10112x128xf32, #tpu.memory_space<vmem_shared>> -> memref<80x128xf32, #tpu.memory_space<vmem_shared>>
      tpu.wait_dma2 semaphore(%run_scoped3A_545 : memref<!tpu.dma_semaphore, #tpu.memory_space<semaphore_mem>>) src(%dma_wait3A_565 : memref<80x128xf32, #tpu.memory_space<vmem_shared>>) dst(%dma_wait3A_563 : memref<80x128xf32, #tpu.memory_space<vmem>>)
      tpu.yield
    }) : () -> ()
    %mul3A_239 = arith.constant 632 : i32
    %mul3A_240 = arith.muli %arg1, %mul3A_239 : i32
    %add3A_241 = arith.constant 160 : i32
    %add3A_242 = arith.addi %mul3A_240, %add3A_241 : i32
    %dma_start3A_243 = arith.constant 0 : i32
    %dma_start3A_244 = arith.constant 0 : i32
    %dma_start3A_245 = tpu.memref_slice %arg8[%dma_start3A_243, %dma_start3A_244] : memref<80x128xf32, #tpu.memory_space<vmem>> -> memref<80x128xf32, #tpu.memory_space<vmem>>
    %dma_start3A_246 = arith.constant 0 : i32
    %dma_start3A_247 = arith.constant 0 : i32
    %dma_start3A_248 = tpu.memref_slice %arg5[%arg0, %dma_start3A_246, %dma_start3A_247] : memref<2x10112x128xf32, #tpu.memory_space<hbm>> -> memref<1x10112x128xf32, #tpu.memory_space<hbm>>
    %dma_start3A_249 = tpu.memref_squeeze %dma_start3A_248 : memref<1x10112x128xf32, #tpu.memory_space<hbm>> -> memref<10112x128xf32, #tpu.memory_space<hbm>>
    %dma_start3A_250 = arith.constant 0 : i32
    %dma_start3A_251 = tpu.memref_slice %dma_start3A_249[%add3A_242, %dma_start3A_250] : memref<10112x128xf32, #tpu.memory_space<hbm>> -> memref<80x128xf32, #tpu.memory_space<hbm>>
    %dma_start3A_252 = arith.constant 0 : i32
    %dma_start3A_253 = arith.constant 0 : i32
    %dma_start3A_254 = tpu.memref_slice %arg5[%arg0, %dma_start3A_252, %dma_start3A_253] : memref<2x10112x128xf32, #tpu.memory_space<hbm>> -> memref<1x10112x128xf32, #tpu.memory_space<hbm>>
    %dma_start3A_255 = tpu.memref_squeeze %dma_start3A_254 : memref<1x10112x128xf32, #tpu.memory_space<hbm>> -> memref<10112x128xf32, #tpu.memory_space<hbm>>
    %dma_start3A_256 = arith.constant 0 : i32
    %dma_start3A_257 = tpu.memref_slice %dma_start3A_255[%add3A_242, %dma_start3A_256] : memref<10112x128xf32, #tpu.memory_space<hbm>> -> memref<80x128xf32, #tpu.memory_space<hbm>>
    %dma_start3A_258 = arith.constant 0 : i32
    %dma_start3A_259 = arith.constant 0 : i32
    %dma_start3A_260 = tpu.memref_slice %arg8[%dma_start3A_258, %dma_start3A_259] : memref<80x128xf32, #tpu.memory_space<vmem>> -> memref<80x128xf32, #tpu.memory_space<vmem>>
    tpu.enqueue_dma source(%dma_start3A_260 : memref<80x128xf32, #tpu.memory_space<vmem>>) target(%dma_start3A_257 : memref<80x128xf32, #tpu.memory_space<hbm>>) target_semaphore(%arg10 : memref<!tpu.dma_semaphore, #tpu.memory_space<semaphore_mem>>)
    %mul3A_261 = arith.constant 632 : i32
    %mul3A_262 = arith.muli %arg1, %mul3A_261 : i32
    %add3A_263 = arith.constant 80 : i32
    %add3A_264 = arith.addi %mul3A_262, %add3A_263 : i32
    %dma_wait3A_265 = arith.constant 0 : i32
    %dma_wait3A_266 = arith.constant 0 : i32
    %dma_wait3A_267 = tpu.memref_slice %arg9[%dma_wait3A_265, %dma_wait3A_266] : memref<80x128xf32, #tpu.memory_space<vmem>> -> memref<80x128xf32, #tpu.memory_space<vmem>>
    %dma_wait3A_268 = arith.constant 0 : i32
    %dma_wait3A_269 = arith.constant 0 : i32
    %dma_wait3A_270 = tpu.memref_slice %arg5[%arg0, %dma_wait3A_268, %dma_wait3A_269] : memref<2x10112x128xf32, #tpu.memory_space<hbm>> -> memref<1x10112x128xf32, #tpu.memory_space<hbm>>
    %dma_wait3A_271 = tpu.memref_squeeze %dma_wait3A_270 : memref<1x10112x128xf32, #tpu.memory_space<hbm>> -> memref<10112x128xf32, #tpu.memory_space<hbm>>
    %dma_wait3A_272 = arith.constant 0 : i32
    %dma_wait3A_273 = tpu.memref_slice %dma_wait3A_271[%add3A_264, %dma_wait3A_272] : memref<10112x128xf32, #tpu.memory_space<hbm>> -> memref<80x128xf32, #tpu.memory_space<hbm>>
    %dma_wait3A_274 = arith.constant 0 : i32
    %dma_wait3A_275 = arith.constant 0 : i32
    %dma_wait3A_276 = tpu.memref_slice %arg5[%arg0, %dma_wait3A_274, %dma_wait3A_275] : memref<2x10112x128xf32, #tpu.memory_space<hbm>> -> memref<1x10112x128xf32, #tpu.memory_space<hbm>>
    %dma_wait3A_277 = tpu.memref_squeeze %dma_wait3A_276 : memref<1x10112x128xf32, #tpu.memory_space<hbm>> -> memref<10112x128xf32, #tpu.memory_space<hbm>>
    %dma_wait3A_278 = arith.constant 0 : i32
    %dma_wait3A_279 = tpu.memref_slice %dma_wait3A_277[%add3A_264, %dma_wait3A_278] : memref<10112x128xf32, #tpu.memory_space<hbm>> -> memref<80x128xf32, #tpu.memory_space<hbm>>
    %dma_wait3A_280 = arith.constant 0 : i32
    %dma_wait3A_281 = arith.constant 0 : i32
    %dma_wait3A_282 = tpu.memref_slice %arg9[%dma_wait3A_280, %dma_wait3A_281] : memref<80x128xf32, #tpu.memory_space<vmem>> -> memref<80x128xf32, #tpu.memory_space<vmem>>
    tpu.wait_dma2 semaphore(%arg11 : memref<!tpu.dma_semaphore, #tpu.memory_space<semaphore_mem>>) src(%dma_wait3A_282 : memref<80x128xf32, #tpu.memory_space<vmem>>) dst(%dma_wait3A_279 : memref<80x128xf32, #tpu.memory_space<hbm>>)
    %mul3A_283 = arith.constant 632 : i32
    %mul3A_284 = arith.muli %arg1, %mul3A_283 : i32
    %add3A_285 = arith.constant 240 : i32
    %add3A_286 = arith.addi %mul3A_284, %add3A_285 : i32
    "tpu.region"() ({
      %run_scoped3A_545 = tpu.sem_alloc : memref<!tpu.dma_semaphore, #tpu.memory_space<semaphore_mem>>
      %dma_start3A_546 = arith.constant 0 : i32
      %dma_start3A_547 = arith.constant 0 : i32
      %dma_start3A_548 = tpu.memref_slice %arg9[%dma_start3A_546, %dma_start3A_547] : memref<80x128xf32, #tpu.memory_space<vmem>> -> memref<80x128xf32, #tpu.memory_space<vmem>>
      %dma_start3A_549 = arith.constant 0 : i32
      %dma_start3A_550 = tpu.memref_slice %arg12[%add3A_286, %dma_start3A_549] : memref<10112x128xf32, #tpu.memory_space<vmem_shared>> -> memref<80x128xf32, #tpu.memory_space<vmem_shared>>
      %dma_start3A_551 = arith.constant 0 : i32
      %dma_start3A_552 = arith.constant 0 : i32
      %dma_start3A_553 = tpu.memref_slice %arg9[%dma_start3A_551, %dma_start3A_552] : memref<80x128xf32, #tpu.memory_space<vmem>> -> memref<80x128xf32, #tpu.memory_space<vmem>>
      %dma_start3A_554 = arith.constant 0 : i32
      %dma_start3A_555 = tpu.memref_slice %arg12[%add3A_286, %dma_start3A_554] : memref<10112x128xf32, #tpu.memory_space<vmem_shared>> -> memref<80x128xf32, #tpu.memory_space<vmem_shared>>
      tpu.enqueue_dma source(%dma_start3A_555 : memref<80x128xf32, #tpu.memory_space<vmem_shared>>) target(%dma_start3A_553 : memref<80x128xf32, #tpu.memory_space<vmem>>) target_semaphore(%run_scoped3A_545 : memref<!tpu.dma_semaphore, #tpu.memory_space<semaphore_mem>>)
      %dma_wait3A_556 = arith.constant 0 : i32
      %dma_wait3A_557 = arith.constant 0 : i32
      %dma_wait3A_558 = tpu.memref_slice %arg9[%dma_wait3A_556, %dma_wait3A_557] : memref<80x128xf32, #tpu.memory_space<vmem>> -> memref<80x128xf32, #tpu.memory_space<vmem>>
      %dma_wait3A_559 = arith.constant 0 : i32
      %dma_wait3A_560 = tpu.memref_slice %arg12[%add3A_286, %dma_wait3A_559] : memref<10112x128xf32, #tpu.memory_space<vmem_shared>> -> memref<80x128xf32, #tpu.memory_space<vmem_shared>>
      %dma_wait3A_561 = arith.constant 0 : i32
      %dma_wait3A_562 = arith.constant 0 : i32
      %dma_wait3A_563 = tpu.memref_slice %arg9[%dma_wait3A_561, %dma_wait3A_562] : memref<80x128xf32, #tpu.memory_space<vmem>> -> memref<80x128xf32, #tpu.memory_space<vmem>>
      %dma_wait3A_564 = arith.constant 0 : i32
      %dma_wait3A_565 = tpu.memref_slice %arg12[%add3A_286, %dma_wait3A_564] : memref<10112x128xf32, #tpu.memory_space<vmem_shared>> -> memref<80x128xf32, #tpu.memory_space<vmem_shared>>
      tpu.wait_dma2 semaphore(%run_scoped3A_545 : memref<!tpu.dma_semaphore, #tpu.memory_space<semaphore_mem>>) src(%dma_wait3A_565 : memref<80x128xf32, #tpu.memory_space<vmem_shared>>) dst(%dma_wait3A_563 : memref<80x128xf32, #tpu.memory_space<vmem>>)
      tpu.yield
    }) : () -> ()
    %mul3A_287 = arith.constant 632 : i32
    %mul3A_288 = arith.muli %arg1, %mul3A_287 : i32
    %add3A_289 = arith.constant 240 : i32
    %add3A_290 = arith.addi %mul3A_288, %add3A_289 : i32
    %dma_start3A_291 = arith.constant 0 : i32
    %dma_start3A_292 = arith.constant 0 : i32
    %dma_start3A_293 = tpu.memref_slice %arg9[%dma_start3A_291, %dma_start3A_292] : memref<80x128xf32, #tpu.memory_space<vmem>> -> memref<80x128xf32, #tpu.memory_space<vmem>>
    %dma_start3A_294 = arith.constant 0 : i32
    %dma_start3A_295 = arith.constant 0 : i32
    %dma_start3A_296 = tpu.memref_slice %arg5[%arg0, %dma_start3A_294, %dma_start3A_295] : memref<2x10112x128xf32, #tpu.memory_space<hbm>> -> memref<1x10112x128xf32, #tpu.memory_space<hbm>>
    %dma_start3A_297 = tpu.memref_squeeze %dma_start3A_296 : memref<1x10112x128xf32, #tpu.memory_space<hbm>> -> memref<10112x128xf32, #tpu.memory_space<hbm>>
    %dma_start3A_298 = arith.constant 0 : i32
    %dma_start3A_299 = tpu.memref_slice %dma_start3A_297[%add3A_290, %dma_start3A_298] : memref<10112x128xf32, #tpu.memory_space<hbm>> -> memref<80x128xf32, #tpu.memory_space<hbm>>
    %dma_start3A_300 = arith.constant 0 : i32
    %dma_start3A_301 = arith.constant 0 : i32
    %dma_start3A_302 = tpu.memref_slice %arg5[%arg0, %dma_start3A_300, %dma_start3A_301] : memref<2x10112x128xf32, #tpu.memory_space<hbm>> -> memref<1x10112x128xf32, #tpu.memory_space<hbm>>
    %dma_start3A_303 = tpu.memref_squeeze %dma_start3A_302 : memref<1x10112x128xf32, #tpu.memory_space<hbm>> -> memref<10112x128xf32, #tpu.memory_space<hbm>>
    %dma_start3A_304 = arith.constant 0 : i32
    %dma_start3A_305 = tpu.memref_slice %dma_start3A_303[%add3A_290, %dma_start3A_304] : memref<10112x128xf32, #tpu.memory_space<hbm>> -> memref<80x128xf32, #tpu.memory_space<hbm>>
    %dma_start3A_306 = arith.constant 0 : i32
    %dma_start3A_307 = arith.constant 0 : i32
    %dma_start3A_308 = tpu.memref_slice %arg9[%dma_start3A_306, %dma_start3A_307] : memref<80x128xf32, #tpu.memory_space<vmem>> -> memref<80x128xf32, #tpu.memory_space<vmem>>
    tpu.enqueue_dma source(%dma_start3A_308 : memref<80x128xf32, #tpu.memory_space<vmem>>) target(%dma_start3A_305 : memref<80x128xf32, #tpu.memory_space<hbm>>) target_semaphore(%arg11 : memref<!tpu.dma_semaphore, #tpu.memory_space<semaphore_mem>>)
    %mul3A_309 = arith.constant 632 : i32
    %mul3A_310 = arith.muli %arg1, %mul3A_309 : i32
    %add3A_311 = arith.constant 160 : i32
    %add3A_312 = arith.addi %mul3A_310, %add3A_311 : i32
    %dma_wait3A_313 = arith.constant 0 : i32
    %dma_wait3A_314 = arith.constant 0 : i32
    %dma_wait3A_315 = tpu.memref_slice %arg8[%dma_wait3A_313, %dma_wait3A_314] : memref<80x128xf32, #tpu.memory_space<vmem>> -> memref<80x128xf32, #tpu.memory_space<vmem>>
    %dma_wait3A_316 = arith.constant 0 : i32
    %dma_wait3A_317 = arith.constant 0 : i32
    %dma_wait3A_318 = tpu.memref_slice %arg5[%arg0, %dma_wait3A_316, %dma_wait3A_317] : memref<2x10112x128xf32, #tpu.memory_space<hbm>> -> memref<1x10112x128xf32, #tpu.memory_space<hbm>>
    %dma_wait3A_319 = tpu.memref_squeeze %dma_wait3A_318 : memref<1x10112x128xf32, #tpu.memory_space<hbm>> -> memref<10112x128xf32, #tpu.memory_space<hbm>>
    %dma_wait3A_320 = arith.constant 0 : i32
    %dma_wait3A_321 = tpu.memref_slice %dma_wait3A_319[%add3A_312, %dma_wait3A_320] : memref<10112x128xf32, #tpu.memory_space<hbm>> -> memref<80x128xf32, #tpu.memory_space<hbm>>
    %dma_wait3A_322 = arith.constant 0 : i32
    %dma_wait3A_323 = arith.constant 0 : i32
    %dma_wait3A_324 = tpu.memref_slice %arg5[%arg0, %dma_wait3A_322, %dma_wait3A_323] : memref<2x10112x128xf32, #tpu.memory_space<hbm>> -> memref<1x10112x128xf32, #tpu.memory_space<hbm>>
    %dma_wait3A_325 = tpu.memref_squeeze %dma_wait3A_324 : memref<1x10112x128xf32, #tpu.memory_space<hbm>> -> memref<10112x128xf32, #tpu.memory_space<hbm>>
    %dma_wait3A_326 = arith.constant 0 : i32
    %dma_wait3A_327 = tpu.memref_slice %dma_wait3A_325[%add3A_312, %dma_wait3A_326] : memref<10112x128xf32, #tpu.memory_space<hbm>> -> memref<80x128xf32, #tpu.memory_space<hbm>>
    %dma_wait3A_328 = arith.constant 0 : i32
    %dma_wait3A_329 = arith.constant 0 : i32
    %dma_wait3A_330 = tpu.memref_slice %arg8[%dma_wait3A_328, %dma_wait3A_329] : memref<80x128xf32, #tpu.memory_space<vmem>> -> memref<80x128xf32, #tpu.memory_space<vmem>>
    tpu.wait_dma2 semaphore(%arg10 : memref<!tpu.dma_semaphore, #tpu.memory_space<semaphore_mem>>) src(%dma_wait3A_330 : memref<80x128xf32, #tpu.memory_space<vmem>>) dst(%dma_wait3A_327 : memref<80x128xf32, #tpu.memory_space<hbm>>)
    %mul3A_331 = arith.constant 632 : i32
    %mul3A_332 = arith.muli %arg1, %mul3A_331 : i32
    %add3A_333 = arith.constant 320 : i32
    %add3A_334 = arith.addi %mul3A_332, %add3A_333 : i32
    "tpu.region"() ({
      %run_scoped3A_545 = tpu.sem_alloc : memref<!tpu.dma_semaphore, #tpu.memory_space<semaphore_mem>>
      %dma_start3A_546 = arith.constant 0 : i32
      %dma_start3A_547 = arith.constant 0 : i32
      %dma_start3A_548 = tpu.memref_slice %arg8[%dma_start3A_546, %dma_start3A_547] : memref<80x128xf32, #tpu.memory_space<vmem>> -> memref<80x128xf32, #tpu.memory_space<vmem>>
      %dma_start3A_549 = arith.constant 0 : i32
      %dma_start3A_550 = tpu.memref_slice %arg12[%add3A_334, %dma_start3A_549] : memref<10112x128xf32, #tpu.memory_space<vmem_shared>> -> memref<80x128xf32, #tpu.memory_space<vmem_shared>>
      %dma_start3A_551 = arith.constant 0 : i32
      %dma_start3A_552 = arith.constant 0 : i32
      %dma_start3A_553 = tpu.memref_slice %arg8[%dma_start3A_551, %dma_start3A_552] : memref<80x128xf32, #tpu.memory_space<vmem>> -> memref<80x128xf32, #tpu.memory_space<vmem>>
      %dma_start3A_554 = arith.constant 0 : i32
      %dma_start3A_555 = tpu.memref_slice %arg12[%add3A_334, %dma_start3A_554] : memref<10112x128xf32, #tpu.memory_space<vmem_shared>> -> memref<80x128xf32, #tpu.memory_space<vmem_shared>>
      tpu.enqueue_dma source(%dma_start3A_555 : memref<80x128xf32, #tpu.memory_space<vmem_shared>>) target(%dma_start3A_553 : memref<80x128xf32, #tpu.memory_space<vmem>>) target_semaphore(%run_scoped3A_545 : memref<!tpu.dma_semaphore, #tpu.memory_space<semaphore_mem>>)
      %dma_wait3A_556 = arith.constant 0 : i32
      %dma_wait3A_557 = arith.constant 0 : i32
      %dma_wait3A_558 = tpu.memref_slice %arg8[%dma_wait3A_556, %dma_wait3A_557] : memref<80x128xf32, #tpu.memory_space<vmem>> -> memref<80x128xf32, #tpu.memory_space<vmem>>
      %dma_wait3A_559 = arith.constant 0 : i32
      %dma_wait3A_560 = tpu.memref_slice %arg12[%add3A_334, %dma_wait3A_559] : memref<10112x128xf32, #tpu.memory_space<vmem_shared>> -> memref<80x128xf32, #tpu.memory_space<vmem_shared>>
      %dma_wait3A_561 = arith.constant 0 : i32
      %dma_wait3A_562 = arith.constant 0 : i32
      %dma_wait3A_563 = tpu.memref_slice %arg8[%dma_wait3A_561, %dma_wait3A_562] : memref<80x128xf32, #tpu.memory_space<vmem>> -> memref<80x128xf32, #tpu.memory_space<vmem>>
      %dma_wait3A_564 = arith.constant 0 : i32
      %dma_wait3A_565 = tpu.memref_slice %arg12[%add3A_334, %dma_wait3A_564] : memref<10112x128xf32, #tpu.memory_space<vmem_shared>> -> memref<80x128xf32, #tpu.memory_space<vmem_shared>>
      tpu.wait_dma2 semaphore(%run_scoped3A_545 : memref<!tpu.dma_semaphore, #tpu.memory_space<semaphore_mem>>) src(%dma_wait3A_565 : memref<80x128xf32, #tpu.memory_space<vmem_shared>>) dst(%dma_wait3A_563 : memref<80x128xf32, #tpu.memory_space<vmem>>)
      tpu.yield
    }) : () -> ()
    %mul3A_335 = arith.constant 632 : i32
    %mul3A_336 = arith.muli %arg1, %mul3A_335 : i32
    %add3A_337 = arith.constant 320 : i32
    %add3A_338 = arith.addi %mul3A_336, %add3A_337 : i32
    %dma_start3A_339 = arith.constant 0 : i32
    %dma_start3A_340 = arith.constant 0 : i32
    %dma_start3A_341 = tpu.memref_slice %arg8[%dma_start3A_339, %dma_start3A_340] : memref<80x128xf32, #tpu.memory_space<vmem>> -> memref<80x128xf32, #tpu.memory_space<vmem>>
    %dma_start3A_342 = arith.constant 0 : i32
    %dma_start3A_343 = arith.constant 0 : i32
    %dma_start3A_344 = tpu.memref_slice %arg5[%arg0, %dma_start3A_342, %dma_start3A_343] : memref<2x10112x128xf32, #tpu.memory_space<hbm>> -> memref<1x10112x128xf32, #tpu.memory_space<hbm>>
    %dma_start3A_345 = tpu.memref_squeeze %dma_start3A_344 : memref<1x10112x128xf32, #tpu.memory_space<hbm>> -> memref<10112x128xf32, #tpu.memory_space<hbm>>
    %dma_start3A_346 = arith.constant 0 : i32
    %dma_start3A_347 = tpu.memref_slice %dma_start3A_345[%add3A_338, %dma_start3A_346] : memref<10112x128xf32, #tpu.memory_space<hbm>> -> memref<80x128xf32, #tpu.memory_space<hbm>>
    %dma_start3A_348 = arith.constant 0 : i32
    %dma_start3A_349 = arith.constant 0 : i32
    %dma_start3A_350 = tpu.memref_slice %arg5[%arg0, %dma_start3A_348, %dma_start3A_349] : memref<2x10112x128xf32, #tpu.memory_space<hbm>> -> memref<1x10112x128xf32, #tpu.memory_space<hbm>>
    %dma_start3A_351 = tpu.memref_squeeze %dma_start3A_350 : memref<1x10112x128xf32, #tpu.memory_space<hbm>> -> memref<10112x128xf32, #tpu.memory_space<hbm>>
    %dma_start3A_352 = arith.constant 0 : i32
    %dma_start3A_353 = tpu.memref_slice %dma_start3A_351[%add3A_338, %dma_start3A_352] : memref<10112x128xf32, #tpu.memory_space<hbm>> -> memref<80x128xf32, #tpu.memory_space<hbm>>
    %dma_start3A_354 = arith.constant 0 : i32
    %dma_start3A_355 = arith.constant 0 : i32
    %dma_start3A_356 = tpu.memref_slice %arg8[%dma_start3A_354, %dma_start3A_355] : memref<80x128xf32, #tpu.memory_space<vmem>> -> memref<80x128xf32, #tpu.memory_space<vmem>>
    tpu.enqueue_dma source(%dma_start3A_356 : memref<80x128xf32, #tpu.memory_space<vmem>>) target(%dma_start3A_353 : memref<80x128xf32, #tpu.memory_space<hbm>>) target_semaphore(%arg10 : memref<!tpu.dma_semaphore, #tpu.memory_space<semaphore_mem>>)
    %mul3A_357 = arith.constant 632 : i32
    %mul3A_358 = arith.muli %arg1, %mul3A_357 : i32
    %add3A_359 = arith.constant 240 : i32
    %add3A_360 = arith.addi %mul3A_358, %add3A_359 : i32
    %dma_wait3A_361 = arith.constant 0 : i32
    %dma_wait3A_362 = arith.constant 0 : i32
    %dma_wait3A_363 = tpu.memref_slice %arg9[%dma_wait3A_361, %dma_wait3A_362] : memref<80x128xf32, #tpu.memory_space<vmem>> -> memref<80x128xf32, #tpu.memory_space<vmem>>
    %dma_wait3A_364 = arith.constant 0 : i32
    %dma_wait3A_365 = arith.constant 0 : i32
    %dma_wait3A_366 = tpu.memref_slice %arg5[%arg0, %dma_wait3A_364, %dma_wait3A_365] : memref<2x10112x128xf32, #tpu.memory_space<hbm>> -> memref<1x10112x128xf32, #tpu.memory_space<hbm>>
    %dma_wait3A_367 = tpu.memref_squeeze %dma_wait3A_366 : memref<1x10112x128xf32, #tpu.memory_space<hbm>> -> memref<10112x128xf32, #tpu.memory_space<hbm>>
    %dma_wait3A_368 = arith.constant 0 : i32
    %dma_wait3A_369 = tpu.memref_slice %dma_wait3A_367[%add3A_360, %dma_wait3A_368] : memref<10112x128xf32, #tpu.memory_space<hbm>> -> memref<80x128xf32, #tpu.memory_space<hbm>>
    %dma_wait3A_370 = arith.constant 0 : i32
    %dma_wait3A_371 = arith.constant 0 : i32
    %dma_wait3A_372 = tpu.memref_slice %arg5[%arg0, %dma_wait3A_370, %dma_wait3A_371] : memref<2x10112x128xf32, #tpu.memory_space<hbm>> -> memref<1x10112x128xf32, #tpu.memory_space<hbm>>
    %dma_wait3A_373 = tpu.memref_squeeze %dma_wait3A_372 : memref<1x10112x128xf32, #tpu.memory_space<hbm>> -> memref<10112x128xf32, #tpu.memory_space<hbm>>
    %dma_wait3A_374 = arith.constant 0 : i32
    %dma_wait3A_375 = tpu.memref_slice %dma_wait3A_373[%add3A_360, %dma_wait3A_374] : memref<10112x128xf32, #tpu.memory_space<hbm>> -> memref<80x128xf32, #tpu.memory_space<hbm>>
    %dma_wait3A_376 = arith.constant 0 : i32
    %dma_wait3A_377 = arith.constant 0 : i32
    %dma_wait3A_378 = tpu.memref_slice %arg9[%dma_wait3A_376, %dma_wait3A_377] : memref<80x128xf32, #tpu.memory_space<vmem>> -> memref<80x128xf32, #tpu.memory_space<vmem>>
    tpu.wait_dma2 semaphore(%arg11 : memref<!tpu.dma_semaphore, #tpu.memory_space<semaphore_mem>>) src(%dma_wait3A_378 : memref<80x128xf32, #tpu.memory_space<vmem>>) dst(%dma_wait3A_375 : memref<80x128xf32, #tpu.memory_space<hbm>>)
    %mul3A_379 = arith.constant 632 : i32
    %mul3A_380 = arith.muli %arg1, %mul3A_379 : i32
    %add3A_381 = arith.constant 400 : i32
    %add3A_382 = arith.addi %mul3A_380, %add3A_381 : i32
    "tpu.region"() ({
      %run_scoped3A_545 = tpu.sem_alloc : memref<!tpu.dma_semaphore, #tpu.memory_space<semaphore_mem>>
      %dma_start3A_546 = arith.constant 0 : i32
      %dma_start3A_547 = arith.constant 0 : i32
      %dma_start3A_548 = tpu.memref_slice %arg9[%dma_start3A_546, %dma_start3A_547] : memref<80x128xf32, #tpu.memory_space<vmem>> -> memref<80x128xf32, #tpu.memory_space<vmem>>
      %dma_start3A_549 = arith.constant 0 : i32
      %dma_start3A_550 = tpu.memref_slice %arg12[%add3A_382, %dma_start3A_549] : memref<10112x128xf32, #tpu.memory_space<vmem_shared>> -> memref<80x128xf32, #tpu.memory_space<vmem_shared>>
      %dma_start3A_551 = arith.constant 0 : i32
      %dma_start3A_552 = arith.constant 0 : i32
      %dma_start3A_553 = tpu.memref_slice %arg9[%dma_start3A_551, %dma_start3A_552] : memref<80x128xf32, #tpu.memory_space<vmem>> -> memref<80x128xf32, #tpu.memory_space<vmem>>
      %dma_start3A_554 = arith.constant 0 : i32
      %dma_start3A_555 = tpu.memref_slice %arg12[%add3A_382, %dma_start3A_554] : memref<10112x128xf32, #tpu.memory_space<vmem_shared>> -> memref<80x128xf32, #tpu.memory_space<vmem_shared>>
      tpu.enqueue_dma source(%dma_start3A_555 : memref<80x128xf32, #tpu.memory_space<vmem_shared>>) target(%dma_start3A_553 : memref<80x128xf32, #tpu.memory_space<vmem>>) target_semaphore(%run_scoped3A_545 : memref<!tpu.dma_semaphore, #tpu.memory_space<semaphore_mem>>)
      %dma_wait3A_556 = arith.constant 0 : i32
      %dma_wait3A_557 = arith.constant 0 : i32
      %dma_wait3A_558 = tpu.memref_slice %arg9[%dma_wait3A_556, %dma_wait3A_557] : memref<80x128xf32, #tpu.memory_space<vmem>> -> memref<80x128xf32, #tpu.memory_space<vmem>>
      %dma_wait3A_559 = arith.constant 0 : i32
      %dma_wait3A_560 = tpu.memref_slice %arg12[%add3A_382, %dma_wait3A_559] : memref<10112x128xf32, #tpu.memory_space<vmem_shared>> -> memref<80x128xf32, #tpu.memory_space<vmem_shared>>
      %dma_wait3A_561 = arith.constant 0 : i32
      %dma_wait3A_562 = arith.constant 0 : i32
      %dma_wait3A_563 = tpu.memref_slice %arg9[%dma_wait3A_561, %dma_wait3A_562] : memref<80x128xf32, #tpu.memory_space<vmem>> -> memref<80x128xf32, #tpu.memory_space<vmem>>
      %dma_wait3A_564 = arith.constant 0 : i32
      %dma_wait3A_565 = tpu.memref_slice %arg12[%add3A_382, %dma_wait3A_564] : memref<10112x128xf32, #tpu.memory_space<vmem_shared>> -> memref<80x128xf32, #tpu.memory_space<vmem_shared>>
      tpu.wait_dma2 semaphore(%run_scoped3A_545 : memref<!tpu.dma_semaphore, #tpu.memory_space<semaphore_mem>>) src(%dma_wait3A_565 : memref<80x128xf32, #tpu.memory_space<vmem_shared>>) dst(%dma_wait3A_563 : memref<80x128xf32, #tpu.memory_space<vmem>>)
      tpu.yield
    }) : () -> ()
    %mul3A_383 = arith.constant 632 : i32
    %mul3A_384 = arith.muli %arg1, %mul3A_383 : i32
    %add3A_385 = arith.constant 400 : i32
    %add3A_386 = arith.addi %mul3A_384, %add3A_385 : i32
    %dma_start3A_387 = arith.constant 0 : i32
    %dma_start3A_388 = arith.constant 0 : i32
    %dma_start3A_389 = tpu.memref_slice %arg9[%dma_start3A_387, %dma_start3A_388] : memref<80x128xf32, #tpu.memory_space<vmem>> -> memref<80x128xf32, #tpu.memory_space<vmem>>
    %dma_start3A_390 = arith.constant 0 : i32
    %dma_start3A_391 = arith.constant 0 : i32
    %dma_start3A_392 = tpu.memref_slice %arg5[%arg0, %dma_start3A_390, %dma_start3A_391] : memref<2x10112x128xf32, #tpu.memory_space<hbm>> -> memref<1x10112x128xf32, #tpu.memory_space<hbm>>
    %dma_start3A_393 = tpu.memref_squeeze %dma_start3A_392 : memref<1x10112x128xf32, #tpu.memory_space<hbm>> -> memref<10112x128xf32, #tpu.memory_space<hbm>>
    %dma_start3A_394 = arith.constant 0 : i32
    %dma_start3A_395 = tpu.memref_slice %dma_start3A_393[%add3A_386, %dma_start3A_394] : memref<10112x128xf32, #tpu.memory_space<hbm>> -> memref<80x128xf32, #tpu.memory_space<hbm>>
    %dma_start3A_396 = arith.constant 0 : i32
    %dma_start3A_397 = arith.constant 0 : i32
    %dma_start3A_398 = tpu.memref_slice %arg5[%arg0, %dma_start3A_396, %dma_start3A_397] : memref<2x10112x128xf32, #tpu.memory_space<hbm>> -> memref<1x10112x128xf32, #tpu.memory_space<hbm>>
    %dma_start3A_399 = tpu.memref_squeeze %dma_start3A_398 : memref<1x10112x128xf32, #tpu.memory_space<hbm>> -> memref<10112x128xf32, #tpu.memory_space<hbm>>
    %dma_start3A_400 = arith.constant 0 : i32
    %dma_start3A_401 = tpu.memref_slice %dma_start3A_399[%add3A_386, %dma_start3A_400] : memref<10112x128xf32, #tpu.memory_space<hbm>> -> memref<80x128xf32, #tpu.memory_space<hbm>>
    %dma_start3A_402 = arith.constant 0 : i32
    %dma_start3A_403 = arith.constant 0 : i32
    %dma_start3A_404 = tpu.memref_slice %arg9[%dma_start3A_402, %dma_start3A_403] : memref<80x128xf32, #tpu.memory_space<vmem>> -> memref<80x128xf32, #tpu.memory_space<vmem>>
    tpu.enqueue_dma source(%dma_start3A_404 : memref<80x128xf32, #tpu.memory_space<vmem>>) target(%dma_start3A_401 : memref<80x128xf32, #tpu.memory_space<hbm>>) target_semaphore(%arg11 : memref<!tpu.dma_semaphore, #tpu.memory_space<semaphore_mem>>)
    %mul3A_405 = arith.constant 632 : i32
    %mul3A_406 = arith.muli %arg1, %mul3A_405 : i32
    %add3A_407 = arith.constant 320 : i32
    %add3A_408 = arith.addi %mul3A_406, %add3A_407 : i32
    %dma_wait3A_409 = arith.constant 0 : i32
    %dma_wait3A_410 = arith.constant 0 : i32
    %dma_wait3A_411 = tpu.memref_slice %arg8[%dma_wait3A_409, %dma_wait3A_410] : memref<80x128xf32, #tpu.memory_space<vmem>> -> memref<80x128xf32, #tpu.memory_space<vmem>>
    %dma_wait3A_412 = arith.constant 0 : i32
    %dma_wait3A_413 = arith.constant 0 : i32
    %dma_wait3A_414 = tpu.memref_slice %arg5[%arg0, %dma_wait3A_412, %dma_wait3A_413] : memref<2x10112x128xf32, #tpu.memory_space<hbm>> -> memref<1x10112x128xf32, #tpu.memory_space<hbm>>
    %dma_wait3A_415 = tpu.memref_squeeze %dma_wait3A_414 : memref<1x10112x128xf32, #tpu.memory_space<hbm>> -> memref<10112x128xf32, #tpu.memory_space<hbm>>
    %dma_wait3A_416 = arith.constant 0 : i32
    %dma_wait3A_417 = tpu.memref_slice %dma_wait3A_415[%add3A_408, %dma_wait3A_416] : memref<10112x128xf32, #tpu.memory_space<hbm>> -> memref<80x128xf32, #tpu.memory_space<hbm>>
    %dma_wait3A_418 = arith.constant 0 : i32
    %dma_wait3A_419 = arith.constant 0 : i32
    %dma_wait3A_420 = tpu.memref_slice %arg5[%arg0, %dma_wait3A_418, %dma_wait3A_419] : memref<2x10112x128xf32, #tpu.memory_space<hbm>> -> memref<1x10112x128xf32, #tpu.memory_space<hbm>>
    %dma_wait3A_421 = tpu.memref_squeeze %dma_wait3A_420 : memref<1x10112x128xf32, #tpu.memory_space<hbm>> -> memref<10112x128xf32, #tpu.memory_space<hbm>>
    %dma_wait3A_422 = arith.constant 0 : i32
    %dma_wait3A_423 = tpu.memref_slice %dma_wait3A_421[%add3A_408, %dma_wait3A_422] : memref<10112x128xf32, #tpu.memory_space<hbm>> -> memref<80x128xf32, #tpu.memory_space<hbm>>
    %dma_wait3A_424 = arith.constant 0 : i32
    %dma_wait3A_425 = arith.constant 0 : i32
    %dma_wait3A_426 = tpu.memref_slice %arg8[%dma_wait3A_424, %dma_wait3A_425] : memref<80x128xf32, #tpu.memory_space<vmem>> -> memref<80x128xf32, #tpu.memory_space<vmem>>
    tpu.wait_dma2 semaphore(%arg10 : memref<!tpu.dma_semaphore, #tpu.memory_space<semaphore_mem>>) src(%dma_wait3A_426 : memref<80x128xf32, #tpu.memory_space<vmem>>) dst(%dma_wait3A_423 : memref<80x128xf32, #tpu.memory_space<hbm>>)
    %mul3A_427 = arith.constant 632 : i32
    %mul3A_428 = arith.muli %arg1, %mul3A_427 : i32
    %add3A_429 = arith.constant 480 : i32
    %add3A_430 = arith.addi %mul3A_428, %add3A_429 : i32
    "tpu.region"() ({
      %run_scoped3A_545 = tpu.sem_alloc : memref<!tpu.dma_semaphore, #tpu.memory_space<semaphore_mem>>
      %dma_start3A_546 = arith.constant 0 : i32
      %dma_start3A_547 = arith.constant 0 : i32
      %dma_start3A_548 = tpu.memref_slice %arg8[%dma_start3A_546, %dma_start3A_547] : memref<80x128xf32, #tpu.memory_space<vmem>> -> memref<80x128xf32, #tpu.memory_space<vmem>>
      %dma_start3A_549 = arith.constant 0 : i32
      %dma_start3A_550 = tpu.memref_slice %arg12[%add3A_430, %dma_start3A_549] : memref<10112x128xf32, #tpu.memory_space<vmem_shared>> -> memref<80x128xf32, #tpu.memory_space<vmem_shared>>
      %dma_start3A_551 = arith.constant 0 : i32
      %dma_start3A_552 = arith.constant 0 : i32
      %dma_start3A_553 = tpu.memref_slice %arg8[%dma_start3A_551, %dma_start3A_552] : memref<80x128xf32, #tpu.memory_space<vmem>> -> memref<80x128xf32, #tpu.memory_space<vmem>>
      %dma_start3A_554 = arith.constant 0 : i32
      %dma_start3A_555 = tpu.memref_slice %arg12[%add3A_430, %dma_start3A_554] : memref<10112x128xf32, #tpu.memory_space<vmem_shared>> -> memref<80x128xf32, #tpu.memory_space<vmem_shared>>
      tpu.enqueue_dma source(%dma_start3A_555 : memref<80x128xf32, #tpu.memory_space<vmem_shared>>) target(%dma_start3A_553 : memref<80x128xf32, #tpu.memory_space<vmem>>) target_semaphore(%run_scoped3A_545 : memref<!tpu.dma_semaphore, #tpu.memory_space<semaphore_mem>>)
      %dma_wait3A_556 = arith.constant 0 : i32
      %dma_wait3A_557 = arith.constant 0 : i32
      %dma_wait3A_558 = tpu.memref_slice %arg8[%dma_wait3A_556, %dma_wait3A_557] : memref<80x128xf32, #tpu.memory_space<vmem>> -> memref<80x128xf32, #tpu.memory_space<vmem>>
      %dma_wait3A_559 = arith.constant 0 : i32
      %dma_wait3A_560 = tpu.memref_slice %arg12[%add3A_430, %dma_wait3A_559] : memref<10112x128xf32, #tpu.memory_space<vmem_shared>> -> memref<80x128xf32, #tpu.memory_space<vmem_shared>>
      %dma_wait3A_561 = arith.constant 0 : i32
      %dma_wait3A_562 = arith.constant 0 : i32
      %dma_wait3A_563 = tpu.memref_slice %arg8[%dma_wait3A_561, %dma_wait3A_562] : memref<80x128xf32, #tpu.memory_space<vmem>> -> memref<80x128xf32, #tpu.memory_space<vmem>>
      %dma_wait3A_564 = arith.constant 0 : i32
      %dma_wait3A_565 = tpu.memref_slice %arg12[%add3A_430, %dma_wait3A_564] : memref<10112x128xf32, #tpu.memory_space<vmem_shared>> -> memref<80x128xf32, #tpu.memory_space<vmem_shared>>
      tpu.wait_dma2 semaphore(%run_scoped3A_545 : memref<!tpu.dma_semaphore, #tpu.memory_space<semaphore_mem>>) src(%dma_wait3A_565 : memref<80x128xf32, #tpu.memory_space<vmem_shared>>) dst(%dma_wait3A_563 : memref<80x128xf32, #tpu.memory_space<vmem>>)
      tpu.yield
    }) : () -> ()
    %mul3A_431 = arith.constant 632 : i32
    %mul3A_432 = arith.muli %arg1, %mul3A_431 : i32
    %add3A_433 = arith.constant 480 : i32
    %add3A_434 = arith.addi %mul3A_432, %add3A_433 : i32
    %dma_start3A_435 = arith.constant 0 : i32
    %dma_start3A_436 = arith.constant 0 : i32
    %dma_start3A_437 = tpu.memref_slice %arg8[%dma_start3A_435, %dma_start3A_436] : memref<80x128xf32, #tpu.memory_space<vmem>> -> memref<80x128xf32, #tpu.memory_space<vmem>>
    %dma_start3A_438 = arith.constant 0 : i32
    %dma_start3A_439 = arith.constant 0 : i32
    %dma_start3A_440 = tpu.memref_slice %arg5[%arg0, %dma_start3A_438, %dma_start3A_439] : memref<2x10112x128xf32, #tpu.memory_space<hbm>> -> memref<1x10112x128xf32, #tpu.memory_space<hbm>>
    %dma_start3A_441 = tpu.memref_squeeze %dma_start3A_440 : memref<1x10112x128xf32, #tpu.memory_space<hbm>> -> memref<10112x128xf32, #tpu.memory_space<hbm>>
    %dma_start3A_442 = arith.constant 0 : i32
    %dma_start3A_443 = tpu.memref_slice %dma_start3A_441[%add3A_434, %dma_start3A_442] : memref<10112x128xf32, #tpu.memory_space<hbm>> -> memref<80x128xf32, #tpu.memory_space<hbm>>
    %dma_start3A_444 = arith.constant 0 : i32
    %dma_start3A_445 = arith.constant 0 : i32
    %dma_start3A_446 = tpu.memref_slice %arg5[%arg0, %dma_start3A_444, %dma_start3A_445] : memref<2x10112x128xf32, #tpu.memory_space<hbm>> -> memref<1x10112x128xf32, #tpu.memory_space<hbm>>
    %dma_start3A_447 = tpu.memref_squeeze %dma_start3A_446 : memref<1x10112x128xf32, #tpu.memory_space<hbm>> -> memref<10112x128xf32, #tpu.memory_space<hbm>>
    %dma_start3A_448 = arith.constant 0 : i32
    %dma_start3A_449 = tpu.memref_slice %dma_start3A_447[%add3A_434, %dma_start3A_448] : memref<10112x128xf32, #tpu.memory_space<hbm>> -> memref<80x128xf32, #tpu.memory_space<hbm>>
    %dma_start3A_450 = arith.constant 0 : i32
    %dma_start3A_451 = arith.constant 0 : i32
    %dma_start3A_452 = tpu.memref_slice %arg8[%dma_start3A_450, %dma_start3A_451] : memref<80x128xf32, #tpu.memory_space<vmem>> -> memref<80x128xf32, #tpu.memory_space<vmem>>
    tpu.enqueue_dma source(%dma_start3A_452 : memref<80x128xf32, #tpu.memory_space<vmem>>) target(%dma_start3A_449 : memref<80x128xf32, #tpu.memory_space<hbm>>) target_semaphore(%arg10 : memref<!tpu.dma_semaphore, #tpu.memory_space<semaphore_mem>>)
    %mul3A_453 = arith.constant 632 : i32
    %mul3A_454 = arith.muli %arg1, %mul3A_453 : i32
    %add3A_455 = arith.constant 400 : i32
    %add3A_456 = arith.addi %mul3A_454, %add3A_455 : i32
    %dma_wait3A_457 = arith.constant 0 : i32
    %dma_wait3A_458 = arith.constant 0 : i32
    %dma_wait3A_459 = tpu.memref_slice %arg9[%dma_wait3A_457, %dma_wait3A_458] : memref<80x128xf32, #tpu.memory_space<vmem>> -> memref<80x128xf32, #tpu.memory_space<vmem>>
    %dma_wait3A_460 = arith.constant 0 : i32
    %dma_wait3A_461 = arith.constant 0 : i32
    %dma_wait3A_462 = tpu.memref_slice %arg5[%arg0, %dma_wait3A_460, %dma_wait3A_461] : memref<2x10112x128xf32, #tpu.memory_space<hbm>> -> memref<1x10112x128xf32, #tpu.memory_space<hbm>>
    %dma_wait3A_463 = tpu.memref_squeeze %dma_wait3A_462 : memref<1x10112x128xf32, #tpu.memory_space<hbm>> -> memref<10112x128xf32, #tpu.memory_space<hbm>>
    %dma_wait3A_464 = arith.constant 0 : i32
    %dma_wait3A_465 = tpu.memref_slice %dma_wait3A_463[%add3A_456, %dma_wait3A_464] : memref<10112x128xf32, #tpu.memory_space<hbm>> -> memref<80x128xf32, #tpu.memory_space<hbm>>
    %dma_wait3A_466 = arith.constant 0 : i32
    %dma_wait3A_467 = arith.constant 0 : i32
    %dma_wait3A_468 = tpu.memref_slice %arg5[%arg0, %dma_wait3A_466, %dma_wait3A_467] : memref<2x10112x128xf32, #tpu.memory_space<hbm>> -> memref<1x10112x128xf32, #tpu.memory_space<hbm>>
    %dma_wait3A_469 = tpu.memref_squeeze %dma_wait3A_468 : memref<1x10112x128xf32, #tpu.memory_space<hbm>> -> memref<10112x128xf32, #tpu.memory_space<hbm>>
    %dma_wait3A_470 = arith.constant 0 : i32
    %dma_wait3A_471 = tpu.memref_slice %dma_wait3A_469[%add3A_456, %dma_wait3A_470] : memref<10112x128xf32, #tpu.memory_space<hbm>> -> memref<80x128xf32, #tpu.memory_space<hbm>>
    %dma_wait3A_472 = arith.constant 0 : i32
    %dma_wait3A_473 = arith.constant 0 : i32
    %dma_wait3A_474 = tpu.memref_slice %arg9[%dma_wait3A_472, %dma_wait3A_473] : memref<80x128xf32, #tpu.memory_space<vmem>> -> memref<80x128xf32, #tpu.memory_space<vmem>>
    tpu.wait_dma2 semaphore(%arg11 : memref<!tpu.dma_semaphore, #tpu.memory_space<semaphore_mem>>) src(%dma_wait3A_474 : memref<80x128xf32, #tpu.memory_space<vmem>>) dst(%dma_wait3A_471 : memref<80x128xf32, #tpu.memory_space<hbm>>)
    %mul3A_475 = arith.constant 632 : i32
    %mul3A_476 = arith.muli %arg1, %mul3A_475 : i32
    %add3A_477 = arith.constant 560 : i32
    %add3A_478 = arith.addi %mul3A_476, %add3A_477 : i32
    "tpu.region"() ({
      %run_scoped3A_545 = tpu.sem_alloc : memref<!tpu.dma_semaphore, #tpu.memory_space<semaphore_mem>>
      %dma_start3A_546 = arith.constant 0 : i32
      %dma_start3A_547 = arith.constant 0 : i32
      %dma_start3A_548 = tpu.memref_slice %arg9[%dma_start3A_546, %dma_start3A_547] : memref<80x128xf32, #tpu.memory_space<vmem>> -> memref<72x128xf32, #tpu.memory_space<vmem>>
      %dma_start3A_549 = arith.constant 0 : i32
      %dma_start3A_550 = tpu.memref_slice %arg12[%add3A_478, %dma_start3A_549] : memref<10112x128xf32, #tpu.memory_space<vmem_shared>> -> memref<72x128xf32, #tpu.memory_space<vmem_shared>>
      %dma_start3A_551 = arith.constant 0 : i32
      %dma_start3A_552 = arith.constant 0 : i32
      %dma_start3A_553 = tpu.memref_slice %arg9[%dma_start3A_551, %dma_start3A_552] : memref<80x128xf32, #tpu.memory_space<vmem>> -> memref<72x128xf32, #tpu.memory_space<vmem>>
      %dma_start3A_554 = arith.constant 0 : i32
      %dma_start3A_555 = tpu.memref_slice %arg12[%add3A_478, %dma_start3A_554] : memref<10112x128xf32, #tpu.memory_space<vmem_shared>> -> memref<72x128xf32, #tpu.memory_space<vmem_shared>>
      tpu.enqueue_dma source(%dma_start3A_555 : memref<72x128xf32, #tpu.memory_space<vmem_shared>>) target(%dma_start3A_553 : memref<72x128xf32, #tpu.memory_space<vmem>>) target_semaphore(%run_scoped3A_545 : memref<!tpu.dma_semaphore, #tpu.memory_space<semaphore_mem>>)
      %dma_wait3A_556 = arith.constant 0 : i32
      %dma_wait3A_557 = arith.constant 0 : i32
      %dma_wait3A_558 = tpu.memref_slice %arg9[%dma_wait3A_556, %dma_wait3A_557] : memref<80x128xf32, #tpu.memory_space<vmem>> -> memref<72x128xf32, #tpu.memory_space<vmem>>
      %dma_wait3A_559 = arith.constant 0 : i32
      %dma_wait3A_560 = tpu.memref_slice %arg12[%add3A_478, %dma_wait3A_559] : memref<10112x128xf32, #tpu.memory_space<vmem_shared>> -> memref<72x128xf32, #tpu.memory_space<vmem_shared>>
      %dma_wait3A_561 = arith.constant 0 : i32
      %dma_wait3A_562 = arith.constant 0 : i32
      %dma_wait3A_563 = tpu.memref_slice %arg9[%dma_wait3A_561, %dma_wait3A_562] : memref<80x128xf32, #tpu.memory_space<vmem>> -> memref<72x128xf32, #tpu.memory_space<vmem>>
      %dma_wait3A_564 = arith.constant 0 : i32
      %dma_wait3A_565 = tpu.memref_slice %arg12[%add3A_478, %dma_wait3A_564] : memref<10112x128xf32, #tpu.memory_space<vmem_shared>> -> memref<72x128xf32, #tpu.memory_space<vmem_shared>>
      tpu.wait_dma2 semaphore(%run_scoped3A_545 : memref<!tpu.dma_semaphore, #tpu.memory_space<semaphore_mem>>) src(%dma_wait3A_565 : memref<72x128xf32, #tpu.memory_space<vmem_shared>>) dst(%dma_wait3A_563 : memref<72x128xf32, #tpu.memory_space<vmem>>)
      tpu.yield
    }) : () -> ()
    %mul3A_479 = arith.constant 632 : i32
    %mul3A_480 = arith.muli %arg1, %mul3A_479 : i32
    %add3A_481 = arith.constant 560 : i32
    %add3A_482 = arith.addi %mul3A_480, %add3A_481 : i32
    %dma_start3A_483 = arith.constant 0 : i32
    %dma_start3A_484 = arith.constant 0 : i32
    %dma_start3A_485 = tpu.memref_slice %arg9[%dma_start3A_483, %dma_start3A_484] : memref<80x128xf32, #tpu.memory_space<vmem>> -> memref<72x128xf32, #tpu.memory_space<vmem>>
    %dma_start3A_486 = arith.constant 0 : i32
    %dma_start3A_487 = arith.constant 0 : i32
    %dma_start3A_488 = tpu.memref_slice %arg5[%arg0, %dma_start3A_486, %dma_start3A_487] : memref<2x10112x128xf32, #tpu.memory_space<hbm>> -> memref<1x10112x128xf32, #tpu.memory_space<hbm>>
    %dma_start3A_489 = tpu.memref_squeeze %dma_start3A_488 : memref<1x10112x128xf32, #tpu.memory_space<hbm>> -> memref<10112x128xf32, #tpu.memory_space<hbm>>
    %dma_start3A_490 = arith.constant 0 : i32
    %dma_start3A_491 = tpu.memref_slice %dma_start3A_489[%add3A_482, %dma_start3A_490] : memref<10112x128xf32, #tpu.memory_space<hbm>> -> memref<72x128xf32, #tpu.memory_space<hbm>>
    %dma_start3A_492 = arith.constant 0 : i32
    %dma_start3A_493 = arith.constant 0 : i32
    %dma_start3A_494 = tpu.memref_slice %arg5[%arg0, %dma_start3A_492, %dma_start3A_493] : memref<2x10112x128xf32, #tpu.memory_space<hbm>> -> memref<1x10112x128xf32, #tpu.memory_space<hbm>>
    %dma_start3A_495 = tpu.memref_squeeze %dma_start3A_494 : memref<1x10112x128xf32, #tpu.memory_space<hbm>> -> memref<10112x128xf32, #tpu.memory_space<hbm>>
    %dma_start3A_496 = arith.constant 0 : i32
    %dma_start3A_497 = tpu.memref_slice %dma_start3A_495[%add3A_482, %dma_start3A_496] : memref<10112x128xf32, #tpu.memory_space<hbm>> -> memref<72x128xf32, #tpu.memory_space<hbm>>
    %dma_start3A_498 = arith.constant 0 : i32
    %dma_start3A_499 = arith.constant 0 : i32
    %dma_start3A_500 = tpu.memref_slice %arg9[%dma_start3A_498, %dma_start3A_499] : memref<80x128xf32, #tpu.memory_space<vmem>> -> memref<72x128xf32, #tpu.memory_space<vmem>>
    tpu.enqueue_dma source(%dma_start3A_500 : memref<72x128xf32, #tpu.memory_space<vmem>>) target(%dma_start3A_497 : memref<72x128xf32, #tpu.memory_space<hbm>>) target_semaphore(%arg11 : memref<!tpu.dma_semaphore, #tpu.memory_space<semaphore_mem>>)
    %mul3A_501 = arith.constant 632 : i32
    %mul3A_502 = arith.muli %arg1, %mul3A_501 : i32
    %add3A_503 = arith.constant 480 : i32
    %add3A_504 = arith.addi %mul3A_502, %add3A_503 : i32
    %dma_wait3A_505 = arith.constant 0 : i32
    %dma_wait3A_506 = arith.constant 0 : i32
    %dma_wait3A_507 = tpu.memref_slice %arg8[%dma_wait3A_505, %dma_wait3A_506] : memref<80x128xf32, #tpu.memory_space<vmem>> -> memref<80x128xf32, #tpu.memory_space<vmem>>
    %dma_wait3A_508 = arith.constant 0 : i32
    %dma_wait3A_509 = arith.constant 0 : i32
    %dma_wait3A_510 = tpu.memref_slice %arg5[%arg0, %dma_wait3A_508, %dma_wait3A_509] : memref<2x10112x128xf32, #tpu.memory_space<hbm>> -> memref<1x10112x128xf32, #tpu.memory_space<hbm>>
    %dma_wait3A_511 = tpu.memref_squeeze %dma_wait3A_510 : memref<1x10112x128xf32, #tpu.memory_space<hbm>> -> memref<10112x128xf32, #tpu.memory_space<hbm>>
    %dma_wait3A_512 = arith.constant 0 : i32
    %dma_wait3A_513 = tpu.memref_slice %dma_wait3A_511[%add3A_504, %dma_wait3A_512] : memref<10112x128xf32, #tpu.memory_space<hbm>> -> memref<80x128xf32, #tpu.memory_space<hbm>>
    %dma_wait3A_514 = arith.constant 0 : i32
    %dma_wait3A_515 = arith.constant 0 : i32
    %dma_wait3A_516 = tpu.memref_slice %arg5[%arg0, %dma_wait3A_514, %dma_wait3A_515] : memref<2x10112x128xf32, #tpu.memory_space<hbm>> -> memref<1x10112x128xf32, #tpu.memory_space<hbm>>
    %dma_wait3A_517 = tpu.memref_squeeze %dma_wait3A_516 : memref<1x10112x128xf32, #tpu.memory_space<hbm>> -> memref<10112x128xf32, #tpu.memory_space<hbm>>
    %dma_wait3A_518 = arith.constant 0 : i32
    %dma_wait3A_519 = tpu.memref_slice %dma_wait3A_517[%add3A_504, %dma_wait3A_518] : memref<10112x128xf32, #tpu.memory_space<hbm>> -> memref<80x128xf32, #tpu.memory_space<hbm>>
    %dma_wait3A_520 = arith.constant 0 : i32
    %dma_wait3A_521 = arith.constant 0 : i32
    %dma_wait3A_522 = tpu.memref_slice %arg8[%dma_wait3A_520, %dma_wait3A_521] : memref<80x128xf32, #tpu.memory_space<vmem>> -> memref<80x128xf32, #tpu.memory_space<vmem>>
    tpu.wait_dma2 semaphore(%arg10 : memref<!tpu.dma_semaphore, #tpu.memory_space<semaphore_mem>>) src(%dma_wait3A_522 : memref<80x128xf32, #tpu.memory_space<vmem>>) dst(%dma_wait3A_519 : memref<80x128xf32, #tpu.memory_space<hbm>>)
    %mul3A_523 = arith.constant 632 : i32
    %mul3A_524 = arith.muli %arg1, %mul3A_523 : i32
    %add3A_525 = arith.constant 560 : i32
    %add3A_526 = arith.addi %mul3A_524, %add3A_525 : i32
    %dma_wait3A_527 = arith.constant 0 : i32
    %dma_wait3A_528 = arith.constant 0 : i32
    %dma_wait3A_529 = tpu.memref_slice %arg9[%dma_wait3A_527, %dma_wait3A_528] : memref<80x128xf32, #tpu.memory_space<vmem>> -> memref<72x128xf32, #tpu.memory_space<vmem>>
    %dma_wait3A_530 = arith.constant 0 : i32
    %dma_wait3A_531 = arith.constant 0 : i32
    %dma_wait3A_532 = tpu.memref_slice %arg5[%arg0, %dma_wait3A_530, %dma_wait3A_531] : memref<2x10112x128xf32, #tpu.memory_space<hbm>> -> memref<1x10112x128xf32, #tpu.memory_space<hbm>>
    %dma_wait3A_533 = tpu.memref_squeeze %dma_wait3A_532 : memref<1x10112x128xf32, #tpu.memory_space<hbm>> -> memref<10112x128xf32, #tpu.memory_space<hbm>>
    %dma_wait3A_534 = arith.constant 0 : i32
    %dma_wait3A_535 = tpu.memref_slice %dma_wait3A_533[%add3A_526, %dma_wait3A_534] : memref<10112x128xf32, #tpu.memory_space<hbm>> -> memref<72x128xf32, #tpu.memory_space<hbm>>
    %dma_wait3A_536 = arith.constant 0 : i32
    %dma_wait3A_537 = arith.constant 0 : i32
    %dma_wait3A_538 = tpu.memref_slice %arg5[%arg0, %dma_wait3A_536, %dma_wait3A_537] : memref<2x10112x128xf32, #tpu.memory_space<hbm>> -> memref<1x10112x128xf32, #tpu.memory_space<hbm>>
    %dma_wait3A_539 = tpu.memref_squeeze %dma_wait3A_538 : memref<1x10112x128xf32, #tpu.memory_space<hbm>> -> memref<10112x128xf32, #tpu.memory_space<hbm>>
    %dma_wait3A_540 = arith.constant 0 : i32
    %dma_wait3A_541 = tpu.memref_slice %dma_wait3A_539[%add3A_526, %dma_wait3A_540] : memref<10112x128xf32, #tpu.memory_space<hbm>> -> memref<72x128xf32, #tpu.memory_space<hbm>>
    %dma_wait3A_542 = arith.constant 0 : i32
    %dma_wait3A_543 = arith.constant 0 : i32
    %dma_wait3A_544 = tpu.memref_slice %arg9[%dma_wait3A_542, %dma_wait3A_543] : memref<80x128xf32, #tpu.memory_space<vmem>> -> memref<72x128xf32, #tpu.memory_space<vmem>>
    tpu.wait_dma2 semaphore(%arg11 : memref<!tpu.dma_semaphore, #tpu.memory_space<semaphore_mem>>) src(%dma_wait3A_544 : memref<72x128xf32, #tpu.memory_space<vmem>>) dst(%dma_wait3A_541 : memref<72x128xf32, #tpu.memory_space<hbm>>)
    return
  }
}

#map = affine_map<(d0, d1) -> (0, 0, 0)>
#map1 = affine_map<(d0, d1) -> (0)>
module attributes {stable_mosaic.version = 14 : i64} {
  func.func @_deg_body(%arg0: i32, %arg1: i32, %arg2: memref<32x125x80xi32, #tpu.memory_space<hbm>>, %arg3: memref<20224xf32, #tpu.memory_space<hbm>>, %arg4: memref<125x80xi32, #tpu.memory_space<vmem>>, %arg5: memref<80xf32, #tpu.memory_space<vmem>>, %arg6: memref<640xf32, #tpu.memory_space<vmem>>, %arg7: memref<!tpu.dma_semaphore, #tpu.memory_space<semaphore_mem>>, %arg8: memref<10112xf32, #tpu.memory_space<vmem_shared>>) attributes {dimension_semantics = [#tpu.dimension_semantics<core_parallel>, #tpu.dimension_semantics<subcore_parallel>], iteration_bounds = array<i64: 2, 16>, scalar_prefetch = 0 : i64, scratch_operands = 5 : i64, tpu.core_type = #tpu.core_type<sc_vector_subcore>, window_params = [{transform_indices = #map}, {transform_indices = #map1}]} {
    %mul3A = arith.constant 16 : i32
    %mul3A_0 = arith.muli %arg0, %mul3A : i32
    %add3A = arith.addi %mul3A_0, %arg1 : i32
    "tpu.region"() ({
      %run_scoped3A = tpu.sem_alloc : memref<!tpu.dma_semaphore, #tpu.memory_space<semaphore_mem>>
      %dma_start3A = arith.constant 0 : i32
      %dma_start3A_290 = arith.constant 0 : i32
      %dma_start3A_291 = tpu.memref_slice %arg2[%add3A, %dma_start3A, %dma_start3A_290] : memref<32x125x80xi32, #tpu.memory_space<hbm>> -> memref<1x125x80xi32, #tpu.memory_space<hbm>>
      %dma_start3A_292 = tpu.memref_squeeze %dma_start3A_291 : memref<1x125x80xi32, #tpu.memory_space<hbm>> -> memref<125x80xi32, #tpu.memory_space<hbm>>
      %dma_start3A_293 = arith.constant 0 : i32
      %dma_start3A_294 = arith.constant 0 : i32
      %dma_start3A_295 = tpu.memref_slice %arg2[%add3A, %dma_start3A_293, %dma_start3A_294] : memref<32x125x80xi32, #tpu.memory_space<hbm>> -> memref<1x125x80xi32, #tpu.memory_space<hbm>>
      %dma_start3A_296 = tpu.memref_squeeze %dma_start3A_295 : memref<1x125x80xi32, #tpu.memory_space<hbm>> -> memref<125x80xi32, #tpu.memory_space<hbm>>
      tpu.enqueue_dma source(%dma_start3A_296 : memref<125x80xi32, #tpu.memory_space<hbm>>) target(%arg4 : memref<125x80xi32, #tpu.memory_space<vmem>>) target_semaphore(%run_scoped3A : memref<!tpu.dma_semaphore, #tpu.memory_space<semaphore_mem>>)
      %dma_wait3A = arith.constant 0 : i32
      %dma_wait3A_297 = arith.constant 0 : i32
      %dma_wait3A_298 = tpu.memref_slice %arg2[%add3A, %dma_wait3A, %dma_wait3A_297] : memref<32x125x80xi32, #tpu.memory_space<hbm>> -> memref<1x125x80xi32, #tpu.memory_space<hbm>>
      %dma_wait3A_299 = tpu.memref_squeeze %dma_wait3A_298 : memref<1x125x80xi32, #tpu.memory_space<hbm>> -> memref<125x80xi32, #tpu.memory_space<hbm>>
      %dma_wait3A_300 = arith.constant 0 : i32
      %dma_wait3A_301 = arith.constant 0 : i32
      %dma_wait3A_302 = tpu.memref_slice %arg2[%add3A, %dma_wait3A_300, %dma_wait3A_301] : memref<32x125x80xi32, #tpu.memory_space<hbm>> -> memref<1x125x80xi32, #tpu.memory_space<hbm>>
      %dma_wait3A_303 = tpu.memref_squeeze %dma_wait3A_302 : memref<1x125x80xi32, #tpu.memory_space<hbm>> -> memref<125x80xi32, #tpu.memory_space<hbm>>
      tpu.wait_dma2 semaphore(%run_scoped3A : memref<!tpu.dma_semaphore, #tpu.memory_space<semaphore_mem>>) src(%dma_wait3A_303 : memref<125x80xi32, #tpu.memory_space<hbm>>) dst(%arg4 : memref<125x80xi32, #tpu.memory_space<vmem>>)
      tpu.yield
    }) : () -> ()
    %broadcast_in_dim3A = arith.constant 1.000000e+00 : f32
    %broadcast_in_dim3A_1 = vector.broadcast %broadcast_in_dim3A : f32 to vector<16xf32>
    %swap3A = arith.constant 0 : index
    %swap3A_2 = tpu.vector_load %arg5[%swap3A] {strides = array<i32>} : memref<80xf32, #tpu.memory_space<vmem>>, vector<16xf32>,
    %swap3A_3 = vector.shape_cast %swap3A_2 : vector<16xf32> to vector<16xf32>
    %swap3A_4 = vector.shape_cast %broadcast_in_dim3A_1 : vector<16xf32> to vector<16xf32>
    tpu.vector_store %arg5[%swap3A], %swap3A_4 {strides = array<i32>} : memref<80xf32, #tpu.memory_space<vmem>>, vector<16xf32>,
    %broadcast_in_dim3A_5 = arith.constant 1.000000e+00 : f32
    %broadcast_in_dim3A_6 = vector.broadcast %broadcast_in_dim3A_5 : f32 to vector<16xf32>
    %swap3A_7 = arith.constant 16 : index
    %swap3A_8 = tpu.vector_load %arg5[%swap3A_7] {strides = array<i32>} : memref<80xf32, #tpu.memory_space<vmem>>, vector<16xf32>,
    %swap3A_9 = vector.shape_cast %swap3A_8 : vector<16xf32> to vector<16xf32>
    %swap3A_10 = vector.shape_cast %broadcast_in_dim3A_6 : vector<16xf32> to vector<16xf32>
    tpu.vector_store %arg5[%swap3A_7], %swap3A_10 {strides = array<i32>} : memref<80xf32, #tpu.memory_space<vmem>>, vector<16xf32>,
    %broadcast_in_dim3A_11 = arith.constant 1.000000e+00 : f32
    %broadcast_in_dim3A_12 = vector.broadcast %broadcast_in_dim3A_11 : f32 to vector<16xf32>
    %swap3A_13 = arith.constant 32 : index
    %swap3A_14 = tpu.vector_load %arg5[%swap3A_13] {strides = array<i32>} : memref<80xf32, #tpu.memory_space<vmem>>, vector<16xf32>,
    %swap3A_15 = vector.shape_cast %swap3A_14 : vector<16xf32> to vector<16xf32>
    %swap3A_16 = vector.shape_cast %broadcast_in_dim3A_12 : vector<16xf32> to vector<16xf32>
    tpu.vector_store %arg5[%swap3A_13], %swap3A_16 {strides = array<i32>} : memref<80xf32, #tpu.memory_space<vmem>>, vector<16xf32>,
    %broadcast_in_dim3A_17 = arith.constant 1.000000e+00 : f32
    %broadcast_in_dim3A_18 = vector.broadcast %broadcast_in_dim3A_17 : f32 to vector<16xf32>
    %swap3A_19 = arith.constant 48 : index
    %swap3A_20 = tpu.vector_load %arg5[%swap3A_19] {strides = array<i32>} : memref<80xf32, #tpu.memory_space<vmem>>, vector<16xf32>,
    %swap3A_21 = vector.shape_cast %swap3A_20 : vector<16xf32> to vector<16xf32>
    %swap3A_22 = vector.shape_cast %broadcast_in_dim3A_18 : vector<16xf32> to vector<16xf32>
    tpu.vector_store %arg5[%swap3A_19], %swap3A_22 {strides = array<i32>} : memref<80xf32, #tpu.memory_space<vmem>>, vector<16xf32>,
    %broadcast_in_dim3A_23 = arith.constant 1.000000e+00 : f32
    %broadcast_in_dim3A_24 = vector.broadcast %broadcast_in_dim3A_23 : f32 to vector<16xf32>
    %swap3A_25 = arith.constant 64 : index
    %swap3A_26 = tpu.vector_load %arg5[%swap3A_25] {strides = array<i32>} : memref<80xf32, #tpu.memory_space<vmem>>, vector<16xf32>,
    %swap3A_27 = vector.shape_cast %swap3A_26 : vector<16xf32> to vector<16xf32>
    %swap3A_28 = vector.shape_cast %broadcast_in_dim3A_24 : vector<16xf32> to vector<16xf32>
    tpu.vector_store %arg5[%swap3A_25], %swap3A_28 {strides = array<i32>} : memref<80xf32, #tpu.memory_space<vmem>>, vector<16xf32>,
    %broadcast_in_dim3A_29 = arith.constant 0.000000e+00 : f32
    %broadcast_in_dim3A_30 = vector.broadcast %broadcast_in_dim3A_29 : f32 to vector<16xf32>
    %swap3A_31 = arith.constant 0 : index
    %swap3A_32 = tpu.vector_load %arg6[%swap3A_31] {strides = array<i32>} : memref<640xf32, #tpu.memory_space<vmem>>, vector<16xf32>,
    %swap3A_33 = vector.shape_cast %swap3A_32 : vector<16xf32> to vector<16xf32>
    %swap3A_34 = vector.shape_cast %broadcast_in_dim3A_30 : vector<16xf32> to vector<16xf32>
    tpu.vector_store %arg6[%swap3A_31], %swap3A_34 {strides = array<i32>} : memref<640xf32, #tpu.memory_space<vmem>>, vector<16xf32>,
    %broadcast_in_dim3A_35 = arith.constant 0.000000e+00 : f32
    %broadcast_in_dim3A_36 = vector.broadcast %broadcast_in_dim3A_35 : f32 to vector<16xf32>
    %swap3A_37 = arith.constant 16 : index
    %swap3A_38 = tpu.vector_load %arg6[%swap3A_37] {strides = array<i32>} : memref<640xf32, #tpu.memory_space<vmem>>, vector<16xf32>,
    %swap3A_39 = vector.shape_cast %swap3A_38 : vector<16xf32> to vector<16xf32>
    %swap3A_40 = vector.shape_cast %broadcast_in_dim3A_36 : vector<16xf32> to vector<16xf32>
    tpu.vector_store %arg6[%swap3A_37], %swap3A_40 {strides = array<i32>} : memref<640xf32, #tpu.memory_space<vmem>>, vector<16xf32>,
    %broadcast_in_dim3A_41 = arith.constant 0.000000e+00 : f32
    %broadcast_in_dim3A_42 = vector.broadcast %broadcast_in_dim3A_41 : f32 to vector<16xf32>
    %swap3A_43 = arith.constant 32 : index
    %swap3A_44 = tpu.vector_load %arg6[%swap3A_43] {strides = array<i32>} : memref<640xf32, #tpu.memory_space<vmem>>, vector<16xf32>,
    %swap3A_45 = vector.shape_cast %swap3A_44 : vector<16xf32> to vector<16xf32>
    %swap3A_46 = vector.shape_cast %broadcast_in_dim3A_42 : vector<16xf32> to vector<16xf32>
    tpu.vector_store %arg6[%swap3A_43], %swap3A_46 {strides = array<i32>} : memref<640xf32, #tpu.memory_space<vmem>>, vector<16xf32>,
    %broadcast_in_dim3A_47 = arith.constant 0.000000e+00 : f32
    %broadcast_in_dim3A_48 = vector.broadcast %broadcast_in_dim3A_47 : f32 to vector<16xf32>
    %swap3A_49 = arith.constant 48 : index
    %swap3A_50 = tpu.vector_load %arg6[%swap3A_49] {strides = array<i32>} : memref<640xf32, #tpu.memory_space<vmem>>, vector<16xf32>,
    %swap3A_51 = vector.shape_cast %swap3A_50 : vector<16xf32> to vector<16xf32>
    %swap3A_52 = vector.shape_cast %broadcast_in_dim3A_48 : vector<16xf32> to vector<16xf32>
    tpu.vector_store %arg6[%swap3A_49], %swap3A_52 {strides = array<i32>} : memref<640xf32, #tpu.memory_space<vmem>>, vector<16xf32>,
    %broadcast_in_dim3A_53 = arith.constant 0.000000e+00 : f32
    %broadcast_in_dim3A_54 = vector.broadcast %broadcast_in_dim3A_53 : f32 to vector<16xf32>
    %swap3A_55 = arith.constant 64 : index
    %swap3A_56 = tpu.vector_load %arg6[%swap3A_55] {strides = array<i32>} : memref<640xf32, #tpu.memory_space<vmem>>, vector<16xf32>,
    %swap3A_57 = vector.shape_cast %swap3A_56 : vector<16xf32> to vector<16xf32>
    %swap3A_58 = vector.shape_cast %broadcast_in_dim3A_54 : vector<16xf32> to vector<16xf32>
    tpu.vector_store %arg6[%swap3A_55], %swap3A_58 {strides = array<i32>} : memref<640xf32, #tpu.memory_space<vmem>>, vector<16xf32>,
    %broadcast_in_dim3A_59 = arith.constant 0.000000e+00 : f32
    %broadcast_in_dim3A_60 = vector.broadcast %broadcast_in_dim3A_59 : f32 to vector<16xf32>
    %swap3A_61 = arith.constant 80 : index
    %swap3A_62 = tpu.vector_load %arg6[%swap3A_61] {strides = array<i32>} : memref<640xf32, #tpu.memory_space<vmem>>, vector<16xf32>,
    %swap3A_63 = vector.shape_cast %swap3A_62 : vector<16xf32> to vector<16xf32>
    %swap3A_64 = vector.shape_cast %broadcast_in_dim3A_60 : vector<16xf32> to vector<16xf32>
    tpu.vector_store %arg6[%swap3A_61], %swap3A_64 {strides = array<i32>} : memref<640xf32, #tpu.memory_space<vmem>>, vector<16xf32>,
    %broadcast_in_dim3A_65 = arith.constant 0.000000e+00 : f32
    %broadcast_in_dim3A_66 = vector.broadcast %broadcast_in_dim3A_65 : f32 to vector<16xf32>
    %swap3A_67 = arith.constant 96 : index
    %swap3A_68 = tpu.vector_load %arg6[%swap3A_67] {strides = array<i32>} : memref<640xf32, #tpu.memory_space<vmem>>, vector<16xf32>,
    %swap3A_69 = vector.shape_cast %swap3A_68 : vector<16xf32> to vector<16xf32>
    %swap3A_70 = vector.shape_cast %broadcast_in_dim3A_66 : vector<16xf32> to vector<16xf32>
    tpu.vector_store %arg6[%swap3A_67], %swap3A_70 {strides = array<i32>} : memref<640xf32, #tpu.memory_space<vmem>>, vector<16xf32>,
    %broadcast_in_dim3A_71 = arith.constant 0.000000e+00 : f32
    %broadcast_in_dim3A_72 = vector.broadcast %broadcast_in_dim3A_71 : f32 to vector<16xf32>
    %swap3A_73 = arith.constant 112 : index
    %swap3A_74 = tpu.vector_load %arg6[%swap3A_73] {strides = array<i32>} : memref<640xf32, #tpu.memory_space<vmem>>, vector<16xf32>,
    %swap3A_75 = vector.shape_cast %swap3A_74 : vector<16xf32> to vector<16xf32>
    %swap3A_76 = vector.shape_cast %broadcast_in_dim3A_72 : vector<16xf32> to vector<16xf32>
    tpu.vector_store %arg6[%swap3A_73], %swap3A_76 {strides = array<i32>} : memref<640xf32, #tpu.memory_space<vmem>>, vector<16xf32>,
    %broadcast_in_dim3A_77 = arith.constant 0.000000e+00 : f32
    %broadcast_in_dim3A_78 = vector.broadcast %broadcast_in_dim3A_77 : f32 to vector<16xf32>
    %swap3A_79 = arith.constant 128 : index
    %swap3A_80 = tpu.vector_load %arg6[%swap3A_79] {strides = array<i32>} : memref<640xf32, #tpu.memory_space<vmem>>, vector<16xf32>,
    %swap3A_81 = vector.shape_cast %swap3A_80 : vector<16xf32> to vector<16xf32>
    %swap3A_82 = vector.shape_cast %broadcast_in_dim3A_78 : vector<16xf32> to vector<16xf32>
    tpu.vector_store %arg6[%swap3A_79], %swap3A_82 {strides = array<i32>} : memref<640xf32, #tpu.memory_space<vmem>>, vector<16xf32>,
    %broadcast_in_dim3A_83 = arith.constant 0.000000e+00 : f32
    %broadcast_in_dim3A_84 = vector.broadcast %broadcast_in_dim3A_83 : f32 to vector<16xf32>
    %swap3A_85 = arith.constant 144 : index
    %swap3A_86 = tpu.vector_load %arg6[%swap3A_85] {strides = array<i32>} : memref<640xf32, #tpu.memory_space<vmem>>, vector<16xf32>,
    %swap3A_87 = vector.shape_cast %swap3A_86 : vector<16xf32> to vector<16xf32>
    %swap3A_88 = vector.shape_cast %broadcast_in_dim3A_84 : vector<16xf32> to vector<16xf32>
    tpu.vector_store %arg6[%swap3A_85], %swap3A_88 {strides = array<i32>} : memref<640xf32, #tpu.memory_space<vmem>>, vector<16xf32>,
    %broadcast_in_dim3A_89 = arith.constant 0.000000e+00 : f32
    %broadcast_in_dim3A_90 = vector.broadcast %broadcast_in_dim3A_89 : f32 to vector<16xf32>
    %swap3A_91 = arith.constant 160 : index
    %swap3A_92 = tpu.vector_load %arg6[%swap3A_91] {strides = array<i32>} : memref<640xf32, #tpu.memory_space<vmem>>, vector<16xf32>,
    %swap3A_93 = vector.shape_cast %swap3A_92 : vector<16xf32> to vector<16xf32>
    %swap3A_94 = vector.shape_cast %broadcast_in_dim3A_90 : vector<16xf32> to vector<16xf32>
    tpu.vector_store %arg6[%swap3A_91], %swap3A_94 {strides = array<i32>} : memref<640xf32, #tpu.memory_space<vmem>>, vector<16xf32>,
    %broadcast_in_dim3A_95 = arith.constant 0.000000e+00 : f32
    %broadcast_in_dim3A_96 = vector.broadcast %broadcast_in_dim3A_95 : f32 to vector<16xf32>
    %swap3A_97 = arith.constant 176 : index
    %swap3A_98 = tpu.vector_load %arg6[%swap3A_97] {strides = array<i32>} : memref<640xf32, #tpu.memory_space<vmem>>, vector<16xf32>,
    %swap3A_99 = vector.shape_cast %swap3A_98 : vector<16xf32> to vector<16xf32>
    %swap3A_100 = vector.shape_cast %broadcast_in_dim3A_96 : vector<16xf32> to vector<16xf32>
    tpu.vector_store %arg6[%swap3A_97], %swap3A_100 {strides = array<i32>} : memref<640xf32, #tpu.memory_space<vmem>>, vector<16xf32>,
    %broadcast_in_dim3A_101 = arith.constant 0.000000e+00 : f32
    %broadcast_in_dim3A_102 = vector.broadcast %broadcast_in_dim3A_101 : f32 to vector<16xf32>
    %swap3A_103 = arith.constant 192 : index
    %swap3A_104 = tpu.vector_load %arg6[%swap3A_103] {strides = array<i32>} : memref<640xf32, #tpu.memory_space<vmem>>, vector<16xf32>,
    %swap3A_105 = vector.shape_cast %swap3A_104 : vector<16xf32> to vector<16xf32>
    %swap3A_106 = vector.shape_cast %broadcast_in_dim3A_102 : vector<16xf32> to vector<16xf32>
    tpu.vector_store %arg6[%swap3A_103], %swap3A_106 {strides = array<i32>} : memref<640xf32, #tpu.memory_space<vmem>>, vector<16xf32>,
    %broadcast_in_dim3A_107 = arith.constant 0.000000e+00 : f32
    %broadcast_in_dim3A_108 = vector.broadcast %broadcast_in_dim3A_107 : f32 to vector<16xf32>
    %swap3A_109 = arith.constant 208 : index
    %swap3A_110 = tpu.vector_load %arg6[%swap3A_109] {strides = array<i32>} : memref<640xf32, #tpu.memory_space<vmem>>, vector<16xf32>,
    %swap3A_111 = vector.shape_cast %swap3A_110 : vector<16xf32> to vector<16xf32>
    %swap3A_112 = vector.shape_cast %broadcast_in_dim3A_108 : vector<16xf32> to vector<16xf32>
    tpu.vector_store %arg6[%swap3A_109], %swap3A_112 {strides = array<i32>} : memref<640xf32, #tpu.memory_space<vmem>>, vector<16xf32>,
    %broadcast_in_dim3A_113 = arith.constant 0.000000e+00 : f32
    %broadcast_in_dim3A_114 = vector.broadcast %broadcast_in_dim3A_113 : f32 to vector<16xf32>
    %swap3A_115 = arith.constant 224 : index
    %swap3A_116 = tpu.vector_load %arg6[%swap3A_115] {strides = array<i32>} : memref<640xf32, #tpu.memory_space<vmem>>, vector<16xf32>,
    %swap3A_117 = vector.shape_cast %swap3A_116 : vector<16xf32> to vector<16xf32>
    %swap3A_118 = vector.shape_cast %broadcast_in_dim3A_114 : vector<16xf32> to vector<16xf32>
    tpu.vector_store %arg6[%swap3A_115], %swap3A_118 {strides = array<i32>} : memref<640xf32, #tpu.memory_space<vmem>>, vector<16xf32>,
    %broadcast_in_dim3A_119 = arith.constant 0.000000e+00 : f32
    %broadcast_in_dim3A_120 = vector.broadcast %broadcast_in_dim3A_119 : f32 to vector<16xf32>
    %swap3A_121 = arith.constant 240 : index
    %swap3A_122 = tpu.vector_load %arg6[%swap3A_121] {strides = array<i32>} : memref<640xf32, #tpu.memory_space<vmem>>, vector<16xf32>,
    %swap3A_123 = vector.shape_cast %swap3A_122 : vector<16xf32> to vector<16xf32>
    %swap3A_124 = vector.shape_cast %broadcast_in_dim3A_120 : vector<16xf32> to vector<16xf32>
    tpu.vector_store %arg6[%swap3A_121], %swap3A_124 {strides = array<i32>} : memref<640xf32, #tpu.memory_space<vmem>>, vector<16xf32>,
    %broadcast_in_dim3A_125 = arith.constant 0.000000e+00 : f32
    %broadcast_in_dim3A_126 = vector.broadcast %broadcast_in_dim3A_125 : f32 to vector<16xf32>
    %swap3A_127 = arith.constant 256 : index
    %swap3A_128 = tpu.vector_load %arg6[%swap3A_127] {strides = array<i32>} : memref<640xf32, #tpu.memory_space<vmem>>, vector<16xf32>,
    %swap3A_129 = vector.shape_cast %swap3A_128 : vector<16xf32> to vector<16xf32>
    %swap3A_130 = vector.shape_cast %broadcast_in_dim3A_126 : vector<16xf32> to vector<16xf32>
    tpu.vector_store %arg6[%swap3A_127], %swap3A_130 {strides = array<i32>} : memref<640xf32, #tpu.memory_space<vmem>>, vector<16xf32>,
    %broadcast_in_dim3A_131 = arith.constant 0.000000e+00 : f32
    %broadcast_in_dim3A_132 = vector.broadcast %broadcast_in_dim3A_131 : f32 to vector<16xf32>
    %swap3A_133 = arith.constant 272 : index
    %swap3A_134 = tpu.vector_load %arg6[%swap3A_133] {strides = array<i32>} : memref<640xf32, #tpu.memory_space<vmem>>, vector<16xf32>,
    %swap3A_135 = vector.shape_cast %swap3A_134 : vector<16xf32> to vector<16xf32>
    %swap3A_136 = vector.shape_cast %broadcast_in_dim3A_132 : vector<16xf32> to vector<16xf32>
    tpu.vector_store %arg6[%swap3A_133], %swap3A_136 {strides = array<i32>} : memref<640xf32, #tpu.memory_space<vmem>>, vector<16xf32>,
    %broadcast_in_dim3A_137 = arith.constant 0.000000e+00 : f32
    %broadcast_in_dim3A_138 = vector.broadcast %broadcast_in_dim3A_137 : f32 to vector<16xf32>
    %swap3A_139 = arith.constant 288 : index
    %swap3A_140 = tpu.vector_load %arg6[%swap3A_139] {strides = array<i32>} : memref<640xf32, #tpu.memory_space<vmem>>, vector<16xf32>,
    %swap3A_141 = vector.shape_cast %swap3A_140 : vector<16xf32> to vector<16xf32>
    %swap3A_142 = vector.shape_cast %broadcast_in_dim3A_138 : vector<16xf32> to vector<16xf32>
    tpu.vector_store %arg6[%swap3A_139], %swap3A_142 {strides = array<i32>} : memref<640xf32, #tpu.memory_space<vmem>>, vector<16xf32>,
    %broadcast_in_dim3A_143 = arith.constant 0.000000e+00 : f32
    %broadcast_in_dim3A_144 = vector.broadcast %broadcast_in_dim3A_143 : f32 to vector<16xf32>
    %swap3A_145 = arith.constant 304 : index
    %swap3A_146 = tpu.vector_load %arg6[%swap3A_145] {strides = array<i32>} : memref<640xf32, #tpu.memory_space<vmem>>, vector<16xf32>,
    %swap3A_147 = vector.shape_cast %swap3A_146 : vector<16xf32> to vector<16xf32>
    %swap3A_148 = vector.shape_cast %broadcast_in_dim3A_144 : vector<16xf32> to vector<16xf32>
    tpu.vector_store %arg6[%swap3A_145], %swap3A_148 {strides = array<i32>} : memref<640xf32, #tpu.memory_space<vmem>>, vector<16xf32>,
    %broadcast_in_dim3A_149 = arith.constant 0.000000e+00 : f32
    %broadcast_in_dim3A_150 = vector.broadcast %broadcast_in_dim3A_149 : f32 to vector<16xf32>
    %swap3A_151 = arith.constant 320 : index
    %swap3A_152 = tpu.vector_load %arg6[%swap3A_151] {strides = array<i32>} : memref<640xf32, #tpu.memory_space<vmem>>, vector<16xf32>,
    %swap3A_153 = vector.shape_cast %swap3A_152 : vector<16xf32> to vector<16xf32>
    %swap3A_154 = vector.shape_cast %broadcast_in_dim3A_150 : vector<16xf32> to vector<16xf32>
    tpu.vector_store %arg6[%swap3A_151], %swap3A_154 {strides = array<i32>} : memref<640xf32, #tpu.memory_space<vmem>>, vector<16xf32>,
    %broadcast_in_dim3A_155 = arith.constant 0.000000e+00 : f32
    %broadcast_in_dim3A_156 = vector.broadcast %broadcast_in_dim3A_155 : f32 to vector<16xf32>
    %swap3A_157 = arith.constant 336 : index
    %swap3A_158 = tpu.vector_load %arg6[%swap3A_157] {strides = array<i32>} : memref<640xf32, #tpu.memory_space<vmem>>, vector<16xf32>,
    %swap3A_159 = vector.shape_cast %swap3A_158 : vector<16xf32> to vector<16xf32>
    %swap3A_160 = vector.shape_cast %broadcast_in_dim3A_156 : vector<16xf32> to vector<16xf32>
    tpu.vector_store %arg6[%swap3A_157], %swap3A_160 {strides = array<i32>} : memref<640xf32, #tpu.memory_space<vmem>>, vector<16xf32>,
    %broadcast_in_dim3A_161 = arith.constant 0.000000e+00 : f32
    %broadcast_in_dim3A_162 = vector.broadcast %broadcast_in_dim3A_161 : f32 to vector<16xf32>
    %swap3A_163 = arith.constant 352 : index
    %swap3A_164 = tpu.vector_load %arg6[%swap3A_163] {strides = array<i32>} : memref<640xf32, #tpu.memory_space<vmem>>, vector<16xf32>,
    %swap3A_165 = vector.shape_cast %swap3A_164 : vector<16xf32> to vector<16xf32>
    %swap3A_166 = vector.shape_cast %broadcast_in_dim3A_162 : vector<16xf32> to vector<16xf32>
    tpu.vector_store %arg6[%swap3A_163], %swap3A_166 {strides = array<i32>} : memref<640xf32, #tpu.memory_space<vmem>>, vector<16xf32>,
    %broadcast_in_dim3A_167 = arith.constant 0.000000e+00 : f32
    %broadcast_in_dim3A_168 = vector.broadcast %broadcast_in_dim3A_167 : f32 to vector<16xf32>
    %swap3A_169 = arith.constant 368 : index
    %swap3A_170 = tpu.vector_load %arg6[%swap3A_169] {strides = array<i32>} : memref<640xf32, #tpu.memory_space<vmem>>, vector<16xf32>,
    %swap3A_171 = vector.shape_cast %swap3A_170 : vector<16xf32> to vector<16xf32>
    %swap3A_172 = vector.shape_cast %broadcast_in_dim3A_168 : vector<16xf32> to vector<16xf32>
    tpu.vector_store %arg6[%swap3A_169], %swap3A_172 {strides = array<i32>} : memref<640xf32, #tpu.memory_space<vmem>>, vector<16xf32>,
    %broadcast_in_dim3A_173 = arith.constant 0.000000e+00 : f32
    %broadcast_in_dim3A_174 = vector.broadcast %broadcast_in_dim3A_173 : f32 to vector<16xf32>
    %swap3A_175 = arith.constant 384 : index
    %swap3A_176 = tpu.vector_load %arg6[%swap3A_175] {strides = array<i32>} : memref<640xf32, #tpu.memory_space<vmem>>, vector<16xf32>,
    %swap3A_177 = vector.shape_cast %swap3A_176 : vector<16xf32> to vector<16xf32>
    %swap3A_178 = vector.shape_cast %broadcast_in_dim3A_174 : vector<16xf32> to vector<16xf32>
    tpu.vector_store %arg6[%swap3A_175], %swap3A_178 {strides = array<i32>} : memref<640xf32, #tpu.memory_space<vmem>>, vector<16xf32>,
    %broadcast_in_dim3A_179 = arith.constant 0.000000e+00 : f32
    %broadcast_in_dim3A_180 = vector.broadcast %broadcast_in_dim3A_179 : f32 to vector<16xf32>
    %swap3A_181 = arith.constant 400 : index
    %swap3A_182 = tpu.vector_load %arg6[%swap3A_181] {strides = array<i32>} : memref<640xf32, #tpu.memory_space<vmem>>, vector<16xf32>,
    %swap3A_183 = vector.shape_cast %swap3A_182 : vector<16xf32> to vector<16xf32>
    %swap3A_184 = vector.shape_cast %broadcast_in_dim3A_180 : vector<16xf32> to vector<16xf32>
    tpu.vector_store %arg6[%swap3A_181], %swap3A_184 {strides = array<i32>} : memref<640xf32, #tpu.memory_space<vmem>>, vector<16xf32>,
    %broadcast_in_dim3A_185 = arith.constant 0.000000e+00 : f32
    %broadcast_in_dim3A_186 = vector.broadcast %broadcast_in_dim3A_185 : f32 to vector<16xf32>
    %swap3A_187 = arith.constant 416 : index
    %swap3A_188 = tpu.vector_load %arg6[%swap3A_187] {strides = array<i32>} : memref<640xf32, #tpu.memory_space<vmem>>, vector<16xf32>,
    %swap3A_189 = vector.shape_cast %swap3A_188 : vector<16xf32> to vector<16xf32>
    %swap3A_190 = vector.shape_cast %broadcast_in_dim3A_186 : vector<16xf32> to vector<16xf32>
    tpu.vector_store %arg6[%swap3A_187], %swap3A_190 {strides = array<i32>} : memref<640xf32, #tpu.memory_space<vmem>>, vector<16xf32>,
    %broadcast_in_dim3A_191 = arith.constant 0.000000e+00 : f32
    %broadcast_in_dim3A_192 = vector.broadcast %broadcast_in_dim3A_191 : f32 to vector<16xf32>
    %swap3A_193 = arith.constant 432 : index
    %swap3A_194 = tpu.vector_load %arg6[%swap3A_193] {strides = array<i32>} : memref<640xf32, #tpu.memory_space<vmem>>, vector<16xf32>,
    %swap3A_195 = vector.shape_cast %swap3A_194 : vector<16xf32> to vector<16xf32>
    %swap3A_196 = vector.shape_cast %broadcast_in_dim3A_192 : vector<16xf32> to vector<16xf32>
    tpu.vector_store %arg6[%swap3A_193], %swap3A_196 {strides = array<i32>} : memref<640xf32, #tpu.memory_space<vmem>>, vector<16xf32>,
    %broadcast_in_dim3A_197 = arith.constant 0.000000e+00 : f32
    %broadcast_in_dim3A_198 = vector.broadcast %broadcast_in_dim3A_197 : f32 to vector<16xf32>
    %swap3A_199 = arith.constant 448 : index
    %swap3A_200 = tpu.vector_load %arg6[%swap3A_199] {strides = array<i32>} : memref<640xf32, #tpu.memory_space<vmem>>, vector<16xf32>,
    %swap3A_201 = vector.shape_cast %swap3A_200 : vector<16xf32> to vector<16xf32>
    %swap3A_202 = vector.shape_cast %broadcast_in_dim3A_198 : vector<16xf32> to vector<16xf32>
    tpu.vector_store %arg6[%swap3A_199], %swap3A_202 {strides = array<i32>} : memref<640xf32, #tpu.memory_space<vmem>>, vector<16xf32>,
    %broadcast_in_dim3A_203 = arith.constant 0.000000e+00 : f32
    %broadcast_in_dim3A_204 = vector.broadcast %broadcast_in_dim3A_203 : f32 to vector<16xf32>
    %swap3A_205 = arith.constant 464 : index
    %swap3A_206 = tpu.vector_load %arg6[%swap3A_205] {strides = array<i32>} : memref<640xf32, #tpu.memory_space<vmem>>, vector<16xf32>,
    %swap3A_207 = vector.shape_cast %swap3A_206 : vector<16xf32> to vector<16xf32>
    %swap3A_208 = vector.shape_cast %broadcast_in_dim3A_204 : vector<16xf32> to vector<16xf32>
    tpu.vector_store %arg6[%swap3A_205], %swap3A_208 {strides = array<i32>} : memref<640xf32, #tpu.memory_space<vmem>>, vector<16xf32>,
    %broadcast_in_dim3A_209 = arith.constant 0.000000e+00 : f32
    %broadcast_in_dim3A_210 = vector.broadcast %broadcast_in_dim3A_209 : f32 to vector<16xf32>
    %swap3A_211 = arith.constant 480 : index
    %swap3A_212 = tpu.vector_load %arg6[%swap3A_211] {strides = array<i32>} : memref<640xf32, #tpu.memory_space<vmem>>, vector<16xf32>,
    %swap3A_213 = vector.shape_cast %swap3A_212 : vector<16xf32> to vector<16xf32>
    %swap3A_214 = vector.shape_cast %broadcast_in_dim3A_210 : vector<16xf32> to vector<16xf32>
    tpu.vector_store %arg6[%swap3A_211], %swap3A_214 {strides = array<i32>} : memref<640xf32, #tpu.memory_space<vmem>>, vector<16xf32>,
    %broadcast_in_dim3A_215 = arith.constant 0.000000e+00 : f32
    %broadcast_in_dim3A_216 = vector.broadcast %broadcast_in_dim3A_215 : f32 to vector<16xf32>
    %swap3A_217 = arith.constant 496 : index
    %swap3A_218 = tpu.vector_load %arg6[%swap3A_217] {strides = array<i32>} : memref<640xf32, #tpu.memory_space<vmem>>, vector<16xf32>,
    %swap3A_219 = vector.shape_cast %swap3A_218 : vector<16xf32> to vector<16xf32>
    %swap3A_220 = vector.shape_cast %broadcast_in_dim3A_216 : vector<16xf32> to vector<16xf32>
    tpu.vector_store %arg6[%swap3A_217], %swap3A_220 {strides = array<i32>} : memref<640xf32, #tpu.memory_space<vmem>>, vector<16xf32>,
    %broadcast_in_dim3A_221 = arith.constant 0.000000e+00 : f32
    %broadcast_in_dim3A_222 = vector.broadcast %broadcast_in_dim3A_221 : f32 to vector<16xf32>
    %swap3A_223 = arith.constant 512 : index
    %swap3A_224 = tpu.vector_load %arg6[%swap3A_223] {strides = array<i32>} : memref<640xf32, #tpu.memory_space<vmem>>, vector<16xf32>,
    %swap3A_225 = vector.shape_cast %swap3A_224 : vector<16xf32> to vector<16xf32>
    %swap3A_226 = vector.shape_cast %broadcast_in_dim3A_222 : vector<16xf32> to vector<16xf32>
    tpu.vector_store %arg6[%swap3A_223], %swap3A_226 {strides = array<i32>} : memref<640xf32, #tpu.memory_space<vmem>>, vector<16xf32>,
    %broadcast_in_dim3A_227 = arith.constant 0.000000e+00 : f32
    %broadcast_in_dim3A_228 = vector.broadcast %broadcast_in_dim3A_227 : f32 to vector<16xf32>
    %swap3A_229 = arith.constant 528 : index
    %swap3A_230 = tpu.vector_load %arg6[%swap3A_229] {strides = array<i32>} : memref<640xf32, #tpu.memory_space<vmem>>, vector<16xf32>,
    %swap3A_231 = vector.shape_cast %swap3A_230 : vector<16xf32> to vector<16xf32>
    %swap3A_232 = vector.shape_cast %broadcast_in_dim3A_228 : vector<16xf32> to vector<16xf32>
    tpu.vector_store %arg6[%swap3A_229], %swap3A_232 {strides = array<i32>} : memref<640xf32, #tpu.memory_space<vmem>>, vector<16xf32>,
    %broadcast_in_dim3A_233 = arith.constant 0.000000e+00 : f32
    %broadcast_in_dim3A_234 = vector.broadcast %broadcast_in_dim3A_233 : f32 to vector<16xf32>
    %swap3A_235 = arith.constant 544 : index
    %swap3A_236 = tpu.vector_load %arg6[%swap3A_235] {strides = array<i32>} : memref<640xf32, #tpu.memory_space<vmem>>, vector<16xf32>,
    %swap3A_237 = vector.shape_cast %swap3A_236 : vector<16xf32> to vector<16xf32>
    %swap3A_238 = vector.shape_cast %broadcast_in_dim3A_234 : vector<16xf32> to vector<16xf32>
    tpu.vector_store %arg6[%swap3A_235], %swap3A_238 {strides = array<i32>} : memref<640xf32, #tpu.memory_space<vmem>>, vector<16xf32>,
    %broadcast_in_dim3A_239 = arith.constant 0.000000e+00 : f32
    %broadcast_in_dim3A_240 = vector.broadcast %broadcast_in_dim3A_239 : f32 to vector<16xf32>
    %swap3A_241 = arith.constant 560 : index
    %swap3A_242 = tpu.vector_load %arg6[%swap3A_241] {strides = array<i32>} : memref<640xf32, #tpu.memory_space<vmem>>, vector<16xf32>,
    %swap3A_243 = vector.shape_cast %swap3A_242 : vector<16xf32> to vector<16xf32>
    %swap3A_244 = vector.shape_cast %broadcast_in_dim3A_240 : vector<16xf32> to vector<16xf32>
    tpu.vector_store %arg6[%swap3A_241], %swap3A_244 {strides = array<i32>} : memref<640xf32, #tpu.memory_space<vmem>>, vector<16xf32>,
    %broadcast_in_dim3A_245 = arith.constant 0.000000e+00 : f32
    %broadcast_in_dim3A_246 = vector.broadcast %broadcast_in_dim3A_245 : f32 to vector<16xf32>
    %swap3A_247 = arith.constant 576 : index
    %swap3A_248 = tpu.vector_load %arg6[%swap3A_247] {strides = array<i32>} : memref<640xf32, #tpu.memory_space<vmem>>, vector<16xf32>,
    %swap3A_249 = vector.shape_cast %swap3A_248 : vector<16xf32> to vector<16xf32>
    %swap3A_250 = vector.shape_cast %broadcast_in_dim3A_246 : vector<16xf32> to vector<16xf32>
    tpu.vector_store %arg6[%swap3A_247], %swap3A_250 {strides = array<i32>} : memref<640xf32, #tpu.memory_space<vmem>>, vector<16xf32>,
    %broadcast_in_dim3A_251 = arith.constant 0.000000e+00 : f32
    %broadcast_in_dim3A_252 = vector.broadcast %broadcast_in_dim3A_251 : f32 to vector<16xf32>
    %swap3A_253 = arith.constant 592 : index
    %swap3A_254 = tpu.vector_load %arg6[%swap3A_253] {strides = array<i32>} : memref<640xf32, #tpu.memory_space<vmem>>, vector<16xf32>,
    %swap3A_255 = vector.shape_cast %swap3A_254 : vector<16xf32> to vector<16xf32>
    %swap3A_256 = vector.shape_cast %broadcast_in_dim3A_252 : vector<16xf32> to vector<16xf32>
    tpu.vector_store %arg6[%swap3A_253], %swap3A_256 {strides = array<i32>} : memref<640xf32, #tpu.memory_space<vmem>>, vector<16xf32>,
    %broadcast_in_dim3A_257 = arith.constant 0.000000e+00 : f32
    %broadcast_in_dim3A_258 = vector.broadcast %broadcast_in_dim3A_257 : f32 to vector<16xf32>
    %swap3A_259 = arith.constant 608 : index
    %swap3A_260 = tpu.vector_load %arg6[%swap3A_259] {strides = array<i32>} : memref<640xf32, #tpu.memory_space<vmem>>, vector<16xf32>,
    %swap3A_261 = vector.shape_cast %swap3A_260 : vector<16xf32> to vector<16xf32>
    %swap3A_262 = vector.shape_cast %broadcast_in_dim3A_258 : vector<16xf32> to vector<16xf32>
    tpu.vector_store %arg6[%swap3A_259], %swap3A_262 {strides = array<i32>} : memref<640xf32, #tpu.memory_space<vmem>>, vector<16xf32>,
    %broadcast_in_dim3A_263 = arith.constant 0.000000e+00 : f32
    %broadcast_in_dim3A_264 = vector.broadcast %broadcast_in_dim3A_263 : f32 to vector<16xf32>
    %swap3A_265 = arith.constant 624 : index
    %swap3A_266 = tpu.vector_load %arg6[%swap3A_265] {strides = array<i32>} : memref<640xf32, #tpu.memory_space<vmem>>, vector<16xf32>,
    %swap3A_267 = vector.shape_cast %swap3A_266 : vector<16xf32> to vector<16xf32>
    %swap3A_268 = vector.shape_cast %broadcast_in_dim3A_264 : vector<16xf32> to vector<16xf32>
    tpu.vector_store %arg6[%swap3A_265], %swap3A_268 {strides = array<i32>} : memref<640xf32, #tpu.memory_space<vmem>>, vector<16xf32>,
    %mul3A_269 = arith.constant 632 : i32
    %mul3A_270 = arith.muli %arg1, %mul3A_269 : i32
    "tpu.region"() ({
      %run_scoped3A = tpu.sem_alloc : memref<!tpu.dma_semaphore, #tpu.memory_space<semaphore_mem>>
      %dma_start3A = arith.constant 0 : i32
      %dma_start3A_290 = tpu.memref_slice %arg6[%dma_start3A] : memref<640xf32, #tpu.memory_space<vmem>> -> memref<632xf32, #tpu.memory_space<vmem>>
      %dma_start3A_291 = tpu.memref_slice %arg8[%mul3A_270] : memref<10112xf32, #tpu.memory_space<vmem_shared>> -> memref<632xf32, #tpu.memory_space<vmem_shared>>
      %dma_start3A_292 = tpu.memref_slice %arg8[%mul3A_270] : memref<10112xf32, #tpu.memory_space<vmem_shared>> -> memref<632xf32, #tpu.memory_space<vmem_shared>>
      %dma_start3A_293 = arith.constant 0 : i32
      %dma_start3A_294 = tpu.memref_slice %arg6[%dma_start3A_293] : memref<640xf32, #tpu.memory_space<vmem>> -> memref<632xf32, #tpu.memory_space<vmem>>
      tpu.enqueue_dma source(%dma_start3A_294 : memref<632xf32, #tpu.memory_space<vmem>>) target(%dma_start3A_292 : memref<632xf32, #tpu.memory_space<vmem_shared>>) target_semaphore(%run_scoped3A : memref<!tpu.dma_semaphore, #tpu.memory_space<semaphore_mem>>)
      %dma_wait3A = arith.constant 0 : i32
      %dma_wait3A_295 = tpu.memref_slice %arg6[%dma_wait3A] : memref<640xf32, #tpu.memory_space<vmem>> -> memref<632xf32, #tpu.memory_space<vmem>>
      %dma_wait3A_296 = tpu.memref_slice %arg8[%mul3A_270] : memref<10112xf32, #tpu.memory_space<vmem_shared>> -> memref<632xf32, #tpu.memory_space<vmem_shared>>
      %dma_wait3A_297 = tpu.memref_slice %arg8[%mul3A_270] : memref<10112xf32, #tpu.memory_space<vmem_shared>> -> memref<632xf32, #tpu.memory_space<vmem_shared>>
      %dma_wait3A_298 = arith.constant 0 : i32
      %dma_wait3A_299 = tpu.memref_slice %arg6[%dma_wait3A_298] : memref<640xf32, #tpu.memory_space<vmem>> -> memref<632xf32, #tpu.memory_space<vmem>>
      tpu.wait_dma2 semaphore(%run_scoped3A : memref<!tpu.dma_semaphore, #tpu.memory_space<semaphore_mem>>) src(%dma_wait3A_299 : memref<632xf32, #tpu.memory_space<vmem>>) dst(%dma_wait3A_297 : memref<632xf32, #tpu.memory_space<vmem_shared>>)
      tpu.yield
    }) : () -> ()
    %barrier3A = arith.constant 0 : index
    tpu.barrier barrier_id(%barrier3A)
    %scan3A = arith.constant 0 : i32
    %scan3A_271 = arith.constant 0 : i32
    %scan3A_272 = arith.constant 125 : i32
    %scan3A_273 = arith.addi %scan3A_271, %scan3A_272 : i32
    %scan3A_274 = arith.constant 1 : i32
    scf.for %scan3A_290 = %scan3A_271 to %scan3A_273 step %scan3A_274  : i32 {
      %dma_start3A = arith.constant 0 : i32
      %dma_start3A_291 = tpu.memref_slice %arg4[%scan3A_290, %dma_start3A] : memref<125x80xi32, #tpu.memory_space<vmem>> -> memref<1x80xi32, #tpu.memory_space<vmem>>
      %dma_start3A_292 = tpu.memref_squeeze %dma_start3A_291 : memref<1x80xi32, #tpu.memory_space<vmem>> -> memref<80xi32, #tpu.memory_space<vmem>>
      %dma_start3A_293 = arith.constant 0 : i32
      %dma_start3A_294 = tpu.memref_slice %arg8[%dma_start3A_293] : memref<10112xf32, #tpu.memory_space<vmem_shared>> -> memref<10112xf32, #tpu.memory_space<vmem_shared>>
      tpu.enqueue_indirect_dma source(%arg5 : memref<80xf32, #tpu.memory_space<vmem>>) target(%dma_start3A_294 : memref<10112xf32, #tpu.memory_space<vmem_shared>>) offsets(%dma_start3A_292 : memref<80xi32, #tpu.memory_space<vmem>>) semaphore(%arg7 : memref<!tpu.dma_semaphore, #tpu.memory_space<semaphore_mem>>) {add = true}
    }
    %scan3A_275 = arith.constant 125 : i32
    %scan3A_276 = arith.constant 0 : i32
    %scan3A_277 = arith.constant 0 : i32
    %scan3A_278 = arith.constant 125 : i32
    %scan3A_279 = arith.addi %scan3A_277, %scan3A_278 : i32
    %scan3A_280 = arith.constant 1 : i32
    scf.for %scan3A_290 = %scan3A_277 to %scan3A_279 step %scan3A_280  : i32 {
      %dma_wait3A = arith.constant 0 : i32
      %dma_wait3A_291 = tpu.memref_slice %arg4[%scan3A_290, %dma_wait3A] : memref<125x80xi32, #tpu.memory_space<vmem>> -> memref<1x80xi32, #tpu.memory_space<vmem>>
      %dma_wait3A_292 = tpu.memref_squeeze %dma_wait3A_291 : memref<1x80xi32, #tpu.memory_space<vmem>> -> memref<80xi32, #tpu.memory_space<vmem>>
      %dma_wait3A_293 = arith.constant 0 : i32
      %dma_wait3A_294 = tpu.memref_slice %arg8[%dma_wait3A_293] : memref<10112xf32, #tpu.memory_space<vmem_shared>> -> memref<10112xf32, #tpu.memory_space<vmem_shared>>
      tpu.wait_indirect_dma semaphore(%arg7 : memref<!tpu.dma_semaphore, #tpu.memory_space<semaphore_mem>>) src(%arg5 : memref<80xf32, #tpu.memory_space<vmem>>) dst(%dma_wait3A_294 : memref<10112xf32, #tpu.memory_space<vmem_shared>>)
    }
    %scan3A_281 = arith.constant 125 : i32
    %barrier3A_282 = arith.constant 0 : index
    tpu.barrier barrier_id(%barrier3A_282)
    %mul3A_283 = arith.constant 632 : i32
    %mul3A_284 = arith.muli %arg1, %mul3A_283 : i32
    "tpu.region"() ({
      %run_scoped3A = tpu.sem_alloc : memref<!tpu.dma_semaphore, #tpu.memory_space<semaphore_mem>>
      %dma_start3A = arith.constant 0 : i32
      %dma_start3A_290 = tpu.memref_slice %arg6[%dma_start3A] : memref<640xf32, #tpu.memory_space<vmem>> -> memref<632xf32, #tpu.memory_space<vmem>>
      %dma_start3A_291 = tpu.memref_slice %arg8[%mul3A_284] : memref<10112xf32, #tpu.memory_space<vmem_shared>> -> memref<632xf32, #tpu.memory_space<vmem_shared>>
      %dma_start3A_292 = arith.constant 0 : i32
      %dma_start3A_293 = tpu.memref_slice %arg6[%dma_start3A_292] : memref<640xf32, #tpu.memory_space<vmem>> -> memref<632xf32, #tpu.memory_space<vmem>>
      %dma_start3A_294 = tpu.memref_slice %arg8[%mul3A_284] : memref<10112xf32, #tpu.memory_space<vmem_shared>> -> memref<632xf32, #tpu.memory_space<vmem_shared>>
      tpu.enqueue_dma source(%dma_start3A_294 : memref<632xf32, #tpu.memory_space<vmem_shared>>) target(%dma_start3A_293 : memref<632xf32, #tpu.memory_space<vmem>>) target_semaphore(%run_scoped3A : memref<!tpu.dma_semaphore, #tpu.memory_space<semaphore_mem>>)
      %dma_wait3A = arith.constant 0 : i32
      %dma_wait3A_295 = tpu.memref_slice %arg6[%dma_wait3A] : memref<640xf32, #tpu.memory_space<vmem>> -> memref<632xf32, #tpu.memory_space<vmem>>
      %dma_wait3A_296 = tpu.memref_slice %arg8[%mul3A_284] : memref<10112xf32, #tpu.memory_space<vmem_shared>> -> memref<632xf32, #tpu.memory_space<vmem_shared>>
      %dma_wait3A_297 = arith.constant 0 : i32
      %dma_wait3A_298 = tpu.memref_slice %arg6[%dma_wait3A_297] : memref<640xf32, #tpu.memory_space<vmem>> -> memref<632xf32, #tpu.memory_space<vmem>>
      %dma_wait3A_299 = tpu.memref_slice %arg8[%mul3A_284] : memref<10112xf32, #tpu.memory_space<vmem_shared>> -> memref<632xf32, #tpu.memory_space<vmem_shared>>
      tpu.wait_dma2 semaphore(%run_scoped3A : memref<!tpu.dma_semaphore, #tpu.memory_space<semaphore_mem>>) src(%dma_wait3A_299 : memref<632xf32, #tpu.memory_space<vmem_shared>>) dst(%dma_wait3A_298 : memref<632xf32, #tpu.memory_space<vmem>>)
      tpu.yield
    }) : () -> ()
    %mul3A_285 = arith.constant 10112 : i32
    %mul3A_286 = arith.muli %arg0, %mul3A_285 : i32
    %mul3A_287 = arith.constant 632 : i32
    %mul3A_288 = arith.muli %arg1, %mul3A_287 : i32
    %add3A_289 = arith.addi %mul3A_286, %mul3A_288 : i32
    "tpu.region"() ({
      %run_scoped3A = tpu.sem_alloc : memref<!tpu.dma_semaphore, #tpu.memory_space<semaphore_mem>>
      %dma_start3A = arith.constant 0 : i32
      %dma_start3A_290 = tpu.memref_slice %arg6[%dma_start3A] : memref<640xf32, #tpu.memory_space<vmem>> -> memref<632xf32, #tpu.memory_space<vmem>>
      %dma_start3A_291 = tpu.memref_slice %arg3[%add3A_289] : memref<20224xf32, #tpu.memory_space<hbm>> -> memref<632xf32, #tpu.memory_space<hbm>>
      %dma_start3A_292 = tpu.memref_slice %arg3[%add3A_289] : memref<20224xf32, #tpu.memory_space<hbm>> -> memref<632xf32, #tpu.memory_space<hbm>>
      %dma_start3A_293 = arith.constant 0 : i32
      %dma_start3A_294 = tpu.memref_slice %arg6[%dma_start3A_293] : memref<640xf32, #tpu.memory_space<vmem>> -> memref<632xf32, #tpu.memory_space<vmem>>
      tpu.enqueue_dma source(%dma_start3A_294 : memref<632xf32, #tpu.memory_space<vmem>>) target(%dma_start3A_292 : memref<632xf32, #tpu.memory_space<hbm>>) target_semaphore(%run_scoped3A : memref<!tpu.dma_semaphore, #tpu.memory_space<semaphore_mem>>)
      %dma_wait3A = arith.constant 0 : i32
      %dma_wait3A_295 = tpu.memref_slice %arg6[%dma_wait3A] : memref<640xf32, #tpu.memory_space<vmem>> -> memref<632xf32, #tpu.memory_space<vmem>>
      %dma_wait3A_296 = tpu.memref_slice %arg3[%add3A_289] : memref<20224xf32, #tpu.memory_space<hbm>> -> memref<632xf32, #tpu.memory_space<hbm>>
      %dma_wait3A_297 = tpu.memref_slice %arg3[%add3A_289] : memref<20224xf32, #tpu.memory_space<hbm>> -> memref<632xf32, #tpu.memory_space<hbm>>
      %dma_wait3A_298 = arith.constant 0 : i32
      %dma_wait3A_299 = tpu.memref_slice %arg6[%dma_wait3A_298] : memref<640xf32, #tpu.memory_space<vmem>> -> memref<632xf32, #tpu.memory_space<vmem>>
      tpu.wait_dma2 semaphore(%run_scoped3A : memref<!tpu.dma_semaphore, #tpu.memory_space<semaphore_mem>>) src(%dma_wait3A_299 : memref<632xf32, #tpu.memory_space<vmem>>) dst(%dma_wait3A_297 : memref<632xf32, #tpu.memory_space<hbm>>)
      tpu.yield
    }) : () -> ()
    return
  }
}

module attributes {stable_mosaic.version = 14 : i64} {
  func.func @_s1_body(%arg0: i32, %arg1: memref<2000x128xf32, #tpu.memory_space<vmem>>, %arg2: memref<128x128xf32, #tpu.memory_space<vmem>>, %arg3: memref<2000x2xf32, #tpu.memory_space<vmem>>, %arg4: memref<2000x128xf32, #tpu.memory_space<vmem>>) attributes {dimension_semantics = [#tpu.dimension_semantics<arbitrary>], iteration_bounds = array<i64: 5>, scalar_prefetch = 0 : i64, scratch_operands = 0 : i64, tpu.core_type = #tpu.core_type<tc>, window_params = [{transform_indices = @transform_0, window_bounds = array<i64: 2000, 128>}, {pipeline_mode = #tpu.pipeline_mode<synchronous>, transform_indices = @transform_1, window_bounds = array<i64: 128, 128>}, {transform_indices = @transform_2, window_bounds = array<i64: 2000, 2>}, {transform_indices = @transform_3, window_bounds = array<i64: 2000, 128>}]} {
    %get3A = arith.constant 0 : index
    %get3A_0 = arith.constant 0 : index
    %get3A_1 = vector.load %arg1[%get3A, %get3A_0] : memref<2000x128xf32, #tpu.memory_space<vmem>>, vector<2000x128xf32>
    %get3A_2 = arith.constant 0 : index
    %get3A_3 = arith.constant 0 : index
    %get3A_4 = vector.load %arg2[%get3A_2, %get3A_3] : memref<128x128xf32, #tpu.memory_space<vmem>>, vector<128x128xf32>
    %dot_general3A = arith.constant dense<0.000000e+00> : vector<2000x128xf32>
    %dot_general3A_5 = tpu.matmul %get3A_1, %get3A_4, %dot_general3A {dimension_numbers = #tpu.dot_dimension_numbers<[1], [0], [0], [1], [0, 0, 1, 1], [], []>, transpose_lhs_hint = false} : vector<2000x128xf32>, vector<128x128xf32>, vector<2000x128xf32> -> vector<2000x128xf32>
    %get3A_6 = arith.constant 0 : index
    %get3A_7 = arith.constant 0 : index
    %get3A_8 = vector.load %arg3[%get3A_6, %get3A_7] : memref<2000x2xf32, #tpu.memory_space<vmem>>, vector<2000x1xf32>
    %get3A_9 = arith.constant 0 : index
    %get3A_10 = arith.constant 1 : index
    %get3A_11 = vector.load %arg3[%get3A_9, %get3A_10] : memref<2000x2xf32, #tpu.memory_space<vmem>>, vector<2000x1xf32>
    %add3A = arith.addf %get3A_8, %get3A_11 : vector<2000x1xf32>
    %add3A_12 = arith.constant 1.000000e+00 : f32
    %add3A_13 = vector.broadcast %add3A_12 : f32 to vector<2000x1xf32>
    %add3A_14 = arith.addf %add3A, %add3A_13 : vector<2000x1xf32>
    %rsqrt3A = math.rsqrt %add3A_14 : vector<2000x1xf32>
    %mul3A = vector.broadcast %rsqrt3A : vector<2000x1xf32> to vector<2000x128xf32>
    %mul3A_15 = arith.mulf %dot_general3A_5, %mul3A : vector<2000x128xf32>
    %swap3A = arith.constant 0 : index
    %swap3A_16 = arith.constant 0 : index
    %swap3A_17 = vector.load %arg4[%swap3A, %swap3A_16] : memref<2000x128xf32, #tpu.memory_space<vmem>>, vector<2000x128xf32>
    tpu.vector_store %arg4[%swap3A, %swap3A_16], %mul3A_15 {strides = array<i32>} : memref<2000x128xf32, #tpu.memory_space<vmem>>, vector<2000x128xf32>,
    return
  }
  func.func @transform_0(%arg0: i32) -> (i32, i32) {
    %c0_i32 = arith.constant 0 : i32
    %c0_i32_0 = arith.constant 0 : i32
    return %arg0, %c0_i32 : i32, i32
  }
  func.func @transform_1(%arg0: i32) -> (i32, i32) {
    %c0_i32 = arith.constant 0 : i32
    %c0_i32_0 = arith.constant 0 : i32
    %c0_i32_1 = arith.constant 0 : i32
    return %c0_i32, %c0_i32_0 : i32, i32
  }
  func.func @transform_2(%arg0: i32) -> (i32, i32) {
    %c0_i32 = arith.constant 0 : i32
    %c0_i32_0 = arith.constant 0 : i32
    return %arg0, %c0_i32 : i32, i32
  }
  func.func @transform_3(%arg0: i32) -> (i32, i32) {
    %c0_i32 = arith.constant 0 : i32
    %c0_i32_0 = arith.constant 0 : i32
    return %arg0, %c0_i32 : i32, i32
  }
}

module attributes {stable_mosaic.version = 14 : i64} {
  func.func @_s2_body(%arg0: i32, %arg1: memref<2x2000x128xf32, #tpu.memory_space<vmem>>, %arg2: memref<2000x128xf32, #tpu.memory_space<vmem>>, %arg3: memref<2000x2xf32, #tpu.memory_space<vmem>>, %arg4: memref<1x128xf32, #tpu.memory_space<vmem>>, %arg5: memref<128x128xf32, #tpu.memory_space<vmem>>, %arg6: memref<2000x128xf32, #tpu.memory_space<vmem>>) attributes {dimension_semantics = [#tpu.dimension_semantics<arbitrary>], iteration_bounds = array<i64: 5>, scalar_prefetch = 0 : i64, scratch_operands = 0 : i64, tpu.core_type = #tpu.core_type<tc>, window_params = [{transform_indices = @transform_0, window_bounds = array<i64: 2, 2000, 128>}, {transform_indices = @transform_1, window_bounds = array<i64: 2000, 128>}, {transform_indices = @transform_2, window_bounds = array<i64: 2000, 2>}, {pipeline_mode = #tpu.pipeline_mode<synchronous>, transform_indices = @transform_3, window_bounds = array<i64: 1, 128>}, {pipeline_mode = #tpu.pipeline_mode<synchronous>, transform_indices = @transform_4, window_bounds = array<i64: 128, 128>}, {transform_indices = @transform_5, window_bounds = array<i64: 2000, 128>}]} {
    %get3A = arith.constant 0 : index
    %get3A_0 = arith.constant 0 : index
    %get3A_1 = vector.load %arg3[%get3A, %get3A_0] : memref<2000x2xf32, #tpu.memory_space<vmem>>, vector<2000x1xf32>
    %get3A_2 = arith.constant 0 : index
    %get3A_3 = arith.constant 1 : index
    %get3A_4 = vector.load %arg3[%get3A_2, %get3A_3] : memref<2000x2xf32, #tpu.memory_space<vmem>>, vector<2000x1xf32>
    %add3A = arith.addf %get3A_1, %get3A_4 : vector<2000x1xf32>
    %add3A_5 = arith.constant 1.000000e+00 : f32
    %add3A_6 = vector.broadcast %add3A_5 : f32 to vector<2000x1xf32>
    %add3A_7 = arith.addf %add3A, %add3A_6 : vector<2000x1xf32>
    %rsqrt3A = math.rsqrt %add3A_7 : vector<2000x1xf32>
    %get3A_8 = arith.constant 0 : index
    %get3A_9 = arith.constant 0 : index
    %get3A_10 = arith.constant 0 : index
    %get3A_11 = vector.load %arg1[%get3A_8, %get3A_9, %get3A_10] : memref<2x2000x128xf32, #tpu.memory_space<vmem>>, vector<1x2000x128xf32>
    %get3A_12 = vector.shape_cast %get3A_11 : vector<1x2000x128xf32> to vector<2000x128xf32>
    %get3A_13 = arith.constant 1 : index
    %get3A_14 = arith.constant 0 : index
    %get3A_15 = arith.constant 0 : index
    %get3A_16 = vector.load %arg1[%get3A_13, %get3A_14, %get3A_15] : memref<2x2000x128xf32, #tpu.memory_space<vmem>>, vector<1x2000x128xf32>
    %get3A_17 = vector.shape_cast %get3A_16 : vector<1x2000x128xf32> to vector<2000x128xf32>
    %add3A_18 = arith.addf %get3A_12, %get3A_17 : vector<2000x128xf32>
    %get3A_19 = arith.constant 0 : index
    %get3A_20 = arith.constant 0 : index
    %get3A_21 = vector.load %arg2[%get3A_19, %get3A_20] : memref<2000x128xf32, #tpu.memory_space<vmem>>, vector<2000x128xf32>
    %add3A_22 = arith.addf %add3A_18, %get3A_21 : vector<2000x128xf32>
    %mul3A = vector.broadcast %rsqrt3A : vector<2000x1xf32> to vector<2000x128xf32>
    %mul3A_23 = arith.mulf %add3A_22, %mul3A : vector<2000x128xf32>
    %get3A_24 = arith.constant 0 : index
    %get3A_25 = arith.constant 0 : index
    %get3A_26 = vector.load %arg4[%get3A_24, %get3A_25] : memref<1x128xf32, #tpu.memory_space<vmem>>, vector<1x128xf32>
    %add3A_27 = vector.broadcast %get3A_26 : vector<1x128xf32> to vector<2000x128xf32>
    %add3A_28 = arith.addf %mul3A_23, %add3A_27 : vector<2000x128xf32>
    %max3A = arith.constant 0.000000e+00 : f32
    %max3A_29 = vector.broadcast %max3A : f32 to vector<2000x128xf32>
    %max3A_30 = arith.maximumf %add3A_28, %max3A_29 : vector<2000x128xf32>
    %get3A_31 = arith.constant 0 : index
    %get3A_32 = arith.constant 0 : index
    %get3A_33 = vector.load %arg5[%get3A_31, %get3A_32] : memref<128x128xf32, #tpu.memory_space<vmem>>, vector<128x128xf32>
    %dot_general3A = arith.constant dense<0.000000e+00> : vector<2000x128xf32>
    %dot_general3A_34 = tpu.matmul %max3A_30, %get3A_33, %dot_general3A {dimension_numbers = #tpu.dot_dimension_numbers<[1], [0], [0], [1], [0, 0, 1, 1], [], []>, transpose_lhs_hint = false} : vector<2000x128xf32>, vector<128x128xf32>, vector<2000x128xf32> -> vector<2000x128xf32>
    %mul3A_35 = vector.broadcast %rsqrt3A : vector<2000x1xf32> to vector<2000x128xf32>
    %mul3A_36 = arith.mulf %dot_general3A_34, %mul3A_35 : vector<2000x128xf32>
    %swap3A = arith.constant 0 : index
    %swap3A_37 = arith.constant 0 : index
    %swap3A_38 = vector.load %arg6[%swap3A, %swap3A_37] : memref<2000x128xf32, #tpu.memory_space<vmem>>, vector<2000x128xf32>
    tpu.vector_store %arg6[%swap3A, %swap3A_37], %mul3A_36 {strides = array<i32>} : memref<2000x128xf32, #tpu.memory_space<vmem>>, vector<2000x128xf32>,
    return
  }
  func.func @transform_0(%arg0: i32) -> (i32, i32, i32) {
    %c0_i32 = arith.constant 0 : i32
    %c0_i32_0 = arith.constant 0 : i32
    %c0_i32_1 = arith.constant 0 : i32
    return %c0_i32, %arg0, %c0_i32_0 : i32, i32, i32
  }
  func.func @transform_1(%arg0: i32) -> (i32, i32) {
    %c0_i32 = arith.constant 0 : i32
    %c0_i32_0 = arith.constant 0 : i32
    return %arg0, %c0_i32 : i32, i32
  }
  func.func @transform_2(%arg0: i32) -> (i32, i32) {
    %c0_i32 = arith.constant 0 : i32
    %c0_i32_0 = arith.constant 0 : i32
    return %arg0, %c0_i32 : i32, i32
  }
  func.func @transform_3(%arg0: i32) -> (i32, i32) {
    %c0_i32 = arith.constant 0 : i32
    %c0_i32_0 = arith.constant 0 : i32
    %c0_i32_1 = arith.constant 0 : i32
    return %c0_i32, %c0_i32_0 : i32, i32
  }
  func.func @transform_4(%arg0: i32) -> (i32, i32) {
    %c0_i32 = arith.constant 0 : i32
    %c0_i32_0 = arith.constant 0 : i32
    %c0_i32_1 = arith.constant 0 : i32
    return %c0_i32, %c0_i32_0 : i32, i32
  }
  func.func @transform_5(%arg0: i32) -> (i32, i32) {
    %c0_i32 = arith.constant 0 : i32
    %c0_i32_0 = arith.constant 0 : i32
    return %arg0, %c0_i32 : i32, i32
  }
}

module attributes {stable_mosaic.version = 14 : i64} {
  func.func @_s3_body(%arg0: i32, %arg1: memref<2x2000x128xf32, #tpu.memory_space<vmem>>, %arg2: memref<2000x128xf32, #tpu.memory_space<vmem>>, %arg3: memref<2000x2xf32, #tpu.memory_space<vmem>>, %arg4: memref<1x128xf32, #tpu.memory_space<vmem>>, %arg5: memref<2000x128xf32, #tpu.memory_space<vmem>>) attributes {dimension_semantics = [#tpu.dimension_semantics<arbitrary>], iteration_bounds = array<i64: 5>, scalar_prefetch = 0 : i64, scratch_operands = 0 : i64, tpu.core_type = #tpu.core_type<tc>, window_params = [{transform_indices = @transform_0, window_bounds = array<i64: 2, 2000, 128>}, {transform_indices = @transform_1, window_bounds = array<i64: 2000, 128>}, {transform_indices = @transform_2, window_bounds = array<i64: 2000, 2>}, {pipeline_mode = #tpu.pipeline_mode<synchronous>, transform_indices = @transform_3, window_bounds = array<i64: 1, 128>}, {transform_indices = @transform_4, window_bounds = array<i64: 2000, 128>}]} {
    %get3A = arith.constant 0 : index
    %get3A_0 = arith.constant 0 : index
    %get3A_1 = vector.load %arg3[%get3A, %get3A_0] : memref<2000x2xf32, #tpu.memory_space<vmem>>, vector<2000x1xf32>
    %get3A_2 = arith.constant 0 : index
    %get3A_3 = arith.constant 1 : index
    %get3A_4 = vector.load %arg3[%get3A_2, %get3A_3] : memref<2000x2xf32, #tpu.memory_space<vmem>>, vector<2000x1xf32>
    %add3A = arith.addf %get3A_1, %get3A_4 : vector<2000x1xf32>
    %add3A_5 = arith.constant 1.000000e+00 : f32
    %add3A_6 = vector.broadcast %add3A_5 : f32 to vector<2000x1xf32>
    %add3A_7 = arith.addf %add3A, %add3A_6 : vector<2000x1xf32>
    %rsqrt3A = math.rsqrt %add3A_7 : vector<2000x1xf32>
    %get3A_8 = arith.constant 0 : index
    %get3A_9 = arith.constant 0 : index
    %get3A_10 = arith.constant 0 : index
    %get3A_11 = vector.load %arg1[%get3A_8, %get3A_9, %get3A_10] : memref<2x2000x128xf32, #tpu.memory_space<vmem>>, vector<1x2000x128xf32>
    %get3A_12 = vector.shape_cast %get3A_11 : vector<1x2000x128xf32> to vector<2000x128xf32>
    %get3A_13 = arith.constant 1 : index
    %get3A_14 = arith.constant 0 : index
    %get3A_15 = arith.constant 0 : index
    %get3A_16 = vector.load %arg1[%get3A_13, %get3A_14, %get3A_15] : memref<2x2000x128xf32, #tpu.memory_space<vmem>>, vector<1x2000x128xf32>
    %get3A_17 = vector.shape_cast %get3A_16 : vector<1x2000x128xf32> to vector<2000x128xf32>
    %add3A_18 = arith.addf %get3A_12, %get3A_17 : vector<2000x128xf32>
    %get3A_19 = arith.constant 0 : index
    %get3A_20 = arith.constant 0 : index
    %get3A_21 = vector.load %arg2[%get3A_19, %get3A_20] : memref<2000x128xf32, #tpu.memory_space<vmem>>, vector<2000x128xf32>
    %add3A_22 = arith.addf %add3A_18, %get3A_21 : vector<2000x128xf32>
    %mul3A = vector.broadcast %rsqrt3A : vector<2000x1xf32> to vector<2000x128xf32>
    %mul3A_23 = arith.mulf %add3A_22, %mul3A : vector<2000x128xf32>
    %get3A_24 = arith.constant 0 : index
    %get3A_25 = arith.constant 0 : index
    %get3A_26 = vector.load %arg4[%get3A_24, %get3A_25] : memref<1x128xf32, #tpu.memory_space<vmem>>, vector<1x128xf32>
    %add3A_27 = vector.broadcast %get3A_26 : vector<1x128xf32> to vector<2000x128xf32>
    %add3A_28 = arith.addf %mul3A_23, %add3A_27 : vector<2000x128xf32>
    %reduce_max3A = arith.constant dense<0xFF800000> : vector<2000xf32>
    %reduce_max3A_29 = vector.multi_reduction <maximumf>, %add3A_28, %reduce_max3A [1] : vector<2000x128xf32> to vector<2000xf32>
    %broadcast_in_dim3A = vector.shape_cast %reduce_max3A_29 : vector<2000xf32> to vector<2000x1xf32>
    %sub3A = vector.broadcast %broadcast_in_dim3A : vector<2000x1xf32> to vector<2000x128xf32>
    %sub3A_30 = arith.subf %add3A_28, %sub3A : vector<2000x128xf32>
    %exp3A = math.exp %sub3A_30 : vector<2000x128xf32>
    %reduce_sum3A = arith.constant dense<0.000000e+00> : vector<2000xf32>
    %reduce_sum3A_31 = vector.multi_reduction <add>, %exp3A, %reduce_sum3A [1] : vector<2000x128xf32> to vector<2000xf32>
    %broadcast_in_dim3A_32 = vector.shape_cast %reduce_sum3A_31 : vector<2000xf32> to vector<2000x1xf32>
    %log3A = math.log %broadcast_in_dim3A_32 : vector<2000x1xf32>
    %sub3A_33 = vector.broadcast %log3A : vector<2000x1xf32> to vector<2000x128xf32>
    %sub3A_34 = arith.subf %sub3A_30, %sub3A_33 : vector<2000x128xf32>
    %swap3A = arith.constant 0 : index
    %swap3A_35 = arith.constant 0 : index
    %swap3A_36 = vector.load %arg5[%swap3A, %swap3A_35] : memref<2000x128xf32, #tpu.memory_space<vmem>>, vector<2000x128xf32>
    tpu.vector_store %arg5[%swap3A, %swap3A_35], %sub3A_34 {strides = array<i32>} : memref<2000x128xf32, #tpu.memory_space<vmem>>, vector<2000x128xf32>,
    return
  }
  func.func @transform_0(%arg0: i32) -> (i32, i32, i32) {
    %c0_i32 = arith.constant 0 : i32
    %c0_i32_0 = arith.constant 0 : i32
    %c0_i32_1 = arith.constant 0 : i32
    return %c0_i32, %arg0, %c0_i32_0 : i32, i32, i32
  }
  func.func @transform_1(%arg0: i32) -> (i32, i32) {
    %c0_i32 = arith.constant 0 : i32
    %c0_i32_0 = arith.constant 0 : i32
    return %arg0, %c0_i32 : i32, i32
  }
  func.func @transform_2(%arg0: i32) -> (i32, i32) {
    %c0_i32 = arith.constant 0 : i32
    %c0_i32_0 = arith.constant 0 : i32
    return %arg0, %c0_i32 : i32, i32
  }
  func.func @transform_3(%arg0: i32) -> (i32, i32) {
    %c0_i32 = arith.constant 0 : i32
    %c0_i32_0 = arith.constant 0 : i32
    %c0_i32_1 = arith.constant 0 : i32
    return %c0_i32, %c0_i32_0 : i32, i32
  }
  func.func @transform_4(%arg0: i32) -> (i32, i32) {
    %c0_i32 = arith.constant 0 : i32
    %c0_i32_0 = arith.constant 0 : i32
    return %arg0, %c0_i32 : i32, i32
  }
}

</mosaic_0001>

<sc_bundles>
// kernel: kernel.11.cloned.1.call-start
scs
__scs_entry_jumppad:
0x0: {  	(pc) =	sbr.rel $0x88, $3  }
0x1: {  	(tag) =	ssettag $0x0;
	lr =	simm.s32 $0x1  }
0x2: {  	[smem:$0x3F9B] =	sst lr;
	_ =	strace $0xD0000000  }
0x3: {  	_ = 	snop  }
0x4: {  	_ = 	snop  }
0x5: {  	_ = 	snop  }
0x6: {  	_ = 	snop  }
0x7: {  	_ = 	snop  }
__scs_overlays_trampoline_lowered:
0x8: {  	[smem:$0x3FAA] =	sst s0  }
0x9: {  	[smem:$0x3FAB] =	sst s1  }
0xa: {  	[smem:$0x3FAC] =	sst s2  }
0xb: {  	[smem:$0x3FAD] =	sst s3  }
0xc: {  	[smem:$0x3FAE] =	sst s4  }
0xd: {  	[smem:$0x3FAF] =	sst s5  }
0xe: {  	[smem:$0x3FB0] =	sst s6  }
0xf: {  	[smem:$0x3FB1] =	sst s7  }
0x10: {  	[smem:$0x3FB2] =	sst s8  }
0x11: {  	[smem:$0x3FB3] =	sst s9;
	s0 =	simm.s32 @!p0 $0x0  }
0x12: {  	s1 =	sld [smem:$0x3F99];
	s0 =	simm.s32 @p0 $0x1  }
0x13: {  	[smem:$0x3FB4] =	sst s0;
	s0 =	simm.s32 @!p1 $0x0  }
0x14: {  	s2 =	sld [smem:$0x3F98];
	s0 =	simm.s32 @p1 $0x1  }
0x15: {  	[smem:$0x3FB5] =	sst s0;
	s0 =	simm.s32 @!p2 $0x0  }
0x16: {  	s3 =	sld [smem:$0x3FDB];
	s0 =	simm.s32 @p2 $0x1  }
0x17: {  	s4 =	simm.s32 $0x1BF5;
	[smem:$0x3FB7] =	sst s0  }
0x18: {  	s0 =	sld [smem:$0x3F9A];
	_ =	swait.ge [sflag:s4], $0x0  }
0x19: {  	s7 =	sld [smem:$0x3F9B]  }
0x1a: {  	s8 =	sadd.s32 $0xFFFFE003, lr  }
0x1b: {  	s9 =	sadd.s32 $0xFFFFFEF7, lr;
	s5 =	simm.s32 $0xFFFFFFFF;
	p2 =	slt.u32 s8, $0xFFFFF086  }
0x1c: {  	p1 =	slt.u32 s9, $0xF7A;
	s5 =	simm.s32 @!p2 $0x0  }
0x1d: {  	s5 =	simm.s32 @p1 $0x1;
	p0 =	seq.s32 s7, s2  }
0x1e: {  	s7 =	smul.u32 @!p0 $0xF7A, s2;
	p2 =	seq.s32 @!p0 s5, $0x0  }
0x1f: {  	s9 =	smul.u32 $0xF7A, s1;
	s8 =	simm.s32 @!p0 $0x1BF5;
	p2 =	por !p2, p0  }
0x20: {  	[sflag:s8] =	ssyncset.s32 @!p0 $0xFFFFF086;
	s6 =	sadd.s32 @!p0 s3, s7;
	s7 =	simm.s32 @!p0 $0x108  }
0x21: {  	s3 =	sadd.s32 s3, s9;
	s6 =	sadd.s32 @!p0 $0x88, s6;
	s7 =	simm.s32 @p2 $0x1082  }
0x22: {  	[simem:s7], [sflag:s8] =	dma.local @!p0 [hbm:s6], $0xF7A  }
0x23: {  	s9 =	sor.u32 $0xD0000000, s2;
	s6 =	simm.s32 $0x108;
	_ =	swait.ge @!p0 [sflag:s8], $0x0  }
0x24: {  	s3 =	sadd.s32 $0x88, s3;
	s6 =	simm.s32 @!p1 $0x1082;
	[sflag:s4] =	ssyncset.s32 $0xFFFFF086  }
0x25: {  	[simem:s6], [sflag:s4] =	dma.local [hbm:s3], $0xF7A  }
0x26: {  	[smem:$0x3F9B] =	sst s1;
	(tag) =	ssettag s2;
	_ =	strace s9  }
0x27: {  	s1 =	sld [smem:$0x3FAB]  }
0x28: {  	s2 =	sld [smem:$0x3FAC]  }
0x29: {  	s4 =	sld [smem:$0x3FAE]  }
0x2a: {  	p0 =	seq.s32 s5, $0x0;
	s5 =	sld [smem:$0x3FAF]  }
0x2b: {  	s6 =	sld [smem:$0x3FB0]  }
0x2c: {  	s7 =	sld [smem:$0x3FB1]  }
0x2d: {  	s3 =	simm.s32 $0x108;
	s8 =	sld [smem:$0x3FB2]  }
0x2e: {  	s3 =	simm.s32 @!p0 $0x1082;
	s9 =	sld [smem:$0x3FB3]  }
0x2f: {  	lr =	sadd.s32 s0, s3;
	s0 =	sld [smem:$0x3FAA]  }
0x30: {  	s3 =	sld [smem:$0x3FAD]  }
0x31: {  	[smem:$0x3FB6] =	sst s10  }
0x32: {  	s10 =	sld [smem:$0x3FB4];
	_ =	sdelay $0x3  }
0x33: {  	p0 =	seq.s32 s10, $0x1;
	s10 =	sld [smem:$0x3FB6];
	_ =	sdelay $0x3  }
0x34: {  	[smem:$0x3FB6] =	sst s10  }
0x35: {  	s10 =	sld [smem:$0x3FB5];
	_ =	sdelay $0x3  }
0x36: {  	p1 =	seq.s32 s10, $0x1;
	s10 =	sld [smem:$0x3FB6];
	_ =	sdelay $0x3  }
0x37: {  	[smem:$0x3FB6] =	sst s10  }
0x38: {  	s10 =	sld [smem:$0x3FB7]  }
0x39: {  	_ = 	snop;
	(pc) =	sbr.ind lr, $3  }
0x3a: {  	_ = 	snop  }
0x3b: {  	_ = 	snop  }
0x3c: {  	p2 =	seq.s32 s10, $0x1;
	s10 =	sld [smem:$0x3FB6]  }
0x3d: {  	_ =	shalt  }
0x3e: {  	_ =	shalt  }
0x3f: {  	_ =	shalt  }
0x40: {  	_ =	shalt  }
0x41: {  	_ =	shalt  }
0x42: {  	_ =	shalt  }
0x43: {  	_ =	shalt  }
0x44: {  	_ =	shalt  }
0x45: {  	_ =	shalt  }
0x46: {  	_ =	shalt  }
0x47: {  	_ =	shalt  }
0x48: {  	_ =	shalt  }
0x49: {  	_ =	shalt  }
0x4a: {  	_ =	shalt  }
0x4b: {  	_ =	shalt  }
0x4c: {  	_ =	shalt  }
0x4d: {  	_ =	shalt  }
0x4e: {  	_ =	shalt  }
0x4f: {  	_ =	shalt  }
0x50: {  	_ =	shalt  }
0x51: {  	_ =	shalt  }
0x52: {  	_ =	shalt  }
0x53: {  	_ =	shalt  }
0x54: {  	_ =	shalt  }
0x55: {  	_ =	shalt  }
0x56: {  	_ =	shalt  }
0x57: {  	_ =	shalt  }
0x58: {  	_ =	shalt  }
0x59: {  	_ =	shalt  }
0x5a: {  	_ =	shalt  }
0x5b: {  	_ =	shalt  }
0x5c: {  	_ =	shalt  }
0x5d: {  	_ =	shalt  }
0x5e: {  	_ =	shalt  }
0x5f: {  	_ =	shalt  }
0x60: {  	_ =	shalt  }
0x61: {  	_ =	shalt  }
0x62: {  	_ =	shalt  }
0x63: {  	_ =	shalt  }
0x64: {  	_ =	shalt  }
0x65: {  	_ =	shalt  }
0x66: {  	_ =	shalt  }
0x67: {  	_ =	shalt  }
0x68: {  	_ =	shalt  }
0x69: {  	_ =	shalt  }
0x6a: {  	_ =	shalt  }
0x6b: {  	_ =	shalt  }
0x6c: {  	_ =	shalt  }
0x6d: {  	_ =	shalt  }
0x6e: {  	_ =	shalt  }
0x6f: {  	_ =	shalt  }
0x70: {  	_ =	shalt  }
0x71: {  	_ =	shalt  }
0x72: {  	_ =	shalt  }
0x73: {  	_ =	shalt  }
0x74: {  	_ =	shalt  }
0x75: {  	_ =	shalt  }
0x76: {  	_ =	shalt  }
0x77: {  	_ =	shalt  }
0x78: {  	_ =	shalt  }
0x79: {  	_ =	shalt  }
0x7a: {  	_ =	shalt  }
0x7b: {  	_ =	shalt  }
0x7c: {  	_ =	shalt  }
0x7d: {  	_ =	shalt  }
0x7e: {  	_ =	shalt  }
0x7f: {  	_ =	shalt  }
0x80: {  	_ =	shalt  }
0x81: {  	_ =	shalt  }
0x82: {  	_ =	shalt  }
0x83: {  	_ =	shalt  }
0x84: {  	_ =	shalt  }
0x85: {  	_ =	shalt  }
0x86: {  	_ =	shalt  }
0x87: {  	_ =	shalt  }
.Lfunc_end0:
.L_simem_size_0:
called_computation.1_lowered:
.L_overlay_start_0:
0x88: {  	s2 =	sld [smem:$0x3FD9]  }
0x89: {  	s3 =	sld [smem:$0x3FFE];
	_ =	sdelay $0x1  }
0x8a: {  	s1 =	srdreg.scid  }
0x8b: {  	s0 =	sand.u32 $0x1, s1  }
0x8c: {  	s17 =	sshll.u32 s0, $0xA;
	s2 =	sadd.s32 s3, s2  }
0x8d: {  	s2 =	sadd.s32 s2, s17  }
0x8e: {  	[smem:$0x3FC2] =	sst s2  }
0x8f: {  	_ = 	snop  }
0x90: {  	s2 =	sld [smem:$0x3FD0];
	(tm) =	ssettm $0x1  }
0x91: {  	s18 =	sld [smem:$0x3FFB];
	_ =	sdelay $0x3  }
0x92: {  	_ =	strace s18  }
0x93: {  	s3 =	sld [smem:$0x3FFC];
	_ =	sdelay $0x3  }
0x94: {  	_ =	strace s3  }
0x95: {  	s3 =	sld [smem:$0x3FFD];
	_ =	sdelay $0x3  }
0x96: {  	_ =	strace s3  }
0x97: {  	_ =	strace $0x8FFFFFFF  }
0x98: {  	s19 =	sld [smem:$0x3FDB];
	_ =	sdelay $0x1  }
0x99: {  	s4 =	simm.s32 $_scs_section_size  }
0x9a: {  	s5 =	simm.s32 $_size__tile_overlayer_lowered;
	s6 =	simm.s32 $_tile_overlayer_lowered  }
0x9b: {  	s22 =	simm.s32 $0x1BFF;
	s21 =	sshll.u32 s6, $0x1;
	s3 =	sadd.s32 s4, s19  }
0x9c: {  	s7 =	simm.s32 $0x0;
	s20 =	sshll.u32 s5, $0x1;
	s5 =	sadd.s32 s21, s3  }
0x9d: {  	[timem:s7], [sflag:s22] =	dma.local [hbm:s5], s20  }
0x9e: {  	_ =	swait.ge [sflag:s22], s20  }
0x9f: {  	s4 =	ssub.s32 $0x0, s20;
	[sflag:s22] =	ssyncset.done $0x0  }
0xa0: {  	[sflag:s22] =	ssyncadd.s32 s4;
	_ =	sdelay $0x1  }
0xa1: {  	s23 =	simm.s32 $0x1B8B  }
0xa2: {  	_ =	swait.ge [sflag:s23], $0x1  }
0xa3: {  	[sflag:s23] =	ssyncset.done $0x0  }
0xa4: {  	s25 =	simm.s32 $0x1B8E;
	s24 =	sld [smem:$0x3FFE];
	[sflag:s23] =	ssyncadd.s32 $0xFFFFFFFF  }
0xa5: {  	s26 =	simm.s32 $execute0_lowered;
	[smem:$0x3FD2] =	sst s25  }
0xa6: {  	s5 =	sshll.u32 s26, $0x1;
	_ =	strace $0x80000049;
	[dreg:$0x1] =	wrdreg $0xFFFFFFFF  }
0xa7: {  	s28 =	simm.s32 $_size_execute0_lowered;
	s3 =	sadd.s32 s3, s5;
	[dreg:$0x0] =	wrdreg $0x0  }
0xa8: {  	s5 =	sshll.u32 s28, $0x1;
	[dreg:$0x2] =	wrdreg s3  }
0xa9: {  	[dreg:$0x3] =	wrdreg s5  }
0xaa: {  	[dreg:$0x4] =	wrdreg $0xC0  }
0xab: {  	_ =	task [dreg:s7], $0x5FFFF  }
0xac: {  	[dreg:$0x1] =	wrdreg $0xFFFFFFFF  }
0xad: {  	[dreg:$0x0] =	wrdreg $0x60  }
0xae: {  	[dreg:$0x2] =	wrdreg s24  }
0xaf: {  	[dreg:$0x3] =	wrdreg s2  }
0xb0: {  	[dreg:$0x4] =	wrdreg $0xB7800  }
0xb1: {  	[dreg:$0x5] =	wrdreg $0x9  }
0xb2: {  	_ =	task.clear_ibuf [dreg:s7], $0x6FFFF;
	_ =	strace $0x90000049  }
0xb3: {  	s29 =	simm.s32 $0x9;
	_ =	strace $0x8000004B  }
0xb4: {  	_ =	swait.ge [sflag:s29], $0x1  }
0xb5: {  	[sflag:s29] =	ssyncadd.s32 $0xFFFFFFFF  }
0xb6: {  	_ =	strace $0x9000004B  }
0xb7: {  	_ =	sfence  }
0xb8: {  	s30 =	sld [smem:$0x0];
	_ =	sdelay $0x2  }
0xb9: {  	s31 =	sshll.u32 s1, $0xD;
	s1 =	sshrl.u32 s1, $0x2  }
0xba: {  	s3 =	sand.u32 $0x4000, s31;
	s1 =	sadd.s32 s1, s30  }
0xbb: {  	s0 =	sor.u32 s3, s0;
	s1 =	sshll.u32 s1, $0x11  }
0xbc: {  	s0 =	sor.u32 s1, s0  }
0xbd: {  	s0 =	sadd.s32 $0x8F2B, s0  }
0xbe: {  	[sflag:s0] =	ssyncadd.remote.s32 $0x1  }
0xbf: {  	_ =	sfence.sel $0xFFFF  }
0xc0: {  	[dreg:$0x0] =	wrdreg $0xFFFFFFFF;
	(pc) =	sbr.abs _section_cstart, $3  }
0xc1: {  	[dreg:$0x1] =	wrdreg $0xFFFFFFFF  }
0xc2: {  	_ =	task.clear_ibuf [dreg:s7], $0x2FFFF;
	_ =	strace $0x9FFFFFFF  }
0xc3: {  	(tm) =	ssettm $0x7FFFFFFF  }
tec
execute0_lowered:
.L_overlay_start_1:
0x0: {  	(tag) =	ssettag $0x1  }
0x1: {  	s5 =	rddreg [dreg:$0x0]  }
0x2: {  	s0 =	srdreg.scid;
	s2 =	rddreg [dreg:$0x1]  }
0x3: {  	s14 =	stileid.u32;
	s3 =	rddreg [dreg:$0x2]  }
0x4: {  	s31 =	simm.s32 $0x50;
	s0 =	sand.u32 $0x1, s0;
	s10 =	smul.u32 $0x278, s14  }
0x5: {  	s7 =	sshll.u32 s14, $0x7;
	s22 =	smul.u32 $0x4F000, s14;
	s1 =	sshll.u32 s0, $0x4  }
0x6: {  	s7 =	sand.u32 $0x380, s7;
	s21 =	smul.u32 $0x27800, s0;
	s0 =	ssub.s32 $0x2, s0  }
0x7: {  	s1 =	sor.u32 s14, s1;
	s23 =	sshrl.u32 s0, $0x1;
	s16 =	sadd.s32 $0x50, s10  }
0x8: {  	s24 =	sshrl.u32 s22, $0x2;
	s17 =	sadd.s32 $0xA0, s10;
	s18 =	sadd.s32 $0xF0, s10  }
0x9: {  	s19 =	sadd.s32 $0x140, s10;
	s20 =	sadd.s32 $0x190, s10;
	s22 =	sadd.s32 $0x230, s10  }
0xa: {  	s4 =	sshrl.u32 s1, $0x3;
	s1 =	sshll.u32 s1, $0xB;
	s15 =	sadd.s32 s21, s5  }
0xb: {  	s0 =	ssub.s32 s0, s23;
	s25 =	sshll.u32 s16, $0x7;
	s26 =	sshll.u32 s17, $0x7  }
0xc: {  	s8 =	sshll.u32 s18, $0x7;
	s9 =	sshll.u32 s19, $0x7;
	s11 =	sshll.u32 s20, $0x7  }
0xd: {  	s21 =	sadd.s32 $0x1E0, s10;
	s12 =	sshll.u32 s22, $0x7;
	s23 =	sshll.u32 s16, $0x4  }
0xe: {  	s28 =	sshll.u32 s20, $0x4;
	s30 =	sshll.u32 s22, $0x4;
	s16 =	simm.s32 $0x6780  }
0xf: {  	s6 =	smul.u32 $0x13C00, s4;
	s4 =	simm.s32 $0x0;
	s1 =	sadd.s32 s1, s5  }
0x10: {  	s8 =	sadd.s32 s8, s3;
	s9 =	sadd.s32 s9, s3;
	s10 =	sadd.s32 s11, s3  }
0x11: {  	s29 =	sshll.u32 s21, $0x7;
	s12 =	sadd.s32 s12, s3;
	s0 =	smax.u32 s0, $0x1  }
0x12: {  	[smem:$0x7FF] =	sst s4;
	s11 =	sadd.s32 s29, s3;
	s1 =	sadd.s32 $0x1E00, s1  }
0x13: {  	s29 =	sshll.u32 s21, $0x4;
	s6 =	sor.u32 s7, s6;
	_ =	strace $0x8000004A  }
0x14: {  	s7 =	sadd.s32 s26, s3;
	[dreg:$0x5] =	wrdreg s1;
	s1 =	sadd.s32 $0x1BC00, s15  }
0x15: {  	s15 =	smul.u32 $0x2780, s14;
	s26 =	sshll.u32 s19, $0x4;
	[dreg:$0x6] =	wrdreg s0  }
0x16: {  	s0 =	simm.s32 $0x2;
	s6 =	sshrl.u32 s6, $0x3;
	s21 =	sadd.s32 s26, s1  }
0x17: {  	s22 =	sadd.s32 s28, s1;
	s28 =	simm.s32 $0x3;
	s26 =	simm.s32 $0x0  }
0x18: {  	s13 =	sadd.s32 s6, s5;
	s5 =	sadd.s32 s24, s3;
	s6 =	sadd.s32 s25, s3  }
0x19: {  	s24 =	sshll.u32 s17, $0x4;
	s25 =	sshll.u32 s18, $0x4;
	s17 =	sadd.s32 s15, s1  }
0x1a: {  	s18 =	sadd.s32 s23, s1;
	s23 =	sadd.s32 s29, s1;
	s13 =	sadd.s32 $0x11E00, s13  }
0x1b: {  	s19 =	sadd.s32 s24, s1;
	s20 =	sadd.s32 s25, s1;
	s24 =	sadd.s32 s30, s1  }
0x1c: {  	v0 =	vimm.f32 $0.0e+00;
	s30 =	simm.s32 $0x1;
	s1 =	simm.s32 $0x8F80;
	[dreg:$0x4] =	wrdreg s13  }
.LBB2_1:
0x1d: {  	s13 =	simm.s32 $0x0;
	s25 =	simm.s32 $0x200  }
.LBB2_2:
0x1e: {  	p0 =	sne.s32 s25, $0x9E00;
	[tilespmem:s13+$0x67F0] =	vst v0  }
0x1f: {  	[tilespmem:s13+$0x6780] =	vst v0  }
0x20: {  	[tilespmem:s13+$0x6790] =	vst v0  }
.Ltmp0:
0x21: {  	[tilespmem:s13+$0x67A0] =	vst v0;
	(pc) =	sbr.rel @p0 .LBB2_2-.Ltmp0, $4  }
0x22: {  	[tilespmem:s13+$0x67B0] =	vst v0  }
0x23: {  	[tilespmem:s13+$0x67C0] =	vst v0  }
0x24: {  	[tilespmem:s13+$0x67D0] =	vst v0  }
0x25: {  	[tilespmem:s13+$0x67E0] =	vst v0;
	s13 =	sshra.s32 s25, $0x2;
	s25 =	sadd.s32 $0x200, s25  }
0x26: {  	[tilespmem:s13+$0x67F0] =	vst v0  }
0x27: {  	[tilespmem:s13+$0x6780] =	vst v0  }
0x28: {  	[tilespmem:s13+$0x6790] =	vst v0  }
0x29: {  	[tilespmem:s13+$0x67A0] =	vst v0  }
0x2a: {  	[tilespmem:s13+$0x67B0] =	vst v0  }
0x2b: {  	[tilespmem:s13+$0x67C0] =	vst v0  }
0x2c: {  	[tilespmem:s13+$0x67D0] =	vst v0  }
0x2d: {  	[tilespmem:s13+$0x67E0] =	vst v0  }
0x2e: {  	[spmem:s5] =	stream.linear.scatter [tilespmem:s16], [sflag:$0x1], $0x2800, $0x38;
	[tilespmem:$0x1F380] =	vst v63  }
0x2f: {  	_ = 	snop  }
0x30: {  	[spmem:s6] =	stream.linear.scatter [tilespmem:s16], [sflag:$0x1], $0x2800, $0x38;
	[tilespmem:$0x1F380] =	vst v63  }
0x31: {  	_ = 	snop  }
0x32: {  	[spmem:s7] =	stream.linear.scatter [tilespmem:s16], [sflag:$0x1], $0x2800, $0x38;
	[tilespmem:$0x1F380] =	vst v63  }
0x33: {  	_ = 	snop  }
0x34: {  	[spmem:s8] =	stream.linear.scatter [tilespmem:s16], [sflag:$0x1], $0x2800, $0x38;
	[tilespmem:$0x1F380] =	vst v63  }
0x35: {  	_ = 	snop  }
0x36: {  	[spmem:s9] =	stream.linear.scatter [tilespmem:s16], [sflag:$0x1], $0x2800, $0x38;
	[tilespmem:$0x1F380] =	vst v63  }
0x37: {  	_ = 	snop  }
0x38: {  	[spmem:s10] =	stream.linear.scatter [tilespmem:s16], [sflag:$0x1], $0x2800, $0x38;
	[tilespmem:$0x1F380] =	vst v63  }
0x39: {  	_ = 	snop  }
0x3a: {  	[spmem:s11] =	stream.linear.scatter [tilespmem:s16], [sflag:$0x1], $0x2800, $0x38;
	[tilespmem:$0x1F380] =	vst v63  }
0x3b: {  	s13 =	simm.s32 $0x0  }
0x3c: {  	[spmem:s12] =	stream.linear.scatter [tilespmem:s16], [sflag:$0x1], $0x2400, $0x38;
	[tilespmem:$0x1F380] =	vst v63  }
0x3d: {  	s14 =	rddreg [dreg:$0x4];
	s15 =	simm.s32 $0x80;
	s25 =	simm.s32 $0x400  }
0x3e: {  	[tilespmem:s13], [sflag:$0x3] =	stream.strided.gather [hbm4b:s14+s15], $0x2780, s25, s15, $0x38;
	[tilespmem:$0x1F380] =	vst v63  }
0x3f: {  	_ =	swait.ge [sflag:s28], $0x2780  }
0x40: {  	[sflag:s28] =	ssyncset.done $0x0  }
0x41: {  	s25 =	simm.s32 $0x2780;
	s15 =	rddreg [dreg:$0x5];
	[sflag:s28] =	ssyncadd.s32 $0xFFFFD880  }
0x42: {  	[tilespmem:s25], [sflag:$0x3] =	stream.linear.gather [hbm4b:s15+s13], $0x3E80, $0x38;
	[tilespmem:$0x1F380] =	vst v63  }
0x43: {  	_ =	swait.ge [sflag:s28], $0x3E80  }
0x44: {  	[sflag:s28] =	ssyncset.done $0x0  }
0x45: {  	[sflag:s28] =	ssyncadd.s32 $0xFFFFC180  }
0x46: {  	_ =	swait.ge [sflag:s30], $0x2800  }
0x47: {  	[sflag:s30] =	ssyncset.done $0x0  }
0x48: {  	[sflag:s30] =	ssyncadd.s32 $0xFFFFD800  }
0x49: {  	_ =	swait.ge [sflag:s30], $0x2800  }
0x4a: {  	[sflag:s30] =	ssyncset.done $0x0  }
0x4b: {  	[sflag:s30] =	ssyncadd.s32 $0xFFFFD800  }
0x4c: {  	_ =	swait.ge [sflag:s30], $0x2800  }
0x4d: {  	[sflag:s30] =	ssyncset.done $0x0  }
0x4e: {  	[sflag:s30] =	ssyncadd.s32 $0xFFFFD800  }
0x4f: {  	_ =	swait.ge [sflag:s30], $0x2800  }
0x50: {  	[sflag:s30] =	ssyncset.done $0x0  }
0x51: {  	[sflag:s30] =	ssyncadd.s32 $0xFFFFD800  }
0x52: {  	_ =	swait.ge [sflag:s30], $0x2800  }
0x53: {  	[sflag:s30] =	ssyncset.done $0x0  }
0x54: {  	[sflag:s30] =	ssyncadd.s32 $0xFFFFD800  }
0x55: {  	_ =	swait.ge [sflag:s30], $0x2800  }
0x56: {  	[sflag:s30] =	ssyncset.done $0x0  }
0x57: {  	[sflag:s30] =	ssyncadd.s32 $0xFFFFD800  }
0x58: {  	_ =	swait.ge [sflag:s30], $0x2800  }
0x59: {  	[sflag:s30] =	ssyncset.done $0x0  }
0x5a: {  	[sflag:s30] =	ssyncadd.s32 $0xFFFFD800  }
0x5b: {  	_ =	swait.ge [sflag:s30], $0x2400  }
0x5c: {  	[sflag:s30] =	ssyncset.done $0x0  }
0x5d: {  	[sflag:s30] =	ssyncadd.s32 $0xFFFFDC00  }
0x5e: {  	[bflag:$0x0] =	sbarrier.arrive $0xFFFF  }
0x5f: {  	[tilespmem:s16], [sflag:$0x1] =	stream.indirect.gather [hbm4b:s2+s31], $0x80, s13, s31, $0xb8;
	[tilespmem:$0x1F380] =	vst v63  }
0x60: {  	s25 =	simm.s32 $0x50  }
0x61: {  	[tilespmem:s1], [sflag:$0x2] =	stream.indirect.gather [hbm4b:s2+s31], $0x80, s25, s31, $0xb8;
	[tilespmem:$0x1F380] =	vst v63  }
0x62: {  	_ =	swait.ge [sflag:s30], $0x2800  }
0x63: {  	[sflag:s30] =	ssyncset.done $0x0  }
0x64: {  	s14 =	simm.s32 $0x2780;
	[sflag:s30] =	ssyncadd.s32 $0xFFFFD800  }
0x65: {  	[spmem:s3] =	stream.indirect.scatter.add.f32 [tilespmem:s16], [sflag:$0x3], $0x80, s14, s31, $0xb8;
	[tilespmem:$0x1F380] =	vst v63  }
0x66: {  	_ =	swait.ge [sflag:s28], $0x2800  }
0x67: {  	[sflag:s28] =	ssyncset.done $0x0  }
0x68: {  	s15 =	simm.s32 $0xA0;
	[sflag:s28] =	ssyncadd.s32 $0xFFFFD800  }
0x69: {  	[tilespmem:s16], [sflag:$0x1] =	stream.indirect.gather [hbm4b:s2+s31], $0x80, s15, s31, $0xb8;
	[tilespmem:$0x1F380] =	vst v63  }
0x6a: {  	_ =	swait.ge [sflag:s0], $0x2800  }
0x6b: {  	[sflag:s0] =	ssyncset.done $0x0  }
0x6c: {  	s25 =	simm.s32 $0x2800;
	[sflag:s0] =	ssyncadd.s32 $0xFFFFD800  }
0x6d: {  	[spmem:s3] =	stream.indirect.scatter.add.f32 [tilespmem:s1], [sflag:$0x3], $0x80, s25, s31, $0xb8;
	[tilespmem:$0x1F380] =	vst v63  }
0x6e: {  	s29 =	simm.s32 $0x140;
	_ =	swait.ge [sflag:s28], $0x2800  }
0x6f: {  	s13 =	simm.s32 $0x800;
	s25 =	simm.s32 $0x400;
	[sflag:s28] =	ssyncset.done $0x0  }
.LBB2_4:
0x70: {  	p0 =	sne.s32 s13, $0xF400;
	s14 =	sadd.s32 $0xFFFFFFB0, s29;
	[sflag:s28] =	ssyncadd.s32 $0xFFFFD800  }
0x71: {  	[tilespmem:s1], [sflag:$0x2] =	stream.indirect.gather [hbm4b:s2+s31], $0x80, s14, s31, $0xb8;
	[tilespmem:$0x1F380] =	vst v63  }
0x72: {  	s14 =	smov.u32 s13;
	s13 =	sadd.s32 $0x400, s13;
	_ =	swait.ge [sflag:s30], $0x2800  }
0x73: {  	s15 =	sshra.s32 s25, $0x2;
	s25 =	smov.u32 s14;
	[sflag:s30] =	ssyncset.done $0x0  }
0x74: {  	s14 =	sadd.s32 $0x2780, s15;
	[sflag:s30] =	ssyncadd.s32 $0xFFFFD800  }
0x75: {  	[spmem:s3] =	stream.indirect.scatter.add.f32 [tilespmem:s16], [sflag:$0x3], $0x80, s14, s31, $0xb8;
	[tilespmem:$0x1F380] =	vst v63  }
0x76: {  	_ =	swait.ge [sflag:s28], $0x2800  }
0x77: {  	[sflag:s28] =	ssyncset.done $0x0  }
0x78: {  	[sflag:s28] =	ssyncadd.s32 $0xFFFFD800  }
0x79: {  	[tilespmem:s16], [sflag:$0x1] =	stream.indirect.gather [hbm4b:s2+s31], $0x80, s29, s31, $0xb8;
	[tilespmem:$0x1F380] =	vst v63  }
0x7a: {  	_ =	swait.ge [sflag:s0], $0x2800  }
.Ltmp1:
0x7b: {  	[sflag:s0] =	ssyncset.done $0x0;
	(pc) =	sbr.rel @p0 .LBB2_4-.Ltmp1, $4  }
0x7c: {  	s14 =	sadd.s32 $0x2800, s15;
	[sflag:s0] =	ssyncadd.s32 $0xFFFFD800  }
0x7d: {  	[spmem:s3] =	stream.indirect.scatter.add.f32 [tilespmem:s1], [sflag:$0x3], $0x80, s14, s31, $0xb8;
	[tilespmem:$0x1F380] =	vst v63  }
0x7e: {  	_ =	swait.ge [sflag:s28], $0x2800  }
0x7f: {  	s29 =	sadd.s32 $0xA0, s29;
	[sflag:s28] =	ssyncset.done $0x0  }
0x80: {  	s13 =	sadd.s32 $0xFFFFFFB0, s29;
	[sflag:s28] =	ssyncadd.s32 $0xFFFFD800  }
0x81: {  	[tilespmem:s1], [sflag:$0x2] =	stream.indirect.gather [hbm4b:s2+s31], $0x80, s13, s31, $0xb8;
	[tilespmem:$0x1F380] =	vst v63  }
0x82: {  	_ =	swait.ge [sflag:s30], $0x2800  }
0x83: {  	s15 =	sshra.s32 s25, $0x2;
	[sflag:s30] =	ssyncset.done $0x0  }
0x84: {  	s14 =	sadd.s32 $0x2780, s15;
	[sflag:s30] =	ssyncadd.s32 $0xFFFFD800  }
0x85: {  	[spmem:s3] =	stream.indirect.scatter.add.f32 [tilespmem:s16], [sflag:$0x3], $0x80, s14, s31, $0xb8;
	[tilespmem:$0x1F380] =	vst v63  }
0x86: {  	_ =	swait.ge [sflag:s28], $0x2800  }
0x87: {  	[sflag:s28] =	ssyncset.done $0x0  }
0x88: {  	[sflag:s28] =	ssyncadd.s32 $0xFFFFD800  }
0x89: {  	[tilespmem:s16], [sflag:$0x1] =	stream.indirect.gather [hbm4b:s2+s31], $0x80, s29, s31, $0xb8;
	[tilespmem:$0x1F380] =	vst v63  }
0x8a: {  	_ =	swait.ge [sflag:s0], $0x2800  }
0x8b: {  	[sflag:s0] =	ssyncset.done $0x0  }
0x8c: {  	s13 =	sadd.s32 $0x2800, s15;
	[sflag:s0] =	ssyncadd.s32 $0xFFFFD800  }
0x8d: {  	[spmem:s3] =	stream.indirect.scatter.add.f32 [tilespmem:s1], [sflag:$0x3], $0x80, s13, s31, $0xb8;
	[tilespmem:$0x1F380] =	vst v63  }
0x8e: {  	_ =	swait.ge [sflag:s28], $0x2800  }
0x8f: {  	[sflag:s28] =	ssyncset.done $0x0  }
0x90: {  	[sflag:s28] =	ssyncadd.s32 $0xFFFFD800  }
0x91: {  	_ =	swait.ge [sflag:s30], $0x2800  }
0x92: {  	[sflag:s30] =	ssyncset.done $0x0  }
0x93: {  	s25 =	simm.s32 $0x6580;
	[sflag:s30] =	ssyncadd.s32 $0xFFFFD800  }
0x94: {  	[spmem:s3] =	stream.indirect.scatter.add.f32 [tilespmem:s16], [sflag:$0x3], $0x80, s25, s31, $0xb8;
	[tilespmem:$0x1F380] =	vst v63  }
0x95: {  	_ =	swait.ge [sflag:s28], $0x2800  }
0x96: {  	[sflag:s28] =	ssyncset.done $0x0  }
0x97: {  	[sflag:s28] =	ssyncadd.s32 $0xFFFFD800  }
0x98: {  	[bflag:$0x0] =	sbarrier.arrive $0xFFFF  }
0x99: {  	[tilespmem:s16], [sflag:$0x3] =	stream.linear.gather [spmem:s5], $0x2800, $0x38;
	[tilespmem:$0x1F380] =	vst v63  }
0x9a: {  	_ =	swait.ge [sflag:s28], $0x2800  }
0x9b: {  	[sflag:s28] =	ssyncset.done $0x0  }
0x9c: {  	[sflag:s28] =	ssyncadd.s32 $0xFFFFD800  }
0x9d: {  	[hbm4b:s17+s4] =	stream.linear.scatter [tilespmem:s16], [sflag:$0x1], $0x2800, $0x38;
	[tilespmem:$0x1F380] =	vst v63  }
0x9e: {  	_ = 	snop  }
0x9f: {  	[tilespmem:s1], [sflag:$0x3] =	stream.linear.gather [spmem:s6], $0x2800, $0x38;
	[tilespmem:$0x1F380] =	vst v63  }
0xa0: {  	_ =	swait.ge [sflag:s28], $0x2800  }
0xa1: {  	[sflag:s28] =	ssyncset.done $0x0  }
0xa2: {  	[sflag:s28] =	ssyncadd.s32 $0xFFFFD800  }
0xa3: {  	[hbm4b:s18+s4] =	stream.linear.scatter [tilespmem:s1], [sflag:$0x2], $0x2800, $0x38;
	[tilespmem:$0x1F380] =	vst v63  }
0xa4: {  	_ =	swait.ge [sflag:s30], $0x2800  }
0xa5: {  	[sflag:s30] =	ssyncset.done $0x0  }
0xa6: {  	[sflag:s30] =	ssyncadd.s32 $0xFFFFD800  }
0xa7: {  	[tilespmem:s16], [sflag:$0x3] =	stream.linear.gather [spmem:s7], $0x2800, $0x38;
	[tilespmem:$0x1F380] =	vst v63  }
0xa8: {  	_ =	swait.ge [sflag:s28], $0x2800  }
0xa9: {  	[sflag:s28] =	ssyncset.done $0x0  }
0xaa: {  	[sflag:s28] =	ssyncadd.s32 $0xFFFFD800  }
0xab: {  	[hbm4b:s19+s4] =	stream.linear.scatter [tilespmem:s16], [sflag:$0x1], $0x2800, $0x38;
	[tilespmem:$0x1F380] =	vst v63  }
0xac: {  	_ =	swait.ge [sflag:s0], $0x2800  }
0xad: {  	[sflag:s0] =	ssyncset.done $0x0  }
0xae: {  	[sflag:s0] =	ssyncadd.s32 $0xFFFFD800  }
0xaf: {  	[tilespmem:s1], [sflag:$0x3] =	stream.linear.gather [spmem:s8], $0x2800, $0x38;
	[tilespmem:$0x1F380] =	vst v63  }
0xb0: {  	_ =	swait.ge [sflag:s28], $0x2800  }
0xb1: {  	[sflag:s28] =	ssyncset.done $0x0  }
0xb2: {  	[sflag:s28] =	ssyncadd.s32 $0xFFFFD800  }
0xb3: {  	[hbm4b:s20+s4] =	stream.linear.scatter [tilespmem:s1], [sflag:$0x2], $0x2800, $0x38;
	[tilespmem:$0x1F380] =	vst v63  }
0xb4: {  	_ =	swait.ge [sflag:s30], $0x2800  }
0xb5: {  	[sflag:s30] =	ssyncset.done $0x0  }
0xb6: {  	[sflag:s30] =	ssyncadd.s32 $0xFFFFD800  }
0xb7: {  	[tilespmem:s16], [sflag:$0x3] =	stream.linear.gather [spmem:s9], $0x2800, $0x38;
	[tilespmem:$0x1F380] =	vst v63  }
0xb8: {  	_ =	swait.ge [sflag:s28], $0x2800  }
0xb9: {  	[sflag:s28] =	ssyncset.done $0x0  }
0xba: {  	[sflag:s28] =	ssyncadd.s32 $0xFFFFD800  }
0xbb: {  	[hbm4b:s21+s4] =	stream.linear.scatter [tilespmem:s16], [sflag:$0x1], $0x2800, $0x38;
	[tilespmem:$0x1F380] =	vst v63  }
0xbc: {  	_ =	swait.ge [sflag:s0], $0x2800  }
0xbd: {  	[sflag:s0] =	ssyncset.done $0x0  }
0xbe: {  	[sflag:s0] =	ssyncadd.s32 $0xFFFFD800  }
0xbf: {  	[tilespmem:s1], [sflag:$0x3] =	stream.linear.gather [spmem:s10], $0x2800, $0x38;
	[tilespmem:$0x1F380] =	vst v63  }
0xc0: {  	_ =	swait.ge [sflag:s28], $0x2800  }
0xc1: {  	[sflag:s28] =	ssyncset.done $0x0  }
0xc2: {  	[sflag:s28] =	ssyncadd.s32 $0xFFFFD800  }
0xc3: {  	[hbm4b:s22+s4] =	stream.linear.scatter [tilespmem:s1], [sflag:$0x2], $0x2800, $0x38;
	[tilespmem:$0x1F380] =	vst v63  }
0xc4: {  	_ =	swait.ge [sflag:s30], $0x2800  }
0xc5: {  	[sflag:s30] =	ssyncset.done $0x0  }
0xc6: {  	[sflag:s30] =	ssyncadd.s32 $0xFFFFD800  }
0xc7: {  	[tilespmem:s16], [sflag:$0x3] =	stream.linear.gather [spmem:s11], $0x2800, $0x38;
	[tilespmem:$0x1F380] =	vst v63  }
0xc8: {  	_ =	swait.ge [sflag:s28], $0x2800  }
0xc9: {  	[sflag:s28] =	ssyncset.done $0x0  }
0xca: {  	[sflag:s28] =	ssyncadd.s32 $0xFFFFD800  }
0xcb: {  	[hbm4b:s23+s4] =	stream.linear.scatter [tilespmem:s16], [sflag:$0x1], $0x2800, $0x38;
	[tilespmem:$0x1F380] =	vst v63  }
0xcc: {  	_ =	swait.ge [sflag:s0], $0x2800  }
0xcd: {  	[sflag:s0] =	ssyncset.done $0x0  }
0xce: {  	[sflag:s0] =	ssyncadd.s32 $0xFFFFD800  }
0xcf: {  	[tilespmem:s1], [sflag:$0x3] =	stream.linear.gather [spmem:s12], $0x2400, $0x38;
	[tilespmem:$0x1F380] =	vst v63  }
0xd0: {  	_ =	swait.ge [sflag:s28], $0x2400  }
0xd1: {  	[sflag:s28] =	ssyncset.done $0x0  }
0xd2: {  	[sflag:s28] =	ssyncadd.s32 $0xFFFFDC00  }
0xd3: {  	[hbm4b:s24+s4] =	stream.linear.scatter [tilespmem:s1], [sflag:$0x2], $0x2400, $0x38;
	[tilespmem:$0x1F380] =	vst v63  }
0xd4: {  	_ =	swait.ge [sflag:s30], $0x2800  }
0xd5: {  	[sflag:s30] =	ssyncset.done $0x0  }
0xd6: {  	[sflag:s30] =	ssyncadd.s32 $0xFFFFD800  }
0xd7: {  	_ =	swait.ge [sflag:s0], $0x2400  }
0xd8: {  	s26 =	sadd.s32 $0x1, s26;
	s29 =	rddreg [dreg:$0x6]  }
0xd9: {  	p0 =	sne.s32 s26, s29  }
.Ltmp2:
0xda: {  	_ = 	snop;
	(pc) =	sbr.rel @p0 .LBB2_1-.Ltmp2, $3  }
0xdb: {  	_ =	sdelay $0x1  }
0xdc: {  	[sflag:s0] =	ssyncset.done $0x0  }
0xdd: {  	[sflag:s0] =	ssyncadd.s32 $0xFFFFDC00  }
0xde: {  	_ =	sfence.sel $0x180000  }
0xdf: {  	[bflag:$0x0] =	sbarrier.arrive $0xFFFF  }
0xe0: {  	_ =	strace $0x9000004A  }
0xe1: {  	s0 =	stileid.u32;
	[bflag:$0x2] =	sbarrier.arrive $0xFFFF  }
0xe2: {  	p0 =	sne.s32 s0, $0x0;
	s0 =	rddreg [dreg:$0x3]  }
0xe3: {  	s0 =	sadd.s32 @!p0 $0x100000, s0  }
0xe4: {  	[sflag:s0] =	ssyncadd.tile.s32 @!p0 $0x1;
	_ =	shalt  }
.Lfunc_end2:
_tile_overlayer_lowered:
.L_overlay_start_2:
0xe5: {  	(tag) =	ssettag $0x2  }
0xe6: {  	s0 =	rddreg [dreg:$0x0];
	s2 =	stileid.u32  }
0xe7: {  	s1 =	rddreg [dreg:$0x1];
	p0 =	sne.s32 s2, $0x0  }
0xe8: {  	s3 =	rddreg [dreg:$0x2];
	[bflag:$0x3] =	sbarrier.arrive $0xFFFF;
	s2 =	simm.s32 @!p0 $0x1C03  }
0xe9: {  	[timem:s3], [sflag:s2] =	dma.local @!p0 [hbm:s0], s1  }
0xea: {  	s0 =	simm.s32 @!p0 $0x3  }
0xeb: {  	_ =	swait.ge @!p0 [sflag:s0], s1  }
0xec: {  	s1 =	ssub.s32 @!p0 $0x0, s1;
	[sflag:s0] =	ssyncset.done @!p0 $0x0  }
0xed: {  	[sflag:s0] =	ssyncadd.s32 @!p0 s1  }
0xee: {  	[bflag:$0x3] =	sbarrier.arrive $0xFFFF  }
0xef: {  	_ =	shalt  }

// kernel: kernel.14.cloned.1.call-start
scs
__scs_entry_jumppad:
0x0: {  	(pc) =	sbr.rel $0x88, $3  }
0x1: {  	(tag) =	ssettag $0x0;
	lr =	simm.s32 $0x1  }
0x2: {  	[smem:$0x3F9B] =	sst lr;
	_ =	strace $0xD0000000  }
0x3: {  	_ = 	snop  }
0x4: {  	_ = 	snop  }
0x5: {  	_ = 	snop  }
0x6: {  	_ = 	snop  }
0x7: {  	_ = 	snop  }
__scs_overlays_trampoline_lowered:
0x8: {  	[smem:$0x3FAA] =	sst s0  }
0x9: {  	[smem:$0x3FAB] =	sst s1  }
0xa: {  	[smem:$0x3FAC] =	sst s2  }
0xb: {  	[smem:$0x3FAD] =	sst s3  }
0xc: {  	[smem:$0x3FAE] =	sst s4  }
0xd: {  	[smem:$0x3FAF] =	sst s5  }
0xe: {  	[smem:$0x3FB0] =	sst s6  }
0xf: {  	[smem:$0x3FB1] =	sst s7  }
0x10: {  	[smem:$0x3FB2] =	sst s8  }
0x11: {  	[smem:$0x3FB3] =	sst s9;
	s0 =	simm.s32 @!p0 $0x0  }
0x12: {  	s1 =	sld [smem:$0x3F99];
	s0 =	simm.s32 @p0 $0x1  }
0x13: {  	[smem:$0x3FB4] =	sst s0;
	s0 =	simm.s32 @!p1 $0x0  }
0x14: {  	s2 =	sld [smem:$0x3F98];
	s0 =	simm.s32 @p1 $0x1  }
0x15: {  	[smem:$0x3FB5] =	sst s0;
	s0 =	simm.s32 @!p2 $0x0  }
0x16: {  	s3 =	sld [smem:$0x3FDB];
	s0 =	simm.s32 @p2 $0x1  }
0x17: {  	s4 =	simm.s32 $0x1BF5;
	[smem:$0x3FB7] =	sst s0  }
0x18: {  	s0 =	sld [smem:$0x3F9A];
	_ =	swait.ge [sflag:s4], $0x0  }
0x19: {  	s7 =	sld [smem:$0x3F9B]  }
0x1a: {  	s8 =	sadd.s32 $0xFFFFE003, lr  }
0x1b: {  	s9 =	sadd.s32 $0xFFFFFEF7, lr;
	s5 =	simm.s32 $0xFFFFFFFF;
	p2 =	slt.u32 s8, $0xFFFFF086  }
0x1c: {  	p1 =	slt.u32 s9, $0xF7A;
	s5 =	simm.s32 @!p2 $0x0  }
0x1d: {  	s5 =	simm.s32 @p1 $0x1;
	p0 =	seq.s32 s7, s2  }
0x1e: {  	s7 =	smul.u32 @!p0 $0xF7A, s2;
	p2 =	seq.s32 @!p0 s5, $0x0  }
0x1f: {  	s9 =	smul.u32 $0xF7A, s1;
	s8 =	simm.s32 @!p0 $0x1BF5;
	p2 =	por !p2, p0  }
0x20: {  	[sflag:s8] =	ssyncset.s32 @!p0 $0xFFFFF086;
	s6 =	sadd.s32 @!p0 s3, s7;
	s7 =	simm.s32 @!p0 $0x108  }
0x21: {  	s3 =	sadd.s32 s3, s9;
	s6 =	sadd.s32 @!p0 $0x88, s6;
	s7 =	simm.s32 @p2 $0x1082  }
0x22: {  	[simem:s7], [sflag:s8] =	dma.local @!p0 [hbm:s6], $0xF7A  }
0x23: {  	s9 =	sor.u32 $0xD0000000, s2;
	s6 =	simm.s32 $0x108;
	_ =	swait.ge @!p0 [sflag:s8], $0x0  }
0x24: {  	s3 =	sadd.s32 $0x88, s3;
	s6 =	simm.s32 @!p1 $0x1082;
	[sflag:s4] =	ssyncset.s32 $0xFFFFF086  }
0x25: {  	[simem:s6], [sflag:s4] =	dma.local [hbm:s3], $0xF7A  }
0x26: {  	[smem:$0x3F9B] =	sst s1;
	(tag) =	ssettag s2;
	_ =	strace s9  }
0x27: {  	s1 =	sld [smem:$0x3FAB]  }
0x28: {  	s2 =	sld [smem:$0x3FAC]  }
0x29: {  	s4 =	sld [smem:$0x3FAE]  }
0x2a: {  	p0 =	seq.s32 s5, $0x0;
	s5 =	sld [smem:$0x3FAF]  }
0x2b: {  	s6 =	sld [smem:$0x3FB0]  }
0x2c: {  	s7 =	sld [smem:$0x3FB1]  }
0x2d: {  	s3 =	simm.s32 $0x108;
	s8 =	sld [smem:$0x3FB2]  }
0x2e: {  	s3 =	simm.s32 @!p0 $0x1082;
	s9 =	sld [smem:$0x3FB3]  }
0x2f: {  	lr =	sadd.s32 s0, s3;
	s0 =	sld [smem:$0x3FAA]  }
0x30: {  	s3 =	sld [smem:$0x3FAD]  }
0x31: {  	[smem:$0x3FB6] =	sst s10  }
0x32: {  	s10 =	sld [smem:$0x3FB4];
	_ =	sdelay $0x3  }
0x33: {  	p0 =	seq.s32 s10, $0x1;
	s10 =	sld [smem:$0x3FB6];
	_ =	sdelay $0x3  }
0x34: {  	[smem:$0x3FB6] =	sst s10  }
0x35: {  	s10 =	sld [smem:$0x3FB5];
	_ =	sdelay $0x3  }
0x36: {  	p1 =	seq.s32 s10, $0x1;
	s10 =	sld [smem:$0x3FB6];
	_ =	sdelay $0x3  }
0x37: {  	[smem:$0x3FB6] =	sst s10  }
0x38: {  	s10 =	sld [smem:$0x3FB7]  }
0x39: {  	_ = 	snop;
	(pc) =	sbr.ind lr, $3  }
0x3a: {  	_ = 	snop  }
0x3b: {  	_ = 	snop  }
0x3c: {  	p2 =	seq.s32 s10, $0x1;
	s10 =	sld [smem:$0x3FB6]  }
0x3d: {  	_ =	shalt  }
0x3e: {  	_ =	shalt  }
0x3f: {  	_ =	shalt  }
0x40: {  	_ =	shalt  }
0x41: {  	_ =	shalt  }
0x42: {  	_ =	shalt  }
0x43: {  	_ =	shalt  }
0x44: {  	_ =	shalt  }
0x45: {  	_ =	shalt  }
0x46: {  	_ =	shalt  }
0x47: {  	_ =	shalt  }
0x48: {  	_ =	shalt  }
0x49: {  	_ =	shalt  }
0x4a: {  	_ =	shalt  }
0x4b: {  	_ =	shalt  }
0x4c: {  	_ =	shalt  }
0x4d: {  	_ =	shalt  }
0x4e: {  	_ =	shalt  }
0x4f: {  	_ =	shalt  }
0x50: {  	_ =	shalt  }
0x51: {  	_ =	shalt  }
0x52: {  	_ =	shalt  }
0x53: {  	_ =	shalt  }
0x54: {  	_ =	shalt  }
0x55: {  	_ =	shalt  }
0x56: {  	_ =	shalt  }
0x57: {  	_ =	shalt  }
0x58: {  	_ =	shalt  }
0x59: {  	_ =	shalt  }
0x5a: {  	_ =	shalt  }
0x5b: {  	_ =	shalt  }
0x5c: {  	_ =	shalt  }
0x5d: {  	_ =	shalt  }
0x5e: {  	_ =	shalt  }
0x5f: {  	_ =	shalt  }
0x60: {  	_ =	shalt  }
0x61: {  	_ =	shalt  }
0x62: {  	_ =	shalt  }
0x63: {  	_ =	shalt  }
0x64: {  	_ =	shalt  }
0x65: {  	_ =	shalt  }
0x66: {  	_ =	shalt  }
0x67: {  	_ =	shalt  }
0x68: {  	_ =	shalt  }
0x69: {  	_ =	shalt  }
0x6a: {  	_ =	shalt  }
0x6b: {  	_ =	shalt  }
0x6c: {  	_ =	shalt  }
0x6d: {  	_ =	shalt  }
0x6e: {  	_ =	shalt  }
0x6f: {  	_ =	shalt  }
0x70: {  	_ =	shalt  }
0x71: {  	_ =	shalt  }
0x72: {  	_ =	shalt  }
0x73: {  	_ =	shalt  }
0x74: {  	_ =	shalt  }
0x75: {  	_ =	shalt  }
0x76: {  	_ =	shalt  }
0x77: {  	_ =	shalt  }
0x78: {  	_ =	shalt  }
0x79: {  	_ =	shalt  }
0x7a: {  	_ =	shalt  }
0x7b: {  	_ =	shalt  }
0x7c: {  	_ =	shalt  }
0x7d: {  	_ =	shalt  }
0x7e: {  	_ =	shalt  }
0x7f: {  	_ =	shalt  }
0x80: {  	_ =	shalt  }
0x81: {  	_ =	shalt  }
0x82: {  	_ =	shalt  }
0x83: {  	_ =	shalt  }
0x84: {  	_ =	shalt  }
0x85: {  	_ =	shalt  }
0x86: {  	_ =	shalt  }
0x87: {  	_ =	shalt  }
.Lfunc_end0:
.L_simem_size_0:
called_computation.2_lowered:
.L_overlay_start_0:
0x88: {  	s2 =	sld [smem:$0x3FD9]  }
0x89: {  	s3 =	sld [smem:$0x3FFE];
	_ =	sdelay $0x1  }
0x8a: {  	s1 =	srdreg.scid  }
0x8b: {  	s0 =	sand.u32 $0x1, s1  }
0x8c: {  	s17 =	sshll.u32 s0, $0xA;
	s2 =	sadd.s32 s3, s2  }
0x8d: {  	s2 =	sadd.s32 s2, s17  }
0x8e: {  	[smem:$0x3FC2] =	sst s2  }
0x8f: {  	_ = 	snop  }
0x90: {  	s2 =	sld [smem:$0x3FD0];
	(tm) =	ssettm $0x1  }
0x91: {  	s18 =	sld [smem:$0x3FFB];
	_ =	sdelay $0x3  }
0x92: {  	_ =	strace s18  }
0x93: {  	s3 =	sld [smem:$0x3FFC];
	_ =	sdelay $0x3  }
0x94: {  	_ =	strace s3  }
0x95: {  	s3 =	sld [smem:$0x3FFD];
	_ =	sdelay $0x3  }
0x96: {  	_ =	strace s3  }
0x97: {  	_ =	strace $0x8FFFFFFF  }
0x98: {  	s19 =	sld [smem:$0x3FDB];
	_ =	sdelay $0x1  }
0x99: {  	s4 =	simm.s32 $_scs_section_size  }
0x9a: {  	s5 =	simm.s32 $_size__tile_overlayer_lowered;
	s6 =	simm.s32 $_tile_overlayer_lowered  }
0x9b: {  	s22 =	simm.s32 $0x1BFF;
	s21 =	sshll.u32 s6, $0x1;
	s3 =	sadd.s32 s4, s19  }
0x9c: {  	s7 =	simm.s32 $0x0;
	s20 =	sshll.u32 s5, $0x1;
	s5 =	sadd.s32 s21, s3  }
0x9d: {  	[timem:s7], [sflag:s22] =	dma.local [hbm:s5], s20  }
0x9e: {  	_ =	swait.ge [sflag:s22], s20  }
0x9f: {  	s4 =	ssub.s32 $0x0, s20;
	[sflag:s22] =	ssyncset.done $0x0  }
0xa0: {  	[sflag:s22] =	ssyncadd.s32 s4;
	_ =	sdelay $0x1  }
0xa1: {  	s23 =	simm.s32 $0x1B8B  }
0xa2: {  	_ =	swait.ge [sflag:s23], $0x1  }
0xa3: {  	[sflag:s23] =	ssyncset.done $0x0  }
0xa4: {  	s25 =	simm.s32 $0x1B8E;
	s24 =	sld [smem:$0x3FFE];
	[sflag:s23] =	ssyncadd.s32 $0xFFFFFFFF  }
0xa5: {  	s26 =	simm.s32 $execute0_lowered;
	[smem:$0x3FD2] =	sst s25  }
0xa6: {  	s5 =	sshll.u32 s26, $0x1;
	_ =	strace $0x8000004C;
	[dreg:$0x1] =	wrdreg $0xFFFFFFFF  }
0xa7: {  	s28 =	simm.s32 $_size_execute0_lowered;
	s3 =	sadd.s32 s3, s5;
	[dreg:$0x0] =	wrdreg $0x0  }
0xa8: {  	s5 =	sshll.u32 s28, $0x1;
	[dreg:$0x2] =	wrdreg s3  }
0xa9: {  	[dreg:$0x3] =	wrdreg s5  }
0xaa: {  	[dreg:$0x4] =	wrdreg $0xC0  }
0xab: {  	_ =	task [dreg:s7], $0x5FFFF  }
0xac: {  	[dreg:$0x1] =	wrdreg $0xFFFFFFFF  }
0xad: {  	[dreg:$0x0] =	wrdreg $0x60  }
0xae: {  	[dreg:$0x2] =	wrdreg s24  }
0xaf: {  	[dreg:$0x3] =	wrdreg s2  }
0xb0: {  	[dreg:$0x4] =	wrdreg $0xB7800  }
0xb1: {  	[dreg:$0x5] =	wrdreg $0x9  }
0xb2: {  	_ =	task.clear_ibuf [dreg:s7], $0x6FFFF;
	_ =	strace $0x9000004C  }
0xb3: {  	s29 =	simm.s32 $0x9;
	_ =	strace $0x8000004E  }
0xb4: {  	_ =	swait.ge [sflag:s29], $0x1  }
0xb5: {  	[sflag:s29] =	ssyncadd.s32 $0xFFFFFFFF  }
0xb6: {  	_ =	strace $0x9000004E  }
0xb7: {  	_ =	sfence  }
0xb8: {  	s30 =	sld [smem:$0x0];
	_ =	sdelay $0x2  }
0xb9: {  	s31 =	sshll.u32 s1, $0xD;
	s1 =	sshrl.u32 s1, $0x2  }
0xba: {  	s3 =	sand.u32 $0x4000, s31;
	s1 =	sadd.s32 s1, s30  }
0xbb: {  	s0 =	sor.u32 s3, s0;
	s1 =	sshll.u32 s1, $0x11  }
0xbc: {  	s0 =	sor.u32 s1, s0  }
0xbd: {  	s0 =	sadd.s32 $0x8F2B, s0  }
0xbe: {  	[sflag:s0] =	ssyncadd.remote.s32 $0x1  }
0xbf: {  	_ =	sfence.sel $0xFFFF  }
0xc0: {  	[dreg:$0x0] =	wrdreg $0xFFFFFFFF;
	(pc) =	sbr.abs _section_cstart, $3  }
0xc1: {  	[dreg:$0x1] =	wrdreg $0xFFFFFFFF  }
0xc2: {  	_ =	task.clear_ibuf [dreg:s7], $0x2FFFF;
	_ =	strace $0x9FFFFFFF  }
0xc3: {  	(tm) =	ssettm $0x7FFFFFFF  }
tec
execute0_lowered:
.L_overlay_start_1:
0x0: {  	(tag) =	ssettag $0x1  }
0x1: {  	s5 =	rddreg [dreg:$0x0]  }
0x2: {  	s0 =	srdreg.scid;
	s2 =	rddreg [dreg:$0x1]  }
0x3: {  	s14 =	stileid.u32;
	s3 =	rddreg [dreg:$0x2]  }
0x4: {  	s31 =	simm.s32 $0x50;
	s0 =	sand.u32 $0x1, s0;
	s10 =	smul.u32 $0x278, s14  }
0x5: {  	s7 =	sshll.u32 s14, $0x7;
	s22 =	smul.u32 $0x4F000, s14;
	s1 =	sshll.u32 s0, $0x4  }
0x6: {  	s7 =	sand.u32 $0x380, s7;
	s21 =	smul.u32 $0x27800, s0;
	s0 =	ssub.s32 $0x2, s0  }
0x7: {  	s1 =	sor.u32 s14, s1;
	s23 =	sshrl.u32 s0, $0x1;
	s16 =	sadd.s32 $0x50, s10  }
0x8: {  	s24 =	sshrl.u32 s22, $0x2;
	s17 =	sadd.s32 $0xA0, s10;
	s18 =	sadd.s32 $0xF0, s10  }
0x9: {  	s19 =	sadd.s32 $0x140, s10;
	s20 =	sadd.s32 $0x190, s10;
	s22 =	sadd.s32 $0x230, s10  }
0xa: {  	s4 =	sshrl.u32 s1, $0x3;
	s1 =	sshll.u32 s1, $0xB;
	s15 =	sadd.s32 s21, s5  }
0xb: {  	s0 =	ssub.s32 s0, s23;
	s25 =	sshll.u32 s16, $0x7;
	s26 =	sshll.u32 s17, $0x7  }
0xc: {  	s8 =	sshll.u32 s18, $0x7;
	s9 =	sshll.u32 s19, $0x7;
	s11 =	sshll.u32 s20, $0x7  }
0xd: {  	s21 =	sadd.s32 $0x1E0, s10;
	s12 =	sshll.u32 s22, $0x7;
	s23 =	sshll.u32 s16, $0x4  }
0xe: {  	s28 =	sshll.u32 s20, $0x4;
	s30 =	sshll.u32 s22, $0x4;
	s16 =	simm.s32 $0x6780  }
0xf: {  	s6 =	smul.u32 $0x13C00, s4;
	s4 =	simm.s32 $0x0;
	s1 =	sadd.s32 s1, s5  }
0x10: {  	s8 =	sadd.s32 s8, s3;
	s9 =	sadd.s32 s9, s3;
	s10 =	sadd.s32 s11, s3  }
0x11: {  	s29 =	sshll.u32 s21, $0x7;
	s12 =	sadd.s32 s12, s3;
	s0 =	smax.u32 s0, $0x1  }
0x12: {  	[smem:$0x7FF] =	sst s4;
	s11 =	sadd.s32 s29, s3;
	s1 =	sadd.s32 $0x1E00, s1  }
0x13: {  	s29 =	sshll.u32 s21, $0x4;
	s6 =	sor.u32 s7, s6;
	_ =	strace $0x8000004D  }
0x14: {  	s7 =	sadd.s32 s26, s3;
	[dreg:$0x5] =	wrdreg s1;
	s1 =	sadd.s32 $0x1BC00, s15  }
0x15: {  	s15 =	smul.u32 $0x2780, s14;
	s26 =	sshll.u32 s19, $0x4;
	[dreg:$0x6] =	wrdreg s0  }
0x16: {  	s0 =	simm.s32 $0x2;
	s6 =	sshrl.u32 s6, $0x3;
	s21 =	sadd.s32 s26, s1  }
0x17: {  	s22 =	sadd.s32 s28, s1;
	s28 =	simm.s32 $0x3;
	s26 =	simm.s32 $0x0  }
0x18: {  	s13 =	sadd.s32 s6, s5;
	s5 =	sadd.s32 s24, s3;
	s6 =	sadd.s32 s25, s3  }
0x19: {  	s24 =	sshll.u32 s17, $0x4;
	s25 =	sshll.u32 s18, $0x4;
	s17 =	sadd.s32 s15, s1  }
0x1a: {  	s18 =	sadd.s32 s23, s1;
	s23 =	sadd.s32 s29, s1;
	s13 =	sadd.s32 $0x11E00, s13  }
0x1b: {  	s19 =	sadd.s32 s24, s1;
	s20 =	sadd.s32 s25, s1;
	s24 =	sadd.s32 s30, s1  }
0x1c: {  	v0 =	vimm.f32 $0.0e+00;
	s30 =	simm.s32 $0x1;
	s1 =	simm.s32 $0x8F80;
	[dreg:$0x4] =	wrdreg s13  }
.LBB2_1:
0x1d: {  	s13 =	simm.s32 $0x0;
	s25 =	simm.s32 $0x200  }
.LBB2_2:
0x1e: {  	p0 =	sne.s32 s25, $0x9E00;
	[tilespmem:s13+$0x67F0] =	vst v0  }
0x1f: {  	[tilespmem:s13+$0x6780] =	vst v0  }
0x20: {  	[tilespmem:s13+$0x6790] =	vst v0  }
.Ltmp0:
0x21: {  	[tilespmem:s13+$0x67A0] =	vst v0;
	(pc) =	sbr.rel @p0 .LBB2_2-.Ltmp0, $4  }
0x22: {  	[tilespmem:s13+$0x67B0] =	vst v0  }
0x23: {  	[tilespmem:s13+$0x67C0] =	vst v0  }
0x24: {  	[tilespmem:s13+$0x67D0] =	vst v0  }
0x25: {  	[tilespmem:s13+$0x67E0] =	vst v0;
	s13 =	sshra.s32 s25, $0x2;
	s25 =	sadd.s32 $0x200, s25  }
0x26: {  	[tilespmem:s13+$0x67F0] =	vst v0  }
0x27: {  	[tilespmem:s13+$0x6780] =	vst v0  }
0x28: {  	[tilespmem:s13+$0x6790] =	vst v0  }
0x29: {  	[tilespmem:s13+$0x67A0] =	vst v0  }
0x2a: {  	[tilespmem:s13+$0x67B0] =	vst v0  }
0x2b: {  	[tilespmem:s13+$0x67C0] =	vst v0  }
0x2c: {  	[tilespmem:s13+$0x67D0] =	vst v0  }
0x2d: {  	[tilespmem:s13+$0x67E0] =	vst v0  }
0x2e: {  	[spmem:s5] =	stream.linear.scatter [tilespmem:s16], [sflag:$0x1], $0x2800, $0x38;
	[tilespmem:$0x1F380] =	vst v63  }
0x2f: {  	_ = 	snop  }
0x30: {  	[spmem:s6] =	stream.linear.scatter [tilespmem:s16], [sflag:$0x1], $0x2800, $0x38;
	[tilespmem:$0x1F380] =	vst v63  }
0x31: {  	_ = 	snop  }
0x32: {  	[spmem:s7] =	stream.linear.scatter [tilespmem:s16], [sflag:$0x1], $0x2800, $0x38;
	[tilespmem:$0x1F380] =	vst v63  }
0x33: {  	_ = 	snop  }
0x34: {  	[spmem:s8] =	stream.linear.scatter [tilespmem:s16], [sflag:$0x1], $0x2800, $0x38;
	[tilespmem:$0x1F380] =	vst v63  }
0x35: {  	_ = 	snop  }
0x36: {  	[spmem:s9] =	stream.linear.scatter [tilespmem:s16], [sflag:$0x1], $0x2800, $0x38;
	[tilespmem:$0x1F380] =	vst v63  }
0x37: {  	_ = 	snop  }
0x38: {  	[spmem:s10] =	stream.linear.scatter [tilespmem:s16], [sflag:$0x1], $0x2800, $0x38;
	[tilespmem:$0x1F380] =	vst v63  }
0x39: {  	_ = 	snop  }
0x3a: {  	[spmem:s11] =	stream.linear.scatter [tilespmem:s16], [sflag:$0x1], $0x2800, $0x38;
	[tilespmem:$0x1F380] =	vst v63  }
0x3b: {  	s13 =	simm.s32 $0x0  }
0x3c: {  	[spmem:s12] =	stream.linear.scatter [tilespmem:s16], [sflag:$0x1], $0x2400, $0x38;
	[tilespmem:$0x1F380] =	vst v63  }
0x3d: {  	s14 =	rddreg [dreg:$0x4];
	s15 =	simm.s32 $0x80;
	s25 =	simm.s32 $0x400  }
0x3e: {  	[tilespmem:s13], [sflag:$0x3] =	stream.strided.gather [hbm4b:s14+s15], $0x2780, s25, s15, $0x38;
	[tilespmem:$0x1F380] =	vst v63  }
0x3f: {  	_ =	swait.ge [sflag:s28], $0x2780  }
0x40: {  	[sflag:s28] =	ssyncset.done $0x0  }
0x41: {  	s25 =	simm.s32 $0x2780;
	s15 =	rddreg [dreg:$0x5];
	[sflag:s28] =	ssyncadd.s32 $0xFFFFD880  }
0x42: {  	[tilespmem:s25], [sflag:$0x3] =	stream.linear.gather [hbm4b:s15+s13], $0x3E80, $0x38;
	[tilespmem:$0x1F380] =	vst v63  }
0x43: {  	_ =	swait.ge [sflag:s28], $0x3E80  }
0x44: {  	[sflag:s28] =	ssyncset.done $0x0  }
0x45: {  	[sflag:s28] =	ssyncadd.s32 $0xFFFFC180  }
0x46: {  	_ =	swait.ge [sflag:s30], $0x2800  }
0x47: {  	[sflag:s30] =	ssyncset.done $0x0  }
0x48: {  	[sflag:s30] =	ssyncadd.s32 $0xFFFFD800  }
0x49: {  	_ =	swait.ge [sflag:s30], $0x2800  }
0x4a: {  	[sflag:s30] =	ssyncset.done $0x0  }
0x4b: {  	[sflag:s30] =	ssyncadd.s32 $0xFFFFD800  }
0x4c: {  	_ =	swait.ge [sflag:s30], $0x2800  }
0x4d: {  	[sflag:s30] =	ssyncset.done $0x0  }
0x4e: {  	[sflag:s30] =	ssyncadd.s32 $0xFFFFD800  }
0x4f: {  	_ =	swait.ge [sflag:s30], $0x2800  }
0x50: {  	[sflag:s30] =	ssyncset.done $0x0  }
0x51: {  	[sflag:s30] =	ssyncadd.s32 $0xFFFFD800  }
0x52: {  	_ =	swait.ge [sflag:s30], $0x2800  }
0x53: {  	[sflag:s30] =	ssyncset.done $0x0  }
0x54: {  	[sflag:s30] =	ssyncadd.s32 $0xFFFFD800  }
0x55: {  	_ =	swait.ge [sflag:s30], $0x2800  }
0x56: {  	[sflag:s30] =	ssyncset.done $0x0  }
0x57: {  	[sflag:s30] =	ssyncadd.s32 $0xFFFFD800  }
0x58: {  	_ =	swait.ge [sflag:s30], $0x2800  }
0x59: {  	[sflag:s30] =	ssyncset.done $0x0  }
0x5a: {  	[sflag:s30] =	ssyncadd.s32 $0xFFFFD800  }
0x5b: {  	_ =	swait.ge [sflag:s30], $0x2400  }
0x5c: {  	[sflag:s30] =	ssyncset.done $0x0  }
0x5d: {  	[sflag:s30] =	ssyncadd.s32 $0xFFFFDC00  }
0x5e: {  	[bflag:$0x0] =	sbarrier.arrive $0xFFFF  }
0x5f: {  	[tilespmem:s16], [sflag:$0x1] =	stream.indirect.gather [hbm4b:s2+s31], $0x80, s13, s31, $0xb8;
	[tilespmem:$0x1F380] =	vst v63  }
0x60: {  	s25 =	simm.s32 $0x50  }
0x61: {  	[tilespmem:s1], [sflag:$0x2] =	stream.indirect.gather [hbm4b:s2+s31], $0x80, s25, s31, $0xb8;
	[tilespmem:$0x1F380] =	vst v63  }
0x62: {  	_ =	swait.ge [sflag:s30], $0x2800  }
0x63: {  	[sflag:s30] =	ssyncset.done $0x0  }
0x64: {  	s14 =	simm.s32 $0x2780;
	[sflag:s30] =	ssyncadd.s32 $0xFFFFD800  }
0x65: {  	[spmem:s3] =	stream.indirect.scatter.add.f32 [tilespmem:s16], [sflag:$0x3], $0x80, s14, s31, $0xb8;
	[tilespmem:$0x1F380] =	vst v63  }
0x66: {  	_ =	swait.ge [sflag:s28], $0x2800  }
0x67: {  	[sflag:s28] =	ssyncset.done $0x0  }
0x68: {  	s15 =	simm.s32 $0xA0;
	[sflag:s28] =	ssyncadd.s32 $0xFFFFD800  }
0x69: {  	[tilespmem:s16], [sflag:$0x1] =	stream.indirect.gather [hbm4b:s2+s31], $0x80, s15, s31, $0xb8;
	[tilespmem:$0x1F380] =	vst v63  }
0x6a: {  	_ =	swait.ge [sflag:s0], $0x2800  }
0x6b: {  	[sflag:s0] =	ssyncset.done $0x0  }
0x6c: {  	s25 =	simm.s32 $0x2800;
	[sflag:s0] =	ssyncadd.s32 $0xFFFFD800  }
0x6d: {  	[spmem:s3] =	stream.indirect.scatter.add.f32 [tilespmem:s1], [sflag:$0x3], $0x80, s25, s31, $0xb8;
	[tilespmem:$0x1F380] =	vst v63  }
0x6e: {  	s29 =	simm.s32 $0x140;
	_ =	swait.ge [sflag:s28], $0x2800  }
0x6f: {  	s13 =	simm.s32 $0x800;
	s25 =	simm.s32 $0x400;
	[sflag:s28] =	ssyncset.done $0x0  }
.LBB2_4:
0x70: {  	p0 =	sne.s32 s13, $0xF400;
	s14 =	sadd.s32 $0xFFFFFFB0, s29;
	[sflag:s28] =	ssyncadd.s32 $0xFFFFD800  }
0x71: {  	[tilespmem:s1], [sflag:$0x2] =	stream.indirect.gather [hbm4b:s2+s31], $0x80, s14, s31, $0xb8;
	[tilespmem:$0x1F380] =	vst v63  }
0x72: {  	s14 =	smov.u32 s13;
	s13 =	sadd.s32 $0x400, s13;
	_ =	swait.ge [sflag:s30], $0x2800  }
0x73: {  	s15 =	sshra.s32 s25, $0x2;
	s25 =	smov.u32 s14;
	[sflag:s30] =	ssyncset.done $0x0  }
0x74: {  	s14 =	sadd.s32 $0x2780, s15;
	[sflag:s30] =	ssyncadd.s32 $0xFFFFD800  }
0x75: {  	[spmem:s3] =	stream.indirect.scatter.add.f32 [tilespmem:s16], [sflag:$0x3], $0x80, s14, s31, $0xb8;
	[tilespmem:$0x1F380] =	vst v63  }
0x76: {  	_ =	swait.ge [sflag:s28], $0x2800  }
0x77: {  	[sflag:s28] =	ssyncset.done $0x0  }
0x78: {  	[sflag:s28] =	ssyncadd.s32 $0xFFFFD800  }
0x79: {  	[tilespmem:s16], [sflag:$0x1] =	stream.indirect.gather [hbm4b:s2+s31], $0x80, s29, s31, $0xb8;
	[tilespmem:$0x1F380] =	vst v63  }
0x7a: {  	_ =	swait.ge [sflag:s0], $0x2800  }
.Ltmp1:
0x7b: {  	[sflag:s0] =	ssyncset.done $0x0;
	(pc) =	sbr.rel @p0 .LBB2_4-.Ltmp1, $4  }
0x7c: {  	s14 =	sadd.s32 $0x2800, s15;
	[sflag:s0] =	ssyncadd.s32 $0xFFFFD800  }
0x7d: {  	[spmem:s3] =	stream.indirect.scatter.add.f32 [tilespmem:s1], [sflag:$0x3], $0x80, s14, s31, $0xb8;
	[tilespmem:$0x1F380] =	vst v63  }
0x7e: {  	_ =	swait.ge [sflag:s28], $0x2800  }
0x7f: {  	s29 =	sadd.s32 $0xA0, s29;
	[sflag:s28] =	ssyncset.done $0x0  }
0x80: {  	s13 =	sadd.s32 $0xFFFFFFB0, s29;
	[sflag:s28] =	ssyncadd.s32 $0xFFFFD800  }
0x81: {  	[tilespmem:s1], [sflag:$0x2] =	stream.indirect.gather [hbm4b:s2+s31], $0x80, s13, s31, $0xb8;
	[tilespmem:$0x1F380] =	vst v63  }
0x82: {  	_ =	swait.ge [sflag:s30], $0x2800  }
0x83: {  	s15 =	sshra.s32 s25, $0x2;
	[sflag:s30] =	ssyncset.done $0x0  }
0x84: {  	s14 =	sadd.s32 $0x2780, s15;
	[sflag:s30] =	ssyncadd.s32 $0xFFFFD800  }
0x85: {  	[spmem:s3] =	stream.indirect.scatter.add.f32 [tilespmem:s16], [sflag:$0x3], $0x80, s14, s31, $0xb8;
	[tilespmem:$0x1F380] =	vst v63  }
0x86: {  	_ =	swait.ge [sflag:s28], $0x2800  }
0x87: {  	[sflag:s28] =	ssyncset.done $0x0  }
0x88: {  	[sflag:s28] =	ssyncadd.s32 $0xFFFFD800  }
0x89: {  	[tilespmem:s16], [sflag:$0x1] =	stream.indirect.gather [hbm4b:s2+s31], $0x80, s29, s31, $0xb8;
	[tilespmem:$0x1F380] =	vst v63  }
0x8a: {  	_ =	swait.ge [sflag:s0], $0x2800  }
0x8b: {  	[sflag:s0] =	ssyncset.done $0x0  }
0x8c: {  	s13 =	sadd.s32 $0x2800, s15;
	[sflag:s0] =	ssyncadd.s32 $0xFFFFD800  }
0x8d: {  	[spmem:s3] =	stream.indirect.scatter.add.f32 [tilespmem:s1], [sflag:$0x3], $0x80, s13, s31, $0xb8;
	[tilespmem:$0x1F380] =	vst v63  }
0x8e: {  	_ =	swait.ge [sflag:s28], $0x2800  }
0x8f: {  	[sflag:s28] =	ssyncset.done $0x0  }
0x90: {  	[sflag:s28] =	ssyncadd.s32 $0xFFFFD800  }
0x91: {  	_ =	swait.ge [sflag:s30], $0x2800  }
0x92: {  	[sflag:s30] =	ssyncset.done $0x0  }
0x93: {  	s25 =	simm.s32 $0x6580;
	[sflag:s30] =	ssyncadd.s32 $0xFFFFD800  }
0x94: {  	[spmem:s3] =	stream.indirect.scatter.add.f32 [tilespmem:s16], [sflag:$0x3], $0x80, s25, s31, $0xb8;
	[tilespmem:$0x1F380] =	vst v63  }
0x95: {  	_ =	swait.ge [sflag:s28], $0x2800  }
0x96: {  	[sflag:s28] =	ssyncset.done $0x0  }
0x97: {  	[sflag:s28] =	ssyncadd.s32 $0xFFFFD800  }
0x98: {  	[bflag:$0x0] =	sbarrier.arrive $0xFFFF  }
0x99: {  	[tilespmem:s16], [sflag:$0x3] =	stream.linear.gather [spmem:s5], $0x2800, $0x38;
	[tilespmem:$0x1F380] =	vst v63  }
0x9a: {  	_ =	swait.ge [sflag:s28], $0x2800  }
0x9b: {  	[sflag:s28] =	ssyncset.done $0x0  }
0x9c: {  	[sflag:s28] =	ssyncadd.s32 $0xFFFFD800  }
0x9d: {  	[hbm4b:s17+s4] =	stream.linear.scatter [tilespmem:s16], [sflag:$0x1], $0x2800, $0x38;
	[tilespmem:$0x1F380] =	vst v63  }
0x9e: {  	_ = 	snop  }
0x9f: {  	[tilespmem:s1], [sflag:$0x3] =	stream.linear.gather [spmem:s6], $0x2800, $0x38;
	[tilespmem:$0x1F380] =	vst v63  }
0xa0: {  	_ =	swait.ge [sflag:s28], $0x2800  }
0xa1: {  	[sflag:s28] =	ssyncset.done $0x0  }
0xa2: {  	[sflag:s28] =	ssyncadd.s32 $0xFFFFD800  }
0xa3: {  	[hbm4b:s18+s4] =	stream.linear.scatter [tilespmem:s1], [sflag:$0x2], $0x2800, $0x38;
	[tilespmem:$0x1F380] =	vst v63  }
0xa4: {  	_ =	swait.ge [sflag:s30], $0x2800  }
0xa5: {  	[sflag:s30] =	ssyncset.done $0x0  }
0xa6: {  	[sflag:s30] =	ssyncadd.s32 $0xFFFFD800  }
0xa7: {  	[tilespmem:s16], [sflag:$0x3] =	stream.linear.gather [spmem:s7], $0x2800, $0x38;
	[tilespmem:$0x1F380] =	vst v63  }
0xa8: {  	_ =	swait.ge [sflag:s28], $0x2800  }
0xa9: {  	[sflag:s28] =	ssyncset.done $0x0  }
0xaa: {  	[sflag:s28] =	ssyncadd.s32 $0xFFFFD800  }
0xab: {  	[hbm4b:s19+s4] =	stream.linear.scatter [tilespmem:s16], [sflag:$0x1], $0x2800, $0x38;
	[tilespmem:$0x1F380] =	vst v63  }
0xac: {  	_ =	swait.ge [sflag:s0], $0x2800  }
0xad: {  	[sflag:s0] =	ssyncset.done $0x0  }
0xae: {  	[sflag:s0] =	ssyncadd.s32 $0xFFFFD800  }
0xaf: {  	[tilespmem:s1], [sflag:$0x3] =	stream.linear.gather [spmem:s8], $0x2800, $0x38;
	[tilespmem:$0x1F380] =	vst v63  }
0xb0: {  	_ =	swait.ge [sflag:s28], $0x2800  }
0xb1: {  	[sflag:s28] =	ssyncset.done $0x0  }
0xb2: {  	[sflag:s28] =	ssyncadd.s32 $0xFFFFD800  }
0xb3: {  	[hbm4b:s20+s4] =	stream.linear.scatter [tilespmem:s1], [sflag:$0x2], $0x2800, $0x38;
	[tilespmem:$0x1F380] =	vst v63  }
0xb4: {  	_ =	swait.ge [sflag:s30], $0x2800  }
0xb5: {  	[sflag:s30] =	ssyncset.done $0x0  }
0xb6: {  	[sflag:s30] =	ssyncadd.s32 $0xFFFFD800  }
0xb7: {  	[tilespmem:s16], [sflag:$0x3] =	stream.linear.gather [spmem:s9], $0x2800, $0x38;
	[tilespmem:$0x1F380] =	vst v63  }
0xb8: {  	_ =	swait.ge [sflag:s28], $0x2800  }
0xb9: {  	[sflag:s28] =	ssyncset.done $0x0  }
0xba: {  	[sflag:s28] =	ssyncadd.s32 $0xFFFFD800  }
0xbb: {  	[hbm4b:s21+s4] =	stream.linear.scatter [tilespmem:s16], [sflag:$0x1], $0x2800, $0x38;
	[tilespmem:$0x1F380] =	vst v63  }
0xbc: {  	_ =	swait.ge [sflag:s0], $0x2800  }
0xbd: {  	[sflag:s0] =	ssyncset.done $0x0  }
0xbe: {  	[sflag:s0] =	ssyncadd.s32 $0xFFFFD800  }
0xbf: {  	[tilespmem:s1], [sflag:$0x3] =	stream.linear.gather [spmem:s10], $0x2800, $0x38;
	[tilespmem:$0x1F380] =	vst v63  }
0xc0: {  	_ =	swait.ge [sflag:s28], $0x2800  }
0xc1: {  	[sflag:s28] =	ssyncset.done $0x0  }
0xc2: {  	[sflag:s28] =	ssyncadd.s32 $0xFFFFD800  }
0xc3: {  	[hbm4b:s22+s4] =	stream.linear.scatter [tilespmem:s1], [sflag:$0x2], $0x2800, $0x38;
	[tilespmem:$0x1F380] =	vst v63  }
0xc4: {  	_ =	swait.ge [sflag:s30], $0x2800  }
0xc5: {  	[sflag:s30] =	ssyncset.done $0x0  }
0xc6: {  	[sflag:s30] =	ssyncadd.s32 $0xFFFFD800  }
0xc7: {  	[tilespmem:s16], [sflag:$0x3] =	stream.linear.gather [spmem:s11], $0x2800, $0x38;
	[tilespmem:$0x1F380] =	vst v63  }
0xc8: {  	_ =	swait.ge [sflag:s28], $0x2800  }
0xc9: {  	[sflag:s28] =	ssyncset.done $0x0  }
0xca: {  	[sflag:s28] =	ssyncadd.s32 $0xFFFFD800  }
0xcb: {  	[hbm4b:s23+s4] =	stream.linear.scatter [tilespmem:s16], [sflag:$0x1], $0x2800, $0x38;
	[tilespmem:$0x1F380] =	vst v63  }
0xcc: {  	_ =	swait.ge [sflag:s0], $0x2800  }
0xcd: {  	[sflag:s0] =	ssyncset.done $0x0  }
0xce: {  	[sflag:s0] =	ssyncadd.s32 $0xFFFFD800  }
0xcf: {  	[tilespmem:s1], [sflag:$0x3] =	stream.linear.gather [spmem:s12], $0x2400, $0x38;
	[tilespmem:$0x1F380] =	vst v63  }
0xd0: {  	_ =	swait.ge [sflag:s28], $0x2400  }
0xd1: {  	[sflag:s28] =	ssyncset.done $0x0  }
0xd2: {  	[sflag:s28] =	ssyncadd.s32 $0xFFFFDC00  }
0xd3: {  	[hbm4b:s24+s4] =	stream.linear.scatter [tilespmem:s1], [sflag:$0x2], $0x2400, $0x38;
	[tilespmem:$0x1F380] =	vst v63  }
0xd4: {  	_ =	swait.ge [sflag:s30], $0x2800  }
0xd5: {  	[sflag:s30] =	ssyncset.done $0x0  }
0xd6: {  	[sflag:s30] =	ssyncadd.s32 $0xFFFFD800  }
0xd7: {  	_ =	swait.ge [sflag:s0], $0x2400  }
0xd8: {  	s26 =	sadd.s32 $0x1, s26;
	s29 =	rddreg [dreg:$0x6]  }
0xd9: {  	p0 =	sne.s32 s26, s29  }
.Ltmp2:
0xda: {  	_ = 	snop;
	(pc) =	sbr.rel @p0 .LBB2_1-.Ltmp2, $3  }
0xdb: {  	_ =	sdelay $0x1  }
0xdc: {  	[sflag:s0] =	ssyncset.done $0x0  }
0xdd: {  	[sflag:s0] =	ssyncadd.s32 $0xFFFFDC00  }
0xde: {  	_ =	sfence.sel $0x180000  }
0xdf: {  	[bflag:$0x0] =	sbarrier.arrive $0xFFFF  }
0xe0: {  	_ =	strace $0x9000004D  }
0xe1: {  	s0 =	stileid.u32;
	[bflag:$0x2] =	sbarrier.arrive $0xFFFF  }
0xe2: {  	p0 =	sne.s32 s0, $0x0;
	s0 =	rddreg [dreg:$0x3]  }
0xe3: {  	s0 =	sadd.s32 @!p0 $0x100000, s0  }
0xe4: {  	[sflag:s0] =	ssyncadd.tile.s32 @!p0 $0x1;
	_ =	shalt  }
.Lfunc_end2:
_tile_overlayer_lowered:
.L_overlay_start_2:
0xe5: {  	(tag) =	ssettag $0x2  }
0xe6: {  	s0 =	rddreg [dreg:$0x0];
	s2 =	stileid.u32  }
0xe7: {  	s1 =	rddreg [dreg:$0x1];
	p0 =	sne.s32 s2, $0x0  }
0xe8: {  	s3 =	rddreg [dreg:$0x2];
	[bflag:$0x3] =	sbarrier.arrive $0xFFFF;
	s2 =	simm.s32 @!p0 $0x1C03  }
0xe9: {  	[timem:s3], [sflag:s2] =	dma.local @!p0 [hbm:s0], s1  }
0xea: {  	s0 =	simm.s32 @!p0 $0x3  }
0xeb: {  	_ =	swait.ge @!p0 [sflag:s0], s1  }
0xec: {  	s1 =	ssub.s32 @!p0 $0x0, s1;
	[sflag:s0] =	ssyncset.done @!p0 $0x0  }
0xed: {  	[sflag:s0] =	ssyncadd.s32 @!p0 s1  }
0xee: {  	[bflag:$0x3] =	sbarrier.arrive $0xFFFF  }
0xef: {  	_ =	shalt  }

// kernel: kernel.8.cloned.1.call-start
scs
__scs_entry_jumppad:
0x0: {  	(pc) =	sbr.rel $0x88, $3  }
0x1: {  	(tag) =	ssettag $0x0;
	lr =	simm.s32 $0x1  }
0x2: {  	[smem:$0x3F9B] =	sst lr;
	_ =	strace $0xD0000000  }
0x3: {  	_ = 	snop  }
0x4: {  	_ = 	snop  }
0x5: {  	_ = 	snop  }
0x6: {  	_ = 	snop  }
0x7: {  	_ = 	snop  }
__scs_overlays_trampoline_lowered:
0x8: {  	[smem:$0x3FAA] =	sst s0  }
0x9: {  	[smem:$0x3FAB] =	sst s1  }
0xa: {  	[smem:$0x3FAC] =	sst s2  }
0xb: {  	[smem:$0x3FAD] =	sst s3  }
0xc: {  	[smem:$0x3FAE] =	sst s4  }
0xd: {  	[smem:$0x3FAF] =	sst s5  }
0xe: {  	[smem:$0x3FB0] =	sst s6  }
0xf: {  	[smem:$0x3FB1] =	sst s7  }
0x10: {  	[smem:$0x3FB2] =	sst s8  }
0x11: {  	[smem:$0x3FB3] =	sst s9;
	s0 =	simm.s32 @!p0 $0x0  }
0x12: {  	s1 =	sld [smem:$0x3F99];
	s0 =	simm.s32 @p0 $0x1  }
0x13: {  	[smem:$0x3FB4] =	sst s0;
	s0 =	simm.s32 @!p1 $0x0  }
0x14: {  	s2 =	sld [smem:$0x3F98];
	s0 =	simm.s32 @p1 $0x1  }
0x15: {  	[smem:$0x3FB5] =	sst s0;
	s0 =	simm.s32 @!p2 $0x0  }
0x16: {  	s3 =	sld [smem:$0x3FDB];
	s0 =	simm.s32 @p2 $0x1  }
0x17: {  	s4 =	simm.s32 $0x1BF5;
	[smem:$0x3FB7] =	sst s0  }
0x18: {  	s0 =	sld [smem:$0x3F9A];
	_ =	swait.ge [sflag:s4], $0x0  }
0x19: {  	s7 =	sld [smem:$0x3F9B]  }
0x1a: {  	s8 =	sadd.s32 $0xFFFFE003, lr  }
0x1b: {  	s9 =	sadd.s32 $0xFFFFFEF7, lr;
	s5 =	simm.s32 $0xFFFFFFFF;
	p2 =	slt.u32 s8, $0xFFFFF086  }
0x1c: {  	p1 =	slt.u32 s9, $0xF7A;
	s5 =	simm.s32 @!p2 $0x0  }
0x1d: {  	s5 =	simm.s32 @p1 $0x1;
	p0 =	seq.s32 s7, s2  }
0x1e: {  	s7 =	smul.u32 @!p0 $0xF7A, s2;
	p2 =	seq.s32 @!p0 s5, $0x0  }
0x1f: {  	s9 =	smul.u32 $0xF7A, s1;
	s8 =	simm.s32 @!p0 $0x1BF5;
	p2 =	por !p2, p0  }
0x20: {  	[sflag:s8] =	ssyncset.s32 @!p0 $0xFFFFF086;
	s6 =	sadd.s32 @!p0 s3, s7;
	s7 =	simm.s32 @!p0 $0x108  }
0x21: {  	s3 =	sadd.s32 s3, s9;
	s6 =	sadd.s32 @!p0 $0x88, s6;
	s7 =	simm.s32 @p2 $0x1082  }
0x22: {  	[simem:s7], [sflag:s8] =	dma.local @!p0 [hbm:s6], $0xF7A  }
0x23: {  	s9 =	sor.u32 $0xD0000000, s2;
	s6 =	simm.s32 $0x108;
	_ =	swait.ge @!p0 [sflag:s8], $0x0  }
0x24: {  	s3 =	sadd.s32 $0x88, s3;
	s6 =	simm.s32 @!p1 $0x1082;
	[sflag:s4] =	ssyncset.s32 $0xFFFFF086  }
0x25: {  	[simem:s6], [sflag:s4] =	dma.local [hbm:s3], $0xF7A  }
0x26: {  	[smem:$0x3F9B] =	sst s1;
	(tag) =	ssettag s2;
	_ =	strace s9  }
0x27: {  	s1 =	sld [smem:$0x3FAB]  }
0x28: {  	s2 =	sld [smem:$0x3FAC]  }
0x29: {  	s4 =	sld [smem:$0x3FAE]  }
0x2a: {  	p0 =	seq.s32 s5, $0x0;
	s5 =	sld [smem:$0x3FAF]  }
0x2b: {  	s6 =	sld [smem:$0x3FB0]  }
0x2c: {  	s7 =	sld [smem:$0x3FB1]  }
0x2d: {  	s3 =	simm.s32 $0x108;
	s8 =	sld [smem:$0x3FB2]  }
0x2e: {  	s3 =	simm.s32 @!p0 $0x1082;
	s9 =	sld [smem:$0x3FB3]  }
0x2f: {  	lr =	sadd.s32 s0, s3;
	s0 =	sld [smem:$0x3FAA]  }
0x30: {  	s3 =	sld [smem:$0x3FAD]  }
0x31: {  	[smem:$0x3FB6] =	sst s10  }
0x32: {  	s10 =	sld [smem:$0x3FB4];
	_ =	sdelay $0x3  }
0x33: {  	p0 =	seq.s32 s10, $0x1;
	s10 =	sld [smem:$0x3FB6];
	_ =	sdelay $0x3  }
0x34: {  	[smem:$0x3FB6] =	sst s10  }
0x35: {  	s10 =	sld [smem:$0x3FB5];
	_ =	sdelay $0x3  }
0x36: {  	p1 =	seq.s32 s10, $0x1;
	s10 =	sld [smem:$0x3FB6];
	_ =	sdelay $0x3  }
0x37: {  	[smem:$0x3FB6] =	sst s10  }
0x38: {  	s10 =	sld [smem:$0x3FB7]  }
0x39: {  	_ = 	snop;
	(pc) =	sbr.ind lr, $3  }
0x3a: {  	_ = 	snop  }
0x3b: {  	_ = 	snop  }
0x3c: {  	p2 =	seq.s32 s10, $0x1;
	s10 =	sld [smem:$0x3FB6]  }
0x3d: {  	_ =	shalt  }
0x3e: {  	_ =	shalt  }
0x3f: {  	_ =	shalt  }
0x40: {  	_ =	shalt  }
0x41: {  	_ =	shalt  }
0x42: {  	_ =	shalt  }
0x43: {  	_ =	shalt  }
0x44: {  	_ =	shalt  }
0x45: {  	_ =	shalt  }
0x46: {  	_ =	shalt  }
0x47: {  	_ =	shalt  }
0x48: {  	_ =	shalt  }
0x49: {  	_ =	shalt  }
0x4a: {  	_ =	shalt  }
0x4b: {  	_ =	shalt  }
0x4c: {  	_ =	shalt  }
0x4d: {  	_ =	shalt  }
0x4e: {  	_ =	shalt  }
0x4f: {  	_ =	shalt  }
0x50: {  	_ =	shalt  }
0x51: {  	_ =	shalt  }
0x52: {  	_ =	shalt  }
0x53: {  	_ =	shalt  }
0x54: {  	_ =	shalt  }
0x55: {  	_ =	shalt  }
0x56: {  	_ =	shalt  }
0x57: {  	_ =	shalt  }
0x58: {  	_ =	shalt  }
0x59: {  	_ =	shalt  }
0x5a: {  	_ =	shalt  }
0x5b: {  	_ =	shalt  }
0x5c: {  	_ =	shalt  }
0x5d: {  	_ =	shalt  }
0x5e: {  	_ =	shalt  }
0x5f: {  	_ =	shalt  }
0x60: {  	_ =	shalt  }
0x61: {  	_ =	shalt  }
0x62: {  	_ =	shalt  }
0x63: {  	_ =	shalt  }
0x64: {  	_ =	shalt  }
0x65: {  	_ =	shalt  }
0x66: {  	_ =	shalt  }
0x67: {  	_ =	shalt  }
0x68: {  	_ =	shalt  }
0x69: {  	_ =	shalt  }
0x6a: {  	_ =	shalt  }
0x6b: {  	_ =	shalt  }
0x6c: {  	_ =	shalt  }
0x6d: {  	_ =	shalt  }
0x6e: {  	_ =	shalt  }
0x6f: {  	_ =	shalt  }
0x70: {  	_ =	shalt  }
0x71: {  	_ =	shalt  }
0x72: {  	_ =	shalt  }
0x73: {  	_ =	shalt  }
0x74: {  	_ =	shalt  }
0x75: {  	_ =	shalt  }
0x76: {  	_ =	shalt  }
0x77: {  	_ =	shalt  }
0x78: {  	_ =	shalt  }
0x79: {  	_ =	shalt  }
0x7a: {  	_ =	shalt  }
0x7b: {  	_ =	shalt  }
0x7c: {  	_ =	shalt  }
0x7d: {  	_ =	shalt  }
0x7e: {  	_ =	shalt  }
0x7f: {  	_ =	shalt  }
0x80: {  	_ =	shalt  }
0x81: {  	_ =	shalt  }
0x82: {  	_ =	shalt  }
0x83: {  	_ =	shalt  }
0x84: {  	_ =	shalt  }
0x85: {  	_ =	shalt  }
0x86: {  	_ =	shalt  }
0x87: {  	_ =	shalt  }
.Lfunc_end0:
.L_simem_size_0:
called_computation_lowered:
.L_overlay_start_0:
0x88: {  	s2 =	sld [smem:$0x3FD9]  }
0x89: {  	s3 =	sld [smem:$0x3FFE];
	_ =	sdelay $0x1  }
0x8a: {  	s1 =	srdreg.scid  }
0x8b: {  	s0 =	sand.u32 $0x1, s1  }
0x8c: {  	s17 =	sshll.u32 s0, $0xA;
	s2 =	sadd.s32 s3, s2  }
0x8d: {  	s2 =	sadd.s32 s2, s17  }
0x8e: {  	[smem:$0x3FC2] =	sst s2  }
0x8f: {  	_ = 	snop  }
0x90: {  	s2 =	sld [smem:$0x3FD0];
	(tm) =	ssettm $0x1  }
0x91: {  	s18 =	sld [smem:$0x3FFB];
	_ =	sdelay $0x3  }
0x92: {  	_ =	strace s18  }
0x93: {  	s3 =	sld [smem:$0x3FFC];
	_ =	sdelay $0x3  }
0x94: {  	_ =	strace s3  }
0x95: {  	s3 =	sld [smem:$0x3FFD];
	_ =	sdelay $0x3  }
0x96: {  	_ =	strace s3  }
0x97: {  	_ =	strace $0x8FFFFFFF  }
0x98: {  	s19 =	sld [smem:$0x3FDB];
	_ =	sdelay $0x1  }
0x99: {  	s4 =	simm.s32 $_scs_section_size  }
0x9a: {  	s5 =	simm.s32 $_size__tile_overlayer_lowered;
	s6 =	simm.s32 $_tile_overlayer_lowered  }
0x9b: {  	s22 =	simm.s32 $0x1BFF;
	s21 =	sshll.u32 s6, $0x1;
	s3 =	sadd.s32 s4, s19  }
0x9c: {  	s7 =	simm.s32 $0x0;
	s20 =	sshll.u32 s5, $0x1;
	s5 =	sadd.s32 s21, s3  }
0x9d: {  	[timem:s7], [sflag:s22] =	dma.local [hbm:s5], s20  }
0x9e: {  	_ =	swait.ge [sflag:s22], s20  }
0x9f: {  	s4 =	ssub.s32 $0x0, s20;
	[sflag:s22] =	ssyncset.done $0x0  }
0xa0: {  	[sflag:s22] =	ssyncadd.s32 s4;
	_ =	sdelay $0x1  }
0xa1: {  	s23 =	simm.s32 $0x1B8B  }
0xa2: {  	_ =	swait.ge [sflag:s23], $0x1  }
0xa3: {  	[sflag:s23] =	ssyncset.done $0x0  }
0xa4: {  	s25 =	simm.s32 $0x1B8E;
	s24 =	sld [smem:$0x3FFE];
	[sflag:s23] =	ssyncadd.s32 $0xFFFFFFFF  }
0xa5: {  	s26 =	simm.s32 $execute0_lowered;
	[smem:$0x3FD2] =	sst s25  }
0xa6: {  	s5 =	sshll.u32 s26, $0x1;
	_ =	strace $0x80000046;
	[dreg:$0x1] =	wrdreg $0xFFFFFFFF  }
0xa7: {  	s28 =	simm.s32 $_size_execute0_lowered;
	s3 =	sadd.s32 s3, s5;
	[dreg:$0x0] =	wrdreg $0x0  }
0xa8: {  	s5 =	sshll.u32 s28, $0x1;
	[dreg:$0x2] =	wrdreg s3  }
0xa9: {  	[dreg:$0x3] =	wrdreg s5  }
0xaa: {  	[dreg:$0x4] =	wrdreg $0xC0  }
0xab: {  	_ =	task [dreg:s7], $0x5FFFF  }
0xac: {  	[dreg:$0x1] =	wrdreg $0xFFFFFFFF  }
0xad: {  	[dreg:$0x0] =	wrdreg $0x60  }
0xae: {  	[dreg:$0x2] =	wrdreg s24  }
0xaf: {  	[dreg:$0x3] =	wrdreg s2  }
0xb0: {  	[dreg:$0x4] =	wrdreg $0x43000  }
0xb1: {  	[dreg:$0x5] =	wrdreg $0x9  }
0xb2: {  	_ =	task.clear_ibuf [dreg:s7], $0x6FFFF;
	_ =	strace $0x90000046  }
0xb3: {  	s29 =	simm.s32 $0x9;
	_ =	strace $0x80000048  }
0xb4: {  	_ =	swait.ge [sflag:s29], $0x1  }
0xb5: {  	[sflag:s29] =	ssyncadd.s32 $0xFFFFFFFF  }
0xb6: {  	_ =	strace $0x90000048  }
0xb7: {  	_ =	sfence  }
0xb8: {  	s30 =	sld [smem:$0x0];
	_ =	sdelay $0x2  }
0xb9: {  	s31 =	sshll.u32 s1, $0xD;
	s1 =	sshrl.u32 s1, $0x2  }
0xba: {  	s3 =	sand.u32 $0x4000, s31;
	s1 =	sadd.s32 s1, s30  }
0xbb: {  	s0 =	sor.u32 s3, s0;
	s1 =	sshll.u32 s1, $0x11  }
0xbc: {  	s0 =	sor.u32 s1, s0  }
0xbd: {  	s0 =	sadd.s32 $0x8F2B, s0  }
0xbe: {  	[sflag:s0] =	ssyncadd.remote.s32 $0x1  }
0xbf: {  	_ =	sfence.sel $0xFFFF  }
0xc0: {  	[dreg:$0x0] =	wrdreg $0xFFFFFFFF;
	(pc) =	sbr.abs _section_cstart, $3  }
0xc1: {  	[dreg:$0x1] =	wrdreg $0xFFFFFFFF  }
0xc2: {  	_ =	task.clear_ibuf [dreg:s7], $0x2FFFF;
	_ =	strace $0x9FFFFFFF  }
0xc3: {  	(tm) =	ssettm $0x7FFFFFFF  }
tec
execute0_lowered:
.L_overlay_start_1:
0x0: {  	(tag) =	ssettag $0x1  }
0x1: {  	s4 =	rddreg [dreg:$0x0]  }
0x2: {  	s6 =	rddreg [dreg:$0x1]  }
0x3: {  	s2 =	rddreg [dreg:$0x2]  }
0x4: {  	s0 =	rddreg [dreg:$0x3]  }
0x5: {  	s3 =	simm.s32 $0x0;
	s1 =	stileid.u32;
	s5 =	srdreg.scid  }
0x6: {  	s11 =	simm.s32 $0x4000;
	s12 =	simm.s32 $0x1;
	s13 =	simm.s32 $0x0  }
0x7: {  	[smem:$0x7FF] =	sst s3;
	s5 =	sand.u32 $0x1, s5;
	s7 =	smul.u32 $0x278, s1  }
0x8: {  	s8 =	sshll.u32 s1, $0xB;
	_ =	strace $0x80000047;
	s9 =	smul.u32 $0x2780, s5  }
0x9: {  	s4 =	sadd.s32 s8, s4;
	s30 =	ssub.s32 $0x2, s5;
	s5 =	sshll.u32 s5, $0xF  }
0xa: {  	s10 =	sshrl.u32 s30, $0x1;
	s4 =	sadd.s32 s5, s4;
	s5 =	sadd.s32 s7, s2  }
0xb: {  	s31 =	sadd.s32 s7, s9;
	s8 =	ssub.s32 s30, s10;
	s4 =	sadd.s32 $0x1E00, s4  }
0xc: {  	s10 =	simm.s32 $0x50;
	s9 =	sshrl.u32 s31, $0x3;
	s7 =	smax.u32 s8, $0x1  }
0xd: {  	v0 =	vimm.f32 $1.000000000e+00;
	v1 =	vimm.f32 $0.0e+00;
	s8 =	simm.s32 $0x2;
	s6 =	sadd.s32 s6, s9;
	s9 =	simm.s32 $0x4080  }
.LBB2_1:
0xe: {  	[tilespmem:s3], [sflag:$0x2] =	stream.linear.gather [hbm4b:s4+s3], $0x3E80, $0x38;
	[tilespmem:$0x4578] =	vst v63  }
0xf: {  	_ =	swait.ge [sflag:s8], $0x3E80  }
0x10: {  	[sflag:s8] =	ssyncset.done $0x0  }
0x11: {  	[sflag:s8] =	ssyncadd.s32 $0xFFFFC180  }
0x12: {  	[tilespmem:$0x4000] =	vst v0  }
0x13: {  	[tilespmem:$0x4010] =	vst v0  }
0x14: {  	[tilespmem:$0x4020] =	vst v0  }
0x15: {  	[tilespmem:$0x4030] =	vst v0  }
0x16: {  	[tilespmem:$0x4040] =	vst v0  }
0x17: {  	[tilespmem:$0x4080] =	vst v1  }
0x18: {  	[tilespmem:$0x4090] =	vst v1  }
0x19: {  	[tilespmem:$0x40A0] =	vst v1  }
0x1a: {  	[tilespmem:$0x40B0] =	vst v1  }
0x1b: {  	[tilespmem:$0x40C0] =	vst v1  }
0x1c: {  	[tilespmem:$0x40D0] =	vst v1  }
0x1d: {  	[tilespmem:$0x40E0] =	vst v1  }
0x1e: {  	[tilespmem:$0x40F0] =	vst v1  }
0x1f: {  	[tilespmem:$0x4100] =	vst v1  }
0x20: {  	[tilespmem:$0x4110] =	vst v1  }
0x21: {  	[tilespmem:$0x4120] =	vst v1  }
0x22: {  	[tilespmem:$0x4130] =	vst v1  }
0x23: {  	[tilespmem:$0x4140] =	vst v1  }
0x24: {  	[tilespmem:$0x4150] =	vst v1  }
0x25: {  	[tilespmem:$0x4160] =	vst v1  }
0x26: {  	[tilespmem:$0x4170] =	vst v1  }
0x27: {  	[tilespmem:$0x4180] =	vst v1  }
0x28: {  	[tilespmem:$0x4190] =	vst v1  }
0x29: {  	[tilespmem:$0x41A0] =	vst v1  }
0x2a: {  	[tilespmem:$0x41B0] =	vst v1  }
0x2b: {  	[tilespmem:$0x41C0] =	vst v1  }
0x2c: {  	[tilespmem:$0x41D0] =	vst v1  }
0x2d: {  	[tilespmem:$0x41E0] =	vst v1  }
0x2e: {  	[tilespmem:$0x41F0] =	vst v1  }
0x2f: {  	[tilespmem:$0x4200] =	vst v1  }
0x30: {  	[tilespmem:$0x4210] =	vst v1  }
0x31: {  	[tilespmem:$0x4220] =	vst v1  }
0x32: {  	[tilespmem:$0x4230] =	vst v1  }
0x33: {  	[tilespmem:$0x4240] =	vst v1  }
0x34: {  	[tilespmem:$0x4250] =	vst v1  }
0x35: {  	[tilespmem:$0x4260] =	vst v1  }
0x36: {  	[tilespmem:$0x4270] =	vst v1  }
0x37: {  	[tilespmem:$0x4280] =	vst v1  }
0x38: {  	[tilespmem:$0x4290] =	vst v1  }
0x39: {  	[tilespmem:$0x42A0] =	vst v1  }
0x3a: {  	[tilespmem:$0x42B0] =	vst v1  }
0x3b: {  	[tilespmem:$0x42C0] =	vst v1  }
0x3c: {  	[tilespmem:$0x42D0] =	vst v1  }
0x3d: {  	[tilespmem:$0x42E0] =	vst v1  }
0x3e: {  	[tilespmem:$0x42F0] =	vst v1  }
0x3f: {  	[spmem:s5] =	stream.linear.scatter [tilespmem:s9], [sflag:$0x2], $0x278, $0x38;
	[tilespmem:$0x4578] =	vst v63  }
0x40: {  	_ =	swait.ge [sflag:s8], $0x278  }
0x41: {  	[sflag:s8] =	ssyncset.done $0x0  }
0x42: {  	[sflag:s8] =	ssyncadd.s32 $0xFFFFFD88  }
0x43: {  	s14 =	simm.s32 $0x0;
	[bflag:$0x0] =	sbarrier.arrive $0xFFFF  }
.LBB2_2:
0x44: {  	p0 =	sne.s32 s14, $0xF800  }
.Ltmp0:
0x45: {  	_ = 	snop;
	(pc) =	sbr.rel @p0 .LBB2_2-.Ltmp0, $3  }
0x46: {  	_ =	sdelay $0x1  }
0x47: {  	s15 =	sshra.s32 s14, $0x2;
	s14 =	sadd.s32 $0x200, s14  }
0x48: {  	[spmem:s2] =	stream.indirect.scatter.add.f32 [tilespmem:s11], [sflag:$0x1], $0x1, s15, s10, $0xb8;
	[tilespmem:$0x4578] =	vst v63  }
0x49: {  	_ =	swait.ge [sflag:s12], $0x50  }
0x4a: {  	s14 =	simm.s32 $0x7C;
	[sflag:s12] =	ssyncset.done $0x0  }
.LBB2_4:
0x4b: {  	p0 =	sne.s32 s14, $0x1;
	s14 =	sadd.s32 $0xFFFFFFFF, s14;
	[sflag:s12] =	ssyncadd.s32 $0xFFFFFFB0  }
.Ltmp1:
0x4c: {  	(pc) =	sbr.rel @p0 .LBB2_4-.Ltmp1, $3  }
0x4d: {  	_ =	sdelay $0x1  }
0x4e: {  	_ =	swait.ge [sflag:s12], $0x50  }
0x4f: {  	[sflag:s12] =	ssyncset.done $0x0  }
0x50: {  	[sflag:s12] =	ssyncadd.s32 $0xFFFFFFB0  }
0x51: {  	[bflag:$0x0] =	sbarrier.arrive $0xFFFF  }
0x52: {  	[tilespmem:s9], [sflag:$0x2] =	stream.linear.gather [spmem:s5], $0x278, $0x38;
	[tilespmem:$0x4578] =	vst v63  }
0x53: {  	s13 =	sadd.s32 $0x1, s13;
	_ =	swait.ge [sflag:s8], $0x278  }
0x54: {  	p0 =	sne.s32 s13, s7;
	[sflag:s8] =	ssyncset.done $0x0  }
.Ltmp2:
0x55: {  	[sflag:s8] =	ssyncadd.s32 $0xFFFFFD88;
	(pc) =	sbr.rel @p0 .LBB2_1-.Ltmp2, $4  }
0x56: {  	[hbm4b:s6+s3] =	stream.linear.scatter [tilespmem:s9], [sflag:$0x2], $0x278, $0x38;
	[tilespmem:$0x4578] =	vst v63  }
0x57: {  	_ =	swait.ge [sflag:s8], $0x278  }
0x58: {  	[sflag:s8] =	ssyncset.done $0x0  }
0x59: {  	[sflag:s8] =	ssyncadd.s32 $0xFFFFFD88  }
0x5a: {  	_ =	sfence.sel $0x180000  }
0x5b: {  	[bflag:$0x0] =	sbarrier.arrive $0xFFFF  }
0x5c: {  	p0 =	sne.s32 s1, $0x0;
	_ =	strace $0x90000047  }
0x5d: {  	s0 =	sadd.s32 @!p0 $0x100000, s0;
	[bflag:$0x2] =	sbarrier.arrive $0xFFFF  }
0x5e: {  	[sflag:s0] =	ssyncadd.tile.s32 @!p0 $0x1;
	_ =	shalt  }
.Lfunc_end2:
_tile_overlayer_lowered:
.L_overlay_start_2:
0x5f: {  	(tag) =	ssettag $0x2  }
0x60: {  	s0 =	rddreg [dreg:$0x0];
	s2 =	stileid.u32  }
0x61: {  	s1 =	rddreg [dreg:$0x1];
	p0 =	sne.s32 s2, $0x0  }
0x62: {  	s3 =	rddreg [dreg:$0x2];
	[bflag:$0x3] =	sbarrier.arrive $0xFFFF;
	s2 =	simm.s32 @!p0 $0x1C02  }
0x63: {  	[timem:s3], [sflag:s2] =	dma.local @!p0 [hbm:s0], s1  }
0x64: {  	s0 =	simm.s32 @!p0 $0x2  }
0x65: {  	_ =	swait.ge @!p0 [sflag:s0], s1  }
0x66: {  	s1 =	ssub.s32 @!p0 $0x0, s1;
	[sflag:s0] =	ssyncset.done @!p0 $0x0  }
0x67: {  	[sflag:s0] =	ssyncadd.s32 @!p0 s1  }
0x68: {  	[bflag:$0x3] =	sbarrier.arrive $0xFFFF  }
0x69: {  	_ =	shalt  }

</sc_bundles>
